<compile_context>
chip_gen: v7x
topology: tpu7x:2x2x1
jax: 0.10.2.dev20260603
libtpu: 0.0.44.dev20260713+nightly
codegen_flags: <defaults>
</compile_context>

<pallas_src>
import functools

import jax
import jax.numpy as jnp
from jax import lax
from jax.experimental import pallas as pl
from jax.experimental.pallas import tpu as pltpu
from jax.experimental.pallas import tpu_sc as plsc

_ROW_BLK = 2000
_C = 32



def _project(h, wl_ref, wr_ref, bl_ref, br_ref, xl0_ref, xl1_ref, xr0_ref,
             xr1_ref):
    xl = jnp.dot(h, wl_ref[...], preferred_element_type=jnp.float32,
                 precision=lax.Precision.HIGHEST) + bl_ref[...]
    xr = jnp.dot(h, wr_ref[...], preferred_element_type=jnp.float32,
                 precision=lax.Precision.HIGHEST) + br_ref[...]
    xl0_ref[...] = xl[:, :128]
    xl1_ref[...] = xl[:, 128:]
    xr0_ref[...] = xr[:, :128]
    xr1_ref[...] = xr[:, 128:]


def _proj0_body(h_ref, wl_ref, wr_ref, bl_ref, br_ref,
                xl0_ref, xl1_ref, xr0_ref, xr1_ref):
    _project(h_ref[...], wl_ref, wr_ref, bl_ref, br_ref,
             xl0_ref, xl1_ref, xr0_ref, xr1_ref)


def _conv_out(n0_ref, n1_ref, d4_ref, bias_ref):
    num = jnp.concatenate([n0_ref[...], n1_ref[...]], axis=1)
    dens = []
    for h in range(4):
        dv = d4_ref[:, h:h + 1]
        dens.append(jnp.broadcast_to(dv, (dv.shape[0], 64)))
    den = jnp.concatenate(dens, axis=1)
    return num / (den + 1e-16) + bias_ref[...]


def _norm_proj_body(n0_ref, n1_ref, d4_ref, bias_ref, g_ref, b_ref,
                    wl_ref, wr_ref, bl_ref, br_ref,
                    xl0_ref, xl1_ref, xr0_ref, xr1_ref):
    conv = _conv_out(n0_ref, n1_ref, d4_ref, bias_ref)
    h = jnp.maximum(conv, 0.0)
    mu = jnp.mean(h, axis=1, keepdims=True)
    var = jnp.mean((h - mu) ** 2, axis=1, keepdims=True)
    h = (h - mu) * lax.rsqrt(var + 1e-5) * g_ref[...] + b_ref[...]
    _project(h, wl_ref, wr_ref, bl_ref, br_ref,
             xl0_ref, xl1_ref, xr0_ref, xr1_ref)


def _den_reduce_body(p0_ref, p1_ref, d0_ref, d1_ref):
    d0_ref[...] = jnp.sum(p0_ref[...], axis=0)
    d1_ref[...] = jnp.sum(p1_ref[...], axis=0)


def _final_body(n0_ref, n1_ref, d4_ref, bias_ref,
                w1_ref, b1_ref, w2_ref, b2_ref,
                w3_ref, b3_ref, w4_ref, b4_ref, emb_ref, z_ref, pool_ref):
    i = pl.program_id(0)
    nb = pl.num_programs(0)
    conv = _conv_out(n0_ref, n1_ref, d4_ref, bias_ref)
    emb_ref[...] = conv
    h = jnp.maximum(conv, 0.0)

    @pl.when(i == 0)
    def _():
        pool_ref[...] = jnp.zeros_like(pool_ref)

    bm = jnp.max(h, axis=0, keepdims=True)
    pool_ref[...] = jnp.maximum(pool_ref[...], jnp.broadcast_to(bm, pool_ref.shape))

    @pl.when(i == nb - 1)
    def _():
        pooled = jnp.max(pool_ref[...], axis=0, keepdims=True)
        z1 = jnp.maximum(
            jnp.dot(pooled, w1_ref[...], preferred_element_type=jnp.float32,
                 precision=lax.Precision.HIGHEST)
            + b1_ref[...], 0.0)
        z2 = jnp.maximum(
            jnp.dot(z1, w2_ref[...], preferred_element_type=jnp.float32,
                 precision=lax.Precision.HIGHEST)
            + b2_ref[...], 0.0)
        z3 = jnp.maximum(
            jnp.dot(z2, w3_ref[...], preferred_element_type=jnp.float32,
                 precision=lax.Precision.HIGHEST)
            + b3_ref[...], 0.0)
        z_ref[...] = (jnp.dot(z3, w4_ref[...], preferred_element_type=jnp.float32,
                 precision=lax.Precision.HIGHEST)
                      + b4_ref[...])


def _rep(shape):
    return pl.BlockSpec(shape, lambda i: tuple(0 for _ in shape))


def _blk(width):
    return pl.BlockSpec((_ROW_BLK, width), lambda i: (i, 0))


def _tc_project0(x, wl, wr, bl, br):
    n, din = x.shape
    return pl.pallas_call(
        _proj0_body,
        grid=(n // _ROW_BLK,),
        in_specs=[
            _blk(din),
            _rep((din, 256)), _rep((din, 256)), _rep((1, 256)), _rep((1, 256)),
        ],
        out_specs=[_blk(128)] * 4,
        out_shape=[jax.ShapeDtypeStruct((n, 128), jnp.float32)] * 4,
    )(x, wl, wr, bl.reshape(1, 256), br.reshape(1, 256))


def _tc_den_reduce(p0, p1):
    nt, nr, _ = p0.shape
    return pl.pallas_call(
        _den_reduce_body,
        grid=(1,),
        in_specs=[_rep((nt, nr, 128)), _rep((nt, nr, 128))],
        out_specs=[_rep((nr, 128)), _rep((nr, 128))],
        out_shape=[jax.ShapeDtypeStruct((nr, 128), jnp.float32)] * 2,
    )(p0, p1)


def _tc_norm_project(n0, n1, d4, bias, g, b, wl, wr, bl, br, n_nodes):
    return pl.pallas_call(
        _norm_proj_body,
        grid=(n_nodes // _ROW_BLK,),
        in_specs=[
            _blk(128), _blk(128), _blk(4),
            _rep((1, 256)), _rep((1, 256)), _rep((1, 256)),
            _rep((256, 256)), _rep((256, 256)), _rep((1, 256)), _rep((1, 256)),
        ],
        out_specs=[_blk(128)] * 4,
        out_shape=[jax.ShapeDtypeStruct((n_nodes, 128), jnp.float32)] * 4,
    )(n0, n1, d4, bias.reshape(1, 256), g.reshape(1, 256),
      b.reshape(1, 256), wl, wr, bl.reshape(1, 256), br.reshape(1, 256))


def _tc_final(n0, n1, d4, bias, w1, b1, w2, b2, w3, b3, w4, b4, n_nodes):
    return pl.pallas_call(
        _final_body,
        grid=(n_nodes // _ROW_BLK,),
        in_specs=[
            _blk(128), _blk(128), _blk(4),
            _rep((1, 256)),
            _rep((256, 64)), _rep((1, 64)),
            _rep((64, 64)), _rep((1, 64)),
            _rep((64, 64)), _rep((1, 64)),
            _rep((64, 128)), _rep((1, 128)),
        ],
        out_specs=[
            _blk(256),
            _rep((1, 128)),
        ],
        out_shape=[
            jax.ShapeDtypeStruct((n_nodes, 256), jnp.float32),
            jax.ShapeDtypeStruct((1, 128), jnp.float32),
        ],
        scratch_shapes=[pltpu.VMEM((8, 256), jnp.float32)],
    )(n0, n1, d4, bias.reshape(1, 256), w1, b1.reshape(1, 64), w2,
      b2.reshape(1, 64), w3, b3.reshape(1, 64), w4, b4.reshape(1, 128))



_GDN = lax.GatherDimensionNumbers(
    offset_dims=(), collapsed_slice_dims=(0,), start_index_map=(0,))


def _lane_shuffle(v, perm):
    return lax.gather(v, perm[:, None], dimension_numbers=_GDN,
                      slice_sizes=(1,), mode=lax.GatherScatterMode.PROMISE_IN_BOUNDS)


def _lane_sum(v, lane):
    for k in (1, 2, 4, 8):
        v = v + _lane_shuffle(v, lane ^ k)
    return v


@functools.lru_cache(maxsize=None)
def _make_sc_edge(n, e_total):
    ept = e_total // 16
    nch = ept // _C
    nch_main = nch - 1 if nch % 2 else nch
    rows = -(-(n // 16) // 8) * 8
    n_pad = rows * 16
    den_rows = -(-(2 * n_pad) // (128 * 8)) * 8
    mesh = plsc.VectorSubcoreMesh(core_axis_name="c", subcore_axis_name="s")

    @functools.partial(
        pl.kernel,
        out_type=[jax.ShapeDtypeStruct((n_pad, 128), jnp.float32),
                  jax.ShapeDtypeStruct((n_pad, 128), jnp.float32),
                  jax.ShapeDtypeStruct((16, den_rows, 128), jnp.float32),
                  jax.ShapeDtypeStruct((16, den_rows, 128), jnp.float32)],
        mesh=mesh,
        compiler_params=pltpu.CompilerParams(needs_layout_passes=False),
        scratch_types=[
            pltpu.VMEM((_C,), jnp.int32),
            pltpu.VMEM((_C,), jnp.int32),
            pltpu.VMEM((_C,), jnp.int32),
            pltpu.VMEM((_C,), jnp.int32),
            pltpu.VMEM((_C + 16,), jnp.int32),
            pltpu.VMEM((_C + 16,), jnp.int32),
            pltpu.VMEM((_C * 16,), jnp.float32),
            pltpu.VMEM((_C * 16,), jnp.float32),
            pltpu.VMEM((_C, 128), jnp.float32),
            pltpu.VMEM((_C, 128), jnp.float32),
            pltpu.VMEM((_C, 128), jnp.float32),
            pltpu.VMEM((_C, 128), jnp.float32),
            pltpu.VMEM((_C, 128), jnp.float32),
            pltpu.VMEM((_C, 128), jnp.float32),
            pltpu.VMEM((640,), jnp.float32),
            pltpu.VMEM((den_rows, 128), jnp.float32),
            pltpu.VMEM_SHARED((n_pad, 128), jnp.float32),
            pltpu.SemaphoreType.DMA,
            pltpu.SemaphoreType.DMA,
            pltpu.SemaphoreType.DMA,
            pltpu.SemaphoreType.DMA,
        ],
    )
    def sc_edge(xl0, xl1, xr0, xr1, src_h, dst_h, dstp_h, attr_h, wa_h,
                zrow_h,
                num0_out, num1_out, denp0_out, denp1_out,
                src0_v, src1_v, dst0_v, dst1_v, dsts0_v, dsts1_v,
                attr0_v, attr1_v, xj0_v, xj1_v, xg0_v, xg1_v, st0_v, st1_v,
                wa_v, den_v, acc_s, gsem0, gsem1, ssem0, ssem1):
        c = lax.axis_index("c")
        s = lax.axis_index("s")
        pltpu.sync_copy(wa_h.at[pl.ds(c * 640, 640)], wa_v)
        pltpu.sync_copy(zrow_h.at[pl.ds(0, den_rows)], den_v)
        pltpu.sync_copy(zrow_h, acc_s.at[pl.ds(s * rows, rows)])
        plsc.subcore_barrier()

        lane = lax.iota(jnp.int32, 16)
        den_mask = lane < 2
        den_off = jnp.where(den_mask, lane * n_pad, 0)

        srcb = (src0_v, src1_v)
        dstb = (dst0_v, dst1_v)
        dstsb = (dsts0_v, dsts1_v)
        attrb = (attr0_v, attr1_v)
        xjb = (xj0_v, xj1_v)
        xgb = (xg0_v, xg1_v)
        stb = (st0_v, st1_v)
        gsems = (gsem0, gsem1)
        ssems = (ssem0, ssem1)

        def pipeline(xl_t, xr_t):
            def load_idx(k1, p):
                base1 = pl.multiple_of(s * ept + k1 * _C, 8)
                pltpu.sync_copy(src_h.at[pl.ds(base1, _C)], srcb[p])
                pltpu.sync_copy(dst_h.at[pl.ds(base1, _C)], dstb[p])
                pltpu.sync_copy(dstp_h.at[pl.ds(base1, _C + 16)], dstsb[p])
                pltpu.sync_copy(attr_h.at[pl.ds(base1 * 16, _C * 16)],
                                attrb[p])

            def issue_g(p):
                pass

            def wait_g(p):
                pass

            def issue_s(p):
                pass

            def wait_s(p):
                pass

            def compute(p):
                pass

            load_idx(0, 0)
            issue_g(0)

            @pl.loop(0, nch_main // 2)
            def _(kk):
                for p in (0, 1):
                    k = kk * 2 + p
                    q = 1 - p

                    @pl.when(k > 0)
                    def _():
                        wait_s(q)

                    @pl.when(k + 1 < nch)
                    def _():
                        load_idx(k + 1, q)
                        issue_g(q)

                    wait_g(p)
                    compute(p)
                    issue_s(p)

            if nch_main != nch:
                wait_s(1)
                wait_g(0)
                compute(0)
                issue_s(0)
                wait_s(0)
            else:
                wait_s(0)
                wait_s(1)

        @pl.when(c == 0)
        def _():
            pipeline(xl0, xr0)

        @pl.when(c == 1)
        def _():
            pipeline(xl1, xr1)

        plsc.subcore_barrier()
        rsl = pl.ds(s * rows, rows)

        @pl.when(c == 0)
        def _():
            pltpu.sync_copy(acc_s.at[rsl], num0_out.at[rsl])
            pltpu.sync_copy(den_v, denp0_out.at[s])

        @pl.when(c == 1)
        def _():
            pltpu.sync_copy(acc_s.at[rsl], num1_out.at[rsl])
            pltpu.sync_copy(den_v, denp1_out.at[s])

    return sc_edge, n_pad, den_rows



def kernel(x, edge_index, edge_attr, batch, params):
    del batch
    n = x.shape[0]
    e_total = edge_attr.shape[0]
    src = edge_index[0]
    dst = edge_index[1]
    sc_edge, n_pad, den_rows = _make_sc_edge(n, e_total)
    rows = n_pad // 16
    zrow = jnp.zeros((rows, 128), jnp.float32)
    attr16 = jnp.pad(edge_attr, ((0, 0), (0, 12))).reshape(-1)
    dst_pad = jnp.pad(dst, (0, 16))

    d4 = None
    nums = None
    for l in range(3):
        p = params['conv%d' % l]
        if l == 0:
            xl0, xl1, xr0, xr1 = _tc_project0(x, p['Wl'], p['Wr'],
                                              p['bl'], p['br'])
        else:
            prev = params['conv%d' % (l - 1)]
            xl0, xl1, xr0, xr1 = _tc_norm_project(
                nums[0], nums[1], d4, prev['bias'],
                params['ln%d_g' % (l - 1)], params['ln%d_b' % (l - 1)],
                p['Wl'], p['Wr'], p['bl'], p['br'], n)
        wa = jnp.concatenate([
            p['We'][:, :128].reshape(-1), p['att'][:2].reshape(-1),
            p['We'][:, 128:].reshape(-1), p['att'][2:].reshape(-1)])
        num0, num1, denp0, denp1 = sc_edge(xl0, xl1, xr0, xr1, src, dst,
                                           dst_pad, attr16, wa, zrow)
        nums = (num0, num1)
        d0f, d1f = _tc_den_reduce(denp0, denp1)
        f0 = d0f.reshape(-1)
        f1 = d1f.reshape(-1)
        d4 = jnp.stack([f0[:n], f0[n_pad:n_pad + n],
                        f1[:n], f1[n_pad:n_pad + n]], axis=1)

    p2 = params['conv2']
    emb, z = _tc_final(nums[0], nums[1], d4, p2['bias'],
                       params['W1'], params['b1'], params['W2'], params['b2'],
                       params['W3'], params['b3'], params['W4'], params['b4'],
                       n)
    return emb, z

# --- scband reference (transcript-rebuilt; emitter-appended) ---
"""Pipeline reference for scband-graph-neural-network-75806172774423 (READ-ONLY COPY).

The authoritative reference and input builder live on the scoring server;
editing this copy changes nothing except your own understanding.
"""

import jax, jax.numpy as jnp
import numpy as np

N = 10000
E = 320000
D_IN = 128
HID = 64
HEADS = 4
HC = HID * HEADS
D_EDGE = 4
D_OUT = 128


def _gatv2(h, src, dst, edge_attr, p):
    n = h.shape[0]
    x_l = (h @ p['Wl'] + p['bl']).reshape(n, HEADS, HID)
    x_r = (h @ p['Wr'] + p['br']).reshape(n, HEADS, HID)
    e = (edge_attr @ p['We']).reshape(-1, HEADS, HID)
    xj = x_l[src]
    m = xj + x_r[dst] + e
    m = jax.nn.leaky_relu(m, 0.2)
    alpha = (m * p['att']).sum(-1)
    amax = jax.ops.segment_max(alpha, dst, num_segments=n)
    amax = jnp.where(jnp.isfinite(amax), amax, 0.0)
    amax = jax.lax.stop_gradient(amax)
    ex = jnp.exp(alpha - amax[dst])
    denom = jax.ops.segment_sum(ex, dst, num_segments=n)
    a = ex / (denom[dst] + 1e-16)
    out = jax.ops.segment_sum(xj * a[:, :, None], dst, num_segments=n)
    return out.reshape(n, HC) + p['bias']


def _layernorm(h, g, b):
    mu = h.mean(-1, keepdims=True)
    var = ((h - mu) ** 2).mean(-1, keepdims=True)
    return (h - mu) / jnp.sqrt(var + 1e-5) * g + b


def _forward(x, edge_attr, params, edge_index, batch):
    src = edge_index[0]
    dst = edge_index[1]
    h = x
    emb = None
    for l in range(3):
        h = _gatv2(h, src, dst, edge_attr, params['conv%d' % l])
        emb = h
        h = jax.nn.relu(h)
        # dropout is identity in eval mode
        if l < 2:
            h = _layernorm(h, params['ln%d_g' % l], params['ln%d_b' % l])
    pooled = jax.ops.segment_max(h, batch, num_segments=1)
    z = jax.nn.relu(pooled @ params['W1'] + params['b1'])
    z = jax.nn.relu(z @ params['W2'] + params['b2'])
    z = jax.nn.relu(z @ params['W3'] + params['b3'])
    z = z @ params['W4'] + params['b4']
    return emb, z


def setup_inputs(seed: int = 0):
    key = jax.random.key(seed)
    ks = jax.random.split(key, 40)
    x = jax.random.normal(ks[0], (N, D_IN), dtype=jnp.float32)
    edge_index = jax.random.randint(ks[1], (2, E), 0, N, dtype=jnp.int32)
    edge_attr = jax.random.normal(ks[2], (E, D_EDGE), dtype=jnp.float32)
    batch = jnp.zeros((N,), dtype=jnp.int32)
    params = {}
    k = 3
    for l in range(3):
        din = D_IN if l == 0 else HC
        params['conv%d' % l] = {
            'Wl': jax.random.normal(ks[k], (din, HC), dtype=jnp.float32) * 0.05,
            'bl': jnp.zeros((HC,), dtype=jnp.float32),
            'Wr': jax.random.normal(ks[k + 1], (din, HC), dtype=jnp.float32) * 0.05,
            'br': jnp.zeros((HC,), dtype=jnp.float32),
            'We': jax.random.normal(ks[k + 2], (D_EDGE, HC), dtype=jnp.float32) * 0.05,
            'att': jax.random.normal(ks[k + 3], (HEADS, HID), dtype=jnp.float32) * 0.05,
            'bias': jnp.zeros((HC,), dtype=jnp.float32),
        }
        k += 4
    for l in range(2):
        params['ln%d_g' % l] = jnp.ones((HC,), dtype=jnp.float32)
        params['ln%d_b' % l] = jnp.zeros((HC,), dtype=jnp.float32)
    params['W1'] = jax.random.normal(ks[k], (HC, HID), dtype=jnp.float32) * 0.05
    params['b1'] = jnp.zeros((HID,), dtype=jnp.float32)
    params['W2'] = jax.random.normal(ks[k + 1], (HID, HID), dtype=jnp.float32) * 0.05
    params['b2'] = jnp.zeros((HID,), dtype=jnp.float32)
    params['W3'] = jax.random.normal(ks[k + 2], (HID, HID), dtype=jnp.float32) * 0.05
    params['b3'] = jnp.zeros((HID,), dtype=jnp.float32)
    params['W4'] = jax.random.normal(ks[k + 3], (HID, D_OUT), dtype=jnp.float32) * 0.05
    params['b4'] = jnp.zeros((D_OUT,), dtype=jnp.float32)
    return {'x': x, 'edge_index': edge_index, 'edge_attr': edge_attr, 'batch': batch, 'params': params}


def reference(x, edge_index, edge_attr, batch, params):
    return _forward(x, edge_attr, params, edge_index, batch)

if __name__ == "__main__":
    import jax
    _d = setup_inputs()
    print(jax.jit(kernel)(*tuple(_d.values())))

</pallas_src>

<mosaic_0001>
#map = affine_map<(d0, d1) -> (0, 0)>
#map1 = affine_map<(d0, d1) -> (0)>
#map2 = affine_map<(d0, d1) -> (0, 0, 0)>
module attributes {stable_mosaic.version = 14 : i64} {
  func.func @sc_edge(%arg0: i32, %arg1: i32, %arg2: memref<10000x128xf32, #tpu.memory_space<hbm>>, %arg3: memref<10000x128xf32, #tpu.memory_space<hbm>>, %arg4: memref<10000x128xf32, #tpu.memory_space<hbm>>, %arg5: memref<10000x128xf32, #tpu.memory_space<hbm>>, %arg6: memref<320000xi32, #tpu.memory_space<hbm>>, %arg7: memref<320000xi32, #tpu.memory_space<hbm>>, %arg8: memref<320016xi32, #tpu.memory_space<hbm>>, %arg9: memref<5120000xf32, #tpu.memory_space<hbm>>, %arg10: memref<1280xf32, #tpu.memory_space<hbm>>, %arg11: memref<632x128xf32, #tpu.memory_space<hbm>>, %arg12: memref<10112x128xf32, #tpu.memory_space<hbm>>, %arg13: memref<10112x128xf32, #tpu.memory_space<hbm>>, %arg14: memref<16x160x128xf32, #tpu.memory_space<hbm>>, %arg15: memref<16x160x128xf32, #tpu.memory_space<hbm>>, %arg16: memref<32xi32, #tpu.memory_space<vmem>>, %arg17: memref<32xi32, #tpu.memory_space<vmem>>, %arg18: memref<32xi32, #tpu.memory_space<vmem>>, %arg19: memref<32xi32, #tpu.memory_space<vmem>>, %arg20: memref<48xi32, #tpu.memory_space<vmem>>, %arg21: memref<48xi32, #tpu.memory_space<vmem>>, %arg22: memref<512xf32, #tpu.memory_space<vmem>>, %arg23: memref<512xf32, #tpu.memory_space<vmem>>, %arg24: memref<32x128xf32, #tpu.memory_space<vmem>>, %arg25: memref<32x128xf32, #tpu.memory_space<vmem>>, %arg26: memref<32x128xf32, #tpu.memory_space<vmem>>, %arg27: memref<32x128xf32, #tpu.memory_space<vmem>>, %arg28: memref<32x128xf32, #tpu.memory_space<vmem>>, %arg29: memref<32x128xf32, #tpu.memory_space<vmem>>, %arg30: memref<640xf32, #tpu.memory_space<vmem>>, %arg31: memref<160x128xf32, #tpu.memory_space<vmem>>, %arg32: memref<10112x128xf32, #tpu.memory_space<vmem_shared>>, %arg33: memref<!tpu.dma_semaphore, #tpu.memory_space<semaphore_mem>>, %arg34: memref<!tpu.dma_semaphore, #tpu.memory_space<semaphore_mem>>, %arg35: memref<!tpu.dma_semaphore, #tpu.memory_space<semaphore_mem>>, %arg36: memref<!tpu.dma_semaphore, #tpu.memory_space<semaphore_mem>>) attributes {dimension_semantics = [#tpu.dimension_semantics<core_parallel>, #tpu.dimension_semantics<subcore_parallel>], iteration_bounds = array<i64: 2, 16>, scalar_prefetch = 0 : i64, scratch_operands = 21 : i64, tpu.core_type = #tpu.core_type<sc_vector_subcore>, window_params = [{transform_indices = #map}, {transform_indices = #map}, {transform_indices = #map}, {transform_indices = #map}, {transform_indices = #map1}, {transform_indices = #map1}, {transform_indices = #map1}, {transform_indices = #map1}, {transform_indices = #map1}, {transform_indices = #map}, {transform_indices = #map}, {transform_indices = #map}, {transform_indices = #map2}, {transform_indices = #map2}]} {
    %mul3A = arith.constant 640 : i32
    %mul3A_0 = arith.muli %arg0, %mul3A : i32
    "tpu.region"() ({
      %run_scoped3A = tpu.sem_alloc : memref<!tpu.dma_semaphore, #tpu.memory_space<semaphore_mem>>
      %dma_start3A = tpu.memref_slice %arg10[%mul3A_0] : memref<1280xf32, #tpu.memory_space<hbm>> -> memref<640xf32, #tpu.memory_space<hbm>>
      %dma_start3A_28 = tpu.memref_slice %arg10[%mul3A_0] : memref<1280xf32, #tpu.memory_space<hbm>> -> memref<640xf32, #tpu.memory_space<hbm>>
      tpu.enqueue_dma source(%dma_start3A_28 : memref<640xf32, #tpu.memory_space<hbm>>) target(%arg30 : memref<640xf32, #tpu.memory_space<vmem>>) target_semaphore(%run_scoped3A : memref<!tpu.dma_semaphore, #tpu.memory_space<semaphore_mem>>)
      %dma_wait3A = tpu.memref_slice %arg10[%mul3A_0] : memref<1280xf32, #tpu.memory_space<hbm>> -> memref<640xf32, #tpu.memory_space<hbm>>
      %dma_wait3A_29 = tpu.memref_slice %arg10[%mul3A_0] : memref<1280xf32, #tpu.memory_space<hbm>> -> memref<640xf32, #tpu.memory_space<hbm>>
      tpu.wait_dma2 semaphore(%run_scoped3A : memref<!tpu.dma_semaphore, #tpu.memory_space<semaphore_mem>>) src(%dma_wait3A_29 : memref<640xf32, #tpu.memory_space<hbm>>) dst(%arg30 : memref<640xf32, #tpu.memory_space<vmem>>)
      tpu.yield
    }) : () -> ()
    "tpu.region"() ({
      %run_scoped3A = tpu.sem_alloc : memref<!tpu.dma_semaphore, #tpu.memory_space<semaphore_mem>>
      %dma_start3A = arith.constant 0 : i32
      %dma_start3A_28 = arith.constant 0 : i32
      %dma_start3A_29 = tpu.memref_slice %arg11[%dma_start3A, %dma_start3A_28] : memref<632x128xf32, #tpu.memory_space<hbm>> -> memref<160x128xf32, #tpu.memory_space<hbm>>
      %dma_start3A_30 = arith.constant 0 : i32
      %dma_start3A_31 = arith.constant 0 : i32
      %dma_start3A_32 = tpu.memref_slice %arg11[%dma_start3A_30, %dma_start3A_31] : memref<632x128xf32, #tpu.memory_space<hbm>> -> memref<160x128xf32, #tpu.memory_space<hbm>>
      tpu.enqueue_dma source(%dma_start3A_32 : memref<160x128xf32, #tpu.memory_space<hbm>>) target(%arg31 : memref<160x128xf32, #tpu.memory_space<vmem>>) target_semaphore(%run_scoped3A : memref<!tpu.dma_semaphore, #tpu.memory_space<semaphore_mem>>)
      %dma_wait3A = arith.constant 0 : i32
      %dma_wait3A_33 = arith.constant 0 : i32
      %dma_wait3A_34 = tpu.memref_slice %arg11[%dma_wait3A, %dma_wait3A_33] : memref<632x128xf32, #tpu.memory_space<hbm>> -> memref<160x128xf32, #tpu.memory_space<hbm>>
      %dma_wait3A_35 = arith.constant 0 : i32
      %dma_wait3A_36 = arith.constant 0 : i32
      %dma_wait3A_37 = tpu.memref_slice %arg11[%dma_wait3A_35, %dma_wait3A_36] : memref<632x128xf32, #tpu.memory_space<hbm>> -> memref<160x128xf32, #tpu.memory_space<hbm>>
      tpu.wait_dma2 semaphore(%run_scoped3A : memref<!tpu.dma_semaphore, #tpu.memory_space<semaphore_mem>>) src(%dma_wait3A_37 : memref<160x128xf32, #tpu.memory_space<hbm>>) dst(%arg31 : memref<160x128xf32, #tpu.memory_space<vmem>>)
      tpu.yield
    }) : () -> ()
    %mul3A_1 = arith.constant 632 : i32
    %mul3A_2 = arith.muli %arg1, %mul3A_1 : i32
    "tpu.region"() ({
      %run_scoped3A = tpu.sem_alloc : memref<!tpu.dma_semaphore, #tpu.memory_space<semaphore_mem>>
      %dma_start3A = arith.constant 0 : i32
      %dma_start3A_28 = tpu.memref_slice %arg32[%mul3A_2, %dma_start3A] : memref<10112x128xf32, #tpu.memory_space<vmem_shared>> -> memref<632x128xf32, #tpu.memory_space<vmem_shared>>
      tpu.enqueue_dma source(%arg11 : memref<632x128xf32, #tpu.memory_space<hbm>>) target(%dma_start3A_28 : memref<632x128xf32, #tpu.memory_space<vmem_shared>>) target_semaphore(%run_scoped3A : memref<!tpu.dma_semaphore, #tpu.memory_space<semaphore_mem>>)
      %dma_wait3A = arith.constant 0 : i32
      %dma_wait3A_29 = tpu.memref_slice %arg32[%mul3A_2, %dma_wait3A] : memref<10112x128xf32, #tpu.memory_space<vmem_shared>> -> memref<632x128xf32, #tpu.memory_space<vmem_shared>>
      tpu.wait_dma2 semaphore(%run_scoped3A : memref<!tpu.dma_semaphore, #tpu.memory_space<semaphore_mem>>) src(%arg11 : memref<632x128xf32, #tpu.memory_space<hbm>>) dst(%dma_wait3A_29 : memref<632x128xf32, #tpu.memory_space<vmem_shared>>)
      tpu.yield
    }) : () -> ()
    %barrier3A = arith.constant 0 : index
    tpu.barrier barrier_id(%barrier3A)
    %iota3A = tpu.iota {dimensions = array<i32: 0>} : vector<16xi32>
    %lt3A = arith.constant 2 : i32
    %lt3A_3 = vector.broadcast %lt3A : i32 to vector<16xi32>
    %lt3A_4 = arith.cmpi slt, %iota3A, %lt3A_3 : vector<16xi32>
    %mul3A_5 = arith.constant 10112 : i32
    %mul3A_6 = vector.broadcast %mul3A_5 : i32 to vector<16xi32>
    %mul3A_7 = arith.muli %iota3A, %mul3A_6 : vector<16xi32>
    %jit3A = arith.constant 0 : i32
    %broadcast_in_dim3A = vector.broadcast %jit3A : i32 to vector<16xi32>
    %select_n3A = arith.select %lt3A_4, %mul3A_7, %broadcast_in_dim3A : vector<16xi1>, vector<16xi32>
    %eq3A = arith.constant 0 : i32
    %eq3A_8 = arith.cmpi eq, %arg0, %eq3A : i32
    %convert_element_type3A = arith.extui %eq3A_8 : i1 to i32
    %cond3A = arith.constant 0 : i32
    %cond3A_9 = arith.cmpi ne, %convert_element_type3A, %cond3A : i32
    scf.if %cond3A_9 {
      %mul3A_28 = arith.constant 20000 : i32
      %mul3A_29 = arith.muli %arg1, %mul3A_28 : i32
      %add3A = arith.constant 0 : i32
      %add3A_30 = arith.addi %mul3A_29, %add3A : i32
      %multiple_of3A = tpu.assume_multiple %add3A_30, 8 : i32
      "tpu.region"() ({
        %run_scoped3A = tpu.sem_alloc : memref<!tpu.dma_semaphore, #tpu.memory_space<semaphore_mem>>
        %dma_start3A = tpu.memref_slice %arg6[%multiple_of3A] : memref<320000xi32, #tpu.memory_space<hbm>> -> memref<32xi32, #tpu.memory_space<hbm>>
        %dma_start3A_37 = tpu.memref_slice %arg6[%multiple_of3A] : memref<320000xi32, #tpu.memory_space<hbm>> -> memref<32xi32, #tpu.memory_space<hbm>>
        tpu.enqueue_dma source(%dma_start3A_37 : memref<32xi32, #tpu.memory_space<hbm>>) target(%arg16 : memref<32xi32, #tpu.memory_space<vmem>>) target_semaphore(%run_scoped3A : memref<!tpu.dma_semaphore, #tpu.memory_space<semaphore_mem>>)
        %dma_wait3A = tpu.memref_slice %arg6[%multiple_of3A] : memref<320000xi32, #tpu.memory_space<hbm>> -> memref<32xi32, #tpu.memory_space<hbm>>
        %dma_wait3A_38 = tpu.memref_slice %arg6[%multiple_of3A] : memref<320000xi32, #tpu.memory_space<hbm>> -> memref<32xi32, #tpu.memory_space<hbm>>
        tpu.wait_dma2 semaphore(%run_scoped3A : memref<!tpu.dma_semaphore, #tpu.memory_space<semaphore_mem>>) src(%dma_wait3A_38 : memref<32xi32, #tpu.memory_space<hbm>>) dst(%arg16 : memref<32xi32, #tpu.memory_space<vmem>>)
        tpu.yield
      }) : () -> ()
      "tpu.region"() ({
        %run_scoped3A = tpu.sem_alloc : memref<!tpu.dma_semaphore, #tpu.memory_space<semaphore_mem>>
        %dma_start3A = tpu.memref_slice %arg7[%multiple_of3A] : memref<320000xi32, #tpu.memory_space<hbm>> -> memref<32xi32, #tpu.memory_space<hbm>>
        %dma_start3A_37 = tpu.memref_slice %arg7[%multiple_of3A] : memref<320000xi32, #tpu.memory_space<hbm>> -> memref<32xi32, #tpu.memory_space<hbm>>
        tpu.enqueue_dma source(%dma_start3A_37 : memref<32xi32, #tpu.memory_space<hbm>>) target(%arg18 : memref<32xi32, #tpu.memory_space<vmem>>) target_semaphore(%run_scoped3A : memref<!tpu.dma_semaphore, #tpu.memory_space<semaphore_mem>>)
        %dma_wait3A = tpu.memref_slice %arg7[%multiple_of3A] : memref<320000xi32, #tpu.memory_space<hbm>> -> memref<32xi32, #tpu.memory_space<hbm>>
        %dma_wait3A_38 = tpu.memref_slice %arg7[%multiple_of3A] : memref<320000xi32, #tpu.memory_space<hbm>> -> memref<32xi32, #tpu.memory_space<hbm>>
        tpu.wait_dma2 semaphore(%run_scoped3A : memref<!tpu.dma_semaphore, #tpu.memory_space<semaphore_mem>>) src(%dma_wait3A_38 : memref<32xi32, #tpu.memory_space<hbm>>) dst(%arg18 : memref<32xi32, #tpu.memory_space<vmem>>)
        tpu.yield
      }) : () -> ()
      "tpu.region"() ({
        %run_scoped3A = tpu.sem_alloc : memref<!tpu.dma_semaphore, #tpu.memory_space<semaphore_mem>>
        %dma_start3A = tpu.memref_slice %arg8[%multiple_of3A] : memref<320016xi32, #tpu.memory_space<hbm>> -> memref<48xi32, #tpu.memory_space<hbm>>
        %dma_start3A_37 = tpu.memref_slice %arg8[%multiple_of3A] : memref<320016xi32, #tpu.memory_space<hbm>> -> memref<48xi32, #tpu.memory_space<hbm>>
        tpu.enqueue_dma source(%dma_start3A_37 : memref<48xi32, #tpu.memory_space<hbm>>) target(%arg20 : memref<48xi32, #tpu.memory_space<vmem>>) target_semaphore(%run_scoped3A : memref<!tpu.dma_semaphore, #tpu.memory_space<semaphore_mem>>)
        %dma_wait3A = tpu.memref_slice %arg8[%multiple_of3A] : memref<320016xi32, #tpu.memory_space<hbm>> -> memref<48xi32, #tpu.memory_space<hbm>>
        %dma_wait3A_38 = tpu.memref_slice %arg8[%multiple_of3A] : memref<320016xi32, #tpu.memory_space<hbm>> -> memref<48xi32, #tpu.memory_space<hbm>>
        tpu.wait_dma2 semaphore(%run_scoped3A : memref<!tpu.dma_semaphore, #tpu.memory_space<semaphore_mem>>) src(%dma_wait3A_38 : memref<48xi32, #tpu.memory_space<hbm>>) dst(%arg20 : memref<48xi32, #tpu.memory_space<vmem>>)
        tpu.yield
      }) : () -> ()
      %mul3A_31 = arith.constant 16 : i32
      %mul3A_32 = arith.muli %multiple_of3A, %mul3A_31 : i32
      "tpu.region"() ({
        %run_scoped3A = tpu.sem_alloc : memref<!tpu.dma_semaphore, #tpu.memory_space<semaphore_mem>>
        %dma_start3A = tpu.memref_slice %arg9[%mul3A_32] : memref<5120000xf32, #tpu.memory_space<hbm>> -> memref<512xf32, #tpu.memory_space<hbm>>
        %dma_start3A_37 = tpu.memref_slice %arg9[%mul3A_32] : memref<5120000xf32, #tpu.memory_space<hbm>> -> memref<512xf32, #tpu.memory_space<hbm>>
        tpu.enqueue_dma source(%dma_start3A_37 : memref<512xf32, #tpu.memory_space<hbm>>) target(%arg22 : memref<512xf32, #tpu.memory_space<vmem>>) target_semaphore(%run_scoped3A : memref<!tpu.dma_semaphore, #tpu.memory_space<semaphore_mem>>)
        %dma_wait3A = tpu.memref_slice %arg9[%mul3A_32] : memref<5120000xf32, #tpu.memory_space<hbm>> -> memref<512xf32, #tpu.memory_space<hbm>>
        %dma_wait3A_38 = tpu.memref_slice %arg9[%mul3A_32] : memref<5120000xf32, #tpu.memory_space<hbm>> -> memref<512xf32, #tpu.memory_space<hbm>>
        tpu.wait_dma2 semaphore(%run_scoped3A : memref<!tpu.dma_semaphore, #tpu.memory_space<semaphore_mem>>) src(%dma_wait3A_38 : memref<512xf32, #tpu.memory_space<hbm>>) dst(%arg22 : memref<512xf32, #tpu.memory_space<vmem>>)
        tpu.yield
      }) : () -> ()
      %scan3A = arith.constant 0 : i32
      %scan3A_33 = arith.constant 312 : i32
      %scan3A_34 = arith.addi %scan3A, %scan3A_33 : i32
      %scan3A_35 = arith.constant 1 : i32
      scf.for %scan3A_37 = %scan3A to %scan3A_34 step %scan3A_35  : i32 {
        %mul3A_38 = arith.constant 1 : i32
        %mul3A_39 = arith.muli %scan3A_37, %mul3A_38 : i32
        %add3A_40 = arith.constant 0 : i32
        %add3A_41 = arith.addi %add3A_40, %mul3A_39 : i32
        %mul3A_42 = arith.constant 2 : i32
        %mul3A_43 = arith.muli %add3A_41, %mul3A_42 : i32
        %add3A_44 = arith.constant 0 : i32
        %add3A_45 = arith.addi %mul3A_43, %add3A_44 : i32
        %gt3A = arith.constant 0 : i32
        %gt3A_46 = arith.cmpi sgt, %add3A_45, %gt3A : i32
        %convert_element_type3A_47 = arith.extui %gt3A_46 : i1 to i32
        %cond3A_48 = arith.constant 0 : i32
        %cond3A_49 = arith.cmpi ne, %convert_element_type3A_47, %cond3A_48 : i32
        scf.if %cond3A_49 {
        } else {
        }
        %add3A_50 = arith.constant 1 : i32
        %add3A_51 = arith.addi %add3A_45, %add3A_50 : i32
        %lt3A_52 = arith.constant 625 : i32
        %lt3A_53 = arith.cmpi slt, %add3A_51, %lt3A_52 : i32
        %convert_element_type3A_54 = arith.extui %lt3A_53 : i1 to i32
        %cond3A_55 = arith.constant 0 : i32
        %cond3A_56 = arith.cmpi ne, %convert_element_type3A_54, %cond3A_55 : i32
        scf.if %cond3A_56 {
          %add3A_73 = arith.constant 1 : i32
          %add3A_74 = arith.addi %add3A_45, %add3A_73 : i32
          %mul3A_75 = arith.constant 20000 : i32
          %mul3A_76 = arith.muli %arg1, %mul3A_75 : i32
          %mul3A_77 = arith.constant 32 : i32
          %mul3A_78 = arith.muli %add3A_74, %mul3A_77 : i32
          %add3A_79 = arith.addi %mul3A_76, %mul3A_78 : i32
          %multiple_of3A_80 = tpu.assume_multiple %add3A_79, 8 : i32
          "tpu.region"() ({
            %run_scoped3A = tpu.sem_alloc : memref<!tpu.dma_semaphore, #tpu.memory_space<semaphore_mem>>
            %dma_start3A = tpu.memref_slice %arg6[%multiple_of3A_80] : memref<320000xi32, #tpu.memory_space<hbm>> -> memref<32xi32, #tpu.memory_space<hbm>>
            %dma_start3A_83 = tpu.memref_slice %arg6[%multiple_of3A_80] : memref<320000xi32, #tpu.memory_space<hbm>> -> memref<32xi32, #tpu.memory_space<hbm>>
            tpu.enqueue_dma source(%dma_start3A_83 : memref<32xi32, #tpu.memory_space<hbm>>) target(%arg17 : memref<32xi32, #tpu.memory_space<vmem>>) target_semaphore(%run_scoped3A : memref<!tpu.dma_semaphore, #tpu.memory_space<semaphore_mem>>)
            %dma_wait3A = tpu.memref_slice %arg6[%multiple_of3A_80] : memref<320000xi32, #tpu.memory_space<hbm>> -> memref<32xi32, #tpu.memory_space<hbm>>
            %dma_wait3A_84 = tpu.memref_slice %arg6[%multiple_of3A_80] : memref<320000xi32, #tpu.memory_space<hbm>> -> memref<32xi32, #tpu.memory_space<hbm>>
            tpu.wait_dma2 semaphore(%run_scoped3A : memref<!tpu.dma_semaphore, #tpu.memory_space<semaphore_mem>>) src(%dma_wait3A_84 : memref<32xi32, #tpu.memory_space<hbm>>) dst(%arg17 : memref<32xi32, #tpu.memory_space<vmem>>)
            tpu.yield
          }) : () -> ()
          "tpu.region"() ({
            %run_scoped3A = tpu.sem_alloc : memref<!tpu.dma_semaphore, #tpu.memory_space<semaphore_mem>>
            %dma_start3A = tpu.memref_slice %arg7[%multiple_of3A_80] : memref<320000xi32, #tpu.memory_space<hbm>> -> memref<32xi32, #tpu.memory_space<hbm>>
            %dma_start3A_83 = tpu.memref_slice %arg7[%multiple_of3A_80] : memref<320000xi32, #tpu.memory_space<hbm>> -> memref<32xi32, #tpu.memory_space<hbm>>
            tpu.enqueue_dma source(%dma_start3A_83 : memref<32xi32, #tpu.memory_space<hbm>>) target(%arg19 : memref<32xi32, #tpu.memory_space<vmem>>) target_semaphore(%run_scoped3A : memref<!tpu.dma_semaphore, #tpu.memory_space<semaphore_mem>>)
            %dma_wait3A = tpu.memref_slice %arg7[%multiple_of3A_80] : memref<320000xi32, #tpu.memory_space<hbm>> -> memref<32xi32, #tpu.memory_space<hbm>>
            %dma_wait3A_84 = tpu.memref_slice %arg7[%multiple_of3A_80] : memref<320000xi32, #tpu.memory_space<hbm>> -> memref<32xi32, #tpu.memory_space<hbm>>
            tpu.wait_dma2 semaphore(%run_scoped3A : memref<!tpu.dma_semaphore, #tpu.memory_space<semaphore_mem>>) src(%dma_wait3A_84 : memref<32xi32, #tpu.memory_space<hbm>>) dst(%arg19 : memref<32xi32, #tpu.memory_space<vmem>>)
            tpu.yield
          }) : () -> ()
          "tpu.region"() ({
            %run_scoped3A = tpu.sem_alloc : memref<!tpu.dma_semaphore, #tpu.memory_space<semaphore_mem>>
            %dma_start3A = tpu.memref_slice %arg8[%multiple_of3A_80] : memref<320016xi32, #tpu.memory_space<hbm>> -> memref<48xi32, #tpu.memory_space<hbm>>
            %dma_start3A_83 = tpu.memref_slice %arg8[%multiple_of3A_80] : memref<320016xi32, #tpu.memory_space<hbm>> -> memref<48xi32, #tpu.memory_space<hbm>>
            tpu.enqueue_dma source(%dma_start3A_83 : memref<48xi32, #tpu.memory_space<hbm>>) target(%arg21 : memref<48xi32, #tpu.memory_space<vmem>>) target_semaphore(%run_scoped3A : memref<!tpu.dma_semaphore, #tpu.memory_space<semaphore_mem>>)
            %dma_wait3A = tpu.memref_slice %arg8[%multiple_of3A_80] : memref<320016xi32, #tpu.memory_space<hbm>> -> memref<48xi32, #tpu.memory_space<hbm>>
            %dma_wait3A_84 = tpu.memref_slice %arg8[%multiple_of3A_80] : memref<320016xi32, #tpu.memory_space<hbm>> -> memref<48xi32, #tpu.memory_space<hbm>>
            tpu.wait_dma2 semaphore(%run_scoped3A : memref<!tpu.dma_semaphore, #tpu.memory_space<semaphore_mem>>) src(%dma_wait3A_84 : memref<48xi32, #tpu.memory_space<hbm>>) dst(%arg21 : memref<48xi32, #tpu.memory_space<vmem>>)
            tpu.yield
          }) : () -> ()
          %mul3A_81 = arith.constant 16 : i32
          %mul3A_82 = arith.muli %multiple_of3A_80, %mul3A_81 : i32
          "tpu.region"() ({
            %run_scoped3A = tpu.sem_alloc : memref<!tpu.dma_semaphore, #tpu.memory_space<semaphore_mem>>
            %dma_start3A = tpu.memref_slice %arg9[%mul3A_82] : memref<5120000xf32, #tpu.memory_space<hbm>> -> memref<512xf32, #tpu.memory_space<hbm>>
            %dma_start3A_83 = tpu.memref_slice %arg9[%mul3A_82] : memref<5120000xf32, #tpu.memory_space<hbm>> -> memref<512xf32, #tpu.memory_space<hbm>>
            tpu.enqueue_dma source(%dma_start3A_83 : memref<512xf32, #tpu.memory_space<hbm>>) target(%arg23 : memref<512xf32, #tpu.memory_space<vmem>>) target_semaphore(%run_scoped3A : memref<!tpu.dma_semaphore, #tpu.memory_space<semaphore_mem>>)
            %dma_wait3A = tpu.memref_slice %arg9[%mul3A_82] : memref<5120000xf32, #tpu.memory_space<hbm>> -> memref<512xf32, #tpu.memory_space<hbm>>
            %dma_wait3A_84 = tpu.memref_slice %arg9[%mul3A_82] : memref<5120000xf32, #tpu.memory_space<hbm>> -> memref<512xf32, #tpu.memory_space<hbm>>
            tpu.wait_dma2 semaphore(%run_scoped3A : memref<!tpu.dma_semaphore, #tpu.memory_space<semaphore_mem>>) src(%dma_wait3A_84 : memref<512xf32, #tpu.memory_space<hbm>>) dst(%arg23 : memref<512xf32, #tpu.memory_space<vmem>>)
            tpu.yield
          }) : () -> ()
        } else {
        }
        %mul3A_57 = arith.constant 2 : i32
        %mul3A_58 = arith.muli %add3A_41, %mul3A_57 : i32
        %add3A_59 = arith.constant 1 : i32
        %add3A_60 = arith.addi %mul3A_58, %add3A_59 : i32
        %gt3A_61 = arith.constant 0 : i32
        %gt3A_62 = arith.cmpi sgt, %add3A_60, %gt3A_61 : i32
        %convert_element_type3A_63 = arith.extui %gt3A_62 : i1 to i32
        %cond3A_64 = arith.constant 0 : i32
        %cond3A_65 = arith.cmpi ne, %convert_element_type3A_63, %cond3A_64 : i32
        scf.if %cond3A_65 {
        } else {
        }
        %add3A_66 = arith.constant 1 : i32
        %add3A_67 = arith.addi %add3A_60, %add3A_66 : i32
        %lt3A_68 = arith.constant 625 : i32
        %lt3A_69 = arith.cmpi slt, %add3A_67, %lt3A_68 : i32
        %convert_element_type3A_70 = arith.extui %lt3A_69 : i1 to i32
        %cond3A_71 = arith.constant 0 : i32
        %cond3A_72 = arith.cmpi ne, %convert_element_type3A_70, %cond3A_71 : i32
        scf.if %cond3A_72 {
          %add3A_73 = arith.constant 1 : i32
          %add3A_74 = arith.addi %add3A_60, %add3A_73 : i32
          %mul3A_75 = arith.constant 20000 : i32
          %mul3A_76 = arith.muli %arg1, %mul3A_75 : i32
          %mul3A_77 = arith.constant 32 : i32
          %mul3A_78 = arith.muli %add3A_74, %mul3A_77 : i32
          %add3A_79 = arith.addi %mul3A_76, %mul3A_78 : i32
          %multiple_of3A_80 = tpu.assume_multiple %add3A_79, 8 : i32
          "tpu.region"() ({
            %run_scoped3A = tpu.sem_alloc : memref<!tpu.dma_semaphore, #tpu.memory_space<semaphore_mem>>
            %dma_start3A = tpu.memref_slice %arg6[%multiple_of3A_80] : memref<320000xi32, #tpu.memory_space<hbm>> -> memref<32xi32, #tpu.memory_space<hbm>>
            %dma_start3A_83 = tpu.memref_slice %arg6[%multiple_of3A_80] : memref<320000xi32, #tpu.memory_space<hbm>> -> memref<32xi32, #tpu.memory_space<hbm>>
            tpu.enqueue_dma source(%dma_start3A_83 : memref<32xi32, #tpu.memory_space<hbm>>) target(%arg16 : memref<32xi32, #tpu.memory_space<vmem>>) target_semaphore(%run_scoped3A : memref<!tpu.dma_semaphore, #tpu.memory_space<semaphore_mem>>)
            %dma_wait3A = tpu.memref_slice %arg6[%multiple_of3A_80] : memref<320000xi32, #tpu.memory_space<hbm>> -> memref<32xi32, #tpu.memory_space<hbm>>
            %dma_wait3A_84 = tpu.memref_slice %arg6[%multiple_of3A_80] : memref<320000xi32, #tpu.memory_space<hbm>> -> memref<32xi32, #tpu.memory_space<hbm>>
            tpu.wait_dma2 semaphore(%run_scoped3A : memref<!tpu.dma_semaphore, #tpu.memory_space<semaphore_mem>>) src(%dma_wait3A_84 : memref<32xi32, #tpu.memory_space<hbm>>) dst(%arg16 : memref<32xi32, #tpu.memory_space<vmem>>)
            tpu.yield
          }) : () -> ()
          "tpu.region"() ({
            %run_scoped3A = tpu.sem_alloc : memref<!tpu.dma_semaphore, #tpu.memory_space<semaphore_mem>>
            %dma_start3A = tpu.memref_slice %arg7[%multiple_of3A_80] : memref<320000xi32, #tpu.memory_space<hbm>> -> memref<32xi32, #tpu.memory_space<hbm>>
            %dma_start3A_83 = tpu.memref_slice %arg7[%multiple_of3A_80] : memref<320000xi32, #tpu.memory_space<hbm>> -> memref<32xi32, #tpu.memory_space<hbm>>
            tpu.enqueue_dma source(%dma_start3A_83 : memref<32xi32, #tpu.memory_space<hbm>>) target(%arg18 : memref<32xi32, #tpu.memory_space<vmem>>) target_semaphore(%run_scoped3A : memref<!tpu.dma_semaphore, #tpu.memory_space<semaphore_mem>>)
            %dma_wait3A = tpu.memref_slice %arg7[%multiple_of3A_80] : memref<320000xi32, #tpu.memory_space<hbm>> -> memref<32xi32, #tpu.memory_space<hbm>>
            %dma_wait3A_84 = tpu.memref_slice %arg7[%multiple_of3A_80] : memref<320000xi32, #tpu.memory_space<hbm>> -> memref<32xi32, #tpu.memory_space<hbm>>
            tpu.wait_dma2 semaphore(%run_scoped3A : memref<!tpu.dma_semaphore, #tpu.memory_space<semaphore_mem>>) src(%dma_wait3A_84 : memref<32xi32, #tpu.memory_space<hbm>>) dst(%arg18 : memref<32xi32, #tpu.memory_space<vmem>>)
            tpu.yield
          }) : () -> ()
          "tpu.region"() ({
            %run_scoped3A = tpu.sem_alloc : memref<!tpu.dma_semaphore, #tpu.memory_space<semaphore_mem>>
            %dma_start3A = tpu.memref_slice %arg8[%multiple_of3A_80] : memref<320016xi32, #tpu.memory_space<hbm>> -> memref<48xi32, #tpu.memory_space<hbm>>
            %dma_start3A_83 = tpu.memref_slice %arg8[%multiple_of3A_80] : memref<320016xi32, #tpu.memory_space<hbm>> -> memref<48xi32, #tpu.memory_space<hbm>>
            tpu.enqueue_dma source(%dma_start3A_83 : memref<48xi32, #tpu.memory_space<hbm>>) target(%arg20 : memref<48xi32, #tpu.memory_space<vmem>>) target_semaphore(%run_scoped3A : memref<!tpu.dma_semaphore, #tpu.memory_space<semaphore_mem>>)
            %dma_wait3A = tpu.memref_slice %arg8[%multiple_of3A_80] : memref<320016xi32, #tpu.memory_space<hbm>> -> memref<48xi32, #tpu.memory_space<hbm>>
            %dma_wait3A_84 = tpu.memref_slice %arg8[%multiple_of3A_80] : memref<320016xi32, #tpu.memory_space<hbm>> -> memref<48xi32, #tpu.memory_space<hbm>>
            tpu.wait_dma2 semaphore(%run_scoped3A : memref<!tpu.dma_semaphore, #tpu.memory_space<semaphore_mem>>) src(%dma_wait3A_84 : memref<48xi32, #tpu.memory_space<hbm>>) dst(%arg20 : memref<48xi32, #tpu.memory_space<vmem>>)
            tpu.yield
          }) : () -> ()
          %mul3A_81 = arith.constant 16 : i32
          %mul3A_82 = arith.muli %multiple_of3A_80, %mul3A_81 : i32
          "tpu.region"() ({
            %run_scoped3A = tpu.sem_alloc : memref<!tpu.dma_semaphore, #tpu.memory_space<semaphore_mem>>
            %dma_start3A = tpu.memref_slice %arg9[%mul3A_82] : memref<5120000xf32, #tpu.memory_space<hbm>> -> memref<512xf32, #tpu.memory_space<hbm>>
            %dma_start3A_83 = tpu.memref_slice %arg9[%mul3A_82] : memref<5120000xf32, #tpu.memory_space<hbm>> -> memref<512xf32, #tpu.memory_space<hbm>>
            tpu.enqueue_dma source(%dma_start3A_83 : memref<512xf32, #tpu.memory_space<hbm>>) target(%arg22 : memref<512xf32, #tpu.memory_space<vmem>>) target_semaphore(%run_scoped3A : memref<!tpu.dma_semaphore, #tpu.memory_space<semaphore_mem>>)
            %dma_wait3A = tpu.memref_slice %arg9[%mul3A_82] : memref<5120000xf32, #tpu.memory_space<hbm>> -> memref<512xf32, #tpu.memory_space<hbm>>
            %dma_wait3A_84 = tpu.memref_slice %arg9[%mul3A_82] : memref<5120000xf32, #tpu.memory_space<hbm>> -> memref<512xf32, #tpu.memory_space<hbm>>
            tpu.wait_dma2 semaphore(%run_scoped3A : memref<!tpu.dma_semaphore, #tpu.memory_space<semaphore_mem>>) src(%dma_wait3A_84 : memref<512xf32, #tpu.memory_space<hbm>>) dst(%arg22 : memref<512xf32, #tpu.memory_space<vmem>>)
            tpu.yield
          }) : () -> ()
        } else {
        }
      }
      %scan3A_36 = arith.constant 312 : i32
    } else {
    }
    %eq3A_10 = arith.constant 1 : i32
    %eq3A_11 = arith.cmpi eq, %arg0, %eq3A_10 : i32
    %convert_element_type3A_12 = arith.extui %eq3A_11 : i1 to i32
    %cond3A_13 = arith.constant 0 : i32
    %cond3A_14 = arith.cmpi ne, %convert_element_type3A_12, %cond3A_13 : i32
    scf.if %cond3A_14 {
      %mul3A_28 = arith.constant 20000 : i32
      %mul3A_29 = arith.muli %arg1, %mul3A_28 : i32
      %add3A = arith.constant 0 : i32
      %add3A_30 = arith.addi %mul3A_29, %add3A : i32
      %multiple_of3A = tpu.assume_multiple %add3A_30, 8 : i32
      "tpu.region"() ({
        %run_scoped3A = tpu.sem_alloc : memref<!tpu.dma_semaphore, #tpu.memory_space<semaphore_mem>>
        %dma_start3A = tpu.memref_slice %arg6[%multiple_of3A] : memref<320000xi32, #tpu.memory_space<hbm>> -> memref<32xi32, #tpu.memory_space<hbm>>
        %dma_start3A_37 = tpu.memref_slice %arg6[%multiple_of3A] : memref<320000xi32, #tpu.memory_space<hbm>> -> memref<32xi32, #tpu.memory_space<hbm>>
        tpu.enqueue_dma source(%dma_start3A_37 : memref<32xi32, #tpu.memory_space<hbm>>) target(%arg16 : memref<32xi32, #tpu.memory_space<vmem>>) target_semaphore(%run_scoped3A : memref<!tpu.dma_semaphore, #tpu.memory_space<semaphore_mem>>)
        %dma_wait3A = tpu.memref_slice %arg6[%multiple_of3A] : memref<320000xi32, #tpu.memory_space<hbm>> -> memref<32xi32, #tpu.memory_space<hbm>>
        %dma_wait3A_38 = tpu.memref_slice %arg6[%multiple_of3A] : memref<320000xi32, #tpu.memory_space<hbm>> -> memref<32xi32, #tpu.memory_space<hbm>>
        tpu.wait_dma2 semaphore(%run_scoped3A : memref<!tpu.dma_semaphore, #tpu.memory_space<semaphore_mem>>) src(%dma_wait3A_38 : memref<32xi32, #tpu.memory_space<hbm>>) dst(%arg16 : memref<32xi32, #tpu.memory_space<vmem>>)
        tpu.yield
      }) : () -> ()
      "tpu.region"() ({
        %run_scoped3A = tpu.sem_alloc : memref<!tpu.dma_semaphore, #tpu.memory_space<semaphore_mem>>
        %dma_start3A = tpu.memref_slice %arg7[%multiple_of3A] : memref<320000xi32, #tpu.memory_space<hbm>> -> memref<32xi32, #tpu.memory_space<hbm>>
        %dma_start3A_37 = tpu.memref_slice %arg7[%multiple_of3A] : memref<320000xi32, #tpu.memory_space<hbm>> -> memref<32xi32, #tpu.memory_space<hbm>>
        tpu.enqueue_dma source(%dma_start3A_37 : memref<32xi32, #tpu.memory_space<hbm>>) target(%arg18 : memref<32xi32, #tpu.memory_space<vmem>>) target_semaphore(%run_scoped3A : memref<!tpu.dma_semaphore, #tpu.memory_space<semaphore_mem>>)
        %dma_wait3A = tpu.memref_slice %arg7[%multiple_of3A] : memref<320000xi32, #tpu.memory_space<hbm>> -> memref<32xi32, #tpu.memory_space<hbm>>
        %dma_wait3A_38 = tpu.memref_slice %arg7[%multiple_of3A] : memref<320000xi32, #tpu.memory_space<hbm>> -> memref<32xi32, #tpu.memory_space<hbm>>
        tpu.wait_dma2 semaphore(%run_scoped3A : memref<!tpu.dma_semaphore, #tpu.memory_space<semaphore_mem>>) src(%dma_wait3A_38 : memref<32xi32, #tpu.memory_space<hbm>>) dst(%arg18 : memref<32xi32, #tpu.memory_space<vmem>>)
        tpu.yield
      }) : () -> ()
      "tpu.region"() ({
        %run_scoped3A = tpu.sem_alloc : memref<!tpu.dma_semaphore, #tpu.memory_space<semaphore_mem>>
        %dma_start3A = tpu.memref_slice %arg8[%multiple_of3A] : memref<320016xi32, #tpu.memory_space<hbm>> -> memref<48xi32, #tpu.memory_space<hbm>>
        %dma_start3A_37 = tpu.memref_slice %arg8[%multiple_of3A] : memref<320016xi32, #tpu.memory_space<hbm>> -> memref<48xi32, #tpu.memory_space<hbm>>
        tpu.enqueue_dma source(%dma_start3A_37 : memref<48xi32, #tpu.memory_space<hbm>>) target(%arg20 : memref<48xi32, #tpu.memory_space<vmem>>) target_semaphore(%run_scoped3A : memref<!tpu.dma_semaphore, #tpu.memory_space<semaphore_mem>>)
        %dma_wait3A = tpu.memref_slice %arg8[%multiple_of3A] : memref<320016xi32, #tpu.memory_space<hbm>> -> memref<48xi32, #tpu.memory_space<hbm>>
        %dma_wait3A_38 = tpu.memref_slice %arg8[%multiple_of3A] : memref<320016xi32, #tpu.memory_space<hbm>> -> memref<48xi32, #tpu.memory_space<hbm>>
        tpu.wait_dma2 semaphore(%run_scoped3A : memref<!tpu.dma_semaphore, #tpu.memory_space<semaphore_mem>>) src(%dma_wait3A_38 : memref<48xi32, #tpu.memory_space<hbm>>) dst(%arg20 : memref<48xi32, #tpu.memory_space<vmem>>)
        tpu.yield
      }) : () -> ()
      %mul3A_31 = arith.constant 16 : i32
      %mul3A_32 = arith.muli %multiple_of3A, %mul3A_31 : i32
      "tpu.region"() ({
        %run_scoped3A = tpu.sem_alloc : memref<!tpu.dma_semaphore, #tpu.memory_space<semaphore_mem>>
        %dma_start3A = tpu.memref_slice %arg9[%mul3A_32] : memref<5120000xf32, #tpu.memory_space<hbm>> -> memref<512xf32, #tpu.memory_space<hbm>>
        %dma_start3A_37 = tpu.memref_slice %arg9[%mul3A_32] : memref<5120000xf32, #tpu.memory_space<hbm>> -> memref<512xf32, #tpu.memory_space<hbm>>
        tpu.enqueue_dma source(%dma_start3A_37 : memref<512xf32, #tpu.memory_space<hbm>>) target(%arg22 : memref<512xf32, #tpu.memory_space<vmem>>) target_semaphore(%run_scoped3A : memref<!tpu.dma_semaphore, #tpu.memory_space<semaphore_mem>>)
        %dma_wait3A = tpu.memref_slice %arg9[%mul3A_32] : memref<5120000xf32, #tpu.memory_space<hbm>> -> memref<512xf32, #tpu.memory_space<hbm>>
        %dma_wait3A_38 = tpu.memref_slice %arg9[%mul3A_32] : memref<5120000xf32, #tpu.memory_space<hbm>> -> memref<512xf32, #tpu.memory_space<hbm>>
        tpu.wait_dma2 semaphore(%run_scoped3A : memref<!tpu.dma_semaphore, #tpu.memory_space<semaphore_mem>>) src(%dma_wait3A_38 : memref<512xf32, #tpu.memory_space<hbm>>) dst(%arg22 : memref<512xf32, #tpu.memory_space<vmem>>)
        tpu.yield
      }) : () -> ()
      %scan3A = arith.constant 0 : i32
      %scan3A_33 = arith.constant 312 : i32
      %scan3A_34 = arith.addi %scan3A, %scan3A_33 : i32
      %scan3A_35 = arith.constant 1 : i32
      scf.for %scan3A_37 = %scan3A to %scan3A_34 step %scan3A_35  : i32 {
        %mul3A_38 = arith.constant 1 : i32
        %mul3A_39 = arith.muli %scan3A_37, %mul3A_38 : i32
        %add3A_40 = arith.constant 0 : i32
        %add3A_41 = arith.addi %add3A_40, %mul3A_39 : i32
        %mul3A_42 = arith.constant 2 : i32
        %mul3A_43 = arith.muli %add3A_41, %mul3A_42 : i32
        %add3A_44 = arith.constant 0 : i32
        %add3A_45 = arith.addi %mul3A_43, %add3A_44 : i32
        %gt3A = arith.constant 0 : i32
        %gt3A_46 = arith.cmpi sgt, %add3A_45, %gt3A : i32
        %convert_element_type3A_47 = arith.extui %gt3A_46 : i1 to i32
        %cond3A_48 = arith.constant 0 : i32
        %cond3A_49 = arith.cmpi ne, %convert_element_type3A_47, %cond3A_48 : i32
        scf.if %cond3A_49 {
        } else {
        }
        %add3A_50 = arith.constant 1 : i32
        %add3A_51 = arith.addi %add3A_45, %add3A_50 : i32
        %lt3A_52 = arith.constant 625 : i32
        %lt3A_53 = arith.cmpi slt, %add3A_51, %lt3A_52 : i32
        %convert_element_type3A_54 = arith.extui %lt3A_53 : i1 to i32
        %cond3A_55 = arith.constant 0 : i32
        %cond3A_56 = arith.cmpi ne, %convert_element_type3A_54, %cond3A_55 : i32
        scf.if %cond3A_56 {
          %add3A_73 = arith.constant 1 : i32
          %add3A_74 = arith.addi %add3A_45, %add3A_73 : i32
          %mul3A_75 = arith.constant 20000 : i32
          %mul3A_76 = arith.muli %arg1, %mul3A_75 : i32
          %mul3A_77 = arith.constant 32 : i32
          %mul3A_78 = arith.muli %add3A_74, %mul3A_77 : i32
          %add3A_79 = arith.addi %mul3A_76, %mul3A_78 : i32
          %multiple_of3A_80 = tpu.assume_multiple %add3A_79, 8 : i32
          "tpu.region"() ({
            %run_scoped3A = tpu.sem_alloc : memref<!tpu.dma_semaphore, #tpu.memory_space<semaphore_mem>>
            %dma_start3A = tpu.memref_slice %arg6[%multiple_of3A_80] : memref<320000xi32, #tpu.memory_space<hbm>> -> memref<32xi32, #tpu.memory_space<hbm>>
            %dma_start3A_83 = tpu.memref_slice %arg6[%multiple_of3A_80] : memref<320000xi32, #tpu.memory_space<hbm>> -> memref<32xi32, #tpu.memory_space<hbm>>
            tpu.enqueue_dma source(%dma_start3A_83 : memref<32xi32, #tpu.memory_space<hbm>>) target(%arg17 : memref<32xi32, #tpu.memory_space<vmem>>) target_semaphore(%run_scoped3A : memref<!tpu.dma_semaphore, #tpu.memory_space<semaphore_mem>>)
            %dma_wait3A = tpu.memref_slice %arg6[%multiple_of3A_80] : memref<320000xi32, #tpu.memory_space<hbm>> -> memref<32xi32, #tpu.memory_space<hbm>>
            %dma_wait3A_84 = tpu.memref_slice %arg6[%multiple_of3A_80] : memref<320000xi32, #tpu.memory_space<hbm>> -> memref<32xi32, #tpu.memory_space<hbm>>
            tpu.wait_dma2 semaphore(%run_scoped3A : memref<!tpu.dma_semaphore, #tpu.memory_space<semaphore_mem>>) src(%dma_wait3A_84 : memref<32xi32, #tpu.memory_space<hbm>>) dst(%arg17 : memref<32xi32, #tpu.memory_space<vmem>>)
            tpu.yield
          }) : () -> ()
          "tpu.region"() ({
            %run_scoped3A = tpu.sem_alloc : memref<!tpu.dma_semaphore, #tpu.memory_space<semaphore_mem>>
            %dma_start3A = tpu.memref_slice %arg7[%multiple_of3A_80] : memref<320000xi32, #tpu.memory_space<hbm>> -> memref<32xi32, #tpu.memory_space<hbm>>
            %dma_start3A_83 = tpu.memref_slice %arg7[%multiple_of3A_80] : memref<320000xi32, #tpu.memory_space<hbm>> -> memref<32xi32, #tpu.memory_space<hbm>>
            tpu.enqueue_dma source(%dma_start3A_83 : memref<32xi32, #tpu.memory_space<hbm>>) target(%arg19 : memref<32xi32, #tpu.memory_space<vmem>>) target_semaphore(%run_scoped3A : memref<!tpu.dma_semaphore, #tpu.memory_space<semaphore_mem>>)
            %dma_wait3A = tpu.memref_slice %arg7[%multiple_of3A_80] : memref<320000xi32, #tpu.memory_space<hbm>> -> memref<32xi32, #tpu.memory_space<hbm>>
            %dma_wait3A_84 = tpu.memref_slice %arg7[%multiple_of3A_80] : memref<320000xi32, #tpu.memory_space<hbm>> -> memref<32xi32, #tpu.memory_space<hbm>>
            tpu.wait_dma2 semaphore(%run_scoped3A : memref<!tpu.dma_semaphore, #tpu.memory_space<semaphore_mem>>) src(%dma_wait3A_84 : memref<32xi32, #tpu.memory_space<hbm>>) dst(%arg19 : memref<32xi32, #tpu.memory_space<vmem>>)
            tpu.yield
          }) : () -> ()
          "tpu.region"() ({
            %run_scoped3A = tpu.sem_alloc : memref<!tpu.dma_semaphore, #tpu.memory_space<semaphore_mem>>
            %dma_start3A = tpu.memref_slice %arg8[%multiple_of3A_80] : memref<320016xi32, #tpu.memory_space<hbm>> -> memref<48xi32, #tpu.memory_space<hbm>>
            %dma_start3A_83 = tpu.memref_slice %arg8[%multiple_of3A_80] : memref<320016xi32, #tpu.memory_space<hbm>> -> memref<48xi32, #tpu.memory_space<hbm>>
            tpu.enqueue_dma source(%dma_start3A_83 : memref<48xi32, #tpu.memory_space<hbm>>) target(%arg21 : memref<48xi32, #tpu.memory_space<vmem>>) target_semaphore(%run_scoped3A : memref<!tpu.dma_semaphore, #tpu.memory_space<semaphore_mem>>)
            %dma_wait3A = tpu.memref_slice %arg8[%multiple_of3A_80] : memref<320016xi32, #tpu.memory_space<hbm>> -> memref<48xi32, #tpu.memory_space<hbm>>
            %dma_wait3A_84 = tpu.memref_slice %arg8[%multiple_of3A_80] : memref<320016xi32, #tpu.memory_space<hbm>> -> memref<48xi32, #tpu.memory_space<hbm>>
            tpu.wait_dma2 semaphore(%run_scoped3A : memref<!tpu.dma_semaphore, #tpu.memory_space<semaphore_mem>>) src(%dma_wait3A_84 : memref<48xi32, #tpu.memory_space<hbm>>) dst(%arg21 : memref<48xi32, #tpu.memory_space<vmem>>)
            tpu.yield
          }) : () -> ()
          %mul3A_81 = arith.constant 16 : i32
          %mul3A_82 = arith.muli %multiple_of3A_80, %mul3A_81 : i32
          "tpu.region"() ({
            %run_scoped3A = tpu.sem_alloc : memref<!tpu.dma_semaphore, #tpu.memory_space<semaphore_mem>>
            %dma_start3A = tpu.memref_slice %arg9[%mul3A_82] : memref<5120000xf32, #tpu.memory_space<hbm>> -> memref<512xf32, #tpu.memory_space<hbm>>
            %dma_start3A_83 = tpu.memref_slice %arg9[%mul3A_82] : memref<5120000xf32, #tpu.memory_space<hbm>> -> memref<512xf32, #tpu.memory_space<hbm>>
            tpu.enqueue_dma source(%dma_start3A_83 : memref<512xf32, #tpu.memory_space<hbm>>) target(%arg23 : memref<512xf32, #tpu.memory_space<vmem>>) target_semaphore(%run_scoped3A : memref<!tpu.dma_semaphore, #tpu.memory_space<semaphore_mem>>)
            %dma_wait3A = tpu.memref_slice %arg9[%mul3A_82] : memref<5120000xf32, #tpu.memory_space<hbm>> -> memref<512xf32, #tpu.memory_space<hbm>>
            %dma_wait3A_84 = tpu.memref_slice %arg9[%mul3A_82] : memref<5120000xf32, #tpu.memory_space<hbm>> -> memref<512xf32, #tpu.memory_space<hbm>>
            tpu.wait_dma2 semaphore(%run_scoped3A : memref<!tpu.dma_semaphore, #tpu.memory_space<semaphore_mem>>) src(%dma_wait3A_84 : memref<512xf32, #tpu.memory_space<hbm>>) dst(%arg23 : memref<512xf32, #tpu.memory_space<vmem>>)
            tpu.yield
          }) : () -> ()
        } else {
        }
        %mul3A_57 = arith.constant 2 : i32
        %mul3A_58 = arith.muli %add3A_41, %mul3A_57 : i32
        %add3A_59 = arith.constant 1 : i32
        %add3A_60 = arith.addi %mul3A_58, %add3A_59 : i32
        %gt3A_61 = arith.constant 0 : i32
        %gt3A_62 = arith.cmpi sgt, %add3A_60, %gt3A_61 : i32
        %convert_element_type3A_63 = arith.extui %gt3A_62 : i1 to i32
        %cond3A_64 = arith.constant 0 : i32
        %cond3A_65 = arith.cmpi ne, %convert_element_type3A_63, %cond3A_64 : i32
        scf.if %cond3A_65 {
        } else {
        }
        %add3A_66 = arith.constant 1 : i32
        %add3A_67 = arith.addi %add3A_60, %add3A_66 : i32
        %lt3A_68 = arith.constant 625 : i32
        %lt3A_69 = arith.cmpi slt, %add3A_67, %lt3A_68 : i32
        %convert_element_type3A_70 = arith.extui %lt3A_69 : i1 to i32
        %cond3A_71 = arith.constant 0 : i32
        %cond3A_72 = arith.cmpi ne, %convert_element_type3A_70, %cond3A_71 : i32
        scf.if %cond3A_72 {
          %add3A_73 = arith.constant 1 : i32
          %add3A_74 = arith.addi %add3A_60, %add3A_73 : i32
          %mul3A_75 = arith.constant 20000 : i32
          %mul3A_76 = arith.muli %arg1, %mul3A_75 : i32
          %mul3A_77 = arith.constant 32 : i32
          %mul3A_78 = arith.muli %add3A_74, %mul3A_77 : i32
          %add3A_79 = arith.addi %mul3A_76, %mul3A_78 : i32
          %multiple_of3A_80 = tpu.assume_multiple %add3A_79, 8 : i32
          "tpu.region"() ({
            %run_scoped3A = tpu.sem_alloc : memref<!tpu.dma_semaphore, #tpu.memory_space<semaphore_mem>>
            %dma_start3A = tpu.memref_slice %arg6[%multiple_of3A_80] : memref<320000xi32, #tpu.memory_space<hbm>> -> memref<32xi32, #tpu.memory_space<hbm>>
            %dma_start3A_83 = tpu.memref_slice %arg6[%multiple_of3A_80] : memref<320000xi32, #tpu.memory_space<hbm>> -> memref<32xi32, #tpu.memory_space<hbm>>
            tpu.enqueue_dma source(%dma_start3A_83 : memref<32xi32, #tpu.memory_space<hbm>>) target(%arg16 : memref<32xi32, #tpu.memory_space<vmem>>) target_semaphore(%run_scoped3A : memref<!tpu.dma_semaphore, #tpu.memory_space<semaphore_mem>>)
            %dma_wait3A = tpu.memref_slice %arg6[%multiple_of3A_80] : memref<320000xi32, #tpu.memory_space<hbm>> -> memref<32xi32, #tpu.memory_space<hbm>>
            %dma_wait3A_84 = tpu.memref_slice %arg6[%multiple_of3A_80] : memref<320000xi32, #tpu.memory_space<hbm>> -> memref<32xi32, #tpu.memory_space<hbm>>
            tpu.wait_dma2 semaphore(%run_scoped3A : memref<!tpu.dma_semaphore, #tpu.memory_space<semaphore_mem>>) src(%dma_wait3A_84 : memref<32xi32, #tpu.memory_space<hbm>>) dst(%arg16 : memref<32xi32, #tpu.memory_space<vmem>>)
            tpu.yield
          }) : () -> ()
          "tpu.region"() ({
            %run_scoped3A = tpu.sem_alloc : memref<!tpu.dma_semaphore, #tpu.memory_space<semaphore_mem>>
            %dma_start3A = tpu.memref_slice %arg7[%multiple_of3A_80] : memref<320000xi32, #tpu.memory_space<hbm>> -> memref<32xi32, #tpu.memory_space<hbm>>
            %dma_start3A_83 = tpu.memref_slice %arg7[%multiple_of3A_80] : memref<320000xi32, #tpu.memory_space<hbm>> -> memref<32xi32, #tpu.memory_space<hbm>>
            tpu.enqueue_dma source(%dma_start3A_83 : memref<32xi32, #tpu.memory_space<hbm>>) target(%arg18 : memref<32xi32, #tpu.memory_space<vmem>>) target_semaphore(%run_scoped3A : memref<!tpu.dma_semaphore, #tpu.memory_space<semaphore_mem>>)
            %dma_wait3A = tpu.memref_slice %arg7[%multiple_of3A_80] : memref<320000xi32, #tpu.memory_space<hbm>> -> memref<32xi32, #tpu.memory_space<hbm>>
            %dma_wait3A_84 = tpu.memref_slice %arg7[%multiple_of3A_80] : memref<320000xi32, #tpu.memory_space<hbm>> -> memref<32xi32, #tpu.memory_space<hbm>>
            tpu.wait_dma2 semaphore(%run_scoped3A : memref<!tpu.dma_semaphore, #tpu.memory_space<semaphore_mem>>) src(%dma_wait3A_84 : memref<32xi32, #tpu.memory_space<hbm>>) dst(%arg18 : memref<32xi32, #tpu.memory_space<vmem>>)
            tpu.yield
          }) : () -> ()
          "tpu.region"() ({
            %run_scoped3A = tpu.sem_alloc : memref<!tpu.dma_semaphore, #tpu.memory_space<semaphore_mem>>
            %dma_start3A = tpu.memref_slice %arg8[%multiple_of3A_80] : memref<320016xi32, #tpu.memory_space<hbm>> -> memref<48xi32, #tpu.memory_space<hbm>>
            %dma_start3A_83 = tpu.memref_slice %arg8[%multiple_of3A_80] : memref<320016xi32, #tpu.memory_space<hbm>> -> memref<48xi32, #tpu.memory_space<hbm>>
            tpu.enqueue_dma source(%dma_start3A_83 : memref<48xi32, #tpu.memory_space<hbm>>) target(%arg20 : memref<48xi32, #tpu.memory_space<vmem>>) target_semaphore(%run_scoped3A : memref<!tpu.dma_semaphore, #tpu.memory_space<semaphore_mem>>)
            %dma_wait3A = tpu.memref_slice %arg8[%multiple_of3A_80] : memref<320016xi32, #tpu.memory_space<hbm>> -> memref<48xi32, #tpu.memory_space<hbm>>
            %dma_wait3A_84 = tpu.memref_slice %arg8[%multiple_of3A_80] : memref<320016xi32, #tpu.memory_space<hbm>> -> memref<48xi32, #tpu.memory_space<hbm>>
            tpu.wait_dma2 semaphore(%run_scoped3A : memref<!tpu.dma_semaphore, #tpu.memory_space<semaphore_mem>>) src(%dma_wait3A_84 : memref<48xi32, #tpu.memory_space<hbm>>) dst(%arg20 : memref<48xi32, #tpu.memory_space<vmem>>)
            tpu.yield
          }) : () -> ()
          %mul3A_81 = arith.constant 16 : i32
          %mul3A_82 = arith.muli %multiple_of3A_80, %mul3A_81 : i32
          "tpu.region"() ({
            %run_scoped3A = tpu.sem_alloc : memref<!tpu.dma_semaphore, #tpu.memory_space<semaphore_mem>>
            %dma_start3A = tpu.memref_slice %arg9[%mul3A_82] : memref<5120000xf32, #tpu.memory_space<hbm>> -> memref<512xf32, #tpu.memory_space<hbm>>
            %dma_start3A_83 = tpu.memref_slice %arg9[%mul3A_82] : memref<5120000xf32, #tpu.memory_space<hbm>> -> memref<512xf32, #tpu.memory_space<hbm>>
            tpu.enqueue_dma source(%dma_start3A_83 : memref<512xf32, #tpu.memory_space<hbm>>) target(%arg22 : memref<512xf32, #tpu.memory_space<vmem>>) target_semaphore(%run_scoped3A : memref<!tpu.dma_semaphore, #tpu.memory_space<semaphore_mem>>)
            %dma_wait3A = tpu.memref_slice %arg9[%mul3A_82] : memref<5120000xf32, #tpu.memory_space<hbm>> -> memref<512xf32, #tpu.memory_space<hbm>>
            %dma_wait3A_84 = tpu.memref_slice %arg9[%mul3A_82] : memref<5120000xf32, #tpu.memory_space<hbm>> -> memref<512xf32, #tpu.memory_space<hbm>>
            tpu.wait_dma2 semaphore(%run_scoped3A : memref<!tpu.dma_semaphore, #tpu.memory_space<semaphore_mem>>) src(%dma_wait3A_84 : memref<512xf32, #tpu.memory_space<hbm>>) dst(%arg22 : memref<512xf32, #tpu.memory_space<vmem>>)
            tpu.yield
          }) : () -> ()
        } else {
        }
      }
      %scan3A_36 = arith.constant 312 : i32
    } else {
    }
    %barrier3A_15 = arith.constant 0 : index
    tpu.barrier barrier_id(%barrier3A_15)
    %mul3A_16 = arith.constant 632 : i32
    %mul3A_17 = arith.muli %arg1, %mul3A_16 : i32
    %eq3A_18 = arith.constant 0 : i32
    %eq3A_19 = arith.cmpi eq, %arg0, %eq3A_18 : i32
    %convert_element_type3A_20 = arith.extui %eq3A_19 : i1 to i32
    %cond3A_21 = arith.constant 0 : i32
    %cond3A_22 = arith.cmpi ne, %convert_element_type3A_20, %cond3A_21 : i32
    scf.if %cond3A_22 {
      "tpu.region"() ({
        %run_scoped3A = tpu.sem_alloc : memref<!tpu.dma_semaphore, #tpu.memory_space<semaphore_mem>>
        %dma_start3A = arith.constant 0 : i32
        %dma_start3A_28 = tpu.memref_slice %arg12[%mul3A_17, %dma_start3A] : memref<10112x128xf32, #tpu.memory_space<hbm>> -> memref<632x128xf32, #tpu.memory_space<hbm>>
        %dma_start3A_29 = arith.constant 0 : i32
        %dma_start3A_30 = tpu.memref_slice %arg32[%mul3A_17, %dma_start3A_29] : memref<10112x128xf32, #tpu.memory_space<vmem_shared>> -> memref<632x128xf32, #tpu.memory_space<vmem_shared>>
        tpu.enqueue_dma source(%dma_start3A_30 : memref<632x128xf32, #tpu.memory_space<vmem_shared>>) target(%dma_start3A_28 : memref<632x128xf32, #tpu.memory_space<hbm>>) target_semaphore(%run_scoped3A : memref<!tpu.dma_semaphore, #tpu.memory_space<semaphore_mem>>)
        %dma_wait3A = arith.constant 0 : i32
        %dma_wait3A_31 = tpu.memref_slice %arg12[%mul3A_17, %dma_wait3A] : memref<10112x128xf32, #tpu.memory_space<hbm>> -> memref<632x128xf32, #tpu.memory_space<hbm>>
        %dma_wait3A_32 = arith.constant 0 : i32
        %dma_wait3A_33 = tpu.memref_slice %arg32[%mul3A_17, %dma_wait3A_32] : memref<10112x128xf32, #tpu.memory_space<vmem_shared>> -> memref<632x128xf32, #tpu.memory_space<vmem_shared>>
        tpu.wait_dma2 semaphore(%run_scoped3A : memref<!tpu.dma_semaphore, #tpu.memory_space<semaphore_mem>>) src(%dma_wait3A_33 : memref<632x128xf32, #tpu.memory_space<vmem_shared>>) dst(%dma_wait3A_31 : memref<632x128xf32, #tpu.memory_space<hbm>>)
        tpu.yield
      }) : () -> ()
      "tpu.region"() ({
        %run_scoped3A = tpu.sem_alloc : memref<!tpu.dma_semaphore, #tpu.memory_space<semaphore_mem>>
        %dma_start3A = arith.constant 0 : i32
        %dma_start3A_28 = arith.constant 0 : i32
        %dma_start3A_29 = tpu.memref_slice %arg14[%arg1, %dma_start3A, %dma_start3A_28] : memref<16x160x128xf32, #tpu.memory_space<hbm>> -> memref<1x160x128xf32, #tpu.memory_space<hbm>>
        %dma_start3A_30 = tpu.memref_squeeze %dma_start3A_29 : memref<1x160x128xf32, #tpu.memory_space<hbm>> -> memref<160x128xf32, #tpu.memory_space<hbm>>
        %dma_start3A_31 = arith.constant 0 : i32
        %dma_start3A_32 = arith.constant 0 : i32
        %dma_start3A_33 = tpu.memref_slice %arg14[%arg1, %dma_start3A_31, %dma_start3A_32] : memref<16x160x128xf32, #tpu.memory_space<hbm>> -> memref<1x160x128xf32, #tpu.memory_space<hbm>>
        %dma_start3A_34 = tpu.memref_squeeze %dma_start3A_33 : memref<1x160x128xf32, #tpu.memory_space<hbm>> -> memref<160x128xf32, #tpu.memory_space<hbm>>
        tpu.enqueue_dma source(%arg31 : memref<160x128xf32, #tpu.memory_space<vmem>>) target(%dma_start3A_34 : memref<160x128xf32, #tpu.memory_space<hbm>>) target_semaphore(%run_scoped3A : memref<!tpu.dma_semaphore, #tpu.memory_space<semaphore_mem>>)
        %dma_wait3A = arith.constant 0 : i32
        %dma_wait3A_35 = arith.constant 0 : i32
        %dma_wait3A_36 = tpu.memref_slice %arg14[%arg1, %dma_wait3A, %dma_wait3A_35] : memref<16x160x128xf32, #tpu.memory_space<hbm>> -> memref<1x160x128xf32, #tpu.memory_space<hbm>>
        %dma_wait3A_37 = tpu.memref_squeeze %dma_wait3A_36 : memref<1x160x128xf32, #tpu.memory_space<hbm>> -> memref<160x128xf32, #tpu.memory_space<hbm>>
        %dma_wait3A_38 = arith.constant 0 : i32
        %dma_wait3A_39 = arith.constant 0 : i32
        %dma_wait3A_40 = tpu.memref_slice %arg14[%arg1, %dma_wait3A_38, %dma_wait3A_39] : memref<16x160x128xf32, #tpu.memory_space<hbm>> -> memref<1x160x128xf32, #tpu.memory_space<hbm>>
        %dma_wait3A_41 = tpu.memref_squeeze %dma_wait3A_40 : memref<1x160x128xf32, #tpu.memory_space<hbm>> -> memref<160x128xf32, #tpu.memory_space<hbm>>
        tpu.wait_dma2 semaphore(%run_scoped3A : memref<!tpu.dma_semaphore, #tpu.memory_space<semaphore_mem>>) src(%arg31 : memref<160x128xf32, #tpu.memory_space<vmem>>) dst(%dma_wait3A_41 : memref<160x128xf32, #tpu.memory_space<hbm>>)
        tpu.yield
      }) : () -> ()
    } else {
    }
    %eq3A_23 = arith.constant 1 : i32
    %eq3A_24 = arith.cmpi eq, %arg0, %eq3A_23 : i32
    %convert_element_type3A_25 = arith.extui %eq3A_24 : i1 to i32
    %cond3A_26 = arith.constant 0 : i32
    %cond3A_27 = arith.cmpi ne, %convert_element_type3A_25, %cond3A_26 : i32
    scf.if %cond3A_27 {
      "tpu.region"() ({
        %run_scoped3A = tpu.sem_alloc : memref<!tpu.dma_semaphore, #tpu.memory_space<semaphore_mem>>
        %dma_start3A = arith.constant 0 : i32
        %dma_start3A_28 = tpu.memref_slice %arg13[%mul3A_17, %dma_start3A] : memref<10112x128xf32, #tpu.memory_space<hbm>> -> memref<632x128xf32, #tpu.memory_space<hbm>>
        %dma_start3A_29 = arith.constant 0 : i32
        %dma_start3A_30 = tpu.memref_slice %arg32[%mul3A_17, %dma_start3A_29] : memref<10112x128xf32, #tpu.memory_space<vmem_shared>> -> memref<632x128xf32, #tpu.memory_space<vmem_shared>>
        tpu.enqueue_dma source(%dma_start3A_30 : memref<632x128xf32, #tpu.memory_space<vmem_shared>>) target(%dma_start3A_28 : memref<632x128xf32, #tpu.memory_space<hbm>>) target_semaphore(%run_scoped3A : memref<!tpu.dma_semaphore, #tpu.memory_space<semaphore_mem>>)
        %dma_wait3A = arith.constant 0 : i32
        %dma_wait3A_31 = tpu.memref_slice %arg13[%mul3A_17, %dma_wait3A] : memref<10112x128xf32, #tpu.memory_space<hbm>> -> memref<632x128xf32, #tpu.memory_space<hbm>>
        %dma_wait3A_32 = arith.constant 0 : i32
        %dma_wait3A_33 = tpu.memref_slice %arg32[%mul3A_17, %dma_wait3A_32] : memref<10112x128xf32, #tpu.memory_space<vmem_shared>> -> memref<632x128xf32, #tpu.memory_space<vmem_shared>>
        tpu.wait_dma2 semaphore(%run_scoped3A : memref<!tpu.dma_semaphore, #tpu.memory_space<semaphore_mem>>) src(%dma_wait3A_33 : memref<632x128xf32, #tpu.memory_space<vmem_shared>>) dst(%dma_wait3A_31 : memref<632x128xf32, #tpu.memory_space<hbm>>)
        tpu.yield
      }) : () -> ()
      "tpu.region"() ({
        %run_scoped3A = tpu.sem_alloc : memref<!tpu.dma_semaphore, #tpu.memory_space<semaphore_mem>>
        %dma_start3A = arith.constant 0 : i32
        %dma_start3A_28 = arith.constant 0 : i32
        %dma_start3A_29 = tpu.memref_slice %arg15[%arg1, %dma_start3A, %dma_start3A_28] : memref<16x160x128xf32, #tpu.memory_space<hbm>> -> memref<1x160x128xf32, #tpu.memory_space<hbm>>
        %dma_start3A_30 = tpu.memref_squeeze %dma_start3A_29 : memref<1x160x128xf32, #tpu.memory_space<hbm>> -> memref<160x128xf32, #tpu.memory_space<hbm>>
        %dma_start3A_31 = arith.constant 0 : i32
        %dma_start3A_32 = arith.constant 0 : i32
        %dma_start3A_33 = tpu.memref_slice %arg15[%arg1, %dma_start3A_31, %dma_start3A_32] : memref<16x160x128xf32, #tpu.memory_space<hbm>> -> memref<1x160x128xf32, #tpu.memory_space<hbm>>
        %dma_start3A_34 = tpu.memref_squeeze %dma_start3A_33 : memref<1x160x128xf32, #tpu.memory_space<hbm>> -> memref<160x128xf32, #tpu.memory_space<hbm>>
        tpu.enqueue_dma source(%arg31 : memref<160x128xf32, #tpu.memory_space<vmem>>) target(%dma_start3A_34 : memref<160x128xf32, #tpu.memory_space<hbm>>) target_semaphore(%run_scoped3A : memref<!tpu.dma_semaphore, #tpu.memory_space<semaphore_mem>>)
        %dma_wait3A = arith.constant 0 : i32
        %dma_wait3A_35 = arith.constant 0 : i32
        %dma_wait3A_36 = tpu.memref_slice %arg15[%arg1, %dma_wait3A, %dma_wait3A_35] : memref<16x160x128xf32, #tpu.memory_space<hbm>> -> memref<1x160x128xf32, #tpu.memory_space<hbm>>
        %dma_wait3A_37 = tpu.memref_squeeze %dma_wait3A_36 : memref<1x160x128xf32, #tpu.memory_space<hbm>> -> memref<160x128xf32, #tpu.memory_space<hbm>>
        %dma_wait3A_38 = arith.constant 0 : i32
        %dma_wait3A_39 = arith.constant 0 : i32
        %dma_wait3A_40 = tpu.memref_slice %arg15[%arg1, %dma_wait3A_38, %dma_wait3A_39] : memref<16x160x128xf32, #tpu.memory_space<hbm>> -> memref<1x160x128xf32, #tpu.memory_space<hbm>>
        %dma_wait3A_41 = tpu.memref_squeeze %dma_wait3A_40 : memref<1x160x128xf32, #tpu.memory_space<hbm>> -> memref<160x128xf32, #tpu.memory_space<hbm>>
        tpu.wait_dma2 semaphore(%run_scoped3A : memref<!tpu.dma_semaphore, #tpu.memory_space<semaphore_mem>>) src(%arg31 : memref<160x128xf32, #tpu.memory_space<vmem>>) dst(%dma_wait3A_41 : memref<160x128xf32, #tpu.memory_space<hbm>>)
        tpu.yield
      }) : () -> ()
    } else {
    }
    return
  }
}

#map = affine_map<(d0, d1) -> (0, 0)>
#map1 = affine_map<(d0, d1) -> (0)>
#map2 = affine_map<(d0, d1) -> (0, 0, 0)>
module attributes {stable_mosaic.version = 14 : i64} {
  func.func @sc_edge(%arg0: i32, %arg1: i32, %arg2: memref<10000x128xf32, #tpu.memory_space<hbm>>, %arg3: memref<10000x128xf32, #tpu.memory_space<hbm>>, %arg4: memref<10000x128xf32, #tpu.memory_space<hbm>>, %arg5: memref<10000x128xf32, #tpu.memory_space<hbm>>, %arg6: memref<320000xi32, #tpu.memory_space<hbm>>, %arg7: memref<320000xi32, #tpu.memory_space<hbm>>, %arg8: memref<320016xi32, #tpu.memory_space<hbm>>, %arg9: memref<5120000xf32, #tpu.memory_space<hbm>>, %arg10: memref<1280xf32, #tpu.memory_space<hbm>>, %arg11: memref<632x128xf32, #tpu.memory_space<hbm>>, %arg12: memref<10112x128xf32, #tpu.memory_space<hbm>>, %arg13: memref<10112x128xf32, #tpu.memory_space<hbm>>, %arg14: memref<16x160x128xf32, #tpu.memory_space<hbm>>, %arg15: memref<16x160x128xf32, #tpu.memory_space<hbm>>, %arg16: memref<32xi32, #tpu.memory_space<vmem>>, %arg17: memref<32xi32, #tpu.memory_space<vmem>>, %arg18: memref<32xi32, #tpu.memory_space<vmem>>, %arg19: memref<32xi32, #tpu.memory_space<vmem>>, %arg20: memref<48xi32, #tpu.memory_space<vmem>>, %arg21: memref<48xi32, #tpu.memory_space<vmem>>, %arg22: memref<512xf32, #tpu.memory_space<vmem>>, %arg23: memref<512xf32, #tpu.memory_space<vmem>>, %arg24: memref<32x128xf32, #tpu.memory_space<vmem>>, %arg25: memref<32x128xf32, #tpu.memory_space<vmem>>, %arg26: memref<32x128xf32, #tpu.memory_space<vmem>>, %arg27: memref<32x128xf32, #tpu.memory_space<vmem>>, %arg28: memref<32x128xf32, #tpu.memory_space<vmem>>, %arg29: memref<32x128xf32, #tpu.memory_space<vmem>>, %arg30: memref<640xf32, #tpu.memory_space<vmem>>, %arg31: memref<160x128xf32, #tpu.memory_space<vmem>>, %arg32: memref<10112x128xf32, #tpu.memory_space<vmem_shared>>, %arg33: memref<!tpu.dma_semaphore, #tpu.memory_space<semaphore_mem>>, %arg34: memref<!tpu.dma_semaphore, #tpu.memory_space<semaphore_mem>>, %arg35: memref<!tpu.dma_semaphore, #tpu.memory_space<semaphore_mem>>, %arg36: memref<!tpu.dma_semaphore, #tpu.memory_space<semaphore_mem>>) attributes {dimension_semantics = [#tpu.dimension_semantics<core_parallel>, #tpu.dimension_semantics<subcore_parallel>], iteration_bounds = array<i64: 2, 16>, scalar_prefetch = 0 : i64, scratch_operands = 21 : i64, tpu.core_type = #tpu.core_type<sc_vector_subcore>, window_params = [{transform_indices = #map}, {transform_indices = #map}, {transform_indices = #map}, {transform_indices = #map}, {transform_indices = #map1}, {transform_indices = #map1}, {transform_indices = #map1}, {transform_indices = #map1}, {transform_indices = #map1}, {transform_indices = #map}, {transform_indices = #map}, {transform_indices = #map}, {transform_indices = #map2}, {transform_indices = #map2}]} {
    %mul3A = arith.constant 640 : i32
    %mul3A_0 = arith.muli %arg0, %mul3A : i32
    "tpu.region"() ({
      %run_scoped3A = tpu.sem_alloc : memref<!tpu.dma_semaphore, #tpu.memory_space<semaphore_mem>>
      %dma_start3A = tpu.memref_slice %arg10[%mul3A_0] : memref<1280xf32, #tpu.memory_space<hbm>> -> memref<640xf32, #tpu.memory_space<hbm>>
      %dma_start3A_28 = tpu.memref_slice %arg10[%mul3A_0] : memref<1280xf32, #tpu.memory_space<hbm>> -> memref<640xf32, #tpu.memory_space<hbm>>
      tpu.enqueue_dma source(%dma_start3A_28 : memref<640xf32, #tpu.memory_space<hbm>>) target(%arg30 : memref<640xf32, #tpu.memory_space<vmem>>) target_semaphore(%run_scoped3A : memref<!tpu.dma_semaphore, #tpu.memory_space<semaphore_mem>>)
      %dma_wait3A = tpu.memref_slice %arg10[%mul3A_0] : memref<1280xf32, #tpu.memory_space<hbm>> -> memref<640xf32, #tpu.memory_space<hbm>>
      %dma_wait3A_29 = tpu.memref_slice %arg10[%mul3A_0] : memref<1280xf32, #tpu.memory_space<hbm>> -> memref<640xf32, #tpu.memory_space<hbm>>
      tpu.wait_dma2 semaphore(%run_scoped3A : memref<!tpu.dma_semaphore, #tpu.memory_space<semaphore_mem>>) src(%dma_wait3A_29 : memref<640xf32, #tpu.memory_space<hbm>>) dst(%arg30 : memref<640xf32, #tpu.memory_space<vmem>>)
      tpu.yield
    }) : () -> ()
    "tpu.region"() ({
      %run_scoped3A = tpu.sem_alloc : memref<!tpu.dma_semaphore, #tpu.memory_space<semaphore_mem>>
      %dma_start3A = arith.constant 0 : i32
      %dma_start3A_28 = arith.constant 0 : i32
      %dma_start3A_29 = tpu.memref_slice %arg11[%dma_start3A, %dma_start3A_28] : memref<632x128xf32, #tpu.memory_space<hbm>> -> memref<160x128xf32, #tpu.memory_space<hbm>>
      %dma_start3A_30 = arith.constant 0 : i32
      %dma_start3A_31 = arith.constant 0 : i32
      %dma_start3A_32 = tpu.memref_slice %arg11[%dma_start3A_30, %dma_start3A_31] : memref<632x128xf32, #tpu.memory_space<hbm>> -> memref<160x128xf32, #tpu.memory_space<hbm>>
      tpu.enqueue_dma source(%dma_start3A_32 : memref<160x128xf32, #tpu.memory_space<hbm>>) target(%arg31 : memref<160x128xf32, #tpu.memory_space<vmem>>) target_semaphore(%run_scoped3A : memref<!tpu.dma_semaphore, #tpu.memory_space<semaphore_mem>>)
      %dma_wait3A = arith.constant 0 : i32
      %dma_wait3A_33 = arith.constant 0 : i32
      %dma_wait3A_34 = tpu.memref_slice %arg11[%dma_wait3A, %dma_wait3A_33] : memref<632x128xf32, #tpu.memory_space<hbm>> -> memref<160x128xf32, #tpu.memory_space<hbm>>
      %dma_wait3A_35 = arith.constant 0 : i32
      %dma_wait3A_36 = arith.constant 0 : i32
      %dma_wait3A_37 = tpu.memref_slice %arg11[%dma_wait3A_35, %dma_wait3A_36] : memref<632x128xf32, #tpu.memory_space<hbm>> -> memref<160x128xf32, #tpu.memory_space<hbm>>
      tpu.wait_dma2 semaphore(%run_scoped3A : memref<!tpu.dma_semaphore, #tpu.memory_space<semaphore_mem>>) src(%dma_wait3A_37 : memref<160x128xf32, #tpu.memory_space<hbm>>) dst(%arg31 : memref<160x128xf32, #tpu.memory_space<vmem>>)
      tpu.yield
    }) : () -> ()
    %mul3A_1 = arith.constant 632 : i32
    %mul3A_2 = arith.muli %arg1, %mul3A_1 : i32
    "tpu.region"() ({
      %run_scoped3A = tpu.sem_alloc : memref<!tpu.dma_semaphore, #tpu.memory_space<semaphore_mem>>
      %dma_start3A = arith.constant 0 : i32
      %dma_start3A_28 = tpu.memref_slice %arg32[%mul3A_2, %dma_start3A] : memref<10112x128xf32, #tpu.memory_space<vmem_shared>> -> memref<632x128xf32, #tpu.memory_space<vmem_shared>>
      tpu.enqueue_dma source(%arg11 : memref<632x128xf32, #tpu.memory_space<hbm>>) target(%dma_start3A_28 : memref<632x128xf32, #tpu.memory_space<vmem_shared>>) target_semaphore(%run_scoped3A : memref<!tpu.dma_semaphore, #tpu.memory_space<semaphore_mem>>)
      %dma_wait3A = arith.constant 0 : i32
      %dma_wait3A_29 = tpu.memref_slice %arg32[%mul3A_2, %dma_wait3A] : memref<10112x128xf32, #tpu.memory_space<vmem_shared>> -> memref<632x128xf32, #tpu.memory_space<vmem_shared>>
      tpu.wait_dma2 semaphore(%run_scoped3A : memref<!tpu.dma_semaphore, #tpu.memory_space<semaphore_mem>>) src(%arg11 : memref<632x128xf32, #tpu.memory_space<hbm>>) dst(%dma_wait3A_29 : memref<632x128xf32, #tpu.memory_space<vmem_shared>>)
      tpu.yield
    }) : () -> ()
    %barrier3A = arith.constant 0 : index
    tpu.barrier barrier_id(%barrier3A)
    %iota3A = tpu.iota {dimensions = array<i32: 0>} : vector<16xi32>
    %lt3A = arith.constant 2 : i32
    %lt3A_3 = vector.broadcast %lt3A : i32 to vector<16xi32>
    %lt3A_4 = arith.cmpi slt, %iota3A, %lt3A_3 : vector<16xi32>
    %mul3A_5 = arith.constant 10112 : i32
    %mul3A_6 = vector.broadcast %mul3A_5 : i32 to vector<16xi32>
    %mul3A_7 = arith.muli %iota3A, %mul3A_6 : vector<16xi32>
    %jit3A = arith.constant 0 : i32
    %broadcast_in_dim3A = vector.broadcast %jit3A : i32 to vector<16xi32>
    %select_n3A = arith.select %lt3A_4, %mul3A_7, %broadcast_in_dim3A : vector<16xi1>, vector<16xi32>
    %eq3A = arith.constant 0 : i32
    %eq3A_8 = arith.cmpi eq, %arg0, %eq3A : i32
    %convert_element_type3A = arith.extui %eq3A_8 : i1 to i32
    %cond3A = arith.constant 0 : i32
    %cond3A_9 = arith.cmpi ne, %convert_element_type3A, %cond3A : i32
    scf.if %cond3A_9 {
      %mul3A_28 = arith.constant 20000 : i32
      %mul3A_29 = arith.muli %arg1, %mul3A_28 : i32
      %add3A = arith.constant 0 : i32
      %add3A_30 = arith.addi %mul3A_29, %add3A : i32
      %multiple_of3A = tpu.assume_multiple %add3A_30, 8 : i32
      "tpu.region"() ({
        %run_scoped3A = tpu.sem_alloc : memref<!tpu.dma_semaphore, #tpu.memory_space<semaphore_mem>>
        %dma_start3A = tpu.memref_slice %arg6[%multiple_of3A] : memref<320000xi32, #tpu.memory_space<hbm>> -> memref<32xi32, #tpu.memory_space<hbm>>
        %dma_start3A_37 = tpu.memref_slice %arg6[%multiple_of3A] : memref<320000xi32, #tpu.memory_space<hbm>> -> memref<32xi32, #tpu.memory_space<hbm>>
        tpu.enqueue_dma source(%dma_start3A_37 : memref<32xi32, #tpu.memory_space<hbm>>) target(%arg16 : memref<32xi32, #tpu.memory_space<vmem>>) target_semaphore(%run_scoped3A : memref<!tpu.dma_semaphore, #tpu.memory_space<semaphore_mem>>)
        %dma_wait3A = tpu.memref_slice %arg6[%multiple_of3A] : memref<320000xi32, #tpu.memory_space<hbm>> -> memref<32xi32, #tpu.memory_space<hbm>>
        %dma_wait3A_38 = tpu.memref_slice %arg6[%multiple_of3A] : memref<320000xi32, #tpu.memory_space<hbm>> -> memref<32xi32, #tpu.memory_space<hbm>>
        tpu.wait_dma2 semaphore(%run_scoped3A : memref<!tpu.dma_semaphore, #tpu.memory_space<semaphore_mem>>) src(%dma_wait3A_38 : memref<32xi32, #tpu.memory_space<hbm>>) dst(%arg16 : memref<32xi32, #tpu.memory_space<vmem>>)
        tpu.yield
      }) : () -> ()
      "tpu.region"() ({
        %run_scoped3A = tpu.sem_alloc : memref<!tpu.dma_semaphore, #tpu.memory_space<semaphore_mem>>
        %dma_start3A = tpu.memref_slice %arg7[%multiple_of3A] : memref<320000xi32, #tpu.memory_space<hbm>> -> memref<32xi32, #tpu.memory_space<hbm>>
        %dma_start3A_37 = tpu.memref_slice %arg7[%multiple_of3A] : memref<320000xi32, #tpu.memory_space<hbm>> -> memref<32xi32, #tpu.memory_space<hbm>>
        tpu.enqueue_dma source(%dma_start3A_37 : memref<32xi32, #tpu.memory_space<hbm>>) target(%arg18 : memref<32xi32, #tpu.memory_space<vmem>>) target_semaphore(%run_scoped3A : memref<!tpu.dma_semaphore, #tpu.memory_space<semaphore_mem>>)
        %dma_wait3A = tpu.memref_slice %arg7[%multiple_of3A] : memref<320000xi32, #tpu.memory_space<hbm>> -> memref<32xi32, #tpu.memory_space<hbm>>
        %dma_wait3A_38 = tpu.memref_slice %arg7[%multiple_of3A] : memref<320000xi32, #tpu.memory_space<hbm>> -> memref<32xi32, #tpu.memory_space<hbm>>
        tpu.wait_dma2 semaphore(%run_scoped3A : memref<!tpu.dma_semaphore, #tpu.memory_space<semaphore_mem>>) src(%dma_wait3A_38 : memref<32xi32, #tpu.memory_space<hbm>>) dst(%arg18 : memref<32xi32, #tpu.memory_space<vmem>>)
        tpu.yield
      }) : () -> ()
      "tpu.region"() ({
        %run_scoped3A = tpu.sem_alloc : memref<!tpu.dma_semaphore, #tpu.memory_space<semaphore_mem>>
        %dma_start3A = tpu.memref_slice %arg8[%multiple_of3A] : memref<320016xi32, #tpu.memory_space<hbm>> -> memref<48xi32, #tpu.memory_space<hbm>>
        %dma_start3A_37 = tpu.memref_slice %arg8[%multiple_of3A] : memref<320016xi32, #tpu.memory_space<hbm>> -> memref<48xi32, #tpu.memory_space<hbm>>
        tpu.enqueue_dma source(%dma_start3A_37 : memref<48xi32, #tpu.memory_space<hbm>>) target(%arg20 : memref<48xi32, #tpu.memory_space<vmem>>) target_semaphore(%run_scoped3A : memref<!tpu.dma_semaphore, #tpu.memory_space<semaphore_mem>>)
        %dma_wait3A = tpu.memref_slice %arg8[%multiple_of3A] : memref<320016xi32, #tpu.memory_space<hbm>> -> memref<48xi32, #tpu.memory_space<hbm>>
        %dma_wait3A_38 = tpu.memref_slice %arg8[%multiple_of3A] : memref<320016xi32, #tpu.memory_space<hbm>> -> memref<48xi32, #tpu.memory_space<hbm>>
        tpu.wait_dma2 semaphore(%run_scoped3A : memref<!tpu.dma_semaphore, #tpu.memory_space<semaphore_mem>>) src(%dma_wait3A_38 : memref<48xi32, #tpu.memory_space<hbm>>) dst(%arg20 : memref<48xi32, #tpu.memory_space<vmem>>)
        tpu.yield
      }) : () -> ()
      %mul3A_31 = arith.constant 16 : i32
      %mul3A_32 = arith.muli %multiple_of3A, %mul3A_31 : i32
      "tpu.region"() ({
        %run_scoped3A = tpu.sem_alloc : memref<!tpu.dma_semaphore, #tpu.memory_space<semaphore_mem>>
        %dma_start3A = tpu.memref_slice %arg9[%mul3A_32] : memref<5120000xf32, #tpu.memory_space<hbm>> -> memref<512xf32, #tpu.memory_space<hbm>>
        %dma_start3A_37 = tpu.memref_slice %arg9[%mul3A_32] : memref<5120000xf32, #tpu.memory_space<hbm>> -> memref<512xf32, #tpu.memory_space<hbm>>
        tpu.enqueue_dma source(%dma_start3A_37 : memref<512xf32, #tpu.memory_space<hbm>>) target(%arg22 : memref<512xf32, #tpu.memory_space<vmem>>) target_semaphore(%run_scoped3A : memref<!tpu.dma_semaphore, #tpu.memory_space<semaphore_mem>>)
        %dma_wait3A = tpu.memref_slice %arg9[%mul3A_32] : memref<5120000xf32, #tpu.memory_space<hbm>> -> memref<512xf32, #tpu.memory_space<hbm>>
        %dma_wait3A_38 = tpu.memref_slice %arg9[%mul3A_32] : memref<5120000xf32, #tpu.memory_space<hbm>> -> memref<512xf32, #tpu.memory_space<hbm>>
        tpu.wait_dma2 semaphore(%run_scoped3A : memref<!tpu.dma_semaphore, #tpu.memory_space<semaphore_mem>>) src(%dma_wait3A_38 : memref<512xf32, #tpu.memory_space<hbm>>) dst(%arg22 : memref<512xf32, #tpu.memory_space<vmem>>)
        tpu.yield
      }) : () -> ()
      %scan3A = arith.constant 0 : i32
      %scan3A_33 = arith.constant 312 : i32
      %scan3A_34 = arith.addi %scan3A, %scan3A_33 : i32
      %scan3A_35 = arith.constant 1 : i32
      scf.for %scan3A_37 = %scan3A to %scan3A_34 step %scan3A_35  : i32 {
        %mul3A_38 = arith.constant 1 : i32
        %mul3A_39 = arith.muli %scan3A_37, %mul3A_38 : i32
        %add3A_40 = arith.constant 0 : i32
        %add3A_41 = arith.addi %add3A_40, %mul3A_39 : i32
        %mul3A_42 = arith.constant 2 : i32
        %mul3A_43 = arith.muli %add3A_41, %mul3A_42 : i32
        %add3A_44 = arith.constant 0 : i32
        %add3A_45 = arith.addi %mul3A_43, %add3A_44 : i32
        %gt3A = arith.constant 0 : i32
        %gt3A_46 = arith.cmpi sgt, %add3A_45, %gt3A : i32
        %convert_element_type3A_47 = arith.extui %gt3A_46 : i1 to i32
        %cond3A_48 = arith.constant 0 : i32
        %cond3A_49 = arith.cmpi ne, %convert_element_type3A_47, %cond3A_48 : i32
        scf.if %cond3A_49 {
        } else {
        }
        %add3A_50 = arith.constant 1 : i32
        %add3A_51 = arith.addi %add3A_45, %add3A_50 : i32
        %lt3A_52 = arith.constant 625 : i32
        %lt3A_53 = arith.cmpi slt, %add3A_51, %lt3A_52 : i32
        %convert_element_type3A_54 = arith.extui %lt3A_53 : i1 to i32
        %cond3A_55 = arith.constant 0 : i32
        %cond3A_56 = arith.cmpi ne, %convert_element_type3A_54, %cond3A_55 : i32
        scf.if %cond3A_56 {
          %add3A_73 = arith.constant 1 : i32
          %add3A_74 = arith.addi %add3A_45, %add3A_73 : i32
          %mul3A_75 = arith.constant 20000 : i32
          %mul3A_76 = arith.muli %arg1, %mul3A_75 : i32
          %mul3A_77 = arith.constant 32 : i32
          %mul3A_78 = arith.muli %add3A_74, %mul3A_77 : i32
          %add3A_79 = arith.addi %mul3A_76, %mul3A_78 : i32
          %multiple_of3A_80 = tpu.assume_multiple %add3A_79, 8 : i32
          "tpu.region"() ({
            %run_scoped3A = tpu.sem_alloc : memref<!tpu.dma_semaphore, #tpu.memory_space<semaphore_mem>>
            %dma_start3A = tpu.memref_slice %arg6[%multiple_of3A_80] : memref<320000xi32, #tpu.memory_space<hbm>> -> memref<32xi32, #tpu.memory_space<hbm>>
            %dma_start3A_83 = tpu.memref_slice %arg6[%multiple_of3A_80] : memref<320000xi32, #tpu.memory_space<hbm>> -> memref<32xi32, #tpu.memory_space<hbm>>
            tpu.enqueue_dma source(%dma_start3A_83 : memref<32xi32, #tpu.memory_space<hbm>>) target(%arg17 : memref<32xi32, #tpu.memory_space<vmem>>) target_semaphore(%run_scoped3A : memref<!tpu.dma_semaphore, #tpu.memory_space<semaphore_mem>>)
            %dma_wait3A = tpu.memref_slice %arg6[%multiple_of3A_80] : memref<320000xi32, #tpu.memory_space<hbm>> -> memref<32xi32, #tpu.memory_space<hbm>>
            %dma_wait3A_84 = tpu.memref_slice %arg6[%multiple_of3A_80] : memref<320000xi32, #tpu.memory_space<hbm>> -> memref<32xi32, #tpu.memory_space<hbm>>
            tpu.wait_dma2 semaphore(%run_scoped3A : memref<!tpu.dma_semaphore, #tpu.memory_space<semaphore_mem>>) src(%dma_wait3A_84 : memref<32xi32, #tpu.memory_space<hbm>>) dst(%arg17 : memref<32xi32, #tpu.memory_space<vmem>>)
            tpu.yield
          }) : () -> ()
          "tpu.region"() ({
            %run_scoped3A = tpu.sem_alloc : memref<!tpu.dma_semaphore, #tpu.memory_space<semaphore_mem>>
            %dma_start3A = tpu.memref_slice %arg7[%multiple_of3A_80] : memref<320000xi32, #tpu.memory_space<hbm>> -> memref<32xi32, #tpu.memory_space<hbm>>
            %dma_start3A_83 = tpu.memref_slice %arg7[%multiple_of3A_80] : memref<320000xi32, #tpu.memory_space<hbm>> -> memref<32xi32, #tpu.memory_space<hbm>>
            tpu.enqueue_dma source(%dma_start3A_83 : memref<32xi32, #tpu.memory_space<hbm>>) target(%arg19 : memref<32xi32, #tpu.memory_space<vmem>>) target_semaphore(%run_scoped3A : memref<!tpu.dma_semaphore, #tpu.memory_space<semaphore_mem>>)
            %dma_wait3A = tpu.memref_slice %arg7[%multiple_of3A_80] : memref<320000xi32, #tpu.memory_space<hbm>> -> memref<32xi32, #tpu.memory_space<hbm>>
            %dma_wait3A_84 = tpu.memref_slice %arg7[%multiple_of3A_80] : memref<320000xi32, #tpu.memory_space<hbm>> -> memref<32xi32, #tpu.memory_space<hbm>>
            tpu.wait_dma2 semaphore(%run_scoped3A : memref<!tpu.dma_semaphore, #tpu.memory_space<semaphore_mem>>) src(%dma_wait3A_84 : memref<32xi32, #tpu.memory_space<hbm>>) dst(%arg19 : memref<32xi32, #tpu.memory_space<vmem>>)
            tpu.yield
          }) : () -> ()
          "tpu.region"() ({
            %run_scoped3A = tpu.sem_alloc : memref<!tpu.dma_semaphore, #tpu.memory_space<semaphore_mem>>
            %dma_start3A = tpu.memref_slice %arg8[%multiple_of3A_80] : memref<320016xi32, #tpu.memory_space<hbm>> -> memref<48xi32, #tpu.memory_space<hbm>>
            %dma_start3A_83 = tpu.memref_slice %arg8[%multiple_of3A_80] : memref<320016xi32, #tpu.memory_space<hbm>> -> memref<48xi32, #tpu.memory_space<hbm>>
            tpu.enqueue_dma source(%dma_start3A_83 : memref<48xi32, #tpu.memory_space<hbm>>) target(%arg21 : memref<48xi32, #tpu.memory_space<vmem>>) target_semaphore(%run_scoped3A : memref<!tpu.dma_semaphore, #tpu.memory_space<semaphore_mem>>)
            %dma_wait3A = tpu.memref_slice %arg8[%multiple_of3A_80] : memref<320016xi32, #tpu.memory_space<hbm>> -> memref<48xi32, #tpu.memory_space<hbm>>
            %dma_wait3A_84 = tpu.memref_slice %arg8[%multiple_of3A_80] : memref<320016xi32, #tpu.memory_space<hbm>> -> memref<48xi32, #tpu.memory_space<hbm>>
            tpu.wait_dma2 semaphore(%run_scoped3A : memref<!tpu.dma_semaphore, #tpu.memory_space<semaphore_mem>>) src(%dma_wait3A_84 : memref<48xi32, #tpu.memory_space<hbm>>) dst(%arg21 : memref<48xi32, #tpu.memory_space<vmem>>)
            tpu.yield
          }) : () -> ()
          %mul3A_81 = arith.constant 16 : i32
          %mul3A_82 = arith.muli %multiple_of3A_80, %mul3A_81 : i32
          "tpu.region"() ({
            %run_scoped3A = tpu.sem_alloc : memref<!tpu.dma_semaphore, #tpu.memory_space<semaphore_mem>>
            %dma_start3A = tpu.memref_slice %arg9[%mul3A_82] : memref<5120000xf32, #tpu.memory_space<hbm>> -> memref<512xf32, #tpu.memory_space<hbm>>
            %dma_start3A_83 = tpu.memref_slice %arg9[%mul3A_82] : memref<5120000xf32, #tpu.memory_space<hbm>> -> memref<512xf32, #tpu.memory_space<hbm>>
            tpu.enqueue_dma source(%dma_start3A_83 : memref<512xf32, #tpu.memory_space<hbm>>) target(%arg23 : memref<512xf32, #tpu.memory_space<vmem>>) target_semaphore(%run_scoped3A : memref<!tpu.dma_semaphore, #tpu.memory_space<semaphore_mem>>)
            %dma_wait3A = tpu.memref_slice %arg9[%mul3A_82] : memref<5120000xf32, #tpu.memory_space<hbm>> -> memref<512xf32, #tpu.memory_space<hbm>>
            %dma_wait3A_84 = tpu.memref_slice %arg9[%mul3A_82] : memref<5120000xf32, #tpu.memory_space<hbm>> -> memref<512xf32, #tpu.memory_space<hbm>>
            tpu.wait_dma2 semaphore(%run_scoped3A : memref<!tpu.dma_semaphore, #tpu.memory_space<semaphore_mem>>) src(%dma_wait3A_84 : memref<512xf32, #tpu.memory_space<hbm>>) dst(%arg23 : memref<512xf32, #tpu.memory_space<vmem>>)
            tpu.yield
          }) : () -> ()
        } else {
        }
        %mul3A_57 = arith.constant 2 : i32
        %mul3A_58 = arith.muli %add3A_41, %mul3A_57 : i32
        %add3A_59 = arith.constant 1 : i32
        %add3A_60 = arith.addi %mul3A_58, %add3A_59 : i32
        %gt3A_61 = arith.constant 0 : i32
        %gt3A_62 = arith.cmpi sgt, %add3A_60, %gt3A_61 : i32
        %convert_element_type3A_63 = arith.extui %gt3A_62 : i1 to i32
        %cond3A_64 = arith.constant 0 : i32
        %cond3A_65 = arith.cmpi ne, %convert_element_type3A_63, %cond3A_64 : i32
        scf.if %cond3A_65 {
        } else {
        }
        %add3A_66 = arith.constant 1 : i32
        %add3A_67 = arith.addi %add3A_60, %add3A_66 : i32
        %lt3A_68 = arith.constant 625 : i32
        %lt3A_69 = arith.cmpi slt, %add3A_67, %lt3A_68 : i32
        %convert_element_type3A_70 = arith.extui %lt3A_69 : i1 to i32
        %cond3A_71 = arith.constant 0 : i32
        %cond3A_72 = arith.cmpi ne, %convert_element_type3A_70, %cond3A_71 : i32
        scf.if %cond3A_72 {
          %add3A_73 = arith.constant 1 : i32
          %add3A_74 = arith.addi %add3A_60, %add3A_73 : i32
          %mul3A_75 = arith.constant 20000 : i32
          %mul3A_76 = arith.muli %arg1, %mul3A_75 : i32
          %mul3A_77 = arith.constant 32 : i32
          %mul3A_78 = arith.muli %add3A_74, %mul3A_77 : i32
          %add3A_79 = arith.addi %mul3A_76, %mul3A_78 : i32
          %multiple_of3A_80 = tpu.assume_multiple %add3A_79, 8 : i32
          "tpu.region"() ({
            %run_scoped3A = tpu.sem_alloc : memref<!tpu.dma_semaphore, #tpu.memory_space<semaphore_mem>>
            %dma_start3A = tpu.memref_slice %arg6[%multiple_of3A_80] : memref<320000xi32, #tpu.memory_space<hbm>> -> memref<32xi32, #tpu.memory_space<hbm>>
            %dma_start3A_83 = tpu.memref_slice %arg6[%multiple_of3A_80] : memref<320000xi32, #tpu.memory_space<hbm>> -> memref<32xi32, #tpu.memory_space<hbm>>
            tpu.enqueue_dma source(%dma_start3A_83 : memref<32xi32, #tpu.memory_space<hbm>>) target(%arg16 : memref<32xi32, #tpu.memory_space<vmem>>) target_semaphore(%run_scoped3A : memref<!tpu.dma_semaphore, #tpu.memory_space<semaphore_mem>>)
            %dma_wait3A = tpu.memref_slice %arg6[%multiple_of3A_80] : memref<320000xi32, #tpu.memory_space<hbm>> -> memref<32xi32, #tpu.memory_space<hbm>>
            %dma_wait3A_84 = tpu.memref_slice %arg6[%multiple_of3A_80] : memref<320000xi32, #tpu.memory_space<hbm>> -> memref<32xi32, #tpu.memory_space<hbm>>
            tpu.wait_dma2 semaphore(%run_scoped3A : memref<!tpu.dma_semaphore, #tpu.memory_space<semaphore_mem>>) src(%dma_wait3A_84 : memref<32xi32, #tpu.memory_space<hbm>>) dst(%arg16 : memref<32xi32, #tpu.memory_space<vmem>>)
            tpu.yield
          }) : () -> ()
          "tpu.region"() ({
            %run_scoped3A = tpu.sem_alloc : memref<!tpu.dma_semaphore, #tpu.memory_space<semaphore_mem>>
            %dma_start3A = tpu.memref_slice %arg7[%multiple_of3A_80] : memref<320000xi32, #tpu.memory_space<hbm>> -> memref<32xi32, #tpu.memory_space<hbm>>
            %dma_start3A_83 = tpu.memref_slice %arg7[%multiple_of3A_80] : memref<320000xi32, #tpu.memory_space<hbm>> -> memref<32xi32, #tpu.memory_space<hbm>>
            tpu.enqueue_dma source(%dma_start3A_83 : memref<32xi32, #tpu.memory_space<hbm>>) target(%arg18 : memref<32xi32, #tpu.memory_space<vmem>>) target_semaphore(%run_scoped3A : memref<!tpu.dma_semaphore, #tpu.memory_space<semaphore_mem>>)
            %dma_wait3A = tpu.memref_slice %arg7[%multiple_of3A_80] : memref<320000xi32, #tpu.memory_space<hbm>> -> memref<32xi32, #tpu.memory_space<hbm>>
            %dma_wait3A_84 = tpu.memref_slice %arg7[%multiple_of3A_80] : memref<320000xi32, #tpu.memory_space<hbm>> -> memref<32xi32, #tpu.memory_space<hbm>>
            tpu.wait_dma2 semaphore(%run_scoped3A : memref<!tpu.dma_semaphore, #tpu.memory_space<semaphore_mem>>) src(%dma_wait3A_84 : memref<32xi32, #tpu.memory_space<hbm>>) dst(%arg18 : memref<32xi32, #tpu.memory_space<vmem>>)
            tpu.yield
          }) : () -> ()
          "tpu.region"() ({
            %run_scoped3A = tpu.sem_alloc : memref<!tpu.dma_semaphore, #tpu.memory_space<semaphore_mem>>
            %dma_start3A = tpu.memref_slice %arg8[%multiple_of3A_80] : memref<320016xi32, #tpu.memory_space<hbm>> -> memref<48xi32, #tpu.memory_space<hbm>>
            %dma_start3A_83 = tpu.memref_slice %arg8[%multiple_of3A_80] : memref<320016xi32, #tpu.memory_space<hbm>> -> memref<48xi32, #tpu.memory_space<hbm>>
            tpu.enqueue_dma source(%dma_start3A_83 : memref<48xi32, #tpu.memory_space<hbm>>) target(%arg20 : memref<48xi32, #tpu.memory_space<vmem>>) target_semaphore(%run_scoped3A : memref<!tpu.dma_semaphore, #tpu.memory_space<semaphore_mem>>)
            %dma_wait3A = tpu.memref_slice %arg8[%multiple_of3A_80] : memref<320016xi32, #tpu.memory_space<hbm>> -> memref<48xi32, #tpu.memory_space<hbm>>
            %dma_wait3A_84 = tpu.memref_slice %arg8[%multiple_of3A_80] : memref<320016xi32, #tpu.memory_space<hbm>> -> memref<48xi32, #tpu.memory_space<hbm>>
            tpu.wait_dma2 semaphore(%run_scoped3A : memref<!tpu.dma_semaphore, #tpu.memory_space<semaphore_mem>>) src(%dma_wait3A_84 : memref<48xi32, #tpu.memory_space<hbm>>) dst(%arg20 : memref<48xi32, #tpu.memory_space<vmem>>)
            tpu.yield
          }) : () -> ()
          %mul3A_81 = arith.constant 16 : i32
          %mul3A_82 = arith.muli %multiple_of3A_80, %mul3A_81 : i32
          "tpu.region"() ({
            %run_scoped3A = tpu.sem_alloc : memref<!tpu.dma_semaphore, #tpu.memory_space<semaphore_mem>>
            %dma_start3A = tpu.memref_slice %arg9[%mul3A_82] : memref<5120000xf32, #tpu.memory_space<hbm>> -> memref<512xf32, #tpu.memory_space<hbm>>
            %dma_start3A_83 = tpu.memref_slice %arg9[%mul3A_82] : memref<5120000xf32, #tpu.memory_space<hbm>> -> memref<512xf32, #tpu.memory_space<hbm>>
            tpu.enqueue_dma source(%dma_start3A_83 : memref<512xf32, #tpu.memory_space<hbm>>) target(%arg22 : memref<512xf32, #tpu.memory_space<vmem>>) target_semaphore(%run_scoped3A : memref<!tpu.dma_semaphore, #tpu.memory_space<semaphore_mem>>)
            %dma_wait3A = tpu.memref_slice %arg9[%mul3A_82] : memref<5120000xf32, #tpu.memory_space<hbm>> -> memref<512xf32, #tpu.memory_space<hbm>>
            %dma_wait3A_84 = tpu.memref_slice %arg9[%mul3A_82] : memref<5120000xf32, #tpu.memory_space<hbm>> -> memref<512xf32, #tpu.memory_space<hbm>>
            tpu.wait_dma2 semaphore(%run_scoped3A : memref<!tpu.dma_semaphore, #tpu.memory_space<semaphore_mem>>) src(%dma_wait3A_84 : memref<512xf32, #tpu.memory_space<hbm>>) dst(%arg22 : memref<512xf32, #tpu.memory_space<vmem>>)
            tpu.yield
          }) : () -> ()
        } else {
        }
      }
      %scan3A_36 = arith.constant 312 : i32
    } else {
    }
    %eq3A_10 = arith.constant 1 : i32
    %eq3A_11 = arith.cmpi eq, %arg0, %eq3A_10 : i32
    %convert_element_type3A_12 = arith.extui %eq3A_11 : i1 to i32
    %cond3A_13 = arith.constant 0 : i32
    %cond3A_14 = arith.cmpi ne, %convert_element_type3A_12, %cond3A_13 : i32
    scf.if %cond3A_14 {
      %mul3A_28 = arith.constant 20000 : i32
      %mul3A_29 = arith.muli %arg1, %mul3A_28 : i32
      %add3A = arith.constant 0 : i32
      %add3A_30 = arith.addi %mul3A_29, %add3A : i32
      %multiple_of3A = tpu.assume_multiple %add3A_30, 8 : i32
      "tpu.region"() ({
        %run_scoped3A = tpu.sem_alloc : memref<!tpu.dma_semaphore, #tpu.memory_space<semaphore_mem>>
        %dma_start3A = tpu.memref_slice %arg6[%multiple_of3A] : memref<320000xi32, #tpu.memory_space<hbm>> -> memref<32xi32, #tpu.memory_space<hbm>>
        %dma_start3A_37 = tpu.memref_slice %arg6[%multiple_of3A] : memref<320000xi32, #tpu.memory_space<hbm>> -> memref<32xi32, #tpu.memory_space<hbm>>
        tpu.enqueue_dma source(%dma_start3A_37 : memref<32xi32, #tpu.memory_space<hbm>>) target(%arg16 : memref<32xi32, #tpu.memory_space<vmem>>) target_semaphore(%run_scoped3A : memref<!tpu.dma_semaphore, #tpu.memory_space<semaphore_mem>>)
        %dma_wait3A = tpu.memref_slice %arg6[%multiple_of3A] : memref<320000xi32, #tpu.memory_space<hbm>> -> memref<32xi32, #tpu.memory_space<hbm>>
        %dma_wait3A_38 = tpu.memref_slice %arg6[%multiple_of3A] : memref<320000xi32, #tpu.memory_space<hbm>> -> memref<32xi32, #tpu.memory_space<hbm>>
        tpu.wait_dma2 semaphore(%run_scoped3A : memref<!tpu.dma_semaphore, #tpu.memory_space<semaphore_mem>>) src(%dma_wait3A_38 : memref<32xi32, #tpu.memory_space<hbm>>) dst(%arg16 : memref<32xi32, #tpu.memory_space<vmem>>)
        tpu.yield
      }) : () -> ()
      "tpu.region"() ({
        %run_scoped3A = tpu.sem_alloc : memref<!tpu.dma_semaphore, #tpu.memory_space<semaphore_mem>>
        %dma_start3A = tpu.memref_slice %arg7[%multiple_of3A] : memref<320000xi32, #tpu.memory_space<hbm>> -> memref<32xi32, #tpu.memory_space<hbm>>
        %dma_start3A_37 = tpu.memref_slice %arg7[%multiple_of3A] : memref<320000xi32, #tpu.memory_space<hbm>> -> memref<32xi32, #tpu.memory_space<hbm>>
        tpu.enqueue_dma source(%dma_start3A_37 : memref<32xi32, #tpu.memory_space<hbm>>) target(%arg18 : memref<32xi32, #tpu.memory_space<vmem>>) target_semaphore(%run_scoped3A : memref<!tpu.dma_semaphore, #tpu.memory_space<semaphore_mem>>)
        %dma_wait3A = tpu.memref_slice %arg7[%multiple_of3A] : memref<320000xi32, #tpu.memory_space<hbm>> -> memref<32xi32, #tpu.memory_space<hbm>>
        %dma_wait3A_38 = tpu.memref_slice %arg7[%multiple_of3A] : memref<320000xi32, #tpu.memory_space<hbm>> -> memref<32xi32, #tpu.memory_space<hbm>>
        tpu.wait_dma2 semaphore(%run_scoped3A : memref<!tpu.dma_semaphore, #tpu.memory_space<semaphore_mem>>) src(%dma_wait3A_38 : memref<32xi32, #tpu.memory_space<hbm>>) dst(%arg18 : memref<32xi32, #tpu.memory_space<vmem>>)
        tpu.yield
      }) : () -> ()
      "tpu.region"() ({
        %run_scoped3A = tpu.sem_alloc : memref<!tpu.dma_semaphore, #tpu.memory_space<semaphore_mem>>
        %dma_start3A = tpu.memref_slice %arg8[%multiple_of3A] : memref<320016xi32, #tpu.memory_space<hbm>> -> memref<48xi32, #tpu.memory_space<hbm>>
        %dma_start3A_37 = tpu.memref_slice %arg8[%multiple_of3A] : memref<320016xi32, #tpu.memory_space<hbm>> -> memref<48xi32, #tpu.memory_space<hbm>>
        tpu.enqueue_dma source(%dma_start3A_37 : memref<48xi32, #tpu.memory_space<hbm>>) target(%arg20 : memref<48xi32, #tpu.memory_space<vmem>>) target_semaphore(%run_scoped3A : memref<!tpu.dma_semaphore, #tpu.memory_space<semaphore_mem>>)
        %dma_wait3A = tpu.memref_slice %arg8[%multiple_of3A] : memref<320016xi32, #tpu.memory_space<hbm>> -> memref<48xi32, #tpu.memory_space<hbm>>
        %dma_wait3A_38 = tpu.memref_slice %arg8[%multiple_of3A] : memref<320016xi32, #tpu.memory_space<hbm>> -> memref<48xi32, #tpu.memory_space<hbm>>
        tpu.wait_dma2 semaphore(%run_scoped3A : memref<!tpu.dma_semaphore, #tpu.memory_space<semaphore_mem>>) src(%dma_wait3A_38 : memref<48xi32, #tpu.memory_space<hbm>>) dst(%arg20 : memref<48xi32, #tpu.memory_space<vmem>>)
        tpu.yield
      }) : () -> ()
      %mul3A_31 = arith.constant 16 : i32
      %mul3A_32 = arith.muli %multiple_of3A, %mul3A_31 : i32
      "tpu.region"() ({
        %run_scoped3A = tpu.sem_alloc : memref<!tpu.dma_semaphore, #tpu.memory_space<semaphore_mem>>
        %dma_start3A = tpu.memref_slice %arg9[%mul3A_32] : memref<5120000xf32, #tpu.memory_space<hbm>> -> memref<512xf32, #tpu.memory_space<hbm>>
        %dma_start3A_37 = tpu.memref_slice %arg9[%mul3A_32] : memref<5120000xf32, #tpu.memory_space<hbm>> -> memref<512xf32, #tpu.memory_space<hbm>>
        tpu.enqueue_dma source(%dma_start3A_37 : memref<512xf32, #tpu.memory_space<hbm>>) target(%arg22 : memref<512xf32, #tpu.memory_space<vmem>>) target_semaphore(%run_scoped3A : memref<!tpu.dma_semaphore, #tpu.memory_space<semaphore_mem>>)
        %dma_wait3A = tpu.memref_slice %arg9[%mul3A_32] : memref<5120000xf32, #tpu.memory_space<hbm>> -> memref<512xf32, #tpu.memory_space<hbm>>
        %dma_wait3A_38 = tpu.memref_slice %arg9[%mul3A_32] : memref<5120000xf32, #tpu.memory_space<hbm>> -> memref<512xf32, #tpu.memory_space<hbm>>
        tpu.wait_dma2 semaphore(%run_scoped3A : memref<!tpu.dma_semaphore, #tpu.memory_space<semaphore_mem>>) src(%dma_wait3A_38 : memref<512xf32, #tpu.memory_space<hbm>>) dst(%arg22 : memref<512xf32, #tpu.memory_space<vmem>>)
        tpu.yield
      }) : () -> ()
      %scan3A = arith.constant 0 : i32
      %scan3A_33 = arith.constant 312 : i32
      %scan3A_34 = arith.addi %scan3A, %scan3A_33 : i32
      %scan3A_35 = arith.constant 1 : i32
      scf.for %scan3A_37 = %scan3A to %scan3A_34 step %scan3A_35  : i32 {
        %mul3A_38 = arith.constant 1 : i32
        %mul3A_39 = arith.muli %scan3A_37, %mul3A_38 : i32
        %add3A_40 = arith.constant 0 : i32
        %add3A_41 = arith.addi %add3A_40, %mul3A_39 : i32
        %mul3A_42 = arith.constant 2 : i32
        %mul3A_43 = arith.muli %add3A_41, %mul3A_42 : i32
        %add3A_44 = arith.constant 0 : i32
        %add3A_45 = arith.addi %mul3A_43, %add3A_44 : i32
        %gt3A = arith.constant 0 : i32
        %gt3A_46 = arith.cmpi sgt, %add3A_45, %gt3A : i32
        %convert_element_type3A_47 = arith.extui %gt3A_46 : i1 to i32
        %cond3A_48 = arith.constant 0 : i32
        %cond3A_49 = arith.cmpi ne, %convert_element_type3A_47, %cond3A_48 : i32
        scf.if %cond3A_49 {
        } else {
        }
        %add3A_50 = arith.constant 1 : i32
        %add3A_51 = arith.addi %add3A_45, %add3A_50 : i32
        %lt3A_52 = arith.constant 625 : i32
        %lt3A_53 = arith.cmpi slt, %add3A_51, %lt3A_52 : i32
        %convert_element_type3A_54 = arith.extui %lt3A_53 : i1 to i32
        %cond3A_55 = arith.constant 0 : i32
        %cond3A_56 = arith.cmpi ne, %convert_element_type3A_54, %cond3A_55 : i32
        scf.if %cond3A_56 {
          %add3A_73 = arith.constant 1 : i32
          %add3A_74 = arith.addi %add3A_45, %add3A_73 : i32
          %mul3A_75 = arith.constant 20000 : i32
          %mul3A_76 = arith.muli %arg1, %mul3A_75 : i32
          %mul3A_77 = arith.constant 32 : i32
          %mul3A_78 = arith.muli %add3A_74, %mul3A_77 : i32
          %add3A_79 = arith.addi %mul3A_76, %mul3A_78 : i32
          %multiple_of3A_80 = tpu.assume_multiple %add3A_79, 8 : i32
          "tpu.region"() ({
            %run_scoped3A = tpu.sem_alloc : memref<!tpu.dma_semaphore, #tpu.memory_space<semaphore_mem>>
            %dma_start3A = tpu.memref_slice %arg6[%multiple_of3A_80] : memref<320000xi32, #tpu.memory_space<hbm>> -> memref<32xi32, #tpu.memory_space<hbm>>
            %dma_start3A_83 = tpu.memref_slice %arg6[%multiple_of3A_80] : memref<320000xi32, #tpu.memory_space<hbm>> -> memref<32xi32, #tpu.memory_space<hbm>>
            tpu.enqueue_dma source(%dma_start3A_83 : memref<32xi32, #tpu.memory_space<hbm>>) target(%arg17 : memref<32xi32, #tpu.memory_space<vmem>>) target_semaphore(%run_scoped3A : memref<!tpu.dma_semaphore, #tpu.memory_space<semaphore_mem>>)
            %dma_wait3A = tpu.memref_slice %arg6[%multiple_of3A_80] : memref<320000xi32, #tpu.memory_space<hbm>> -> memref<32xi32, #tpu.memory_space<hbm>>
            %dma_wait3A_84 = tpu.memref_slice %arg6[%multiple_of3A_80] : memref<320000xi32, #tpu.memory_space<hbm>> -> memref<32xi32, #tpu.memory_space<hbm>>
            tpu.wait_dma2 semaphore(%run_scoped3A : memref<!tpu.dma_semaphore, #tpu.memory_space<semaphore_mem>>) src(%dma_wait3A_84 : memref<32xi32, #tpu.memory_space<hbm>>) dst(%arg17 : memref<32xi32, #tpu.memory_space<vmem>>)
            tpu.yield
          }) : () -> ()
          "tpu.region"() ({
            %run_scoped3A = tpu.sem_alloc : memref<!tpu.dma_semaphore, #tpu.memory_space<semaphore_mem>>
            %dma_start3A = tpu.memref_slice %arg7[%multiple_of3A_80] : memref<320000xi32, #tpu.memory_space<hbm>> -> memref<32xi32, #tpu.memory_space<hbm>>
            %dma_start3A_83 = tpu.memref_slice %arg7[%multiple_of3A_80] : memref<320000xi32, #tpu.memory_space<hbm>> -> memref<32xi32, #tpu.memory_space<hbm>>
            tpu.enqueue_dma source(%dma_start3A_83 : memref<32xi32, #tpu.memory_space<hbm>>) target(%arg19 : memref<32xi32, #tpu.memory_space<vmem>>) target_semaphore(%run_scoped3A : memref<!tpu.dma_semaphore, #tpu.memory_space<semaphore_mem>>)
            %dma_wait3A = tpu.memref_slice %arg7[%multiple_of3A_80] : memref<320000xi32, #tpu.memory_space<hbm>> -> memref<32xi32, #tpu.memory_space<hbm>>
            %dma_wait3A_84 = tpu.memref_slice %arg7[%multiple_of3A_80] : memref<320000xi32, #tpu.memory_space<hbm>> -> memref<32xi32, #tpu.memory_space<hbm>>
            tpu.wait_dma2 semaphore(%run_scoped3A : memref<!tpu.dma_semaphore, #tpu.memory_space<semaphore_mem>>) src(%dma_wait3A_84 : memref<32xi32, #tpu.memory_space<hbm>>) dst(%arg19 : memref<32xi32, #tpu.memory_space<vmem>>)
            tpu.yield
          }) : () -> ()
          "tpu.region"() ({
            %run_scoped3A = tpu.sem_alloc : memref<!tpu.dma_semaphore, #tpu.memory_space<semaphore_mem>>
            %dma_start3A = tpu.memref_slice %arg8[%multiple_of3A_80] : memref<320016xi32, #tpu.memory_space<hbm>> -> memref<48xi32, #tpu.memory_space<hbm>>
            %dma_start3A_83 = tpu.memref_slice %arg8[%multiple_of3A_80] : memref<320016xi32, #tpu.memory_space<hbm>> -> memref<48xi32, #tpu.memory_space<hbm>>
            tpu.enqueue_dma source(%dma_start3A_83 : memref<48xi32, #tpu.memory_space<hbm>>) target(%arg21 : memref<48xi32, #tpu.memory_space<vmem>>) target_semaphore(%run_scoped3A : memref<!tpu.dma_semaphore, #tpu.memory_space<semaphore_mem>>)
            %dma_wait3A = tpu.memref_slice %arg8[%multiple_of3A_80] : memref<320016xi32, #tpu.memory_space<hbm>> -> memref<48xi32, #tpu.memory_space<hbm>>
            %dma_wait3A_84 = tpu.memref_slice %arg8[%multiple_of3A_80] : memref<320016xi32, #tpu.memory_space<hbm>> -> memref<48xi32, #tpu.memory_space<hbm>>
            tpu.wait_dma2 semaphore(%run_scoped3A : memref<!tpu.dma_semaphore, #tpu.memory_space<semaphore_mem>>) src(%dma_wait3A_84 : memref<48xi32, #tpu.memory_space<hbm>>) dst(%arg21 : memref<48xi32, #tpu.memory_space<vmem>>)
            tpu.yield
          }) : () -> ()
          %mul3A_81 = arith.constant 16 : i32
          %mul3A_82 = arith.muli %multiple_of3A_80, %mul3A_81 : i32
          "tpu.region"() ({
            %run_scoped3A = tpu.sem_alloc : memref<!tpu.dma_semaphore, #tpu.memory_space<semaphore_mem>>
            %dma_start3A = tpu.memref_slice %arg9[%mul3A_82] : memref<5120000xf32, #tpu.memory_space<hbm>> -> memref<512xf32, #tpu.memory_space<hbm>>
            %dma_start3A_83 = tpu.memref_slice %arg9[%mul3A_82] : memref<5120000xf32, #tpu.memory_space<hbm>> -> memref<512xf32, #tpu.memory_space<hbm>>
            tpu.enqueue_dma source(%dma_start3A_83 : memref<512xf32, #tpu.memory_space<hbm>>) target(%arg23 : memref<512xf32, #tpu.memory_space<vmem>>) target_semaphore(%run_scoped3A : memref<!tpu.dma_semaphore, #tpu.memory_space<semaphore_mem>>)
            %dma_wait3A = tpu.memref_slice %arg9[%mul3A_82] : memref<5120000xf32, #tpu.memory_space<hbm>> -> memref<512xf32, #tpu.memory_space<hbm>>
            %dma_wait3A_84 = tpu.memref_slice %arg9[%mul3A_82] : memref<5120000xf32, #tpu.memory_space<hbm>> -> memref<512xf32, #tpu.memory_space<hbm>>
            tpu.wait_dma2 semaphore(%run_scoped3A : memref<!tpu.dma_semaphore, #tpu.memory_space<semaphore_mem>>) src(%dma_wait3A_84 : memref<512xf32, #tpu.memory_space<hbm>>) dst(%arg23 : memref<512xf32, #tpu.memory_space<vmem>>)
            tpu.yield
          }) : () -> ()
        } else {
        }
        %mul3A_57 = arith.constant 2 : i32
        %mul3A_58 = arith.muli %add3A_41, %mul3A_57 : i32
        %add3A_59 = arith.constant 1 : i32
        %add3A_60 = arith.addi %mul3A_58, %add3A_59 : i32
        %gt3A_61 = arith.constant 0 : i32
        %gt3A_62 = arith.cmpi sgt, %add3A_60, %gt3A_61 : i32
        %convert_element_type3A_63 = arith.extui %gt3A_62 : i1 to i32
        %cond3A_64 = arith.constant 0 : i32
        %cond3A_65 = arith.cmpi ne, %convert_element_type3A_63, %cond3A_64 : i32
        scf.if %cond3A_65 {
        } else {
        }
        %add3A_66 = arith.constant 1 : i32
        %add3A_67 = arith.addi %add3A_60, %add3A_66 : i32
        %lt3A_68 = arith.constant 625 : i32
        %lt3A_69 = arith.cmpi slt, %add3A_67, %lt3A_68 : i32
        %convert_element_type3A_70 = arith.extui %lt3A_69 : i1 to i32
        %cond3A_71 = arith.constant 0 : i32
        %cond3A_72 = arith.cmpi ne, %convert_element_type3A_70, %cond3A_71 : i32
        scf.if %cond3A_72 {
          %add3A_73 = arith.constant 1 : i32
          %add3A_74 = arith.addi %add3A_60, %add3A_73 : i32
          %mul3A_75 = arith.constant 20000 : i32
          %mul3A_76 = arith.muli %arg1, %mul3A_75 : i32
          %mul3A_77 = arith.constant 32 : i32
          %mul3A_78 = arith.muli %add3A_74, %mul3A_77 : i32
          %add3A_79 = arith.addi %mul3A_76, %mul3A_78 : i32
          %multiple_of3A_80 = tpu.assume_multiple %add3A_79, 8 : i32
          "tpu.region"() ({
            %run_scoped3A = tpu.sem_alloc : memref<!tpu.dma_semaphore, #tpu.memory_space<semaphore_mem>>
            %dma_start3A = tpu.memref_slice %arg6[%multiple_of3A_80] : memref<320000xi32, #tpu.memory_space<hbm>> -> memref<32xi32, #tpu.memory_space<hbm>>
            %dma_start3A_83 = tpu.memref_slice %arg6[%multiple_of3A_80] : memref<320000xi32, #tpu.memory_space<hbm>> -> memref<32xi32, #tpu.memory_space<hbm>>
            tpu.enqueue_dma source(%dma_start3A_83 : memref<32xi32, #tpu.memory_space<hbm>>) target(%arg16 : memref<32xi32, #tpu.memory_space<vmem>>) target_semaphore(%run_scoped3A : memref<!tpu.dma_semaphore, #tpu.memory_space<semaphore_mem>>)
            %dma_wait3A = tpu.memref_slice %arg6[%multiple_of3A_80] : memref<320000xi32, #tpu.memory_space<hbm>> -> memref<32xi32, #tpu.memory_space<hbm>>
            %dma_wait3A_84 = tpu.memref_slice %arg6[%multiple_of3A_80] : memref<320000xi32, #tpu.memory_space<hbm>> -> memref<32xi32, #tpu.memory_space<hbm>>
            tpu.wait_dma2 semaphore(%run_scoped3A : memref<!tpu.dma_semaphore, #tpu.memory_space<semaphore_mem>>) src(%dma_wait3A_84 : memref<32xi32, #tpu.memory_space<hbm>>) dst(%arg16 : memref<32xi32, #tpu.memory_space<vmem>>)
            tpu.yield
          }) : () -> ()
          "tpu.region"() ({
            %run_scoped3A = tpu.sem_alloc : memref<!tpu.dma_semaphore, #tpu.memory_space<semaphore_mem>>
            %dma_start3A = tpu.memref_slice %arg7[%multiple_of3A_80] : memref<320000xi32, #tpu.memory_space<hbm>> -> memref<32xi32, #tpu.memory_space<hbm>>
            %dma_start3A_83 = tpu.memref_slice %arg7[%multiple_of3A_80] : memref<320000xi32, #tpu.memory_space<hbm>> -> memref<32xi32, #tpu.memory_space<hbm>>
            tpu.enqueue_dma source(%dma_start3A_83 : memref<32xi32, #tpu.memory_space<hbm>>) target(%arg18 : memref<32xi32, #tpu.memory_space<vmem>>) target_semaphore(%run_scoped3A : memref<!tpu.dma_semaphore, #tpu.memory_space<semaphore_mem>>)
            %dma_wait3A = tpu.memref_slice %arg7[%multiple_of3A_80] : memref<320000xi32, #tpu.memory_space<hbm>> -> memref<32xi32, #tpu.memory_space<hbm>>
            %dma_wait3A_84 = tpu.memref_slice %arg7[%multiple_of3A_80] : memref<320000xi32, #tpu.memory_space<hbm>> -> memref<32xi32, #tpu.memory_space<hbm>>
            tpu.wait_dma2 semaphore(%run_scoped3A : memref<!tpu.dma_semaphore, #tpu.memory_space<semaphore_mem>>) src(%dma_wait3A_84 : memref<32xi32, #tpu.memory_space<hbm>>) dst(%arg18 : memref<32xi32, #tpu.memory_space<vmem>>)
            tpu.yield
          }) : () -> ()
          "tpu.region"() ({
            %run_scoped3A = tpu.sem_alloc : memref<!tpu.dma_semaphore, #tpu.memory_space<semaphore_mem>>
            %dma_start3A = tpu.memref_slice %arg8[%multiple_of3A_80] : memref<320016xi32, #tpu.memory_space<hbm>> -> memref<48xi32, #tpu.memory_space<hbm>>
            %dma_start3A_83 = tpu.memref_slice %arg8[%multiple_of3A_80] : memref<320016xi32, #tpu.memory_space<hbm>> -> memref<48xi32, #tpu.memory_space<hbm>>
            tpu.enqueue_dma source(%dma_start3A_83 : memref<48xi32, #tpu.memory_space<hbm>>) target(%arg20 : memref<48xi32, #tpu.memory_space<vmem>>) target_semaphore(%run_scoped3A : memref<!tpu.dma_semaphore, #tpu.memory_space<semaphore_mem>>)
            %dma_wait3A = tpu.memref_slice %arg8[%multiple_of3A_80] : memref<320016xi32, #tpu.memory_space<hbm>> -> memref<48xi32, #tpu.memory_space<hbm>>
            %dma_wait3A_84 = tpu.memref_slice %arg8[%multiple_of3A_80] : memref<320016xi32, #tpu.memory_space<hbm>> -> memref<48xi32, #tpu.memory_space<hbm>>
            tpu.wait_dma2 semaphore(%run_scoped3A : memref<!tpu.dma_semaphore, #tpu.memory_space<semaphore_mem>>) src(%dma_wait3A_84 : memref<48xi32, #tpu.memory_space<hbm>>) dst(%arg20 : memref<48xi32, #tpu.memory_space<vmem>>)
            tpu.yield
          }) : () -> ()
          %mul3A_81 = arith.constant 16 : i32
          %mul3A_82 = arith.muli %multiple_of3A_80, %mul3A_81 : i32
          "tpu.region"() ({
            %run_scoped3A = tpu.sem_alloc : memref<!tpu.dma_semaphore, #tpu.memory_space<semaphore_mem>>
            %dma_start3A = tpu.memref_slice %arg9[%mul3A_82] : memref<5120000xf32, #tpu.memory_space<hbm>> -> memref<512xf32, #tpu.memory_space<hbm>>
            %dma_start3A_83 = tpu.memref_slice %arg9[%mul3A_82] : memref<5120000xf32, #tpu.memory_space<hbm>> -> memref<512xf32, #tpu.memory_space<hbm>>
            tpu.enqueue_dma source(%dma_start3A_83 : memref<512xf32, #tpu.memory_space<hbm>>) target(%arg22 : memref<512xf32, #tpu.memory_space<vmem>>) target_semaphore(%run_scoped3A : memref<!tpu.dma_semaphore, #tpu.memory_space<semaphore_mem>>)
            %dma_wait3A = tpu.memref_slice %arg9[%mul3A_82] : memref<5120000xf32, #tpu.memory_space<hbm>> -> memref<512xf32, #tpu.memory_space<hbm>>
            %dma_wait3A_84 = tpu.memref_slice %arg9[%mul3A_82] : memref<5120000xf32, #tpu.memory_space<hbm>> -> memref<512xf32, #tpu.memory_space<hbm>>
            tpu.wait_dma2 semaphore(%run_scoped3A : memref<!tpu.dma_semaphore, #tpu.memory_space<semaphore_mem>>) src(%dma_wait3A_84 : memref<512xf32, #tpu.memory_space<hbm>>) dst(%arg22 : memref<512xf32, #tpu.memory_space<vmem>>)
            tpu.yield
          }) : () -> ()
        } else {
        }
      }
      %scan3A_36 = arith.constant 312 : i32
    } else {
    }
    %barrier3A_15 = arith.constant 0 : index
    tpu.barrier barrier_id(%barrier3A_15)
    %mul3A_16 = arith.constant 632 : i32
    %mul3A_17 = arith.muli %arg1, %mul3A_16 : i32
    %eq3A_18 = arith.constant 0 : i32
    %eq3A_19 = arith.cmpi eq, %arg0, %eq3A_18 : i32
    %convert_element_type3A_20 = arith.extui %eq3A_19 : i1 to i32
    %cond3A_21 = arith.constant 0 : i32
    %cond3A_22 = arith.cmpi ne, %convert_element_type3A_20, %cond3A_21 : i32
    scf.if %cond3A_22 {
      "tpu.region"() ({
        %run_scoped3A = tpu.sem_alloc : memref<!tpu.dma_semaphore, #tpu.memory_space<semaphore_mem>>
        %dma_start3A = arith.constant 0 : i32
        %dma_start3A_28 = tpu.memref_slice %arg12[%mul3A_17, %dma_start3A] : memref<10112x128xf32, #tpu.memory_space<hbm>> -> memref<632x128xf32, #tpu.memory_space<hbm>>
        %dma_start3A_29 = arith.constant 0 : i32
        %dma_start3A_30 = tpu.memref_slice %arg32[%mul3A_17, %dma_start3A_29] : memref<10112x128xf32, #tpu.memory_space<vmem_shared>> -> memref<632x128xf32, #tpu.memory_space<vmem_shared>>
        tpu.enqueue_dma source(%dma_start3A_30 : memref<632x128xf32, #tpu.memory_space<vmem_shared>>) target(%dma_start3A_28 : memref<632x128xf32, #tpu.memory_space<hbm>>) target_semaphore(%run_scoped3A : memref<!tpu.dma_semaphore, #tpu.memory_space<semaphore_mem>>)
        %dma_wait3A = arith.constant 0 : i32
        %dma_wait3A_31 = tpu.memref_slice %arg12[%mul3A_17, %dma_wait3A] : memref<10112x128xf32, #tpu.memory_space<hbm>> -> memref<632x128xf32, #tpu.memory_space<hbm>>
        %dma_wait3A_32 = arith.constant 0 : i32
        %dma_wait3A_33 = tpu.memref_slice %arg32[%mul3A_17, %dma_wait3A_32] : memref<10112x128xf32, #tpu.memory_space<vmem_shared>> -> memref<632x128xf32, #tpu.memory_space<vmem_shared>>
        tpu.wait_dma2 semaphore(%run_scoped3A : memref<!tpu.dma_semaphore, #tpu.memory_space<semaphore_mem>>) src(%dma_wait3A_33 : memref<632x128xf32, #tpu.memory_space<vmem_shared>>) dst(%dma_wait3A_31 : memref<632x128xf32, #tpu.memory_space<hbm>>)
        tpu.yield
      }) : () -> ()
      "tpu.region"() ({
        %run_scoped3A = tpu.sem_alloc : memref<!tpu.dma_semaphore, #tpu.memory_space<semaphore_mem>>
        %dma_start3A = arith.constant 0 : i32
        %dma_start3A_28 = arith.constant 0 : i32
        %dma_start3A_29 = tpu.memref_slice %arg14[%arg1, %dma_start3A, %dma_start3A_28] : memref<16x160x128xf32, #tpu.memory_space<hbm>> -> memref<1x160x128xf32, #tpu.memory_space<hbm>>
        %dma_start3A_30 = tpu.memref_squeeze %dma_start3A_29 : memref<1x160x128xf32, #tpu.memory_space<hbm>> -> memref<160x128xf32, #tpu.memory_space<hbm>>
        %dma_start3A_31 = arith.constant 0 : i32
        %dma_start3A_32 = arith.constant 0 : i32
        %dma_start3A_33 = tpu.memref_slice %arg14[%arg1, %dma_start3A_31, %dma_start3A_32] : memref<16x160x128xf32, #tpu.memory_space<hbm>> -> memref<1x160x128xf32, #tpu.memory_space<hbm>>
        %dma_start3A_34 = tpu.memref_squeeze %dma_start3A_33 : memref<1x160x128xf32, #tpu.memory_space<hbm>> -> memref<160x128xf32, #tpu.memory_space<hbm>>
        tpu.enqueue_dma source(%arg31 : memref<160x128xf32, #tpu.memory_space<vmem>>) target(%dma_start3A_34 : memref<160x128xf32, #tpu.memory_space<hbm>>) target_semaphore(%run_scoped3A : memref<!tpu.dma_semaphore, #tpu.memory_space<semaphore_mem>>)
        %dma_wait3A = arith.constant 0 : i32
        %dma_wait3A_35 = arith.constant 0 : i32
        %dma_wait3A_36 = tpu.memref_slice %arg14[%arg1, %dma_wait3A, %dma_wait3A_35] : memref<16x160x128xf32, #tpu.memory_space<hbm>> -> memref<1x160x128xf32, #tpu.memory_space<hbm>>
        %dma_wait3A_37 = tpu.memref_squeeze %dma_wait3A_36 : memref<1x160x128xf32, #tpu.memory_space<hbm>> -> memref<160x128xf32, #tpu.memory_space<hbm>>
        %dma_wait3A_38 = arith.constant 0 : i32
        %dma_wait3A_39 = arith.constant 0 : i32
        %dma_wait3A_40 = tpu.memref_slice %arg14[%arg1, %dma_wait3A_38, %dma_wait3A_39] : memref<16x160x128xf32, #tpu.memory_space<hbm>> -> memref<1x160x128xf32, #tpu.memory_space<hbm>>
        %dma_wait3A_41 = tpu.memref_squeeze %dma_wait3A_40 : memref<1x160x128xf32, #tpu.memory_space<hbm>> -> memref<160x128xf32, #tpu.memory_space<hbm>>
        tpu.wait_dma2 semaphore(%run_scoped3A : memref<!tpu.dma_semaphore, #tpu.memory_space<semaphore_mem>>) src(%arg31 : memref<160x128xf32, #tpu.memory_space<vmem>>) dst(%dma_wait3A_41 : memref<160x128xf32, #tpu.memory_space<hbm>>)
        tpu.yield
      }) : () -> ()
    } else {
    }
    %eq3A_23 = arith.constant 1 : i32
    %eq3A_24 = arith.cmpi eq, %arg0, %eq3A_23 : i32
    %convert_element_type3A_25 = arith.extui %eq3A_24 : i1 to i32
    %cond3A_26 = arith.constant 0 : i32
    %cond3A_27 = arith.cmpi ne, %convert_element_type3A_25, %cond3A_26 : i32
    scf.if %cond3A_27 {
      "tpu.region"() ({
        %run_scoped3A = tpu.sem_alloc : memref<!tpu.dma_semaphore, #tpu.memory_space<semaphore_mem>>
        %dma_start3A = arith.constant 0 : i32
        %dma_start3A_28 = tpu.memref_slice %arg13[%mul3A_17, %dma_start3A] : memref<10112x128xf32, #tpu.memory_space<hbm>> -> memref<632x128xf32, #tpu.memory_space<hbm>>
        %dma_start3A_29 = arith.constant 0 : i32
        %dma_start3A_30 = tpu.memref_slice %arg32[%mul3A_17, %dma_start3A_29] : memref<10112x128xf32, #tpu.memory_space<vmem_shared>> -> memref<632x128xf32, #tpu.memory_space<vmem_shared>>
        tpu.enqueue_dma source(%dma_start3A_30 : memref<632x128xf32, #tpu.memory_space<vmem_shared>>) target(%dma_start3A_28 : memref<632x128xf32, #tpu.memory_space<hbm>>) target_semaphore(%run_scoped3A : memref<!tpu.dma_semaphore, #tpu.memory_space<semaphore_mem>>)
        %dma_wait3A = arith.constant 0 : i32
        %dma_wait3A_31 = tpu.memref_slice %arg13[%mul3A_17, %dma_wait3A] : memref<10112x128xf32, #tpu.memory_space<hbm>> -> memref<632x128xf32, #tpu.memory_space<hbm>>
        %dma_wait3A_32 = arith.constant 0 : i32
        %dma_wait3A_33 = tpu.memref_slice %arg32[%mul3A_17, %dma_wait3A_32] : memref<10112x128xf32, #tpu.memory_space<vmem_shared>> -> memref<632x128xf32, #tpu.memory_space<vmem_shared>>
        tpu.wait_dma2 semaphore(%run_scoped3A : memref<!tpu.dma_semaphore, #tpu.memory_space<semaphore_mem>>) src(%dma_wait3A_33 : memref<632x128xf32, #tpu.memory_space<vmem_shared>>) dst(%dma_wait3A_31 : memref<632x128xf32, #tpu.memory_space<hbm>>)
        tpu.yield
      }) : () -> ()
      "tpu.region"() ({
        %run_scoped3A = tpu.sem_alloc : memref<!tpu.dma_semaphore, #tpu.memory_space<semaphore_mem>>
        %dma_start3A = arith.constant 0 : i32
        %dma_start3A_28 = arith.constant 0 : i32
        %dma_start3A_29 = tpu.memref_slice %arg15[%arg1, %dma_start3A, %dma_start3A_28] : memref<16x160x128xf32, #tpu.memory_space<hbm>> -> memref<1x160x128xf32, #tpu.memory_space<hbm>>
        %dma_start3A_30 = tpu.memref_squeeze %dma_start3A_29 : memref<1x160x128xf32, #tpu.memory_space<hbm>> -> memref<160x128xf32, #tpu.memory_space<hbm>>
        %dma_start3A_31 = arith.constant 0 : i32
        %dma_start3A_32 = arith.constant 0 : i32
        %dma_start3A_33 = tpu.memref_slice %arg15[%arg1, %dma_start3A_31, %dma_start3A_32] : memref<16x160x128xf32, #tpu.memory_space<hbm>> -> memref<1x160x128xf32, #tpu.memory_space<hbm>>
        %dma_start3A_34 = tpu.memref_squeeze %dma_start3A_33 : memref<1x160x128xf32, #tpu.memory_space<hbm>> -> memref<160x128xf32, #tpu.memory_space<hbm>>
        tpu.enqueue_dma source(%arg31 : memref<160x128xf32, #tpu.memory_space<vmem>>) target(%dma_start3A_34 : memref<160x128xf32, #tpu.memory_space<hbm>>) target_semaphore(%run_scoped3A : memref<!tpu.dma_semaphore, #tpu.memory_space<semaphore_mem>>)
        %dma_wait3A = arith.constant 0 : i32
        %dma_wait3A_35 = arith.constant 0 : i32
        %dma_wait3A_36 = tpu.memref_slice %arg15[%arg1, %dma_wait3A, %dma_wait3A_35] : memref<16x160x128xf32, #tpu.memory_space<hbm>> -> memref<1x160x128xf32, #tpu.memory_space<hbm>>
        %dma_wait3A_37 = tpu.memref_squeeze %dma_wait3A_36 : memref<1x160x128xf32, #tpu.memory_space<hbm>> -> memref<160x128xf32, #tpu.memory_space<hbm>>
        %dma_wait3A_38 = arith.constant 0 : i32
        %dma_wait3A_39 = arith.constant 0 : i32
        %dma_wait3A_40 = tpu.memref_slice %arg15[%arg1, %dma_wait3A_38, %dma_wait3A_39] : memref<16x160x128xf32, #tpu.memory_space<hbm>> -> memref<1x160x128xf32, #tpu.memory_space<hbm>>
        %dma_wait3A_41 = tpu.memref_squeeze %dma_wait3A_40 : memref<1x160x128xf32, #tpu.memory_space<hbm>> -> memref<160x128xf32, #tpu.memory_space<hbm>>
        tpu.wait_dma2 semaphore(%run_scoped3A : memref<!tpu.dma_semaphore, #tpu.memory_space<semaphore_mem>>) src(%arg31 : memref<160x128xf32, #tpu.memory_space<vmem>>) dst(%dma_wait3A_41 : memref<160x128xf32, #tpu.memory_space<hbm>>)
        tpu.yield
      }) : () -> ()
    } else {
    }
    return
  }
}

#map = affine_map<(d0, d1) -> (0, 0)>
#map1 = affine_map<(d0, d1) -> (0)>
#map2 = affine_map<(d0, d1) -> (0, 0, 0)>
module attributes {stable_mosaic.version = 14 : i64} {
  func.func @sc_edge(%arg0: i32, %arg1: i32, %arg2: memref<10000x128xf32, #tpu.memory_space<hbm>>, %arg3: memref<10000x128xf32, #tpu.memory_space<hbm>>, %arg4: memref<10000x128xf32, #tpu.memory_space<hbm>>, %arg5: memref<10000x128xf32, #tpu.memory_space<hbm>>, %arg6: memref<320000xi32, #tpu.memory_space<hbm>>, %arg7: memref<320000xi32, #tpu.memory_space<hbm>>, %arg8: memref<320016xi32, #tpu.memory_space<hbm>>, %arg9: memref<5120000xf32, #tpu.memory_space<hbm>>, %arg10: memref<1280xf32, #tpu.memory_space<hbm>>, %arg11: memref<632x128xf32, #tpu.memory_space<hbm>>, %arg12: memref<10112x128xf32, #tpu.memory_space<hbm>>, %arg13: memref<10112x128xf32, #tpu.memory_space<hbm>>, %arg14: memref<16x160x128xf32, #tpu.memory_space<hbm>>, %arg15: memref<16x160x128xf32, #tpu.memory_space<hbm>>, %arg16: memref<32xi32, #tpu.memory_space<vmem>>, %arg17: memref<32xi32, #tpu.memory_space<vmem>>, %arg18: memref<32xi32, #tpu.memory_space<vmem>>, %arg19: memref<32xi32, #tpu.memory_space<vmem>>, %arg20: memref<48xi32, #tpu.memory_space<vmem>>, %arg21: memref<48xi32, #tpu.memory_space<vmem>>, %arg22: memref<512xf32, #tpu.memory_space<vmem>>, %arg23: memref<512xf32, #tpu.memory_space<vmem>>, %arg24: memref<32x128xf32, #tpu.memory_space<vmem>>, %arg25: memref<32x128xf32, #tpu.memory_space<vmem>>, %arg26: memref<32x128xf32, #tpu.memory_space<vmem>>, %arg27: memref<32x128xf32, #tpu.memory_space<vmem>>, %arg28: memref<32x128xf32, #tpu.memory_space<vmem>>, %arg29: memref<32x128xf32, #tpu.memory_space<vmem>>, %arg30: memref<640xf32, #tpu.memory_space<vmem>>, %arg31: memref<160x128xf32, #tpu.memory_space<vmem>>, %arg32: memref<10112x128xf32, #tpu.memory_space<vmem_shared>>, %arg33: memref<!tpu.dma_semaphore, #tpu.memory_space<semaphore_mem>>, %arg34: memref<!tpu.dma_semaphore, #tpu.memory_space<semaphore_mem>>, %arg35: memref<!tpu.dma_semaphore, #tpu.memory_space<semaphore_mem>>, %arg36: memref<!tpu.dma_semaphore, #tpu.memory_space<semaphore_mem>>) attributes {dimension_semantics = [#tpu.dimension_semantics<core_parallel>, #tpu.dimension_semantics<subcore_parallel>], iteration_bounds = array<i64: 2, 16>, scalar_prefetch = 0 : i64, scratch_operands = 21 : i64, tpu.core_type = #tpu.core_type<sc_vector_subcore>, window_params = [{transform_indices = #map}, {transform_indices = #map}, {transform_indices = #map}, {transform_indices = #map}, {transform_indices = #map1}, {transform_indices = #map1}, {transform_indices = #map1}, {transform_indices = #map1}, {transform_indices = #map1}, {transform_indices = #map}, {transform_indices = #map}, {transform_indices = #map}, {transform_indices = #map2}, {transform_indices = #map2}]} {
    %mul3A = arith.constant 640 : i32
    %mul3A_0 = arith.muli %arg0, %mul3A : i32
    "tpu.region"() ({
      %run_scoped3A = tpu.sem_alloc : memref<!tpu.dma_semaphore, #tpu.memory_space<semaphore_mem>>
      %dma_start3A = tpu.memref_slice %arg10[%mul3A_0] : memref<1280xf32, #tpu.memory_space<hbm>> -> memref<640xf32, #tpu.memory_space<hbm>>
      %dma_start3A_28 = tpu.memref_slice %arg10[%mul3A_0] : memref<1280xf32, #tpu.memory_space<hbm>> -> memref<640xf32, #tpu.memory_space<hbm>>
      tpu.enqueue_dma source(%dma_start3A_28 : memref<640xf32, #tpu.memory_space<hbm>>) target(%arg30 : memref<640xf32, #tpu.memory_space<vmem>>) target_semaphore(%run_scoped3A : memref<!tpu.dma_semaphore, #tpu.memory_space<semaphore_mem>>)
      %dma_wait3A = tpu.memref_slice %arg10[%mul3A_0] : memref<1280xf32, #tpu.memory_space<hbm>> -> memref<640xf32, #tpu.memory_space<hbm>>
      %dma_wait3A_29 = tpu.memref_slice %arg10[%mul3A_0] : memref<1280xf32, #tpu.memory_space<hbm>> -> memref<640xf32, #tpu.memory_space<hbm>>
      tpu.wait_dma2 semaphore(%run_scoped3A : memref<!tpu.dma_semaphore, #tpu.memory_space<semaphore_mem>>) src(%dma_wait3A_29 : memref<640xf32, #tpu.memory_space<hbm>>) dst(%arg30 : memref<640xf32, #tpu.memory_space<vmem>>)
      tpu.yield
    }) : () -> ()
    "tpu.region"() ({
      %run_scoped3A = tpu.sem_alloc : memref<!tpu.dma_semaphore, #tpu.memory_space<semaphore_mem>>
      %dma_start3A = arith.constant 0 : i32
      %dma_start3A_28 = arith.constant 0 : i32
      %dma_start3A_29 = tpu.memref_slice %arg11[%dma_start3A, %dma_start3A_28] : memref<632x128xf32, #tpu.memory_space<hbm>> -> memref<160x128xf32, #tpu.memory_space<hbm>>
      %dma_start3A_30 = arith.constant 0 : i32
      %dma_start3A_31 = arith.constant 0 : i32
      %dma_start3A_32 = tpu.memref_slice %arg11[%dma_start3A_30, %dma_start3A_31] : memref<632x128xf32, #tpu.memory_space<hbm>> -> memref<160x128xf32, #tpu.memory_space<hbm>>
      tpu.enqueue_dma source(%dma_start3A_32 : memref<160x128xf32, #tpu.memory_space<hbm>>) target(%arg31 : memref<160x128xf32, #tpu.memory_space<vmem>>) target_semaphore(%run_scoped3A : memref<!tpu.dma_semaphore, #tpu.memory_space<semaphore_mem>>)
      %dma_wait3A = arith.constant 0 : i32
      %dma_wait3A_33 = arith.constant 0 : i32
      %dma_wait3A_34 = tpu.memref_slice %arg11[%dma_wait3A, %dma_wait3A_33] : memref<632x128xf32, #tpu.memory_space<hbm>> -> memref<160x128xf32, #tpu.memory_space<hbm>>
      %dma_wait3A_35 = arith.constant 0 : i32
      %dma_wait3A_36 = arith.constant 0 : i32
      %dma_wait3A_37 = tpu.memref_slice %arg11[%dma_wait3A_35, %dma_wait3A_36] : memref<632x128xf32, #tpu.memory_space<hbm>> -> memref<160x128xf32, #tpu.memory_space<hbm>>
      tpu.wait_dma2 semaphore(%run_scoped3A : memref<!tpu.dma_semaphore, #tpu.memory_space<semaphore_mem>>) src(%dma_wait3A_37 : memref<160x128xf32, #tpu.memory_space<hbm>>) dst(%arg31 : memref<160x128xf32, #tpu.memory_space<vmem>>)
      tpu.yield
    }) : () -> ()
    %mul3A_1 = arith.constant 632 : i32
    %mul3A_2 = arith.muli %arg1, %mul3A_1 : i32
    "tpu.region"() ({
      %run_scoped3A = tpu.sem_alloc : memref<!tpu.dma_semaphore, #tpu.memory_space<semaphore_mem>>
      %dma_start3A = arith.constant 0 : i32
      %dma_start3A_28 = tpu.memref_slice %arg32[%mul3A_2, %dma_start3A] : memref<10112x128xf32, #tpu.memory_space<vmem_shared>> -> memref<632x128xf32, #tpu.memory_space<vmem_shared>>
      tpu.enqueue_dma source(%arg11 : memref<632x128xf32, #tpu.memory_space<hbm>>) target(%dma_start3A_28 : memref<632x128xf32, #tpu.memory_space<vmem_shared>>) target_semaphore(%run_scoped3A : memref<!tpu.dma_semaphore, #tpu.memory_space<semaphore_mem>>)
      %dma_wait3A = arith.constant 0 : i32
      %dma_wait3A_29 = tpu.memref_slice %arg32[%mul3A_2, %dma_wait3A] : memref<10112x128xf32, #tpu.memory_space<vmem_shared>> -> memref<632x128xf32, #tpu.memory_space<vmem_shared>>
      tpu.wait_dma2 semaphore(%run_scoped3A : memref<!tpu.dma_semaphore, #tpu.memory_space<semaphore_mem>>) src(%arg11 : memref<632x128xf32, #tpu.memory_space<hbm>>) dst(%dma_wait3A_29 : memref<632x128xf32, #tpu.memory_space<vmem_shared>>)
      tpu.yield
    }) : () -> ()
    %barrier3A = arith.constant 0 : index
    tpu.barrier barrier_id(%barrier3A)
    %iota3A = tpu.iota {dimensions = array<i32: 0>} : vector<16xi32>
    %lt3A = arith.constant 2 : i32
    %lt3A_3 = vector.broadcast %lt3A : i32 to vector<16xi32>
    %lt3A_4 = arith.cmpi slt, %iota3A, %lt3A_3 : vector<16xi32>
    %mul3A_5 = arith.constant 10112 : i32
    %mul3A_6 = vector.broadcast %mul3A_5 : i32 to vector<16xi32>
    %mul3A_7 = arith.muli %iota3A, %mul3A_6 : vector<16xi32>
    %jit3A = arith.constant 0 : i32
    %broadcast_in_dim3A = vector.broadcast %jit3A : i32 to vector<16xi32>
    %select_n3A = arith.select %lt3A_4, %mul3A_7, %broadcast_in_dim3A : vector<16xi1>, vector<16xi32>
    %eq3A = arith.constant 0 : i32
    %eq3A_8 = arith.cmpi eq, %arg0, %eq3A : i32
    %convert_element_type3A = arith.extui %eq3A_8 : i1 to i32
    %cond3A = arith.constant 0 : i32
    %cond3A_9 = arith.cmpi ne, %convert_element_type3A, %cond3A : i32
    scf.if %cond3A_9 {
      %mul3A_28 = arith.constant 20000 : i32
      %mul3A_29 = arith.muli %arg1, %mul3A_28 : i32
      %add3A = arith.constant 0 : i32
      %add3A_30 = arith.addi %mul3A_29, %add3A : i32
      %multiple_of3A = tpu.assume_multiple %add3A_30, 8 : i32
      "tpu.region"() ({
        %run_scoped3A = tpu.sem_alloc : memref<!tpu.dma_semaphore, #tpu.memory_space<semaphore_mem>>
        %dma_start3A = tpu.memref_slice %arg6[%multiple_of3A] : memref<320000xi32, #tpu.memory_space<hbm>> -> memref<32xi32, #tpu.memory_space<hbm>>
        %dma_start3A_37 = tpu.memref_slice %arg6[%multiple_of3A] : memref<320000xi32, #tpu.memory_space<hbm>> -> memref<32xi32, #tpu.memory_space<hbm>>
        tpu.enqueue_dma source(%dma_start3A_37 : memref<32xi32, #tpu.memory_space<hbm>>) target(%arg16 : memref<32xi32, #tpu.memory_space<vmem>>) target_semaphore(%run_scoped3A : memref<!tpu.dma_semaphore, #tpu.memory_space<semaphore_mem>>)
        %dma_wait3A = tpu.memref_slice %arg6[%multiple_of3A] : memref<320000xi32, #tpu.memory_space<hbm>> -> memref<32xi32, #tpu.memory_space<hbm>>
        %dma_wait3A_38 = tpu.memref_slice %arg6[%multiple_of3A] : memref<320000xi32, #tpu.memory_space<hbm>> -> memref<32xi32, #tpu.memory_space<hbm>>
        tpu.wait_dma2 semaphore(%run_scoped3A : memref<!tpu.dma_semaphore, #tpu.memory_space<semaphore_mem>>) src(%dma_wait3A_38 : memref<32xi32, #tpu.memory_space<hbm>>) dst(%arg16 : memref<32xi32, #tpu.memory_space<vmem>>)
        tpu.yield
      }) : () -> ()
      "tpu.region"() ({
        %run_scoped3A = tpu.sem_alloc : memref<!tpu.dma_semaphore, #tpu.memory_space<semaphore_mem>>
        %dma_start3A = tpu.memref_slice %arg7[%multiple_of3A] : memref<320000xi32, #tpu.memory_space<hbm>> -> memref<32xi32, #tpu.memory_space<hbm>>
        %dma_start3A_37 = tpu.memref_slice %arg7[%multiple_of3A] : memref<320000xi32, #tpu.memory_space<hbm>> -> memref<32xi32, #tpu.memory_space<hbm>>
        tpu.enqueue_dma source(%dma_start3A_37 : memref<32xi32, #tpu.memory_space<hbm>>) target(%arg18 : memref<32xi32, #tpu.memory_space<vmem>>) target_semaphore(%run_scoped3A : memref<!tpu.dma_semaphore, #tpu.memory_space<semaphore_mem>>)
        %dma_wait3A = tpu.memref_slice %arg7[%multiple_of3A] : memref<320000xi32, #tpu.memory_space<hbm>> -> memref<32xi32, #tpu.memory_space<hbm>>
        %dma_wait3A_38 = tpu.memref_slice %arg7[%multiple_of3A] : memref<320000xi32, #tpu.memory_space<hbm>> -> memref<32xi32, #tpu.memory_space<hbm>>
        tpu.wait_dma2 semaphore(%run_scoped3A : memref<!tpu.dma_semaphore, #tpu.memory_space<semaphore_mem>>) src(%dma_wait3A_38 : memref<32xi32, #tpu.memory_space<hbm>>) dst(%arg18 : memref<32xi32, #tpu.memory_space<vmem>>)
        tpu.yield
      }) : () -> ()
      "tpu.region"() ({
        %run_scoped3A = tpu.sem_alloc : memref<!tpu.dma_semaphore, #tpu.memory_space<semaphore_mem>>
        %dma_start3A = tpu.memref_slice %arg8[%multiple_of3A] : memref<320016xi32, #tpu.memory_space<hbm>> -> memref<48xi32, #tpu.memory_space<hbm>>
        %dma_start3A_37 = tpu.memref_slice %arg8[%multiple_of3A] : memref<320016xi32, #tpu.memory_space<hbm>> -> memref<48xi32, #tpu.memory_space<hbm>>
        tpu.enqueue_dma source(%dma_start3A_37 : memref<48xi32, #tpu.memory_space<hbm>>) target(%arg20 : memref<48xi32, #tpu.memory_space<vmem>>) target_semaphore(%run_scoped3A : memref<!tpu.dma_semaphore, #tpu.memory_space<semaphore_mem>>)
        %dma_wait3A = tpu.memref_slice %arg8[%multiple_of3A] : memref<320016xi32, #tpu.memory_space<hbm>> -> memref<48xi32, #tpu.memory_space<hbm>>
        %dma_wait3A_38 = tpu.memref_slice %arg8[%multiple_of3A] : memref<320016xi32, #tpu.memory_space<hbm>> -> memref<48xi32, #tpu.memory_space<hbm>>
        tpu.wait_dma2 semaphore(%run_scoped3A : memref<!tpu.dma_semaphore, #tpu.memory_space<semaphore_mem>>) src(%dma_wait3A_38 : memref<48xi32, #tpu.memory_space<hbm>>) dst(%arg20 : memref<48xi32, #tpu.memory_space<vmem>>)
        tpu.yield
      }) : () -> ()
      %mul3A_31 = arith.constant 16 : i32
      %mul3A_32 = arith.muli %multiple_of3A, %mul3A_31 : i32
      "tpu.region"() ({
        %run_scoped3A = tpu.sem_alloc : memref<!tpu.dma_semaphore, #tpu.memory_space<semaphore_mem>>
        %dma_start3A = tpu.memref_slice %arg9[%mul3A_32] : memref<5120000xf32, #tpu.memory_space<hbm>> -> memref<512xf32, #tpu.memory_space<hbm>>
        %dma_start3A_37 = tpu.memref_slice %arg9[%mul3A_32] : memref<5120000xf32, #tpu.memory_space<hbm>> -> memref<512xf32, #tpu.memory_space<hbm>>
        tpu.enqueue_dma source(%dma_start3A_37 : memref<512xf32, #tpu.memory_space<hbm>>) target(%arg22 : memref<512xf32, #tpu.memory_space<vmem>>) target_semaphore(%run_scoped3A : memref<!tpu.dma_semaphore, #tpu.memory_space<semaphore_mem>>)
        %dma_wait3A = tpu.memref_slice %arg9[%mul3A_32] : memref<5120000xf32, #tpu.memory_space<hbm>> -> memref<512xf32, #tpu.memory_space<hbm>>
        %dma_wait3A_38 = tpu.memref_slice %arg9[%mul3A_32] : memref<5120000xf32, #tpu.memory_space<hbm>> -> memref<512xf32, #tpu.memory_space<hbm>>
        tpu.wait_dma2 semaphore(%run_scoped3A : memref<!tpu.dma_semaphore, #tpu.memory_space<semaphore_mem>>) src(%dma_wait3A_38 : memref<512xf32, #tpu.memory_space<hbm>>) dst(%arg22 : memref<512xf32, #tpu.memory_space<vmem>>)
        tpu.yield
      }) : () -> ()
      %scan3A = arith.constant 0 : i32
      %scan3A_33 = arith.constant 312 : i32
      %scan3A_34 = arith.addi %scan3A, %scan3A_33 : i32
      %scan3A_35 = arith.constant 1 : i32
      scf.for %scan3A_37 = %scan3A to %scan3A_34 step %scan3A_35  : i32 {
        %mul3A_38 = arith.constant 1 : i32
        %mul3A_39 = arith.muli %scan3A_37, %mul3A_38 : i32
        %add3A_40 = arith.constant 0 : i32
        %add3A_41 = arith.addi %add3A_40, %mul3A_39 : i32
        %mul3A_42 = arith.constant 2 : i32
        %mul3A_43 = arith.muli %add3A_41, %mul3A_42 : i32
        %add3A_44 = arith.constant 0 : i32
        %add3A_45 = arith.addi %mul3A_43, %add3A_44 : i32
        %gt3A = arith.constant 0 : i32
        %gt3A_46 = arith.cmpi sgt, %add3A_45, %gt3A : i32
        %convert_element_type3A_47 = arith.extui %gt3A_46 : i1 to i32
        %cond3A_48 = arith.constant 0 : i32
        %cond3A_49 = arith.cmpi ne, %convert_element_type3A_47, %cond3A_48 : i32
        scf.if %cond3A_49 {
        } else {
        }
        %add3A_50 = arith.constant 1 : i32
        %add3A_51 = arith.addi %add3A_45, %add3A_50 : i32
        %lt3A_52 = arith.constant 625 : i32
        %lt3A_53 = arith.cmpi slt, %add3A_51, %lt3A_52 : i32
        %convert_element_type3A_54 = arith.extui %lt3A_53 : i1 to i32
        %cond3A_55 = arith.constant 0 : i32
        %cond3A_56 = arith.cmpi ne, %convert_element_type3A_54, %cond3A_55 : i32
        scf.if %cond3A_56 {
          %add3A_73 = arith.constant 1 : i32
          %add3A_74 = arith.addi %add3A_45, %add3A_73 : i32
          %mul3A_75 = arith.constant 20000 : i32
          %mul3A_76 = arith.muli %arg1, %mul3A_75 : i32
          %mul3A_77 = arith.constant 32 : i32
          %mul3A_78 = arith.muli %add3A_74, %mul3A_77 : i32
          %add3A_79 = arith.addi %mul3A_76, %mul3A_78 : i32
          %multiple_of3A_80 = tpu.assume_multiple %add3A_79, 8 : i32
          "tpu.region"() ({
            %run_scoped3A = tpu.sem_alloc : memref<!tpu.dma_semaphore, #tpu.memory_space<semaphore_mem>>
            %dma_start3A = tpu.memref_slice %arg6[%multiple_of3A_80] : memref<320000xi32, #tpu.memory_space<hbm>> -> memref<32xi32, #tpu.memory_space<hbm>>
            %dma_start3A_83 = tpu.memref_slice %arg6[%multiple_of3A_80] : memref<320000xi32, #tpu.memory_space<hbm>> -> memref<32xi32, #tpu.memory_space<hbm>>
            tpu.enqueue_dma source(%dma_start3A_83 : memref<32xi32, #tpu.memory_space<hbm>>) target(%arg17 : memref<32xi32, #tpu.memory_space<vmem>>) target_semaphore(%run_scoped3A : memref<!tpu.dma_semaphore, #tpu.memory_space<semaphore_mem>>)
            %dma_wait3A = tpu.memref_slice %arg6[%multiple_of3A_80] : memref<320000xi32, #tpu.memory_space<hbm>> -> memref<32xi32, #tpu.memory_space<hbm>>
            %dma_wait3A_84 = tpu.memref_slice %arg6[%multiple_of3A_80] : memref<320000xi32, #tpu.memory_space<hbm>> -> memref<32xi32, #tpu.memory_space<hbm>>
            tpu.wait_dma2 semaphore(%run_scoped3A : memref<!tpu.dma_semaphore, #tpu.memory_space<semaphore_mem>>) src(%dma_wait3A_84 : memref<32xi32, #tpu.memory_space<hbm>>) dst(%arg17 : memref<32xi32, #tpu.memory_space<vmem>>)
            tpu.yield
          }) : () -> ()
          "tpu.region"() ({
            %run_scoped3A = tpu.sem_alloc : memref<!tpu.dma_semaphore, #tpu.memory_space<semaphore_mem>>
            %dma_start3A = tpu.memref_slice %arg7[%multiple_of3A_80] : memref<320000xi32, #tpu.memory_space<hbm>> -> memref<32xi32, #tpu.memory_space<hbm>>
            %dma_start3A_83 = tpu.memref_slice %arg7[%multiple_of3A_80] : memref<320000xi32, #tpu.memory_space<hbm>> -> memref<32xi32, #tpu.memory_space<hbm>>
            tpu.enqueue_dma source(%dma_start3A_83 : memref<32xi32, #tpu.memory_space<hbm>>) target(%arg19 : memref<32xi32, #tpu.memory_space<vmem>>) target_semaphore(%run_scoped3A : memref<!tpu.dma_semaphore, #tpu.memory_space<semaphore_mem>>)
            %dma_wait3A = tpu.memref_slice %arg7[%multiple_of3A_80] : memref<320000xi32, #tpu.memory_space<hbm>> -> memref<32xi32, #tpu.memory_space<hbm>>
            %dma_wait3A_84 = tpu.memref_slice %arg7[%multiple_of3A_80] : memref<320000xi32, #tpu.memory_space<hbm>> -> memref<32xi32, #tpu.memory_space<hbm>>
            tpu.wait_dma2 semaphore(%run_scoped3A : memref<!tpu.dma_semaphore, #tpu.memory_space<semaphore_mem>>) src(%dma_wait3A_84 : memref<32xi32, #tpu.memory_space<hbm>>) dst(%arg19 : memref<32xi32, #tpu.memory_space<vmem>>)
            tpu.yield
          }) : () -> ()
          "tpu.region"() ({
            %run_scoped3A = tpu.sem_alloc : memref<!tpu.dma_semaphore, #tpu.memory_space<semaphore_mem>>
            %dma_start3A = tpu.memref_slice %arg8[%multiple_of3A_80] : memref<320016xi32, #tpu.memory_space<hbm>> -> memref<48xi32, #tpu.memory_space<hbm>>
            %dma_start3A_83 = tpu.memref_slice %arg8[%multiple_of3A_80] : memref<320016xi32, #tpu.memory_space<hbm>> -> memref<48xi32, #tpu.memory_space<hbm>>
            tpu.enqueue_dma source(%dma_start3A_83 : memref<48xi32, #tpu.memory_space<hbm>>) target(%arg21 : memref<48xi32, #tpu.memory_space<vmem>>) target_semaphore(%run_scoped3A : memref<!tpu.dma_semaphore, #tpu.memory_space<semaphore_mem>>)
            %dma_wait3A = tpu.memref_slice %arg8[%multiple_of3A_80] : memref<320016xi32, #tpu.memory_space<hbm>> -> memref<48xi32, #tpu.memory_space<hbm>>
            %dma_wait3A_84 = tpu.memref_slice %arg8[%multiple_of3A_80] : memref<320016xi32, #tpu.memory_space<hbm>> -> memref<48xi32, #tpu.memory_space<hbm>>
            tpu.wait_dma2 semaphore(%run_scoped3A : memref<!tpu.dma_semaphore, #tpu.memory_space<semaphore_mem>>) src(%dma_wait3A_84 : memref<48xi32, #tpu.memory_space<hbm>>) dst(%arg21 : memref<48xi32, #tpu.memory_space<vmem>>)
            tpu.yield
          }) : () -> ()
          %mul3A_81 = arith.constant 16 : i32
          %mul3A_82 = arith.muli %multiple_of3A_80, %mul3A_81 : i32
          "tpu.region"() ({
            %run_scoped3A = tpu.sem_alloc : memref<!tpu.dma_semaphore, #tpu.memory_space<semaphore_mem>>
            %dma_start3A = tpu.memref_slice %arg9[%mul3A_82] : memref<5120000xf32, #tpu.memory_space<hbm>> -> memref<512xf32, #tpu.memory_space<hbm>>
            %dma_start3A_83 = tpu.memref_slice %arg9[%mul3A_82] : memref<5120000xf32, #tpu.memory_space<hbm>> -> memref<512xf32, #tpu.memory_space<hbm>>
            tpu.enqueue_dma source(%dma_start3A_83 : memref<512xf32, #tpu.memory_space<hbm>>) target(%arg23 : memref<512xf32, #tpu.memory_space<vmem>>) target_semaphore(%run_scoped3A : memref<!tpu.dma_semaphore, #tpu.memory_space<semaphore_mem>>)
            %dma_wait3A = tpu.memref_slice %arg9[%mul3A_82] : memref<5120000xf32, #tpu.memory_space<hbm>> -> memref<512xf32, #tpu.memory_space<hbm>>
            %dma_wait3A_84 = tpu.memref_slice %arg9[%mul3A_82] : memref<5120000xf32, #tpu.memory_space<hbm>> -> memref<512xf32, #tpu.memory_space<hbm>>
            tpu.wait_dma2 semaphore(%run_scoped3A : memref<!tpu.dma_semaphore, #tpu.memory_space<semaphore_mem>>) src(%dma_wait3A_84 : memref<512xf32, #tpu.memory_space<hbm>>) dst(%arg23 : memref<512xf32, #tpu.memory_space<vmem>>)
            tpu.yield
          }) : () -> ()
        } else {
        }
        %mul3A_57 = arith.constant 2 : i32
        %mul3A_58 = arith.muli %add3A_41, %mul3A_57 : i32
        %add3A_59 = arith.constant 1 : i32
        %add3A_60 = arith.addi %mul3A_58, %add3A_59 : i32
        %gt3A_61 = arith.constant 0 : i32
        %gt3A_62 = arith.cmpi sgt, %add3A_60, %gt3A_61 : i32
        %convert_element_type3A_63 = arith.extui %gt3A_62 : i1 to i32
        %cond3A_64 = arith.constant 0 : i32
        %cond3A_65 = arith.cmpi ne, %convert_element_type3A_63, %cond3A_64 : i32
        scf.if %cond3A_65 {
        } else {
        }
        %add3A_66 = arith.constant 1 : i32
        %add3A_67 = arith.addi %add3A_60, %add3A_66 : i32
        %lt3A_68 = arith.constant 625 : i32
        %lt3A_69 = arith.cmpi slt, %add3A_67, %lt3A_68 : i32
        %convert_element_type3A_70 = arith.extui %lt3A_69 : i1 to i32
        %cond3A_71 = arith.constant 0 : i32
        %cond3A_72 = arith.cmpi ne, %convert_element_type3A_70, %cond3A_71 : i32
        scf.if %cond3A_72 {
          %add3A_73 = arith.constant 1 : i32
          %add3A_74 = arith.addi %add3A_60, %add3A_73 : i32
          %mul3A_75 = arith.constant 20000 : i32
          %mul3A_76 = arith.muli %arg1, %mul3A_75 : i32
          %mul3A_77 = arith.constant 32 : i32
          %mul3A_78 = arith.muli %add3A_74, %mul3A_77 : i32
          %add3A_79 = arith.addi %mul3A_76, %mul3A_78 : i32
          %multiple_of3A_80 = tpu.assume_multiple %add3A_79, 8 : i32
          "tpu.region"() ({
            %run_scoped3A = tpu.sem_alloc : memref<!tpu.dma_semaphore, #tpu.memory_space<semaphore_mem>>
            %dma_start3A = tpu.memref_slice %arg6[%multiple_of3A_80] : memref<320000xi32, #tpu.memory_space<hbm>> -> memref<32xi32, #tpu.memory_space<hbm>>
            %dma_start3A_83 = tpu.memref_slice %arg6[%multiple_of3A_80] : memref<320000xi32, #tpu.memory_space<hbm>> -> memref<32xi32, #tpu.memory_space<hbm>>
            tpu.enqueue_dma source(%dma_start3A_83 : memref<32xi32, #tpu.memory_space<hbm>>) target(%arg16 : memref<32xi32, #tpu.memory_space<vmem>>) target_semaphore(%run_scoped3A : memref<!tpu.dma_semaphore, #tpu.memory_space<semaphore_mem>>)
            %dma_wait3A = tpu.memref_slice %arg6[%multiple_of3A_80] : memref<320000xi32, #tpu.memory_space<hbm>> -> memref<32xi32, #tpu.memory_space<hbm>>
            %dma_wait3A_84 = tpu.memref_slice %arg6[%multiple_of3A_80] : memref<320000xi32, #tpu.memory_space<hbm>> -> memref<32xi32, #tpu.memory_space<hbm>>
            tpu.wait_dma2 semaphore(%run_scoped3A : memref<!tpu.dma_semaphore, #tpu.memory_space<semaphore_mem>>) src(%dma_wait3A_84 : memref<32xi32, #tpu.memory_space<hbm>>) dst(%arg16 : memref<32xi32, #tpu.memory_space<vmem>>)
            tpu.yield
          }) : () -> ()
          "tpu.region"() ({
            %run_scoped3A = tpu.sem_alloc : memref<!tpu.dma_semaphore, #tpu.memory_space<semaphore_mem>>
            %dma_start3A = tpu.memref_slice %arg7[%multiple_of3A_80] : memref<320000xi32, #tpu.memory_space<hbm>> -> memref<32xi32, #tpu.memory_space<hbm>>
            %dma_start3A_83 = tpu.memref_slice %arg7[%multiple_of3A_80] : memref<320000xi32, #tpu.memory_space<hbm>> -> memref<32xi32, #tpu.memory_space<hbm>>
            tpu.enqueue_dma source(%dma_start3A_83 : memref<32xi32, #tpu.memory_space<hbm>>) target(%arg18 : memref<32xi32, #tpu.memory_space<vmem>>) target_semaphore(%run_scoped3A : memref<!tpu.dma_semaphore, #tpu.memory_space<semaphore_mem>>)
            %dma_wait3A = tpu.memref_slice %arg7[%multiple_of3A_80] : memref<320000xi32, #tpu.memory_space<hbm>> -> memref<32xi32, #tpu.memory_space<hbm>>
            %dma_wait3A_84 = tpu.memref_slice %arg7[%multiple_of3A_80] : memref<320000xi32, #tpu.memory_space<hbm>> -> memref<32xi32, #tpu.memory_space<hbm>>
            tpu.wait_dma2 semaphore(%run_scoped3A : memref<!tpu.dma_semaphore, #tpu.memory_space<semaphore_mem>>) src(%dma_wait3A_84 : memref<32xi32, #tpu.memory_space<hbm>>) dst(%arg18 : memref<32xi32, #tpu.memory_space<vmem>>)
            tpu.yield
          }) : () -> ()
          "tpu.region"() ({
            %run_scoped3A = tpu.sem_alloc : memref<!tpu.dma_semaphore, #tpu.memory_space<semaphore_mem>>
            %dma_start3A = tpu.memref_slice %arg8[%multiple_of3A_80] : memref<320016xi32, #tpu.memory_space<hbm>> -> memref<48xi32, #tpu.memory_space<hbm>>
            %dma_start3A_83 = tpu.memref_slice %arg8[%multiple_of3A_80] : memref<320016xi32, #tpu.memory_space<hbm>> -> memref<48xi32, #tpu.memory_space<hbm>>
            tpu.enqueue_dma source(%dma_start3A_83 : memref<48xi32, #tpu.memory_space<hbm>>) target(%arg20 : memref<48xi32, #tpu.memory_space<vmem>>) target_semaphore(%run_scoped3A : memref<!tpu.dma_semaphore, #tpu.memory_space<semaphore_mem>>)
            %dma_wait3A = tpu.memref_slice %arg8[%multiple_of3A_80] : memref<320016xi32, #tpu.memory_space<hbm>> -> memref<48xi32, #tpu.memory_space<hbm>>
            %dma_wait3A_84 = tpu.memref_slice %arg8[%multiple_of3A_80] : memref<320016xi32, #tpu.memory_space<hbm>> -> memref<48xi32, #tpu.memory_space<hbm>>
            tpu.wait_dma2 semaphore(%run_scoped3A : memref<!tpu.dma_semaphore, #tpu.memory_space<semaphore_mem>>) src(%dma_wait3A_84 : memref<48xi32, #tpu.memory_space<hbm>>) dst(%arg20 : memref<48xi32, #tpu.memory_space<vmem>>)
            tpu.yield
          }) : () -> ()
          %mul3A_81 = arith.constant 16 : i32
          %mul3A_82 = arith.muli %multiple_of3A_80, %mul3A_81 : i32
          "tpu.region"() ({
            %run_scoped3A = tpu.sem_alloc : memref<!tpu.dma_semaphore, #tpu.memory_space<semaphore_mem>>
            %dma_start3A = tpu.memref_slice %arg9[%mul3A_82] : memref<5120000xf32, #tpu.memory_space<hbm>> -> memref<512xf32, #tpu.memory_space<hbm>>
            %dma_start3A_83 = tpu.memref_slice %arg9[%mul3A_82] : memref<5120000xf32, #tpu.memory_space<hbm>> -> memref<512xf32, #tpu.memory_space<hbm>>
            tpu.enqueue_dma source(%dma_start3A_83 : memref<512xf32, #tpu.memory_space<hbm>>) target(%arg22 : memref<512xf32, #tpu.memory_space<vmem>>) target_semaphore(%run_scoped3A : memref<!tpu.dma_semaphore, #tpu.memory_space<semaphore_mem>>)
            %dma_wait3A = tpu.memref_slice %arg9[%mul3A_82] : memref<5120000xf32, #tpu.memory_space<hbm>> -> memref<512xf32, #tpu.memory_space<hbm>>
            %dma_wait3A_84 = tpu.memref_slice %arg9[%mul3A_82] : memref<5120000xf32, #tpu.memory_space<hbm>> -> memref<512xf32, #tpu.memory_space<hbm>>
            tpu.wait_dma2 semaphore(%run_scoped3A : memref<!tpu.dma_semaphore, #tpu.memory_space<semaphore_mem>>) src(%dma_wait3A_84 : memref<512xf32, #tpu.memory_space<hbm>>) dst(%arg22 : memref<512xf32, #tpu.memory_space<vmem>>)
            tpu.yield
          }) : () -> ()
        } else {
        }
      }
      %scan3A_36 = arith.constant 312 : i32
    } else {
    }
    %eq3A_10 = arith.constant 1 : i32
    %eq3A_11 = arith.cmpi eq, %arg0, %eq3A_10 : i32
    %convert_element_type3A_12 = arith.extui %eq3A_11 : i1 to i32
    %cond3A_13 = arith.constant 0 : i32
    %cond3A_14 = arith.cmpi ne, %convert_element_type3A_12, %cond3A_13 : i32
    scf.if %cond3A_14 {
      %mul3A_28 = arith.constant 20000 : i32
      %mul3A_29 = arith.muli %arg1, %mul3A_28 : i32
      %add3A = arith.constant 0 : i32
      %add3A_30 = arith.addi %mul3A_29, %add3A : i32
      %multiple_of3A = tpu.assume_multiple %add3A_30, 8 : i32
      "tpu.region"() ({
        %run_scoped3A = tpu.sem_alloc : memref<!tpu.dma_semaphore, #tpu.memory_space<semaphore_mem>>
        %dma_start3A = tpu.memref_slice %arg6[%multiple_of3A] : memref<320000xi32, #tpu.memory_space<hbm>> -> memref<32xi32, #tpu.memory_space<hbm>>
        %dma_start3A_37 = tpu.memref_slice %arg6[%multiple_of3A] : memref<320000xi32, #tpu.memory_space<hbm>> -> memref<32xi32, #tpu.memory_space<hbm>>
        tpu.enqueue_dma source(%dma_start3A_37 : memref<32xi32, #tpu.memory_space<hbm>>) target(%arg16 : memref<32xi32, #tpu.memory_space<vmem>>) target_semaphore(%run_scoped3A : memref<!tpu.dma_semaphore, #tpu.memory_space<semaphore_mem>>)
        %dma_wait3A = tpu.memref_slice %arg6[%multiple_of3A] : memref<320000xi32, #tpu.memory_space<hbm>> -> memref<32xi32, #tpu.memory_space<hbm>>
        %dma_wait3A_38 = tpu.memref_slice %arg6[%multiple_of3A] : memref<320000xi32, #tpu.memory_space<hbm>> -> memref<32xi32, #tpu.memory_space<hbm>>
        tpu.wait_dma2 semaphore(%run_scoped3A : memref<!tpu.dma_semaphore, #tpu.memory_space<semaphore_mem>>) src(%dma_wait3A_38 : memref<32xi32, #tpu.memory_space<hbm>>) dst(%arg16 : memref<32xi32, #tpu.memory_space<vmem>>)
        tpu.yield
      }) : () -> ()
      "tpu.region"() ({
        %run_scoped3A = tpu.sem_alloc : memref<!tpu.dma_semaphore, #tpu.memory_space<semaphore_mem>>
        %dma_start3A = tpu.memref_slice %arg7[%multiple_of3A] : memref<320000xi32, #tpu.memory_space<hbm>> -> memref<32xi32, #tpu.memory_space<hbm>>
        %dma_start3A_37 = tpu.memref_slice %arg7[%multiple_of3A] : memref<320000xi32, #tpu.memory_space<hbm>> -> memref<32xi32, #tpu.memory_space<hbm>>
        tpu.enqueue_dma source(%dma_start3A_37 : memref<32xi32, #tpu.memory_space<hbm>>) target(%arg18 : memref<32xi32, #tpu.memory_space<vmem>>) target_semaphore(%run_scoped3A : memref<!tpu.dma_semaphore, #tpu.memory_space<semaphore_mem>>)
        %dma_wait3A = tpu.memref_slice %arg7[%multiple_of3A] : memref<320000xi32, #tpu.memory_space<hbm>> -> memref<32xi32, #tpu.memory_space<hbm>>
        %dma_wait3A_38 = tpu.memref_slice %arg7[%multiple_of3A] : memref<320000xi32, #tpu.memory_space<hbm>> -> memref<32xi32, #tpu.memory_space<hbm>>
        tpu.wait_dma2 semaphore(%run_scoped3A : memref<!tpu.dma_semaphore, #tpu.memory_space<semaphore_mem>>) src(%dma_wait3A_38 : memref<32xi32, #tpu.memory_space<hbm>>) dst(%arg18 : memref<32xi32, #tpu.memory_space<vmem>>)
        tpu.yield
      }) : () -> ()
      "tpu.region"() ({
        %run_scoped3A = tpu.sem_alloc : memref<!tpu.dma_semaphore, #tpu.memory_space<semaphore_mem>>
        %dma_start3A = tpu.memref_slice %arg8[%multiple_of3A] : memref<320016xi32, #tpu.memory_space<hbm>> -> memref<48xi32, #tpu.memory_space<hbm>>
        %dma_start3A_37 = tpu.memref_slice %arg8[%multiple_of3A] : memref<320016xi32, #tpu.memory_space<hbm>> -> memref<48xi32, #tpu.memory_space<hbm>>
        tpu.enqueue_dma source(%dma_start3A_37 : memref<48xi32, #tpu.memory_space<hbm>>) target(%arg20 : memref<48xi32, #tpu.memory_space<vmem>>) target_semaphore(%run_scoped3A : memref<!tpu.dma_semaphore, #tpu.memory_space<semaphore_mem>>)
        %dma_wait3A = tpu.memref_slice %arg8[%multiple_of3A] : memref<320016xi32, #tpu.memory_space<hbm>> -> memref<48xi32, #tpu.memory_space<hbm>>
        %dma_wait3A_38 = tpu.memref_slice %arg8[%multiple_of3A] : memref<320016xi32, #tpu.memory_space<hbm>> -> memref<48xi32, #tpu.memory_space<hbm>>
        tpu.wait_dma2 semaphore(%run_scoped3A : memref<!tpu.dma_semaphore, #tpu.memory_space<semaphore_mem>>) src(%dma_wait3A_38 : memref<48xi32, #tpu.memory_space<hbm>>) dst(%arg20 : memref<48xi32, #tpu.memory_space<vmem>>)
        tpu.yield
      }) : () -> ()
      %mul3A_31 = arith.constant 16 : i32
      %mul3A_32 = arith.muli %multiple_of3A, %mul3A_31 : i32
      "tpu.region"() ({
        %run_scoped3A = tpu.sem_alloc : memref<!tpu.dma_semaphore, #tpu.memory_space<semaphore_mem>>
        %dma_start3A = tpu.memref_slice %arg9[%mul3A_32] : memref<5120000xf32, #tpu.memory_space<hbm>> -> memref<512xf32, #tpu.memory_space<hbm>>
        %dma_start3A_37 = tpu.memref_slice %arg9[%mul3A_32] : memref<5120000xf32, #tpu.memory_space<hbm>> -> memref<512xf32, #tpu.memory_space<hbm>>
        tpu.enqueue_dma source(%dma_start3A_37 : memref<512xf32, #tpu.memory_space<hbm>>) target(%arg22 : memref<512xf32, #tpu.memory_space<vmem>>) target_semaphore(%run_scoped3A : memref<!tpu.dma_semaphore, #tpu.memory_space<semaphore_mem>>)
        %dma_wait3A = tpu.memref_slice %arg9[%mul3A_32] : memref<5120000xf32, #tpu.memory_space<hbm>> -> memref<512xf32, #tpu.memory_space<hbm>>
        %dma_wait3A_38 = tpu.memref_slice %arg9[%mul3A_32] : memref<5120000xf32, #tpu.memory_space<hbm>> -> memref<512xf32, #tpu.memory_space<hbm>>
        tpu.wait_dma2 semaphore(%run_scoped3A : memref<!tpu.dma_semaphore, #tpu.memory_space<semaphore_mem>>) src(%dma_wait3A_38 : memref<512xf32, #tpu.memory_space<hbm>>) dst(%arg22 : memref<512xf32, #tpu.memory_space<vmem>>)
        tpu.yield
      }) : () -> ()
      %scan3A = arith.constant 0 : i32
      %scan3A_33 = arith.constant 312 : i32
      %scan3A_34 = arith.addi %scan3A, %scan3A_33 : i32
      %scan3A_35 = arith.constant 1 : i32
      scf.for %scan3A_37 = %scan3A to %scan3A_34 step %scan3A_35  : i32 {
        %mul3A_38 = arith.constant 1 : i32
        %mul3A_39 = arith.muli %scan3A_37, %mul3A_38 : i32
        %add3A_40 = arith.constant 0 : i32
        %add3A_41 = arith.addi %add3A_40, %mul3A_39 : i32
        %mul3A_42 = arith.constant 2 : i32
        %mul3A_43 = arith.muli %add3A_41, %mul3A_42 : i32
        %add3A_44 = arith.constant 0 : i32
        %add3A_45 = arith.addi %mul3A_43, %add3A_44 : i32
        %gt3A = arith.constant 0 : i32
        %gt3A_46 = arith.cmpi sgt, %add3A_45, %gt3A : i32
        %convert_element_type3A_47 = arith.extui %gt3A_46 : i1 to i32
        %cond3A_48 = arith.constant 0 : i32
        %cond3A_49 = arith.cmpi ne, %convert_element_type3A_47, %cond3A_48 : i32
        scf.if %cond3A_49 {
        } else {
        }
        %add3A_50 = arith.constant 1 : i32
        %add3A_51 = arith.addi %add3A_45, %add3A_50 : i32
        %lt3A_52 = arith.constant 625 : i32
        %lt3A_53 = arith.cmpi slt, %add3A_51, %lt3A_52 : i32
        %convert_element_type3A_54 = arith.extui %lt3A_53 : i1 to i32
        %cond3A_55 = arith.constant 0 : i32
        %cond3A_56 = arith.cmpi ne, %convert_element_type3A_54, %cond3A_55 : i32
        scf.if %cond3A_56 {
          %add3A_73 = arith.constant 1 : i32
          %add3A_74 = arith.addi %add3A_45, %add3A_73 : i32
          %mul3A_75 = arith.constant 20000 : i32
          %mul3A_76 = arith.muli %arg1, %mul3A_75 : i32
          %mul3A_77 = arith.constant 32 : i32
          %mul3A_78 = arith.muli %add3A_74, %mul3A_77 : i32
          %add3A_79 = arith.addi %mul3A_76, %mul3A_78 : i32
          %multiple_of3A_80 = tpu.assume_multiple %add3A_79, 8 : i32
          "tpu.region"() ({
            %run_scoped3A = tpu.sem_alloc : memref<!tpu.dma_semaphore, #tpu.memory_space<semaphore_mem>>
            %dma_start3A = tpu.memref_slice %arg6[%multiple_of3A_80] : memref<320000xi32, #tpu.memory_space<hbm>> -> memref<32xi32, #tpu.memory_space<hbm>>
            %dma_start3A_83 = tpu.memref_slice %arg6[%multiple_of3A_80] : memref<320000xi32, #tpu.memory_space<hbm>> -> memref<32xi32, #tpu.memory_space<hbm>>
            tpu.enqueue_dma source(%dma_start3A_83 : memref<32xi32, #tpu.memory_space<hbm>>) target(%arg17 : memref<32xi32, #tpu.memory_space<vmem>>) target_semaphore(%run_scoped3A : memref<!tpu.dma_semaphore, #tpu.memory_space<semaphore_mem>>)
            %dma_wait3A = tpu.memref_slice %arg6[%multiple_of3A_80] : memref<320000xi32, #tpu.memory_space<hbm>> -> memref<32xi32, #tpu.memory_space<hbm>>
            %dma_wait3A_84 = tpu.memref_slice %arg6[%multiple_of3A_80] : memref<320000xi32, #tpu.memory_space<hbm>> -> memref<32xi32, #tpu.memory_space<hbm>>
            tpu.wait_dma2 semaphore(%run_scoped3A : memref<!tpu.dma_semaphore, #tpu.memory_space<semaphore_mem>>) src(%dma_wait3A_84 : memref<32xi32, #tpu.memory_space<hbm>>) dst(%arg17 : memref<32xi32, #tpu.memory_space<vmem>>)
            tpu.yield
          }) : () -> ()
          "tpu.region"() ({
            %run_scoped3A = tpu.sem_alloc : memref<!tpu.dma_semaphore, #tpu.memory_space<semaphore_mem>>
            %dma_start3A = tpu.memref_slice %arg7[%multiple_of3A_80] : memref<320000xi32, #tpu.memory_space<hbm>> -> memref<32xi32, #tpu.memory_space<hbm>>
            %dma_start3A_83 = tpu.memref_slice %arg7[%multiple_of3A_80] : memref<320000xi32, #tpu.memory_space<hbm>> -> memref<32xi32, #tpu.memory_space<hbm>>
            tpu.enqueue_dma source(%dma_start3A_83 : memref<32xi32, #tpu.memory_space<hbm>>) target(%arg19 : memref<32xi32, #tpu.memory_space<vmem>>) target_semaphore(%run_scoped3A : memref<!tpu.dma_semaphore, #tpu.memory_space<semaphore_mem>>)
            %dma_wait3A = tpu.memref_slice %arg7[%multiple_of3A_80] : memref<320000xi32, #tpu.memory_space<hbm>> -> memref<32xi32, #tpu.memory_space<hbm>>
            %dma_wait3A_84 = tpu.memref_slice %arg7[%multiple_of3A_80] : memref<320000xi32, #tpu.memory_space<hbm>> -> memref<32xi32, #tpu.memory_space<hbm>>
            tpu.wait_dma2 semaphore(%run_scoped3A : memref<!tpu.dma_semaphore, #tpu.memory_space<semaphore_mem>>) src(%dma_wait3A_84 : memref<32xi32, #tpu.memory_space<hbm>>) dst(%arg19 : memref<32xi32, #tpu.memory_space<vmem>>)
            tpu.yield
          }) : () -> ()
          "tpu.region"() ({
            %run_scoped3A = tpu.sem_alloc : memref<!tpu.dma_semaphore, #tpu.memory_space<semaphore_mem>>
            %dma_start3A = tpu.memref_slice %arg8[%multiple_of3A_80] : memref<320016xi32, #tpu.memory_space<hbm>> -> memref<48xi32, #tpu.memory_space<hbm>>
            %dma_start3A_83 = tpu.memref_slice %arg8[%multiple_of3A_80] : memref<320016xi32, #tpu.memory_space<hbm>> -> memref<48xi32, #tpu.memory_space<hbm>>
            tpu.enqueue_dma source(%dma_start3A_83 : memref<48xi32, #tpu.memory_space<hbm>>) target(%arg21 : memref<48xi32, #tpu.memory_space<vmem>>) target_semaphore(%run_scoped3A : memref<!tpu.dma_semaphore, #tpu.memory_space<semaphore_mem>>)
            %dma_wait3A = tpu.memref_slice %arg8[%multiple_of3A_80] : memref<320016xi32, #tpu.memory_space<hbm>> -> memref<48xi32, #tpu.memory_space<hbm>>
            %dma_wait3A_84 = tpu.memref_slice %arg8[%multiple_of3A_80] : memref<320016xi32, #tpu.memory_space<hbm>> -> memref<48xi32, #tpu.memory_space<hbm>>
            tpu.wait_dma2 semaphore(%run_scoped3A : memref<!tpu.dma_semaphore, #tpu.memory_space<semaphore_mem>>) src(%dma_wait3A_84 : memref<48xi32, #tpu.memory_space<hbm>>) dst(%arg21 : memref<48xi32, #tpu.memory_space<vmem>>)
            tpu.yield
          }) : () -> ()
          %mul3A_81 = arith.constant 16 : i32
          %mul3A_82 = arith.muli %multiple_of3A_80, %mul3A_81 : i32
          "tpu.region"() ({
            %run_scoped3A = tpu.sem_alloc : memref<!tpu.dma_semaphore, #tpu.memory_space<semaphore_mem>>
            %dma_start3A = tpu.memref_slice %arg9[%mul3A_82] : memref<5120000xf32, #tpu.memory_space<hbm>> -> memref<512xf32, #tpu.memory_space<hbm>>
            %dma_start3A_83 = tpu.memref_slice %arg9[%mul3A_82] : memref<5120000xf32, #tpu.memory_space<hbm>> -> memref<512xf32, #tpu.memory_space<hbm>>
            tpu.enqueue_dma source(%dma_start3A_83 : memref<512xf32, #tpu.memory_space<hbm>>) target(%arg23 : memref<512xf32, #tpu.memory_space<vmem>>) target_semaphore(%run_scoped3A : memref<!tpu.dma_semaphore, #tpu.memory_space<semaphore_mem>>)
            %dma_wait3A = tpu.memref_slice %arg9[%mul3A_82] : memref<5120000xf32, #tpu.memory_space<hbm>> -> memref<512xf32, #tpu.memory_space<hbm>>
            %dma_wait3A_84 = tpu.memref_slice %arg9[%mul3A_82] : memref<5120000xf32, #tpu.memory_space<hbm>> -> memref<512xf32, #tpu.memory_space<hbm>>
            tpu.wait_dma2 semaphore(%run_scoped3A : memref<!tpu.dma_semaphore, #tpu.memory_space<semaphore_mem>>) src(%dma_wait3A_84 : memref<512xf32, #tpu.memory_space<hbm>>) dst(%arg23 : memref<512xf32, #tpu.memory_space<vmem>>)
            tpu.yield
          }) : () -> ()
        } else {
        }
        %mul3A_57 = arith.constant 2 : i32
        %mul3A_58 = arith.muli %add3A_41, %mul3A_57 : i32
        %add3A_59 = arith.constant 1 : i32
        %add3A_60 = arith.addi %mul3A_58, %add3A_59 : i32
        %gt3A_61 = arith.constant 0 : i32
        %gt3A_62 = arith.cmpi sgt, %add3A_60, %gt3A_61 : i32
        %convert_element_type3A_63 = arith.extui %gt3A_62 : i1 to i32
        %cond3A_64 = arith.constant 0 : i32
        %cond3A_65 = arith.cmpi ne, %convert_element_type3A_63, %cond3A_64 : i32
        scf.if %cond3A_65 {
        } else {
        }
        %add3A_66 = arith.constant 1 : i32
        %add3A_67 = arith.addi %add3A_60, %add3A_66 : i32
        %lt3A_68 = arith.constant 625 : i32
        %lt3A_69 = arith.cmpi slt, %add3A_67, %lt3A_68 : i32
        %convert_element_type3A_70 = arith.extui %lt3A_69 : i1 to i32
        %cond3A_71 = arith.constant 0 : i32
        %cond3A_72 = arith.cmpi ne, %convert_element_type3A_70, %cond3A_71 : i32
        scf.if %cond3A_72 {
          %add3A_73 = arith.constant 1 : i32
          %add3A_74 = arith.addi %add3A_60, %add3A_73 : i32
          %mul3A_75 = arith.constant 20000 : i32
          %mul3A_76 = arith.muli %arg1, %mul3A_75 : i32
          %mul3A_77 = arith.constant 32 : i32
          %mul3A_78 = arith.muli %add3A_74, %mul3A_77 : i32
          %add3A_79 = arith.addi %mul3A_76, %mul3A_78 : i32
          %multiple_of3A_80 = tpu.assume_multiple %add3A_79, 8 : i32
          "tpu.region"() ({
            %run_scoped3A = tpu.sem_alloc : memref<!tpu.dma_semaphore, #tpu.memory_space<semaphore_mem>>
            %dma_start3A = tpu.memref_slice %arg6[%multiple_of3A_80] : memref<320000xi32, #tpu.memory_space<hbm>> -> memref<32xi32, #tpu.memory_space<hbm>>
            %dma_start3A_83 = tpu.memref_slice %arg6[%multiple_of3A_80] : memref<320000xi32, #tpu.memory_space<hbm>> -> memref<32xi32, #tpu.memory_space<hbm>>
            tpu.enqueue_dma source(%dma_start3A_83 : memref<32xi32, #tpu.memory_space<hbm>>) target(%arg16 : memref<32xi32, #tpu.memory_space<vmem>>) target_semaphore(%run_scoped3A : memref<!tpu.dma_semaphore, #tpu.memory_space<semaphore_mem>>)
            %dma_wait3A = tpu.memref_slice %arg6[%multiple_of3A_80] : memref<320000xi32, #tpu.memory_space<hbm>> -> memref<32xi32, #tpu.memory_space<hbm>>
            %dma_wait3A_84 = tpu.memref_slice %arg6[%multiple_of3A_80] : memref<320000xi32, #tpu.memory_space<hbm>> -> memref<32xi32, #tpu.memory_space<hbm>>
            tpu.wait_dma2 semaphore(%run_scoped3A : memref<!tpu.dma_semaphore, #tpu.memory_space<semaphore_mem>>) src(%dma_wait3A_84 : memref<32xi32, #tpu.memory_space<hbm>>) dst(%arg16 : memref<32xi32, #tpu.memory_space<vmem>>)
            tpu.yield
          }) : () -> ()
          "tpu.region"() ({
            %run_scoped3A = tpu.sem_alloc : memref<!tpu.dma_semaphore, #tpu.memory_space<semaphore_mem>>
            %dma_start3A = tpu.memref_slice %arg7[%multiple_of3A_80] : memref<320000xi32, #tpu.memory_space<hbm>> -> memref<32xi32, #tpu.memory_space<hbm>>
            %dma_start3A_83 = tpu.memref_slice %arg7[%multiple_of3A_80] : memref<320000xi32, #tpu.memory_space<hbm>> -> memref<32xi32, #tpu.memory_space<hbm>>
            tpu.enqueue_dma source(%dma_start3A_83 : memref<32xi32, #tpu.memory_space<hbm>>) target(%arg18 : memref<32xi32, #tpu.memory_space<vmem>>) target_semaphore(%run_scoped3A : memref<!tpu.dma_semaphore, #tpu.memory_space<semaphore_mem>>)
            %dma_wait3A = tpu.memref_slice %arg7[%multiple_of3A_80] : memref<320000xi32, #tpu.memory_space<hbm>> -> memref<32xi32, #tpu.memory_space<hbm>>
            %dma_wait3A_84 = tpu.memref_slice %arg7[%multiple_of3A_80] : memref<320000xi32, #tpu.memory_space<hbm>> -> memref<32xi32, #tpu.memory_space<hbm>>
            tpu.wait_dma2 semaphore(%run_scoped3A : memref<!tpu.dma_semaphore, #tpu.memory_space<semaphore_mem>>) src(%dma_wait3A_84 : memref<32xi32, #tpu.memory_space<hbm>>) dst(%arg18 : memref<32xi32, #tpu.memory_space<vmem>>)
            tpu.yield
          }) : () -> ()
          "tpu.region"() ({
            %run_scoped3A = tpu.sem_alloc : memref<!tpu.dma_semaphore, #tpu.memory_space<semaphore_mem>>
            %dma_start3A = tpu.memref_slice %arg8[%multiple_of3A_80] : memref<320016xi32, #tpu.memory_space<hbm>> -> memref<48xi32, #tpu.memory_space<hbm>>
            %dma_start3A_83 = tpu.memref_slice %arg8[%multiple_of3A_80] : memref<320016xi32, #tpu.memory_space<hbm>> -> memref<48xi32, #tpu.memory_space<hbm>>
            tpu.enqueue_dma source(%dma_start3A_83 : memref<48xi32, #tpu.memory_space<hbm>>) target(%arg20 : memref<48xi32, #tpu.memory_space<vmem>>) target_semaphore(%run_scoped3A : memref<!tpu.dma_semaphore, #tpu.memory_space<semaphore_mem>>)
            %dma_wait3A = tpu.memref_slice %arg8[%multiple_of3A_80] : memref<320016xi32, #tpu.memory_space<hbm>> -> memref<48xi32, #tpu.memory_space<hbm>>
            %dma_wait3A_84 = tpu.memref_slice %arg8[%multiple_of3A_80] : memref<320016xi32, #tpu.memory_space<hbm>> -> memref<48xi32, #tpu.memory_space<hbm>>
            tpu.wait_dma2 semaphore(%run_scoped3A : memref<!tpu.dma_semaphore, #tpu.memory_space<semaphore_mem>>) src(%dma_wait3A_84 : memref<48xi32, #tpu.memory_space<hbm>>) dst(%arg20 : memref<48xi32, #tpu.memory_space<vmem>>)
            tpu.yield
          }) : () -> ()
          %mul3A_81 = arith.constant 16 : i32
          %mul3A_82 = arith.muli %multiple_of3A_80, %mul3A_81 : i32
          "tpu.region"() ({
            %run_scoped3A = tpu.sem_alloc : memref<!tpu.dma_semaphore, #tpu.memory_space<semaphore_mem>>
            %dma_start3A = tpu.memref_slice %arg9[%mul3A_82] : memref<5120000xf32, #tpu.memory_space<hbm>> -> memref<512xf32, #tpu.memory_space<hbm>>
            %dma_start3A_83 = tpu.memref_slice %arg9[%mul3A_82] : memref<5120000xf32, #tpu.memory_space<hbm>> -> memref<512xf32, #tpu.memory_space<hbm>>
            tpu.enqueue_dma source(%dma_start3A_83 : memref<512xf32, #tpu.memory_space<hbm>>) target(%arg22 : memref<512xf32, #tpu.memory_space<vmem>>) target_semaphore(%run_scoped3A : memref<!tpu.dma_semaphore, #tpu.memory_space<semaphore_mem>>)
            %dma_wait3A = tpu.memref_slice %arg9[%mul3A_82] : memref<5120000xf32, #tpu.memory_space<hbm>> -> memref<512xf32, #tpu.memory_space<hbm>>
            %dma_wait3A_84 = tpu.memref_slice %arg9[%mul3A_82] : memref<5120000xf32, #tpu.memory_space<hbm>> -> memref<512xf32, #tpu.memory_space<hbm>>
            tpu.wait_dma2 semaphore(%run_scoped3A : memref<!tpu.dma_semaphore, #tpu.memory_space<semaphore_mem>>) src(%dma_wait3A_84 : memref<512xf32, #tpu.memory_space<hbm>>) dst(%arg22 : memref<512xf32, #tpu.memory_space<vmem>>)
            tpu.yield
          }) : () -> ()
        } else {
        }
      }
      %scan3A_36 = arith.constant 312 : i32
    } else {
    }
    %barrier3A_15 = arith.constant 0 : index
    tpu.barrier barrier_id(%barrier3A_15)
    %mul3A_16 = arith.constant 632 : i32
    %mul3A_17 = arith.muli %arg1, %mul3A_16 : i32
    %eq3A_18 = arith.constant 0 : i32
    %eq3A_19 = arith.cmpi eq, %arg0, %eq3A_18 : i32
    %convert_element_type3A_20 = arith.extui %eq3A_19 : i1 to i32
    %cond3A_21 = arith.constant 0 : i32
    %cond3A_22 = arith.cmpi ne, %convert_element_type3A_20, %cond3A_21 : i32
    scf.if %cond3A_22 {
      "tpu.region"() ({
        %run_scoped3A = tpu.sem_alloc : memref<!tpu.dma_semaphore, #tpu.memory_space<semaphore_mem>>
        %dma_start3A = arith.constant 0 : i32
        %dma_start3A_28 = tpu.memref_slice %arg12[%mul3A_17, %dma_start3A] : memref<10112x128xf32, #tpu.memory_space<hbm>> -> memref<632x128xf32, #tpu.memory_space<hbm>>
        %dma_start3A_29 = arith.constant 0 : i32
        %dma_start3A_30 = tpu.memref_slice %arg32[%mul3A_17, %dma_start3A_29] : memref<10112x128xf32, #tpu.memory_space<vmem_shared>> -> memref<632x128xf32, #tpu.memory_space<vmem_shared>>
        tpu.enqueue_dma source(%dma_start3A_30 : memref<632x128xf32, #tpu.memory_space<vmem_shared>>) target(%dma_start3A_28 : memref<632x128xf32, #tpu.memory_space<hbm>>) target_semaphore(%run_scoped3A : memref<!tpu.dma_semaphore, #tpu.memory_space<semaphore_mem>>)
        %dma_wait3A = arith.constant 0 : i32
        %dma_wait3A_31 = tpu.memref_slice %arg12[%mul3A_17, %dma_wait3A] : memref<10112x128xf32, #tpu.memory_space<hbm>> -> memref<632x128xf32, #tpu.memory_space<hbm>>
        %dma_wait3A_32 = arith.constant 0 : i32
        %dma_wait3A_33 = tpu.memref_slice %arg32[%mul3A_17, %dma_wait3A_32] : memref<10112x128xf32, #tpu.memory_space<vmem_shared>> -> memref<632x128xf32, #tpu.memory_space<vmem_shared>>
        tpu.wait_dma2 semaphore(%run_scoped3A : memref<!tpu.dma_semaphore, #tpu.memory_space<semaphore_mem>>) src(%dma_wait3A_33 : memref<632x128xf32, #tpu.memory_space<vmem_shared>>) dst(%dma_wait3A_31 : memref<632x128xf32, #tpu.memory_space<hbm>>)
        tpu.yield
      }) : () -> ()
      "tpu.region"() ({
        %run_scoped3A = tpu.sem_alloc : memref<!tpu.dma_semaphore, #tpu.memory_space<semaphore_mem>>
        %dma_start3A = arith.constant 0 : i32
        %dma_start3A_28 = arith.constant 0 : i32
        %dma_start3A_29 = tpu.memref_slice %arg14[%arg1, %dma_start3A, %dma_start3A_28] : memref<16x160x128xf32, #tpu.memory_space<hbm>> -> memref<1x160x128xf32, #tpu.memory_space<hbm>>
        %dma_start3A_30 = tpu.memref_squeeze %dma_start3A_29 : memref<1x160x128xf32, #tpu.memory_space<hbm>> -> memref<160x128xf32, #tpu.memory_space<hbm>>
        %dma_start3A_31 = arith.constant 0 : i32
        %dma_start3A_32 = arith.constant 0 : i32
        %dma_start3A_33 = tpu.memref_slice %arg14[%arg1, %dma_start3A_31, %dma_start3A_32] : memref<16x160x128xf32, #tpu.memory_space<hbm>> -> memref<1x160x128xf32, #tpu.memory_space<hbm>>
        %dma_start3A_34 = tpu.memref_squeeze %dma_start3A_33 : memref<1x160x128xf32, #tpu.memory_space<hbm>> -> memref<160x128xf32, #tpu.memory_space<hbm>>
        tpu.enqueue_dma source(%arg31 : memref<160x128xf32, #tpu.memory_space<vmem>>) target(%dma_start3A_34 : memref<160x128xf32, #tpu.memory_space<hbm>>) target_semaphore(%run_scoped3A : memref<!tpu.dma_semaphore, #tpu.memory_space<semaphore_mem>>)
        %dma_wait3A = arith.constant 0 : i32
        %dma_wait3A_35 = arith.constant 0 : i32
        %dma_wait3A_36 = tpu.memref_slice %arg14[%arg1, %dma_wait3A, %dma_wait3A_35] : memref<16x160x128xf32, #tpu.memory_space<hbm>> -> memref<1x160x128xf32, #tpu.memory_space<hbm>>
        %dma_wait3A_37 = tpu.memref_squeeze %dma_wait3A_36 : memref<1x160x128xf32, #tpu.memory_space<hbm>> -> memref<160x128xf32, #tpu.memory_space<hbm>>
        %dma_wait3A_38 = arith.constant 0 : i32
        %dma_wait3A_39 = arith.constant 0 : i32
        %dma_wait3A_40 = tpu.memref_slice %arg14[%arg1, %dma_wait3A_38, %dma_wait3A_39] : memref<16x160x128xf32, #tpu.memory_space<hbm>> -> memref<1x160x128xf32, #tpu.memory_space<hbm>>
        %dma_wait3A_41 = tpu.memref_squeeze %dma_wait3A_40 : memref<1x160x128xf32, #tpu.memory_space<hbm>> -> memref<160x128xf32, #tpu.memory_space<hbm>>
        tpu.wait_dma2 semaphore(%run_scoped3A : memref<!tpu.dma_semaphore, #tpu.memory_space<semaphore_mem>>) src(%arg31 : memref<160x128xf32, #tpu.memory_space<vmem>>) dst(%dma_wait3A_41 : memref<160x128xf32, #tpu.memory_space<hbm>>)
        tpu.yield
      }) : () -> ()
    } else {
    }
    %eq3A_23 = arith.constant 1 : i32
    %eq3A_24 = arith.cmpi eq, %arg0, %eq3A_23 : i32
    %convert_element_type3A_25 = arith.extui %eq3A_24 : i1 to i32
    %cond3A_26 = arith.constant 0 : i32
    %cond3A_27 = arith.cmpi ne, %convert_element_type3A_25, %cond3A_26 : i32
    scf.if %cond3A_27 {
      "tpu.region"() ({
        %run_scoped3A = tpu.sem_alloc : memref<!tpu.dma_semaphore, #tpu.memory_space<semaphore_mem>>
        %dma_start3A = arith.constant 0 : i32
        %dma_start3A_28 = tpu.memref_slice %arg13[%mul3A_17, %dma_start3A] : memref<10112x128xf32, #tpu.memory_space<hbm>> -> memref<632x128xf32, #tpu.memory_space<hbm>>
        %dma_start3A_29 = arith.constant 0 : i32
        %dma_start3A_30 = tpu.memref_slice %arg32[%mul3A_17, %dma_start3A_29] : memref<10112x128xf32, #tpu.memory_space<vmem_shared>> -> memref<632x128xf32, #tpu.memory_space<vmem_shared>>
        tpu.enqueue_dma source(%dma_start3A_30 : memref<632x128xf32, #tpu.memory_space<vmem_shared>>) target(%dma_start3A_28 : memref<632x128xf32, #tpu.memory_space<hbm>>) target_semaphore(%run_scoped3A : memref<!tpu.dma_semaphore, #tpu.memory_space<semaphore_mem>>)
        %dma_wait3A = arith.constant 0 : i32
        %dma_wait3A_31 = tpu.memref_slice %arg13[%mul3A_17, %dma_wait3A] : memref<10112x128xf32, #tpu.memory_space<hbm>> -> memref<632x128xf32, #tpu.memory_space<hbm>>
        %dma_wait3A_32 = arith.constant 0 : i32
        %dma_wait3A_33 = tpu.memref_slice %arg32[%mul3A_17, %dma_wait3A_32] : memref<10112x128xf32, #tpu.memory_space<vmem_shared>> -> memref<632x128xf32, #tpu.memory_space<vmem_shared>>
        tpu.wait_dma2 semaphore(%run_scoped3A : memref<!tpu.dma_semaphore, #tpu.memory_space<semaphore_mem>>) src(%dma_wait3A_33 : memref<632x128xf32, #tpu.memory_space<vmem_shared>>) dst(%dma_wait3A_31 : memref<632x128xf32, #tpu.memory_space<hbm>>)
        tpu.yield
      }) : () -> ()
      "tpu.region"() ({
        %run_scoped3A = tpu.sem_alloc : memref<!tpu.dma_semaphore, #tpu.memory_space<semaphore_mem>>
        %dma_start3A = arith.constant 0 : i32
        %dma_start3A_28 = arith.constant 0 : i32
        %dma_start3A_29 = tpu.memref_slice %arg15[%arg1, %dma_start3A, %dma_start3A_28] : memref<16x160x128xf32, #tpu.memory_space<hbm>> -> memref<1x160x128xf32, #tpu.memory_space<hbm>>
        %dma_start3A_30 = tpu.memref_squeeze %dma_start3A_29 : memref<1x160x128xf32, #tpu.memory_space<hbm>> -> memref<160x128xf32, #tpu.memory_space<hbm>>
        %dma_start3A_31 = arith.constant 0 : i32
        %dma_start3A_32 = arith.constant 0 : i32
        %dma_start3A_33 = tpu.memref_slice %arg15[%arg1, %dma_start3A_31, %dma_start3A_32] : memref<16x160x128xf32, #tpu.memory_space<hbm>> -> memref<1x160x128xf32, #tpu.memory_space<hbm>>
        %dma_start3A_34 = tpu.memref_squeeze %dma_start3A_33 : memref<1x160x128xf32, #tpu.memory_space<hbm>> -> memref<160x128xf32, #tpu.memory_space<hbm>>
        tpu.enqueue_dma source(%arg31 : memref<160x128xf32, #tpu.memory_space<vmem>>) target(%dma_start3A_34 : memref<160x128xf32, #tpu.memory_space<hbm>>) target_semaphore(%run_scoped3A : memref<!tpu.dma_semaphore, #tpu.memory_space<semaphore_mem>>)
        %dma_wait3A = arith.constant 0 : i32
        %dma_wait3A_35 = arith.constant 0 : i32
        %dma_wait3A_36 = tpu.memref_slice %arg15[%arg1, %dma_wait3A, %dma_wait3A_35] : memref<16x160x128xf32, #tpu.memory_space<hbm>> -> memref<1x160x128xf32, #tpu.memory_space<hbm>>
        %dma_wait3A_37 = tpu.memref_squeeze %dma_wait3A_36 : memref<1x160x128xf32, #tpu.memory_space<hbm>> -> memref<160x128xf32, #tpu.memory_space<hbm>>
        %dma_wait3A_38 = arith.constant 0 : i32
        %dma_wait3A_39 = arith.constant 0 : i32
        %dma_wait3A_40 = tpu.memref_slice %arg15[%arg1, %dma_wait3A_38, %dma_wait3A_39] : memref<16x160x128xf32, #tpu.memory_space<hbm>> -> memref<1x160x128xf32, #tpu.memory_space<hbm>>
        %dma_wait3A_41 = tpu.memref_squeeze %dma_wait3A_40 : memref<1x160x128xf32, #tpu.memory_space<hbm>> -> memref<160x128xf32, #tpu.memory_space<hbm>>
        tpu.wait_dma2 semaphore(%run_scoped3A : memref<!tpu.dma_semaphore, #tpu.memory_space<semaphore_mem>>) src(%arg31 : memref<160x128xf32, #tpu.memory_space<vmem>>) dst(%dma_wait3A_41 : memref<160x128xf32, #tpu.memory_space<hbm>>)
        tpu.yield
      }) : () -> ()
    } else {
    }
    return
  }
}

module attributes {stable_mosaic.version = 14 : i64} {
  func.func @_proj0_body(%arg0: i32, %arg1: memref<2000x128xf32, #tpu.memory_space<vmem>>, %arg2: memref<128x256xf32, #tpu.memory_space<vmem>>, %arg3: memref<128x256xf32, #tpu.memory_space<vmem>>, %arg4: memref<1x256xf32, #tpu.memory_space<vmem>>, %arg5: memref<1x256xf32, #tpu.memory_space<vmem>>, %arg6: memref<2000x128xf32, #tpu.memory_space<vmem>>, %arg7: memref<2000x128xf32, #tpu.memory_space<vmem>>, %arg8: memref<2000x128xf32, #tpu.memory_space<vmem>>, %arg9: memref<2000x128xf32, #tpu.memory_space<vmem>>) attributes {dimension_semantics = [#tpu.dimension_semantics<arbitrary>], iteration_bounds = array<i64: 5>, scalar_prefetch = 0 : i64, scratch_operands = 0 : i64, tpu.core_type = #tpu.core_type<tc>, window_params = [{transform_indices = @transform_0, window_bounds = array<i64: 2000, 128>}, {pipeline_mode = #tpu.pipeline_mode<synchronous>, transform_indices = @transform_1, window_bounds = array<i64: 128, 256>}, {pipeline_mode = #tpu.pipeline_mode<synchronous>, transform_indices = @transform_2, window_bounds = array<i64: 128, 256>}, {pipeline_mode = #tpu.pipeline_mode<synchronous>, transform_indices = @transform_3, window_bounds = array<i64: 1, 256>}, {pipeline_mode = #tpu.pipeline_mode<synchronous>, transform_indices = @transform_4, window_bounds = array<i64: 1, 256>}, {transform_indices = @transform_5, window_bounds = array<i64: 2000, 128>}, {transform_indices = @transform_6, window_bounds = array<i64: 2000, 128>}, {transform_indices = @transform_7, window_bounds = array<i64: 2000, 128>}, {transform_indices = @transform_8, window_bounds = array<i64: 2000, 128>}]} {
    %get3A = arith.constant 0 : index
    %get3A_0 = arith.constant 0 : index
    %get3A_1 = vector.load %arg1[%get3A, %get3A_0] : memref<2000x128xf32, #tpu.memory_space<vmem>>, vector<2000x128xf32>
    %get3A_2 = arith.constant 0 : index
    %get3A_3 = arith.constant 0 : index
    %get3A_4 = vector.load %arg2[%get3A_2, %get3A_3] : memref<128x256xf32, #tpu.memory_space<vmem>>, vector<128x256xf32>
    %dot_general3A = arith.constant dense<0.000000e+00> : vector<2000x256xf32>
    %dot_general3A_5 = tpu.matmul %get3A_1, %get3A_4, %dot_general3A {dimension_numbers = #tpu.dot_dimension_numbers<[1], [0], [0], [1], [0, 0, 1, 1], [], []>, precision = #tpu.contract_precision<fp32>, transpose_lhs_hint = false} : vector<2000x128xf32>, vector<128x256xf32>, vector<2000x256xf32> -> vector<2000x256xf32>
    %get3A_6 = arith.constant 0 : index
    %get3A_7 = arith.constant 0 : index
    %get3A_8 = vector.load %arg4[%get3A_6, %get3A_7] : memref<1x256xf32, #tpu.memory_space<vmem>>, vector<1x256xf32>
    %add3A = vector.broadcast %get3A_8 : vector<1x256xf32> to vector<2000x256xf32>
    %add3A_9 = arith.addf %dot_general3A_5, %add3A : vector<2000x256xf32>
    %get3A_10 = arith.constant 0 : index
    %get3A_11 = arith.constant 0 : index
    %get3A_12 = vector.load %arg3[%get3A_10, %get3A_11] : memref<128x256xf32, #tpu.memory_space<vmem>>, vector<128x256xf32>
    %dot_general3A_13 = arith.constant dense<0.000000e+00> : vector<2000x256xf32>
    %dot_general3A_14 = tpu.matmul %get3A_1, %get3A_12, %dot_general3A_13 {dimension_numbers = #tpu.dot_dimension_numbers<[1], [0], [0], [1], [0, 0, 1, 1], [], []>, precision = #tpu.contract_precision<fp32>, transpose_lhs_hint = false} : vector<2000x128xf32>, vector<128x256xf32>, vector<2000x256xf32> -> vector<2000x256xf32>
    %get3A_15 = arith.constant 0 : index
    %get3A_16 = arith.constant 0 : index
    %get3A_17 = vector.load %arg5[%get3A_15, %get3A_16] : memref<1x256xf32, #tpu.memory_space<vmem>>, vector<1x256xf32>
    %add3A_18 = vector.broadcast %get3A_17 : vector<1x256xf32> to vector<2000x256xf32>
    %add3A_19 = arith.addf %dot_general3A_14, %add3A_18 : vector<2000x256xf32>
    %slice3A = vector.extract_strided_slice %add3A_9 {offsets = [0, 0], sizes = [2000, 128], strides = [1, 1]} : vector<2000x256xf32> to vector<2000x128xf32>
    %swap3A = arith.constant 0 : index
    %swap3A_20 = arith.constant 0 : index
    %swap3A_21 = vector.load %arg6[%swap3A, %swap3A_20] : memref<2000x128xf32, #tpu.memory_space<vmem>>, vector<2000x128xf32>
    tpu.vector_store %arg6[%swap3A, %swap3A_20], %slice3A {strides = array<i32>} : memref<2000x128xf32, #tpu.memory_space<vmem>>, vector<2000x128xf32>,
    %slice3A_22 = vector.extract_strided_slice %add3A_9 {offsets = [0, 128], sizes = [2000, 128], strides = [1, 1]} : vector<2000x256xf32> to vector<2000x128xf32>
    %swap3A_23 = arith.constant 0 : index
    %swap3A_24 = arith.constant 0 : index
    %swap3A_25 = vector.load %arg7[%swap3A_23, %swap3A_24] : memref<2000x128xf32, #tpu.memory_space<vmem>>, vector<2000x128xf32>
    tpu.vector_store %arg7[%swap3A_23, %swap3A_24], %slice3A_22 {strides = array<i32>} : memref<2000x128xf32, #tpu.memory_space<vmem>>, vector<2000x128xf32>,
    %slice3A_26 = vector.extract_strided_slice %add3A_19 {offsets = [0, 0], sizes = [2000, 128], strides = [1, 1]} : vector<2000x256xf32> to vector<2000x128xf32>
    %swap3A_27 = arith.constant 0 : index
    %swap3A_28 = arith.constant 0 : index
    %swap3A_29 = vector.load %arg8[%swap3A_27, %swap3A_28] : memref<2000x128xf32, #tpu.memory_space<vmem>>, vector<2000x128xf32>
    tpu.vector_store %arg8[%swap3A_27, %swap3A_28], %slice3A_26 {strides = array<i32>} : memref<2000x128xf32, #tpu.memory_space<vmem>>, vector<2000x128xf32>,
    %slice3A_30 = vector.extract_strided_slice %add3A_19 {offsets = [0, 128], sizes = [2000, 128], strides = [1, 1]} : vector<2000x256xf32> to vector<2000x128xf32>
    %swap3A_31 = arith.constant 0 : index
    %swap3A_32 = arith.constant 0 : index
    %swap3A_33 = vector.load %arg9[%swap3A_31, %swap3A_32] : memref<2000x128xf32, #tpu.memory_space<vmem>>, vector<2000x128xf32>
    tpu.vector_store %arg9[%swap3A_31, %swap3A_32], %slice3A_30 {strides = array<i32>} : memref<2000x128xf32, #tpu.memory_space<vmem>>, vector<2000x128xf32>,
    return
  }
  func.func @transform_0(%arg0: i32) -> (i32, i32) {
    %c0_i32 = arith.constant 0 : i32
    %c0_i32_0 = arith.constant 0 : i32
    return %arg0, %c0_i32 : i32, i32
  }
  func.func @transform_1(%arg0: i32) -> (i32, i32) {
    %c0_i32 = arith.constant 0 : i32
    %c0_i32_0 = arith.constant 0 : i32
    %c0_i32_1 = arith.constant 0 : i32
    return %c0_i32, %c0_i32_0 : i32, i32
  }
  func.func @transform_2(%arg0: i32) -> (i32, i32) {
    %c0_i32 = arith.constant 0 : i32
    %c0_i32_0 = arith.constant 0 : i32
    %c0_i32_1 = arith.constant 0 : i32
    return %c0_i32, %c0_i32_0 : i32, i32
  }
  func.func @transform_3(%arg0: i32) -> (i32, i32) {
    %c0_i32 = arith.constant 0 : i32
    %c0_i32_0 = arith.constant 0 : i32
    %c0_i32_1 = arith.constant 0 : i32
    return %c0_i32, %c0_i32_0 : i32, i32
  }
  func.func @transform_4(%arg0: i32) -> (i32, i32) {
    %c0_i32 = arith.constant 0 : i32
    %c0_i32_0 = arith.constant 0 : i32
    %c0_i32_1 = arith.constant 0 : i32
    return %c0_i32, %c0_i32_0 : i32, i32
  }
  func.func @transform_5(%arg0: i32) -> (i32, i32) {
    %c0_i32 = arith.constant 0 : i32
    %c0_i32_0 = arith.constant 0 : i32
    return %arg0, %c0_i32 : i32, i32
  }
  func.func @transform_6(%arg0: i32) -> (i32, i32) {
    %c0_i32 = arith.constant 0 : i32
    %c0_i32_0 = arith.constant 0 : i32
    return %arg0, %c0_i32 : i32, i32
  }
  func.func @transform_7(%arg0: i32) -> (i32, i32) {
    %c0_i32 = arith.constant 0 : i32
    %c0_i32_0 = arith.constant 0 : i32
    return %arg0, %c0_i32 : i32, i32
  }
  func.func @transform_8(%arg0: i32) -> (i32, i32) {
    %c0_i32 = arith.constant 0 : i32
    %c0_i32_0 = arith.constant 0 : i32
    return %arg0, %c0_i32 : i32, i32
  }
}

module attributes {stable_mosaic.version = 14 : i64} {
  func.func @_den_reduce_body(%arg0: i32, %arg1: memref<16x160x128xf32, #tpu.memory_space<vmem>>, %arg2: memref<16x160x128xf32, #tpu.memory_space<vmem>>, %arg3: memref<160x128xf32, #tpu.memory_space<vmem>>, %arg4: memref<160x128xf32, #tpu.memory_space<vmem>>) attributes {dimension_semantics = [#tpu.dimension_semantics<arbitrary>], iteration_bounds = array<i64: 1>, scalar_prefetch = 0 : i64, scratch_operands = 0 : i64, tpu.core_type = #tpu.core_type<tc>, window_params = [{pipeline_mode = #tpu.pipeline_mode<synchronous>, transform_indices = @transform_0, window_bounds = array<i64: 16, 160, 128>}, {pipeline_mode = #tpu.pipeline_mode<synchronous>, transform_indices = @transform_1, window_bounds = array<i64: 16, 160, 128>}, {pipeline_mode = #tpu.pipeline_mode<synchronous>, transform_indices = @transform_2, window_bounds = array<i64: 160, 128>}, {pipeline_mode = #tpu.pipeline_mode<synchronous>, transform_indices = @transform_3, window_bounds = array<i64: 160, 128>}]} {
    %get3A = arith.constant 0 : index
    %get3A_0 = arith.constant 0 : index
    %get3A_1 = arith.constant 0 : index
    %get3A_2 = vector.load %arg1[%get3A, %get3A_0, %get3A_1] : memref<16x160x128xf32, #tpu.memory_space<vmem>>, vector<16x160x128xf32>
    %reduce_sum3A = arith.constant dense<0.000000e+00> : vector<160x128xf32>
    %reduce_sum3A_3 = vector.multi_reduction <add>, %get3A_2, %reduce_sum3A [0] : vector<16x160x128xf32> to vector<160x128xf32>
    %swap3A = arith.constant 0 : index
    %swap3A_4 = arith.constant 0 : index
    %swap3A_5 = vector.load %arg3[%swap3A, %swap3A_4] : memref<160x128xf32, #tpu.memory_space<vmem>>, vector<160x128xf32>
    tpu.vector_store %arg3[%swap3A, %swap3A_4], %reduce_sum3A_3 {strides = array<i32>} : memref<160x128xf32, #tpu.memory_space<vmem>>, vector<160x128xf32>,
    %get3A_6 = arith.constant 0 : index
    %get3A_7 = arith.constant 0 : index
    %get3A_8 = arith.constant 0 : index
    %get3A_9 = vector.load %arg2[%get3A_6, %get3A_7, %get3A_8] : memref<16x160x128xf32, #tpu.memory_space<vmem>>, vector<16x160x128xf32>
    %reduce_sum3A_10 = arith.constant dense<0.000000e+00> : vector<160x128xf32>
    %reduce_sum3A_11 = vector.multi_reduction <add>, %get3A_9, %reduce_sum3A_10 [0] : vector<16x160x128xf32> to vector<160x128xf32>
    %swap3A_12 = arith.constant 0 : index
    %swap3A_13 = arith.constant 0 : index
    %swap3A_14 = vector.load %arg4[%swap3A_12, %swap3A_13] : memref<160x128xf32, #tpu.memory_space<vmem>>, vector<160x128xf32>
    tpu.vector_store %arg4[%swap3A_12, %swap3A_13], %reduce_sum3A_11 {strides = array<i32>} : memref<160x128xf32, #tpu.memory_space<vmem>>, vector<160x128xf32>,
    return
  }
  func.func @transform_0(%arg0: i32) -> (i32, i32, i32) {
    %c0_i32 = arith.constant 0 : i32
    %c0_i32_0 = arith.constant 0 : i32
    %c0_i32_1 = arith.constant 0 : i32
    %c0_i32_2 = arith.constant 0 : i32
    return %c0_i32, %c0_i32_0, %c0_i32_1 : i32, i32, i32
  }
  func.func @transform_1(%arg0: i32) -> (i32, i32, i32) {
    %c0_i32 = arith.constant 0 : i32
    %c0_i32_0 = arith.constant 0 : i32
    %c0_i32_1 = arith.constant 0 : i32
    %c0_i32_2 = arith.constant 0 : i32
    return %c0_i32, %c0_i32_0, %c0_i32_1 : i32, i32, i32
  }
  func.func @transform_2(%arg0: i32) -> (i32, i32) {
    %c0_i32 = arith.constant 0 : i32
    %c0_i32_0 = arith.constant 0 : i32
    %c0_i32_1 = arith.constant 0 : i32
    return %c0_i32, %c0_i32_0 : i32, i32
  }
  func.func @transform_3(%arg0: i32) -> (i32, i32) {
    %c0_i32 = arith.constant 0 : i32
    %c0_i32_0 = arith.constant 0 : i32
    %c0_i32_1 = arith.constant 0 : i32
    return %c0_i32, %c0_i32_0 : i32, i32
  }
}

module attributes {stable_mosaic.version = 14 : i64} {
  func.func @_norm_proj_body(%arg0: i32, %arg1: memref<2000x128xf32, #tpu.memory_space<vmem>>, %arg2: memref<2000x128xf32, #tpu.memory_space<vmem>>, %arg3: memref<2000x4xf32, #tpu.memory_space<vmem>>, %arg4: memref<1x256xf32, #tpu.memory_space<vmem>>, %arg5: memref<1x256xf32, #tpu.memory_space<vmem>>, %arg6: memref<1x256xf32, #tpu.memory_space<vmem>>, %arg7: memref<256x256xf32, #tpu.memory_space<vmem>>, %arg8: memref<256x256xf32, #tpu.memory_space<vmem>>, %arg9: memref<1x256xf32, #tpu.memory_space<vmem>>, %arg10: memref<1x256xf32, #tpu.memory_space<vmem>>, %arg11: memref<2000x128xf32, #tpu.memory_space<vmem>>, %arg12: memref<2000x128xf32, #tpu.memory_space<vmem>>, %arg13: memref<2000x128xf32, #tpu.memory_space<vmem>>, %arg14: memref<2000x128xf32, #tpu.memory_space<vmem>>) attributes {dimension_semantics = [#tpu.dimension_semantics<arbitrary>], iteration_bounds = array<i64: 5>, scalar_prefetch = 0 : i64, scratch_operands = 0 : i64, tpu.core_type = #tpu.core_type<tc>, window_params = [{transform_indices = @transform_0, window_bounds = array<i64: 2000, 128>}, {transform_indices = @transform_1, window_bounds = array<i64: 2000, 128>}, {transform_indices = @transform_2, window_bounds = array<i64: 2000, 4>}, {pipeline_mode = #tpu.pipeline_mode<synchronous>, transform_indices = @transform_3, window_bounds = array<i64: 1, 256>}, {pipeline_mode = #tpu.pipeline_mode<synchronous>, transform_indices = @transform_4, window_bounds = array<i64: 1, 256>}, {pipeline_mode = #tpu.pipeline_mode<synchronous>, transform_indices = @transform_5, window_bounds = array<i64: 1, 256>}, {pipeline_mode = #tpu.pipeline_mode<synchronous>, transform_indices = @transform_6, window_bounds = array<i64: 256, 256>}, {pipeline_mode = #tpu.pipeline_mode<synchronous>, transform_indices = @transform_7, window_bounds = array<i64: 256, 256>}, {pipeline_mode = #tpu.pipeline_mode<synchronous>, transform_indices = @transform_8, window_bounds = array<i64: 1, 256>}, {pipeline_mode = #tpu.pipeline_mode<synchronous>, transform_indices = @transform_9, window_bounds = array<i64: 1, 256>}, {transform_indices = @transform_10, window_bounds = array<i64: 2000, 128>}, {transform_indices = @transform_11, window_bounds = array<i64: 2000, 128>}, {transform_indices = @transform_12, window_bounds = array<i64: 2000, 128>}, {transform_indices = @transform_13, window_bounds = array<i64: 2000, 128>}]} {
    %get3A = arith.constant 0 : index
    %get3A_0 = arith.constant 0 : index
    %get3A_1 = vector.load %arg1[%get3A, %get3A_0] : memref<2000x128xf32, #tpu.memory_space<vmem>>, vector<2000x128xf32>
    %get3A_2 = arith.constant 0 : index
    %get3A_3 = arith.constant 0 : index
    %get3A_4 = vector.load %arg2[%get3A_2, %get3A_3] : memref<2000x128xf32, #tpu.memory_space<vmem>>, vector<2000x128xf32>
    %concatenate3A = tpu.concatenate %get3A_1, %get3A_4 in 1 : vector<2000x128xf32>, vector<2000x128xf32> -> vector<2000x256xf32>
    %get3A_5 = arith.constant 0 : index
    %get3A_6 = arith.constant 0 : index
    %get3A_7 = vector.load %arg3[%get3A_5, %get3A_6] : memref<2000x4xf32, #tpu.memory_space<vmem>>, vector<2000x1xf32>
    %broadcast_in_dim3A = vector.shape_cast %get3A_7 : vector<2000x1xf32> to vector<2000x1xf32>
    %broadcast_in_dim3A_8 = vector.broadcast %broadcast_in_dim3A : vector<2000x1xf32> to vector<2000x64xf32>
    %get3A_9 = arith.constant 0 : index
    %get3A_10 = arith.constant 1 : index
    %get3A_11 = vector.load %arg3[%get3A_9, %get3A_10] : memref<2000x4xf32, #tpu.memory_space<vmem>>, vector<2000x1xf32>
    %broadcast_in_dim3A_12 = vector.shape_cast %get3A_11 : vector<2000x1xf32> to vector<2000x1xf32>
    %broadcast_in_dim3A_13 = vector.broadcast %broadcast_in_dim3A_12 : vector<2000x1xf32> to vector<2000x64xf32>
    %get3A_14 = arith.constant 0 : index
    %get3A_15 = arith.constant 2 : index
    %get3A_16 = vector.load %arg3[%get3A_14, %get3A_15] : memref<2000x4xf32, #tpu.memory_space<vmem>>, vector<2000x1xf32>
    %broadcast_in_dim3A_17 = vector.shape_cast %get3A_16 : vector<2000x1xf32> to vector<2000x1xf32>
    %broadcast_in_dim3A_18 = vector.broadcast %broadcast_in_dim3A_17 : vector<2000x1xf32> to vector<2000x64xf32>
    %get3A_19 = arith.constant 0 : index
    %get3A_20 = arith.constant 3 : index
    %get3A_21 = vector.load %arg3[%get3A_19, %get3A_20] : memref<2000x4xf32, #tpu.memory_space<vmem>>, vector<2000x1xf32>
    %broadcast_in_dim3A_22 = vector.shape_cast %get3A_21 : vector<2000x1xf32> to vector<2000x1xf32>
    %broadcast_in_dim3A_23 = vector.broadcast %broadcast_in_dim3A_22 : vector<2000x1xf32> to vector<2000x64xf32>
    %concatenate3A_24 = tpu.concatenate %broadcast_in_dim3A_8, %broadcast_in_dim3A_13, %broadcast_in_dim3A_18, %broadcast_in_dim3A_23 in 1 : vector<2000x64xf32>, vector<2000x64xf32>, vector<2000x64xf32>, vector<2000x64xf32> -> vector<2000x256xf32>
    %add3A = arith.constant 1.000000e-16 : f32
    %add3A_25 = vector.broadcast %add3A : f32 to vector<2000x256xf32>
    %add3A_26 = arith.addf %concatenate3A_24, %add3A_25 : vector<2000x256xf32>
    %div3A = arith.divf %concatenate3A, %add3A_26 : vector<2000x256xf32>
    %get3A_27 = arith.constant 0 : index
    %get3A_28 = arith.constant 0 : index
    %get3A_29 = vector.load %arg4[%get3A_27, %get3A_28] : memref<1x256xf32, #tpu.memory_space<vmem>>, vector<1x256xf32>
    %add3A_30 = vector.broadcast %get3A_29 : vector<1x256xf32> to vector<2000x256xf32>
    %add3A_31 = arith.addf %div3A, %add3A_30 : vector<2000x256xf32>
    %max3A = arith.constant 0.000000e+00 : f32
    %max3A_32 = vector.broadcast %max3A : f32 to vector<2000x256xf32>
    %max3A_33 = arith.maximumf %add3A_31, %max3A_32 : vector<2000x256xf32>
    %reduce_sum3A = arith.constant dense<0.000000e+00> : vector<2000xf32>
    %reduce_sum3A_34 = vector.multi_reduction <add>, %max3A_33, %reduce_sum3A [1] : vector<2000x256xf32> to vector<2000xf32>
    %broadcast_in_dim3A_35 = vector.shape_cast %reduce_sum3A_34 : vector<2000xf32> to vector<2000x1xf32>
    %div3A_36 = arith.constant 2.560000e+02 : f32
    %div3A_37 = vector.broadcast %div3A_36 : f32 to vector<2000x1xf32>
    %div3A_38 = arith.divf %broadcast_in_dim3A_35, %div3A_37 : vector<2000x1xf32>
    %sub3A = vector.broadcast %div3A_38 : vector<2000x1xf32> to vector<2000x256xf32>
    %sub3A_39 = arith.subf %max3A_33, %sub3A : vector<2000x256xf32>
    %integer_pow3A = arith.mulf %sub3A_39, %sub3A_39 : vector<2000x256xf32>
    %reduce_sum3A_40 = arith.constant dense<0.000000e+00> : vector<2000xf32>
    %reduce_sum3A_41 = vector.multi_reduction <add>, %integer_pow3A, %reduce_sum3A_40 [1] : vector<2000x256xf32> to vector<2000xf32>
    %broadcast_in_dim3A_42 = vector.shape_cast %reduce_sum3A_41 : vector<2000xf32> to vector<2000x1xf32>
    %div3A_43 = arith.constant 2.560000e+02 : f32
    %div3A_44 = vector.broadcast %div3A_43 : f32 to vector<2000x1xf32>
    %div3A_45 = arith.divf %broadcast_in_dim3A_42, %div3A_44 : vector<2000x1xf32>
    %sub3A_46 = vector.broadcast %div3A_38 : vector<2000x1xf32> to vector<2000x256xf32>
    %sub3A_47 = arith.subf %max3A_33, %sub3A_46 : vector<2000x256xf32>
    %add3A_48 = arith.constant 9.99999974E-6 : f32
    %add3A_49 = vector.broadcast %add3A_48 : f32 to vector<2000x1xf32>
    %add3A_50 = arith.addf %div3A_45, %add3A_49 : vector<2000x1xf32>
    %rsqrt3A = math.rsqrt %add3A_50 : vector<2000x1xf32>
    %mul3A = vector.broadcast %rsqrt3A : vector<2000x1xf32> to vector<2000x256xf32>
    %mul3A_51 = arith.mulf %sub3A_47, %mul3A : vector<2000x256xf32>
    %get3A_52 = arith.constant 0 : index
    %get3A_53 = arith.constant 0 : index
    %get3A_54 = vector.load %arg5[%get3A_52, %get3A_53] : memref<1x256xf32, #tpu.memory_space<vmem>>, vector<1x256xf32>
    %mul3A_55 = vector.broadcast %get3A_54 : vector<1x256xf32> to vector<2000x256xf32>
    %mul3A_56 = arith.mulf %mul3A_51, %mul3A_55 : vector<2000x256xf32>
    %get3A_57 = arith.constant 0 : index
    %get3A_58 = arith.constant 0 : index
    %get3A_59 = vector.load %arg6[%get3A_57, %get3A_58] : memref<1x256xf32, #tpu.memory_space<vmem>>, vector<1x256xf32>
    %add3A_60 = vector.broadcast %get3A_59 : vector<1x256xf32> to vector<2000x256xf32>
    %add3A_61 = arith.addf %mul3A_56, %add3A_60 : vector<2000x256xf32>
    %get3A_62 = arith.constant 0 : index
    %get3A_63 = arith.constant 0 : index
    %get3A_64 = vector.load %arg7[%get3A_62, %get3A_63] : memref<256x256xf32, #tpu.memory_space<vmem>>, vector<256x256xf32>
    %dot_general3A = arith.constant dense<0.000000e+00> : vector<2000x256xf32>
    %dot_general3A_65 = tpu.matmul %add3A_61, %get3A_64, %dot_general3A {dimension_numbers = #tpu.dot_dimension_numbers<[1], [0], [0], [1], [0, 0, 1, 1], [], []>, precision = #tpu.contract_precision<fp32>, transpose_lhs_hint = false} : vector<2000x256xf32>, vector<256x256xf32>, vector<2000x256xf32> -> vector<2000x256xf32>
    %get3A_66 = arith.constant 0 : index
    %get3A_67 = arith.constant 0 : index
    %get3A_68 = vector.load %arg9[%get3A_66, %get3A_67] : memref<1x256xf32, #tpu.memory_space<vmem>>, vector<1x256xf32>
    %add3A_69 = vector.broadcast %get3A_68 : vector<1x256xf32> to vector<2000x256xf32>
    %add3A_70 = arith.addf %dot_general3A_65, %add3A_69 : vector<2000x256xf32>
    %get3A_71 = arith.constant 0 : index
    %get3A_72 = arith.constant 0 : index
    %get3A_73 = vector.load %arg8[%get3A_71, %get3A_72] : memref<256x256xf32, #tpu.memory_space<vmem>>, vector<256x256xf32>
    %dot_general3A_74 = arith.constant dense<0.000000e+00> : vector<2000x256xf32>
    %dot_general3A_75 = tpu.matmul %add3A_61, %get3A_73, %dot_general3A_74 {dimension_numbers = #tpu.dot_dimension_numbers<[1], [0], [0], [1], [0, 0, 1, 1], [], []>, precision = #tpu.contract_precision<fp32>, transpose_lhs_hint = false} : vector<2000x256xf32>, vector<256x256xf32>, vector<2000x256xf32> -> vector<2000x256xf32>
    %get3A_76 = arith.constant 0 : index
    %get3A_77 = arith.constant 0 : index
    %get3A_78 = vector.load %arg10[%get3A_76, %get3A_77] : memref<1x256xf32, #tpu.memory_space<vmem>>, vector<1x256xf32>
    %add3A_79 = vector.broadcast %get3A_78 : vector<1x256xf32> to vector<2000x256xf32>
    %add3A_80 = arith.addf %dot_general3A_75, %add3A_79 : vector<2000x256xf32>
    %slice3A = vector.extract_strided_slice %add3A_70 {offsets = [0, 0], sizes = [2000, 128], strides = [1, 1]} : vector<2000x256xf32> to vector<2000x128xf32>
    %swap3A = arith.constant 0 : index
    %swap3A_81 = arith.constant 0 : index
    %swap3A_82 = vector.load %arg11[%swap3A, %swap3A_81] : memref<2000x128xf32, #tpu.memory_space<vmem>>, vector<2000x128xf32>
    tpu.vector_store %arg11[%swap3A, %swap3A_81], %slice3A {strides = array<i32>} : memref<2000x128xf32, #tpu.memory_space<vmem>>, vector<2000x128xf32>,
    %slice3A_83 = vector.extract_strided_slice %add3A_70 {offsets = [0, 128], sizes = [2000, 128], strides = [1, 1]} : vector<2000x256xf32> to vector<2000x128xf32>
    %swap3A_84 = arith.constant 0 : index
    %swap3A_85 = arith.constant 0 : index
    %swap3A_86 = vector.load %arg12[%swap3A_84, %swap3A_85] : memref<2000x128xf32, #tpu.memory_space<vmem>>, vector<2000x128xf32>
    tpu.vector_store %arg12[%swap3A_84, %swap3A_85], %slice3A_83 {strides = array<i32>} : memref<2000x128xf32, #tpu.memory_space<vmem>>, vector<2000x128xf32>,
    %slice3A_87 = vector.extract_strided_slice %add3A_80 {offsets = [0, 0], sizes = [2000, 128], strides = [1, 1]} : vector<2000x256xf32> to vector<2000x128xf32>
    %swap3A_88 = arith.constant 0 : index
    %swap3A_89 = arith.constant 0 : index
    %swap3A_90 = vector.load %arg13[%swap3A_88, %swap3A_89] : memref<2000x128xf32, #tpu.memory_space<vmem>>, vector<2000x128xf32>
    tpu.vector_store %arg13[%swap3A_88, %swap3A_89], %slice3A_87 {strides = array<i32>} : memref<2000x128xf32, #tpu.memory_space<vmem>>, vector<2000x128xf32>,
    %slice3A_91 = vector.extract_strided_slice %add3A_80 {offsets = [0, 128], sizes = [2000, 128], strides = [1, 1]} : vector<2000x256xf32> to vector<2000x128xf32>
    %swap3A_92 = arith.constant 0 : index
    %swap3A_93 = arith.constant 0 : index
    %swap3A_94 = vector.load %arg14[%swap3A_92, %swap3A_93] : memref<2000x128xf32, #tpu.memory_space<vmem>>, vector<2000x128xf32>
    tpu.vector_store %arg14[%swap3A_92, %swap3A_93], %slice3A_91 {strides = array<i32>} : memref<2000x128xf32, #tpu.memory_space<vmem>>, vector<2000x128xf32>,
    return
  }
  func.func @transform_0(%arg0: i32) -> (i32, i32) {
    %c0_i32 = arith.constant 0 : i32
    %c0_i32_0 = arith.constant 0 : i32
    return %arg0, %c0_i32 : i32, i32
  }
  func.func @transform_1(%arg0: i32) -> (i32, i32) {
    %c0_i32 = arith.constant 0 : i32
    %c0_i32_0 = arith.constant 0 : i32
    return %arg0, %c0_i32 : i32, i32
  }
  func.func @transform_2(%arg0: i32) -> (i32, i32) {
    %c0_i32 = arith.constant 0 : i32
    %c0_i32_0 = arith.constant 0 : i32
    return %arg0, %c0_i32 : i32, i32
  }
  func.func @transform_3(%arg0: i32) -> (i32, i32) {
    %c0_i32 = arith.constant 0 : i32
    %c0_i32_0 = arith.constant 0 : i32
    %c0_i32_1 = arith.constant 0 : i32
    return %c0_i32, %c0_i32_0 : i32, i32
  }
  func.func @transform_4(%arg0: i32) -> (i32, i32) {
    %c0_i32 = arith.constant 0 : i32
    %c0_i32_0 = arith.constant 0 : i32
    %c0_i32_1 = arith.constant 0 : i32
    return %c0_i32, %c0_i32_0 : i32, i32
  }
  func.func @transform_5(%arg0: i32) -> (i32, i32) {
    %c0_i32 = arith.constant 0 : i32
    %c0_i32_0 = arith.constant 0 : i32
    %c0_i32_1 = arith.constant 0 : i32
    return %c0_i32, %c0_i32_0 : i32, i32
  }
  func.func @transform_6(%arg0: i32) -> (i32, i32) {
    %c0_i32 = arith.constant 0 : i32
    %c0_i32_0 = arith.constant 0 : i32
    %c0_i32_1 = arith.constant 0 : i32
    return %c0_i32, %c0_i32_0 : i32, i32
  }
  func.func @transform_7(%arg0: i32) -> (i32, i32) {
    %c0_i32 = arith.constant 0 : i32
    %c0_i32_0 = arith.constant 0 : i32
    %c0_i32_1 = arith.constant 0 : i32
    return %c0_i32, %c0_i32_0 : i32, i32
  }
  func.func @transform_8(%arg0: i32) -> (i32, i32) {
    %c0_i32 = arith.constant 0 : i32
    %c0_i32_0 = arith.constant 0 : i32
    %c0_i32_1 = arith.constant 0 : i32
    return %c0_i32, %c0_i32_0 : i32, i32
  }
  func.func @transform_9(%arg0: i32) -> (i32, i32) {
    %c0_i32 = arith.constant 0 : i32
    %c0_i32_0 = arith.constant 0 : i32
    %c0_i32_1 = arith.constant 0 : i32
    return %c0_i32, %c0_i32_0 : i32, i32
  }
  func.func @transform_10(%arg0: i32) -> (i32, i32) {
    %c0_i32 = arith.constant 0 : i32
    %c0_i32_0 = arith.constant 0 : i32
    return %arg0, %c0_i32 : i32, i32
  }
  func.func @transform_11(%arg0: i32) -> (i32, i32) {
    %c0_i32 = arith.constant 0 : i32
    %c0_i32_0 = arith.constant 0 : i32
    return %arg0, %c0_i32 : i32, i32
  }
  func.func @transform_12(%arg0: i32) -> (i32, i32) {
    %c0_i32 = arith.constant 0 : i32
    %c0_i32_0 = arith.constant 0 : i32
    return %arg0, %c0_i32 : i32, i32
  }
  func.func @transform_13(%arg0: i32) -> (i32, i32) {
    %c0_i32 = arith.constant 0 : i32
    %c0_i32_0 = arith.constant 0 : i32
    return %arg0, %c0_i32 : i32, i32
  }
}

module attributes {stable_mosaic.version = 14 : i64} {
  func.func @_final_body(%arg0: i32, %arg1: memref<2000x128xf32, #tpu.memory_space<vmem>>, %arg2: memref<2000x128xf32, #tpu.memory_space<vmem>>, %arg3: memref<2000x4xf32, #tpu.memory_space<vmem>>, %arg4: memref<1x256xf32, #tpu.memory_space<vmem>>, %arg5: memref<256x64xf32, #tpu.memory_space<vmem>>, %arg6: memref<1x64xf32, #tpu.memory_space<vmem>>, %arg7: memref<64x64xf32, #tpu.memory_space<vmem>>, %arg8: memref<1x64xf32, #tpu.memory_space<vmem>>, %arg9: memref<64x64xf32, #tpu.memory_space<vmem>>, %arg10: memref<1x64xf32, #tpu.memory_space<vmem>>, %arg11: memref<64x128xf32, #tpu.memory_space<vmem>>, %arg12: memref<1x128xf32, #tpu.memory_space<vmem>>, %arg13: memref<2000x256xf32, #tpu.memory_space<vmem>>, %arg14: memref<1x128xf32, #tpu.memory_space<vmem>>, %arg15: memref<8x256xf32, #tpu.memory_space<vmem>>) attributes {dimension_semantics = [#tpu.dimension_semantics<arbitrary>], iteration_bounds = array<i64: 5>, scalar_prefetch = 0 : i64, scratch_operands = 1 : i64, tpu.core_type = #tpu.core_type<tc>, window_params = [{transform_indices = @transform_0, window_bounds = array<i64: 2000, 128>}, {transform_indices = @transform_1, window_bounds = array<i64: 2000, 128>}, {transform_indices = @transform_2, window_bounds = array<i64: 2000, 4>}, {pipeline_mode = #tpu.pipeline_mode<synchronous>, transform_indices = @transform_3, window_bounds = array<i64: 1, 256>}, {pipeline_mode = #tpu.pipeline_mode<synchronous>, transform_indices = @transform_4, window_bounds = array<i64: 256, 64>}, {pipeline_mode = #tpu.pipeline_mode<synchronous>, transform_indices = @transform_5, window_bounds = array<i64: 1, 64>}, {pipeline_mode = #tpu.pipeline_mode<synchronous>, transform_indices = @transform_6, window_bounds = array<i64: 64, 64>}, {pipeline_mode = #tpu.pipeline_mode<synchronous>, transform_indices = @transform_7, window_bounds = array<i64: 1, 64>}, {pipeline_mode = #tpu.pipeline_mode<synchronous>, transform_indices = @transform_8, window_bounds = array<i64: 64, 64>}, {pipeline_mode = #tpu.pipeline_mode<synchronous>, transform_indices = @transform_9, window_bounds = array<i64: 1, 64>}, {pipeline_mode = #tpu.pipeline_mode<synchronous>, transform_indices = @transform_10, window_bounds = array<i64: 64, 128>}, {pipeline_mode = #tpu.pipeline_mode<synchronous>, transform_indices = @transform_11, window_bounds = array<i64: 1, 128>}, {transform_indices = @transform_12, window_bounds = array<i64: 2000, 256>}, {pipeline_mode = #tpu.pipeline_mode<synchronous>, transform_indices = @transform_13, window_bounds = array<i64: 1, 128>}]} {
    %get3A = arith.constant 0 : index
    %get3A_0 = arith.constant 0 : index
    %get3A_1 = vector.load %arg1[%get3A, %get3A_0] : memref<2000x128xf32, #tpu.memory_space<vmem>>, vector<2000x128xf32>
    %get3A_2 = arith.constant 0 : index
    %get3A_3 = arith.constant 0 : index
    %get3A_4 = vector.load %arg2[%get3A_2, %get3A_3] : memref<2000x128xf32, #tpu.memory_space<vmem>>, vector<2000x128xf32>
    %concatenate3A = tpu.concatenate %get3A_1, %get3A_4 in 1 : vector<2000x128xf32>, vector<2000x128xf32> -> vector<2000x256xf32>
    %get3A_5 = arith.constant 0 : index
    %get3A_6 = arith.constant 0 : index
    %get3A_7 = vector.load %arg3[%get3A_5, %get3A_6] : memref<2000x4xf32, #tpu.memory_space<vmem>>, vector<2000x1xf32>
    %broadcast_in_dim3A = vector.shape_cast %get3A_7 : vector<2000x1xf32> to vector<2000x1xf32>
    %broadcast_in_dim3A_8 = vector.broadcast %broadcast_in_dim3A : vector<2000x1xf32> to vector<2000x64xf32>
    %get3A_9 = arith.constant 0 : index
    %get3A_10 = arith.constant 1 : index
    %get3A_11 = vector.load %arg3[%get3A_9, %get3A_10] : memref<2000x4xf32, #tpu.memory_space<vmem>>, vector<2000x1xf32>
    %broadcast_in_dim3A_12 = vector.shape_cast %get3A_11 : vector<2000x1xf32> to vector<2000x1xf32>
    %broadcast_in_dim3A_13 = vector.broadcast %broadcast_in_dim3A_12 : vector<2000x1xf32> to vector<2000x64xf32>
    %get3A_14 = arith.constant 0 : index
    %get3A_15 = arith.constant 2 : index
    %get3A_16 = vector.load %arg3[%get3A_14, %get3A_15] : memref<2000x4xf32, #tpu.memory_space<vmem>>, vector<2000x1xf32>
    %broadcast_in_dim3A_17 = vector.shape_cast %get3A_16 : vector<2000x1xf32> to vector<2000x1xf32>
    %broadcast_in_dim3A_18 = vector.broadcast %broadcast_in_dim3A_17 : vector<2000x1xf32> to vector<2000x64xf32>
    %get3A_19 = arith.constant 0 : index
    %get3A_20 = arith.constant 3 : index
    %get3A_21 = vector.load %arg3[%get3A_19, %get3A_20] : memref<2000x4xf32, #tpu.memory_space<vmem>>, vector<2000x1xf32>
    %broadcast_in_dim3A_22 = vector.shape_cast %get3A_21 : vector<2000x1xf32> to vector<2000x1xf32>
    %broadcast_in_dim3A_23 = vector.broadcast %broadcast_in_dim3A_22 : vector<2000x1xf32> to vector<2000x64xf32>
    %concatenate3A_24 = tpu.concatenate %broadcast_in_dim3A_8, %broadcast_in_dim3A_13, %broadcast_in_dim3A_18, %broadcast_in_dim3A_23 in 1 : vector<2000x64xf32>, vector<2000x64xf32>, vector<2000x64xf32>, vector<2000x64xf32> -> vector<2000x256xf32>
    %add3A = arith.constant 1.000000e-16 : f32
    %add3A_25 = vector.broadcast %add3A : f32 to vector<2000x256xf32>
    %add3A_26 = arith.addf %concatenate3A_24, %add3A_25 : vector<2000x256xf32>
    %div3A = arith.divf %concatenate3A, %add3A_26 : vector<2000x256xf32>
    %get3A_27 = arith.constant 0 : index
    %get3A_28 = arith.constant 0 : index
    %get3A_29 = vector.load %arg4[%get3A_27, %get3A_28] : memref<1x256xf32, #tpu.memory_space<vmem>>, vector<1x256xf32>
    %add3A_30 = vector.broadcast %get3A_29 : vector<1x256xf32> to vector<2000x256xf32>
    %add3A_31 = arith.addf %div3A, %add3A_30 : vector<2000x256xf32>
    %swap3A = arith.constant 0 : index
    %swap3A_32 = arith.constant 0 : index
    %swap3A_33 = vector.load %arg13[%swap3A, %swap3A_32] : memref<2000x256xf32, #tpu.memory_space<vmem>>, vector<2000x256xf32>
    tpu.vector_store %arg13[%swap3A, %swap3A_32], %add3A_31 {strides = array<i32>} : memref<2000x256xf32, #tpu.memory_space<vmem>>, vector<2000x256xf32>,
    %max3A = arith.constant 0.000000e+00 : f32
    %max3A_34 = vector.broadcast %max3A : f32 to vector<2000x256xf32>
    %max3A_35 = arith.maximumf %add3A_31, %max3A_34 : vector<2000x256xf32>
    %eq3A = arith.constant 0 : i32
    %eq3A_36 = arith.cmpi eq, %arg0, %eq3A : i32
    %convert_element_type3A = arith.extui %eq3A_36 : i1 to i32
    %cond3A = arith.constant 0 : i32
    %cond3A_37 = arith.cmpi ne, %convert_element_type3A, %cond3A : i32
    scf.if %cond3A_37 {
      %broadcast_in_dim3A_54 = arith.constant 0.000000e+00 : f32
      %broadcast_in_dim3A_55 = vector.broadcast %broadcast_in_dim3A_54 : f32 to vector<8x256xf32>
      %swap3A_56 = arith.constant 0 : index
      %swap3A_57 = arith.constant 0 : index
      %swap3A_58 = vector.load %arg15[%swap3A_56, %swap3A_57] : memref<8x256xf32, #tpu.memory_space<vmem>>, vector<8x256xf32>
      tpu.vector_store %arg15[%swap3A_56, %swap3A_57], %broadcast_in_dim3A_55 {strides = array<i32>} : memref<8x256xf32, #tpu.memory_space<vmem>>, vector<8x256xf32>,
    } else {
    }
    %reduce_max3A = arith.constant dense<0xFF800000> : vector<256xf32>
    %reduce_max3A_38 = vector.multi_reduction <maximumf>, %max3A_35, %reduce_max3A [0] : vector<2000x256xf32> to vector<256xf32>
    %broadcast_in_dim3A_39 = vector.shape_cast %reduce_max3A_38 : vector<256xf32> to vector<1x256xf32>
    %get3A_40 = arith.constant 0 : index
    %get3A_41 = arith.constant 0 : index
    %get3A_42 = vector.load %arg15[%get3A_40, %get3A_41] : memref<8x256xf32, #tpu.memory_space<vmem>>, vector<8x256xf32>
    %broadcast_in_dim3A_43 = vector.shape_cast %broadcast_in_dim3A_39 : vector<1x256xf32> to vector<1x256xf32>
    %broadcast_in_dim3A_44 = vector.broadcast %broadcast_in_dim3A_43 : vector<1x256xf32> to vector<8x256xf32>
    %max3A_45 = arith.maximumf %get3A_42, %broadcast_in_dim3A_44 : vector<8x256xf32>
    %swap3A_46 = arith.constant 0 : index
    %swap3A_47 = arith.constant 0 : index
    %swap3A_48 = vector.load %arg15[%swap3A_46, %swap3A_47] : memref<8x256xf32, #tpu.memory_space<vmem>>, vector<8x256xf32>
    tpu.vector_store %arg15[%swap3A_46, %swap3A_47], %max3A_45 {strides = array<i32>} : memref<8x256xf32, #tpu.memory_space<vmem>>, vector<8x256xf32>,
    %eq3A_49 = arith.constant 4 : i32
    %eq3A_50 = arith.cmpi eq, %arg0, %eq3A_49 : i32
    %convert_element_type3A_51 = arith.extui %eq3A_50 : i1 to i32
    %cond3A_52 = arith.constant 0 : i32
    %cond3A_53 = arith.cmpi ne, %convert_element_type3A_51, %cond3A_52 : i32
    scf.if %cond3A_53 {
      %get3A_54 = arith.constant 0 : index
      %get3A_55 = arith.constant 0 : index
      %get3A_56 = vector.load %arg15[%get3A_54, %get3A_55] : memref<8x256xf32, #tpu.memory_space<vmem>>, vector<8x256xf32>
      %reduce_max3A_57 = arith.constant dense<0xFF800000> : vector<256xf32>
      %reduce_max3A_58 = vector.multi_reduction <maximumf>, %get3A_56, %reduce_max3A_57 [0] : vector<8x256xf32> to vector<256xf32>
      %broadcast_in_dim3A_59 = vector.shape_cast %reduce_max3A_58 : vector<256xf32> to vector<1x256xf32>
      %get3A_60 = arith.constant 0 : index
      %get3A_61 = arith.constant 0 : index
      %get3A_62 = vector.load %arg5[%get3A_60, %get3A_61] : memref<256x64xf32, #tpu.memory_space<vmem>>, vector<256x64xf32>
      %dot_general3A = arith.constant dense<0.000000e+00> : vector<1x64xf32>
      %dot_general3A_63 = tpu.matmul %broadcast_in_dim3A_59, %get3A_62, %dot_general3A {dimension_numbers = #tpu.dot_dimension_numbers<[1], [0], [0], [1], [0, 0, 1, 1], [], []>, precision = #tpu.contract_precision<fp32>, transpose_lhs_hint = false} : vector<1x256xf32>, vector<256x64xf32>, vector<1x64xf32> -> vector<1x64xf32>
      %get3A_64 = arith.constant 0 : index
      %get3A_65 = arith.constant 0 : index
      %get3A_66 = vector.load %arg6[%get3A_64, %get3A_65] : memref<1x64xf32, #tpu.memory_space<vmem>>, vector<1x64xf32>
      %add3A_67 = arith.addf %dot_general3A_63, %get3A_66 : vector<1x64xf32>
      %max3A_68 = arith.constant 0.000000e+00 : f32
      %max3A_69 = vector.broadcast %max3A_68 : f32 to vector<1x64xf32>
      %max3A_70 = arith.maximumf %add3A_67, %max3A_69 : vector<1x64xf32>
      %get3A_71 = arith.constant 0 : index
      %get3A_72 = arith.constant 0 : index
      %get3A_73 = vector.load %arg7[%get3A_71, %get3A_72] : memref<64x64xf32, #tpu.memory_space<vmem>>, vector<64x64xf32>
      %dot_general3A_74 = arith.constant dense<0.000000e+00> : vector<1x64xf32>
      %dot_general3A_75 = tpu.matmul %max3A_70, %get3A_73, %dot_general3A_74 {dimension_numbers = #tpu.dot_dimension_numbers<[1], [0], [0], [1], [0, 0, 1, 1], [], []>, precision = #tpu.contract_precision<fp32>, transpose_lhs_hint = false} : vector<1x64xf32>, vector<64x64xf32>, vector<1x64xf32> -> vector<1x64xf32>
      %get3A_76 = arith.constant 0 : index
      %get3A_77 = arith.constant 0 : index
      %get3A_78 = vector.load %arg8[%get3A_76, %get3A_77] : memref<1x64xf32, #tpu.memory_space<vmem>>, vector<1x64xf32>
      %add3A_79 = arith.addf %dot_general3A_75, %get3A_78 : vector<1x64xf32>
      %max3A_80 = arith.constant 0.000000e+00 : f32
      %max3A_81 = vector.broadcast %max3A_80 : f32 to vector<1x64xf32>
      %max3A_82 = arith.maximumf %add3A_79, %max3A_81 : vector<1x64xf32>
      %get3A_83 = arith.constant 0 : index
      %get3A_84 = arith.constant 0 : index
      %get3A_85 = vector.load %arg9[%get3A_83, %get3A_84] : memref<64x64xf32, #tpu.memory_space<vmem>>, vector<64x64xf32>
      %dot_general3A_86 = arith.constant dense<0.000000e+00> : vector<1x64xf32>
      %dot_general3A_87 = tpu.matmul %max3A_82, %get3A_85, %dot_general3A_86 {dimension_numbers = #tpu.dot_dimension_numbers<[1], [0], [0], [1], [0, 0, 1, 1], [], []>, precision = #tpu.contract_precision<fp32>, transpose_lhs_hint = false} : vector<1x64xf32>, vector<64x64xf32>, vector<1x64xf32> -> vector<1x64xf32>
      %get3A_88 = arith.constant 0 : index
      %get3A_89 = arith.constant 0 : index
      %get3A_90 = vector.load %arg10[%get3A_88, %get3A_89] : memref<1x64xf32, #tpu.memory_space<vmem>>, vector<1x64xf32>
      %add3A_91 = arith.addf %dot_general3A_87, %get3A_90 : vector<1x64xf32>
      %max3A_92 = arith.constant 0.000000e+00 : f32
      %max3A_93 = vector.broadcast %max3A_92 : f32 to vector<1x64xf32>
      %max3A_94 = arith.maximumf %add3A_91, %max3A_93 : vector<1x64xf32>
      %get3A_95 = arith.constant 0 : index
      %get3A_96 = arith.constant 0 : index
      %get3A_97 = vector.load %arg11[%get3A_95, %get3A_96] : memref<64x128xf32, #tpu.memory_space<vmem>>, vector<64x128xf32>
      %dot_general3A_98 = arith.constant dense<0.000000e+00> : vector<1x128xf32>
      %dot_general3A_99 = tpu.matmul %max3A_94, %get3A_97, %dot_general3A_98 {dimension_numbers = #tpu.dot_dimension_numbers<[1], [0], [0], [1], [0, 0, 1, 1], [], []>, precision = #tpu.contract_precision<fp32>, transpose_lhs_hint = false} : vector<1x64xf32>, vector<64x128xf32>, vector<1x128xf32> -> vector<1x128xf32>
      %get3A_100 = arith.constant 0 : index
      %get3A_101 = arith.constant 0 : index
      %get3A_102 = vector.load %arg12[%get3A_100, %get3A_101] : memref<1x128xf32, #tpu.memory_space<vmem>>, vector<1x128xf32>
      %add3A_103 = arith.addf %dot_general3A_99, %get3A_102 : vector<1x128xf32>
      %swap3A_104 = arith.constant 0 : index
      %swap3A_105 = arith.constant 0 : index
      %swap3A_106 = vector.load %arg14[%swap3A_104, %swap3A_105] : memref<1x128xf32, #tpu.memory_space<vmem>>, vector<1x128xf32>
      tpu.vector_store %arg14[%swap3A_104, %swap3A_105], %add3A_103 {strides = array<i32>} : memref<1x128xf32, #tpu.memory_space<vmem>>, vector<1x128xf32>,
    } else {
    }
    return
  }
  func.func @transform_0(%arg0: i32) -> (i32, i32) {
    %c0_i32 = arith.constant 0 : i32
    %c0_i32_0 = arith.constant 0 : i32
    return %arg0, %c0_i32 : i32, i32
  }
  func.func @transform_1(%arg0: i32) -> (i32, i32) {
    %c0_i32 = arith.constant 0 : i32
    %c0_i32_0 = arith.constant 0 : i32
    return %arg0, %c0_i32 : i32, i32
  }
  func.func @transform_2(%arg0: i32) -> (i32, i32) {
    %c0_i32 = arith.constant 0 : i32
    %c0_i32_0 = arith.constant 0 : i32
    return %arg0, %c0_i32 : i32, i32
  }
  func.func @transform_3(%arg0: i32) -> (i32, i32) {
    %c0_i32 = arith.constant 0 : i32
    %c0_i32_0 = arith.constant 0 : i32
    %c0_i32_1 = arith.constant 0 : i32
    return %c0_i32, %c0_i32_0 : i32, i32
  }
  func.func @transform_4(%arg0: i32) -> (i32, i32) {
    %c0_i32 = arith.constant 0 : i32
    %c0_i32_0 = arith.constant 0 : i32
    %c0_i32_1 = arith.constant 0 : i32
    return %c0_i32, %c0_i32_0 : i32, i32
  }
  func.func @transform_5(%arg0: i32) -> (i32, i32) {
    %c0_i32 = arith.constant 0 : i32
    %c0_i32_0 = arith.constant 0 : i32
    %c0_i32_1 = arith.constant 0 : i32
    return %c0_i32, %c0_i32_0 : i32, i32
  }
  func.func @transform_6(%arg0: i32) -> (i32, i32) {
    %c0_i32 = arith.constant 0 : i32
    %c0_i32_0 = arith.constant 0 : i32
    %c0_i32_1 = arith.constant 0 : i32
    return %c0_i32, %c0_i32_0 : i32, i32
  }
  func.func @transform_7(%arg0: i32) -> (i32, i32) {
    %c0_i32 = arith.constant 0 : i32
    %c0_i32_0 = arith.constant 0 : i32
    %c0_i32_1 = arith.constant 0 : i32
    return %c0_i32, %c0_i32_0 : i32, i32
  }
  func.func @transform_8(%arg0: i32) -> (i32, i32) {
    %c0_i32 = arith.constant 0 : i32
    %c0_i32_0 = arith.constant 0 : i32
    %c0_i32_1 = arith.constant 0 : i32
    return %c0_i32, %c0_i32_0 : i32, i32
  }
  func.func @transform_9(%arg0: i32) -> (i32, i32) {
    %c0_i32 = arith.constant 0 : i32
    %c0_i32_0 = arith.constant 0 : i32
    %c0_i32_1 = arith.constant 0 : i32
    return %c0_i32, %c0_i32_0 : i32, i32
  }
  func.func @transform_10(%arg0: i32) -> (i32, i32) {
    %c0_i32 = arith.constant 0 : i32
    %c0_i32_0 = arith.constant 0 : i32
    %c0_i32_1 = arith.constant 0 : i32
    return %c0_i32, %c0_i32_0 : i32, i32
  }
  func.func @transform_11(%arg0: i32) -> (i32, i32) {
    %c0_i32 = arith.constant 0 : i32
    %c0_i32_0 = arith.constant 0 : i32
    %c0_i32_1 = arith.constant 0 : i32
    return %c0_i32, %c0_i32_0 : i32, i32
  }
  func.func @transform_12(%arg0: i32) -> (i32, i32) {
    %c0_i32 = arith.constant 0 : i32
    %c0_i32_0 = arith.constant 0 : i32
    return %arg0, %c0_i32 : i32, i32
  }
  func.func @transform_13(%arg0: i32) -> (i32, i32) {
    %c0_i32 = arith.constant 0 : i32
    %c0_i32_0 = arith.constant 0 : i32
    %c0_i32_1 = arith.constant 0 : i32
    return %c0_i32, %c0_i32_0 : i32, i32
  }
}

</mosaic_0001>

<sc_bundles>
// kernel: kernel.12.cloned.1.call-start
scs
__scs_entry_jumppad:
0x0: {  	(pc) =	sbr.rel $0x88, $3  }
0x1: {  	(tag) =	ssettag $0x0;
	lr =	simm.s32 $0x1  }
0x2: {  	[smem:$0x3F7D] =	sst lr;
	_ =	strace $0xD0000000  }
0x3: {  	_ = 	snop  }
0x4: {  	_ = 	snop  }
0x5: {  	_ = 	snop  }
0x6: {  	_ = 	snop  }
0x7: {  	_ = 	snop  }
__scs_overlays_trampoline_lowered:
0x8: {  	[smem:$0x3F8C] =	sst s0  }
0x9: {  	[smem:$0x3F8D] =	sst s1  }
0xa: {  	[smem:$0x3F8E] =	sst s2  }
0xb: {  	[smem:$0x3F8F] =	sst s3  }
0xc: {  	[smem:$0x3F90] =	sst s4  }
0xd: {  	[smem:$0x3F91] =	sst s5  }
0xe: {  	[smem:$0x3F92] =	sst s6  }
0xf: {  	[smem:$0x3F93] =	sst s7  }
0x10: {  	[smem:$0x3F94] =	sst s8  }
0x11: {  	[smem:$0x3F95] =	sst s9;
	s0 =	simm.s32 @!p0 $0x0  }
0x12: {  	s1 =	sld [smem:$0x3F7B];
	s0 =	simm.s32 @p0 $0x1  }
0x13: {  	[smem:$0x3F96] =	sst s0;
	s0 =	simm.s32 @!p1 $0x0  }
0x14: {  	s2 =	sld [smem:$0x3F7A];
	s0 =	simm.s32 @p1 $0x1  }
0x15: {  	[smem:$0x3F97] =	sst s0;
	s0 =	simm.s32 @!p2 $0x0  }
0x16: {  	s3 =	sld [smem:$0x3FDB];
	s0 =	simm.s32 @p2 $0x1  }
0x17: {  	s4 =	simm.s32 $0x1BF5;
	[smem:$0x3F99] =	sst s0  }
0x18: {  	s0 =	sld [smem:$0x3F7C];
	_ =	swait.ge [sflag:s4], $0x0  }
0x19: {  	s7 =	sld [smem:$0x3F7D]  }
0x1a: {  	s8 =	sadd.s32 $0xFFFFE003, lr  }
0x1b: {  	s9 =	sadd.s32 $0xFFFFFEF7, lr;
	s5 =	simm.s32 $0xFFFFFFFF;
	p2 =	slt.u32 s8, $0xFFFFF086  }
0x1c: {  	p1 =	slt.u32 s9, $0xF7A;
	s5 =	simm.s32 @!p2 $0x0  }
0x1d: {  	s5 =	simm.s32 @p1 $0x1;
	p0 =	seq.s32 s7, s2  }
0x1e: {  	s7 =	smul.u32 @!p0 $0xF7A, s2;
	p2 =	seq.s32 @!p0 s5, $0x0  }
0x1f: {  	s9 =	smul.u32 $0xF7A, s1;
	s8 =	simm.s32 @!p0 $0x1BF5;
	p2 =	por !p2, p0  }
0x20: {  	[sflag:s8] =	ssyncset.s32 @!p0 $0xFFFFF086;
	s6 =	sadd.s32 @!p0 s3, s7;
	s7 =	simm.s32 @!p0 $0x108  }
0x21: {  	s3 =	sadd.s32 s3, s9;
	s6 =	sadd.s32 @!p0 $0x88, s6;
	s7 =	simm.s32 @p2 $0x1082  }
0x22: {  	[simem:s7], [sflag:s8] =	dma.local @!p0 [hbm:s6], $0xF7A  }
0x23: {  	s9 =	sor.u32 $0xD0000000, s2;
	s6 =	simm.s32 $0x108;
	_ =	swait.ge @!p0 [sflag:s8], $0x0  }
0x24: {  	s3 =	sadd.s32 $0x88, s3;
	s6 =	simm.s32 @!p1 $0x1082;
	[sflag:s4] =	ssyncset.s32 $0xFFFFF086  }
0x25: {  	[simem:s6], [sflag:s4] =	dma.local [hbm:s3], $0xF7A  }
0x26: {  	[smem:$0x3F7D] =	sst s1;
	(tag) =	ssettag s2;
	_ =	strace s9  }
0x27: {  	s1 =	sld [smem:$0x3F8D]  }
0x28: {  	s2 =	sld [smem:$0x3F8E]  }
0x29: {  	s4 =	sld [smem:$0x3F90]  }
0x2a: {  	p0 =	seq.s32 s5, $0x0;
	s5 =	sld [smem:$0x3F91]  }
0x2b: {  	s6 =	sld [smem:$0x3F92]  }
0x2c: {  	s7 =	sld [smem:$0x3F93]  }
0x2d: {  	s3 =	simm.s32 $0x108;
	s8 =	sld [smem:$0x3F94]  }
0x2e: {  	s3 =	simm.s32 @!p0 $0x1082;
	s9 =	sld [smem:$0x3F95]  }
0x2f: {  	lr =	sadd.s32 s0, s3;
	s0 =	sld [smem:$0x3F8C]  }
0x30: {  	s3 =	sld [smem:$0x3F8F]  }
0x31: {  	[smem:$0x3F98] =	sst s10  }
0x32: {  	s10 =	sld [smem:$0x3F96];
	_ =	sdelay $0x3  }
0x33: {  	p0 =	seq.s32 s10, $0x1;
	s10 =	sld [smem:$0x3F98];
	_ =	sdelay $0x3  }
0x34: {  	[smem:$0x3F98] =	sst s10  }
0x35: {  	s10 =	sld [smem:$0x3F97];
	_ =	sdelay $0x3  }
0x36: {  	p1 =	seq.s32 s10, $0x1;
	s10 =	sld [smem:$0x3F98];
	_ =	sdelay $0x3  }
0x37: {  	[smem:$0x3F98] =	sst s10  }
0x38: {  	s10 =	sld [smem:$0x3F99]  }
0x39: {  	_ = 	snop;
	(pc) =	sbr.ind lr, $3  }
0x3a: {  	_ = 	snop  }
0x3b: {  	_ = 	snop  }
0x3c: {  	p2 =	seq.s32 s10, $0x1;
	s10 =	sld [smem:$0x3F98]  }
0x3d: {  	_ =	shalt  }
0x3e: {  	_ =	shalt  }
0x3f: {  	_ =	shalt  }
0x40: {  	_ =	shalt  }
0x41: {  	_ =	shalt  }
0x42: {  	_ =	shalt  }
0x43: {  	_ =	shalt  }
0x44: {  	_ =	shalt  }
0x45: {  	_ =	shalt  }
0x46: {  	_ =	shalt  }
0x47: {  	_ =	shalt  }
0x48: {  	_ =	shalt  }
0x49: {  	_ =	shalt  }
0x4a: {  	_ =	shalt  }
0x4b: {  	_ =	shalt  }
0x4c: {  	_ =	shalt  }
0x4d: {  	_ =	shalt  }
0x4e: {  	_ =	shalt  }
0x4f: {  	_ =	shalt  }
0x50: {  	_ =	shalt  }
0x51: {  	_ =	shalt  }
0x52: {  	_ =	shalt  }
0x53: {  	_ =	shalt  }
0x54: {  	_ =	shalt  }
0x55: {  	_ =	shalt  }
0x56: {  	_ =	shalt  }
0x57: {  	_ =	shalt  }
0x58: {  	_ =	shalt  }
0x59: {  	_ =	shalt  }
0x5a: {  	_ =	shalt  }
0x5b: {  	_ =	shalt  }
0x5c: {  	_ =	shalt  }
0x5d: {  	_ =	shalt  }
0x5e: {  	_ =	shalt  }
0x5f: {  	_ =	shalt  }
0x60: {  	_ =	shalt  }
0x61: {  	_ =	shalt  }
0x62: {  	_ =	shalt  }
0x63: {  	_ =	shalt  }
0x64: {  	_ =	shalt  }
0x65: {  	_ =	shalt  }
0x66: {  	_ =	shalt  }
0x67: {  	_ =	shalt  }
0x68: {  	_ =	shalt  }
0x69: {  	_ =	shalt  }
0x6a: {  	_ =	shalt  }
0x6b: {  	_ =	shalt  }
0x6c: {  	_ =	shalt  }
0x6d: {  	_ =	shalt  }
0x6e: {  	_ =	shalt  }
0x6f: {  	_ =	shalt  }
0x70: {  	_ =	shalt  }
0x71: {  	_ =	shalt  }
0x72: {  	_ =	shalt  }
0x73: {  	_ =	shalt  }
0x74: {  	_ =	shalt  }
0x75: {  	_ =	shalt  }
0x76: {  	_ =	shalt  }
0x77: {  	_ =	shalt  }
0x78: {  	_ =	shalt  }
0x79: {  	_ =	shalt  }
0x7a: {  	_ =	shalt  }
0x7b: {  	_ =	shalt  }
0x7c: {  	_ =	shalt  }
0x7d: {  	_ =	shalt  }
0x7e: {  	_ =	shalt  }
0x7f: {  	_ =	shalt  }
0x80: {  	_ =	shalt  }
0x81: {  	_ =	shalt  }
0x82: {  	_ =	shalt  }
0x83: {  	_ =	shalt  }
0x84: {  	_ =	shalt  }
0x85: {  	_ =	shalt  }
0x86: {  	_ =	shalt  }
0x87: {  	_ =	shalt  }
.Lfunc_end0:
.L_simem_size_0:
called_computation_lowered:
.L_overlay_start_0:
0x88: {  	s2 =	sld [smem:$0x3FD9]  }
0x89: {  	s3 =	sld [smem:$0x3FFE];
	_ =	sdelay $0x1  }
0x8a: {  	s1 =	srdreg.scid  }
0x8b: {  	s0 =	sand.u32 $0x1, s1  }
0x8c: {  	s14 =	sshll.u32 s0, $0xA;
	s2 =	sadd.s32 s3, s2  }
0x8d: {  	s2 =	sadd.s32 s2, s14  }
0x8e: {  	[smem:$0x3FA4] =	sst s2  }
0x8f: {  	_ = 	snop  }
0x90: {  	s2 =	sld [smem:$0x3FD0];
	_ =	sdelay $0x2  }
0x91: {  	s15 =	simm.s32 $0xA;
	s4 =	simm.s32 $0x10  }
0x92: {  	[smem:s4], [sflag:s15] =	dma.local [hbm:s2], $0x1  }
0x93: {  	_ =	swait.eq [sflag:s15], $0x1  }
0x94: {  	[sflag:s15] =	ssyncset.done $0x0  }
0x95: {  	[sflag:s15] =	ssyncadd.s32 $0xFFFFFFFF  }
0x96: {  	s16 =	sld [smem:$0x10];
	(tm) =	ssettm $0x1  }
0x97: {  	s17 =	sld [smem:$0x3FFB];
	_ =	sdelay $0x3  }
0x98: {  	_ =	strace s17  }
0x99: {  	s3 =	sld [smem:$0x3FFC];
	_ =	sdelay $0x3  }
0x9a: {  	_ =	strace s3  }
0x9b: {  	s3 =	sld [smem:$0x3FFD];
	_ =	sdelay $0x3  }
0x9c: {  	_ =	strace s3  }
0x9d: {  	_ =	strace $0x8FFFFFFF  }
0x9e: {  	s18 =	sld [smem:$0x3FDB];
	_ =	sdelay $0x1  }
0x9f: {  	s19 =	simm.s32 $_scs_section_size  }
0xa0: {  	s5 =	simm.s32 $_size__tile_overlayer_lowered;
	s6 =	simm.s32 $_tile_overlayer_lowered  }
0xa1: {  	s22 =	simm.s32 $0x1BFF;
	s21 =	sshll.u32 s6, $0x1;
	s3 =	sadd.s32 s19, s18  }
0xa2: {  	s7 =	simm.s32 $0x0;
	s20 =	sshll.u32 s5, $0x1;
	s5 =	sadd.s32 s21, s3  }
0xa3: {  	[timem:s7], [sflag:s22] =	dma.local [hbm:s5], s20  }
0xa4: {  	_ =	swait.ge [sflag:s22], s20  }
0xa5: {  	s4 =	ssub.s32 $0x0, s20;
	[sflag:s22] =	ssyncset.done $0x0  }
0xa6: {  	[sflag:s22] =	ssyncadd.s32 s4;
	_ =	sdelay $0x1  }
0xa7: {  	s23 =	simm.s32 $0x1B8B  }
0xa8: {  	_ =	swait.ge [sflag:s23], $0x1  }
0xa9: {  	[sflag:s23] =	ssyncset.done $0x0  }
0xaa: {  	s25 =	simm.s32 $0x1B8E;
	s24 =	sld [smem:$0x3FFE];
	[sflag:s23] =	ssyncadd.s32 $0xFFFFFFFF  }
0xab: {  	s26 =	simm.s32 $execute0_lowered;
	[smem:$0x3FD2] =	sst s25  }
0xac: {  	s5 =	sshll.u32 s26, $0x1;
	_ =	strace $0x80000046;
	[dreg:$0x1] =	wrdreg $0xFFFFFFFF  }
0xad: {  	s28 =	simm.s32 $_size_execute0_lowered;
	s3 =	sadd.s32 s3, s5;
	[dreg:$0x0] =	wrdreg $0x0  }
0xae: {  	s5 =	sshll.u32 s28, $0x1;
	[dreg:$0x2] =	wrdreg s3  }
0xaf: {  	[dreg:$0x3] =	wrdreg s5  }
0xb0: {  	[dreg:$0x4] =	wrdreg $0xC0  }
0xb1: {  	_ =	task [dreg:s7], $0x5FFFF  }
0xb2: {  	[dreg:$0x1] =	wrdreg $0xFFFFFFFF  }
0xb3: {  	[dreg:$0x0] =	wrdreg $0x60  }
0xb4: {  	[dreg:$0x2] =	wrdreg s24  }
0xb5: {  	[dreg:$0x3] =	wrdreg s16  }
0xb6: {  	[dreg:$0x4] =	wrdreg $0x59800  }
0xb7: {  	[dreg:$0x5] =	wrdreg $0x9  }
0xb8: {  	_ =	task.clear_ibuf [dreg:s7], $0x6FFFF;
	_ =	strace $0x90000046  }
0xb9: {  	s29 =	simm.s32 $0x9;
	_ =	strace $0x80000048  }
0xba: {  	_ =	swait.ge [sflag:s29], $0x1  }
0xbb: {  	[sflag:s29] =	ssyncadd.s32 $0xFFFFFFFF  }
0xbc: {  	_ =	strace $0x90000048  }
0xbd: {  	_ =	sfence  }
0xbe: {  	s30 =	sld [smem:$0x0];
	_ =	sdelay $0x2  }
0xbf: {  	s31 =	sshll.u32 s1, $0xD;
	s1 =	sshrl.u32 s1, $0x2  }
0xc0: {  	s3 =	sand.u32 $0x4000, s31;
	s1 =	sadd.s32 s1, s30  }
0xc1: {  	s0 =	sor.u32 s3, s0;
	s1 =	sshll.u32 s1, $0x11  }
0xc2: {  	s0 =	sor.u32 s1, s0  }
0xc3: {  	s0 =	sadd.s32 $0x8F2B, s0  }
0xc4: {  	[sflag:s0] =	ssyncadd.remote.s32 $0x1  }
0xc5: {  	_ =	sfence.sel $0xFFFF  }
0xc6: {  	[dreg:$0x0] =	wrdreg $0xFFFFFFFF;
	(pc) =	sbr.abs _section_cstart, $3  }
0xc7: {  	[dreg:$0x1] =	wrdreg $0xFFFFFFFF  }
0xc8: {  	_ =	task.clear_ibuf [dreg:s7], $0x2FFFF;
	_ =	strace $0x9FFFFFFF  }
0xc9: {  	(tm) =	ssettm $0x7FFFFFFF  }
tec
execute0_lowered:
.L_overlay_start_1:
0x0: {  	(tag) =	ssettag $0x1  }
0x1: {  	s0 =	rddreg [dreg:$0x0]  }
0x2: {  	s1 =	rddreg [dreg:$0x2];
	s3 =	simm.s32 $0x0  }
0x3: {  	s15 =	stileid.u32;
	s2 =	srdreg.scid;
	s28 =	simm.s32 $0x80  }
0x4: {  	s29 =	simm.s32 $0x2;
	s30 =	simm.s32 $0x180;
	s4 =	smul.u32 $0x9C40, s15  }
0x5: {  	s31 =	simm.s32 $0x280;
	[smem:$0x7FF] =	sst s3;
	s11 =	smul.u32 $0x4F000, s15  }
0x6: {  	s2 =	sand.u32 $0x1, s2;
	s5 =	sadd.s32 $0x14000, s0;
	s12 =	smul.u32 $0x4E20, s15  }
0x7: {  	s7 =	sadd.s32 $0xA200, s0;
	s10 =	sadd.s32 $0x177200, s0;
	s24 =	smul.u32 $0x2780, s15  }
0x8: {  	s8 =	sadd.s32 $0xBA200, s0;
	s19 =	sadd.s32 $0x163200, s0;
	s26 =	smul.u32 $0x9C4, s15  }
0x9: {  	s15 =	smul.u32 $0xA00, s15;
	_ =	strace $0x80000047;
	[dreg:$0x4] =	wrdreg s10  }
0xa: {  	s6 =	smul.u32 $0x50, s2;
	[dreg:$0x5] =	wrdreg s19;
	s20 =	ssub.s32 $0x2, s2  }
0xb: {  	p0 =	sne.s32 s2, $0x0;
	s2 =	simm.s32 $0x0;
	s9 =	sadd.s32 s4, s0  }
0xc: {  	s4 =	sadd.s32 $0x160A00, s0;
	s21 =	sshrl.u32 s20, $0x1;
	s22 =	sshrl.u32 s11, $0x2  }
0xd: {  	s23 =	sshrl.u32 s12, $0x3;
	[dreg:$0x9] =	wrdreg s24;
	s18 =	sadd.s32 s26, s8  }
0xe: {  	s19 =	sadd.s32 s26, s7;
	s24 =	simm.s32 $0x100;
	s6 =	sadd.s32 s6, s0  }
0xf: {  	s0 =	sadd.s32 $0x16D200, s0;
	s1 =	sadd.s32 s22, s1;
	s25 =	sadd.s32 s5, s23  }
0x10: {  	s12 =	sadd.s32 s7, s23;
	s13 =	sadd.s32 s8, s23;
	s14 =	sadd.s32 $0x1DE00, s9  }
.Ltmp0:
0x11: {  	s17 =	sadd.s32 $0x1DE80, s9;
	[dreg:$0x6] =	wrdreg s0;
	(pc) =	sbr.rel .LBB2_1-.Ltmp0, $4  }
0x12: {  	s22 =	simm.s32 $0x1;
	s23 =	simm.s32 $0x980;
	[dreg:$0x8] =	wrdreg s1  }
0x13: {  	s0 =	ssub.s32 s20, s21;
	s6 =	sadd.s32 $0xC4000, s6;
	[dreg:$0xa] =	wrdreg s25  }
0x14: {  	s20 =	sadd.s32 s26, s5;
	s25 =	simm.s32 $0x200;
	s26 =	simm.s32 $0x300  }
0x15: {  	[dreg:$0x7] =	wrdreg s6;
	s16 =	smax.u32 s0, $0x1;
	s0 =	simm.s32 $0x500  }
.LBB2_7:
0x16: {  	s8 =	sadd.s32 $0x4, s1;
	[sflag:s22] =	ssyncadd.s32 $0xFFFFFE00  }
0x17: {  	[tilespmem:s28], [sflag:$0x2] =	stream.linear.gather [hbm4b:s8+s3], $0x20, $0x38;
	[tilespmem:$0x19580] =	vst v63  }
0x18: {  	_ =	swait.ge [sflag:s29], $0x20  }
0x19: {  	s11 =	sadd.s32 s21, s19;
	[sflag:s29] =	ssyncset.done $0x0  }
0x1a: {  	s9 =	sadd.s32 $0x4, s11;
	[sflag:s29] =	ssyncadd.s32 $0xFFFFFFE0  }
0x1b: {  	[tilespmem:s30], [sflag:$0x2] =	stream.linear.gather [hbm4b:s9+s3], $0x20, $0x38;
	[tilespmem:$0x19580] =	vst v63  }
0x1c: {  	_ =	swait.ge [sflag:s29], $0x20  }
0x1d: {  	s9 =	sadd.s32 s21, s18;
	[sflag:s29] =	ssyncset.done $0x0  }
0x1e: {  	s10 =	sadd.s32 $0x4, s9;
	[sflag:s29] =	ssyncadd.s32 $0xFFFFFFE0  }
0x1f: {  	[tilespmem:s31], [sflag:$0x2] =	stream.linear.gather [hbm4b:s10+s3], $0x30, $0x38;
	[tilespmem:$0x19580] =	vst v63  }
0x20: {  	_ =	swait.ge [sflag:s29], $0x30  }
0x21: {  	[sflag:s29] =	ssyncset.done $0x0  }
0x22: {  	s21 =	sadd.s32 $0xFFFFFFC0, s7;
	[sflag:s29] =	ssyncadd.s32 $0xFFFFFFD0  }
0x23: {  	[tilespmem:s0], [sflag:$0x2] =	stream.linear.gather [hbm4b:s21+s3], $0x200, $0x38;
	[tilespmem:$0x19580] =	vst v63  }
0x24: {  	_ =	swait.ge [sflag:s29], $0x200  }
0x25: {  	[sflag:s29] =	ssyncset.done $0x0  }
0x26: {  	s10 =	sadd.s32 $0x8, s1;
	[sflag:s29] =	ssyncadd.s32 $0xFFFFFE00  }
0x27: {  	[tilespmem:s3], [sflag:$0x2] =	stream.linear.gather [hbm4b:s10+s3], $0x20, $0x38;
	[tilespmem:$0x19580] =	vst v63  }
0x28: {  	_ =	swait.ge [sflag:s29], $0x20  }
0x29: {  	[sflag:s29] =	ssyncset.done $0x0  }
0x2a: {  	s11 =	sadd.s32 $0x8, s11;
	[sflag:s29] =	ssyncadd.s32 $0xFFFFFFE0  }
0x2b: {  	[tilespmem:s24], [sflag:$0x2] =	stream.linear.gather [hbm4b:s11+s3], $0x20, $0x38;
	[tilespmem:$0x19580] =	vst v63  }
0x2c: {  	_ =	swait.ge [sflag:s29], $0x20  }
0x2d: {  	[sflag:s29] =	ssyncset.done $0x0  }
0x2e: {  	s21 =	sadd.s32 $0x8, s9;
	[sflag:s29] =	ssyncadd.s32 $0xFFFFFFE0  }
0x2f: {  	[tilespmem:s25], [sflag:$0x2] =	stream.linear.gather [hbm4b:s21+s3], $0x30, $0x38;
	[tilespmem:$0x19580] =	vst v63  }
0x30: {  	_ =	swait.ge [sflag:s29], $0x30  }
0x31: {  	[sflag:s29] =	ssyncset.done $0x0  }
0x32: {  	[sflag:s29] =	ssyncadd.s32 $0xFFFFFFD0  }
0x33: {  	[tilespmem:s26], [sflag:$0x1] =	stream.linear.gather [hbm4b:s7+s3], $0x200, $0x38;
	[tilespmem:$0x19580] =	vst v63  }
0x34: {  	_ =	swait.ge [sflag:s22], $0x200  }
0x35: {  	[sflag:s22] =	ssyncset.done $0x0;
	s7 =	rddreg [dreg:$0x4]  }
0x36: {  	s1 =	rddreg [dreg:$0x6];
	[sflag:s22] =	ssyncadd.s32 $0xFFFFFE00  }
.LBB2_8:
0x37: {  	s8 =	rddreg [dreg:$0x9]  }
0x38: {  	[bflag:$0x0] =	sbarrier.arrive $0xFFFF;
	s7 =	sadd.s32 s7, s8  }
0x39: {  	[hbm:s7], [sflag:s5] =	dma.local [spmem:s6], $0x2780  }
0x3a: {  	s2 =	sadd.s32 $0x1, s2;
	_ =	swait.ge [sflag:s22], $0x2780  }
0x3b: {  	p1 =	sne.s32 s2, s16;
	[sflag:s22] =	ssyncset.done $0x0  }
.Ltmp1:
0x3c: {  	s1 =	sadd.s32 s1, s15;
	[sflag:s22] =	ssyncadd.s32 $0xFFFFD880;
	(pc) =	sbr.rel @!p1 .LBB2_9-.Ltmp1, $4  }
0x3d: {  	[hbm4b:s1+s3] =	stream.linear.scatter [tilespmem:s23], [sflag:$0x1], $0x5000, $0x38;
	[tilespmem:$0x19580] =	vst v63  }
0x3e: {  	_ =	swait.ge [sflag:s22], $0x5000  }
0x3f: {  	[sflag:s22] =	ssyncset.done $0x0  }
0x40: {  	[sflag:s22] =	ssyncadd.s32 $0xFFFFB000  }
.LBB2_1:
0x41: {  	s1 =	rddreg [dreg:$0x7];
	s5 =	simm.s32 $0x700  }
0x42: {  	[tilespmem:s5], [sflag:$0x1] =	stream.linear.gather [hbm4b:s1+s3], $0x280, $0x38;
	[tilespmem:$0x19580] =	vst v63  }
0x43: {  	_ =	swait.ge [sflag:s22], $0x280  }
0x44: {  	[sflag:s22] =	ssyncset.done $0x0  }
0x45: {  	[sflag:s22] =	ssyncadd.s32 $0xFFFFFD80  }
0x46: {  	[tilespmem:s23], [sflag:$0x1] =	stream.linear.gather [hbm4b:s4+s3], $0x5000, $0x38;
	[tilespmem:$0x19580] =	vst v63  }
0x47: {  	s10 =	stileid.u32;
	_ =	swait.ge [sflag:s22], $0x5000  }
0x48: {  	s1 =	sshll.u32 s10, $0x6;
	[sflag:s22] =	ssyncset.done $0x0;
	s11 =	rddreg [dreg:$0x8]  }
0x49: {  	s5 =	sor.u32 $0x1C01, s1;
	[sflag:s22] =	ssyncadd.s32 $0xFFFFB000;
	s6 =	sshrl.u32 s11, $0x3  }
0x4a: {  	[spmem:s6], [sflag:s5] =	dma.local [hbm:s4], $0x2780  }
0x4b: {  	_ =	swait.ge [sflag:s22], $0x2780  }
0x4c: {  	[sflag:s22] =	ssyncset.done $0x0  }
0x4d: {  	[sflag:s22] =	ssyncadd.s32 $0xFFFFD880  }
0x4e: {  	[bflag:$0x0] =	sbarrier.arrive $0xFFFF  }
0x4f: {  	s21 =	rddreg [dreg:$0xa]  }
0x50: {  	[tilespmem:s3], [sflag:$0x1] =	stream.linear.gather [hbm4b:s21+s3], $0x20, $0x38;
	[tilespmem:$0x19580] =	vst v63  }
0x51: {  	_ =	swait.ge [sflag:s22], $0x20  }
0x52: {  	[sflag:s22] =	ssyncset.done $0x0  }
0x53: {  	[sflag:s22] =	ssyncadd.s32 $0xFFFFFFE0  }
0x54: {  	[tilespmem:s24], [sflag:$0x1] =	stream.linear.gather [hbm4b:s12+s3], $0x20, $0x38;
	[tilespmem:$0x19580] =	vst v63  }
0x55: {  	_ =	swait.ge [sflag:s22], $0x20  }
0x56: {  	[sflag:s22] =	ssyncset.done $0x0  }
0x57: {  	[sflag:s22] =	ssyncadd.s32 $0xFFFFFFE0  }
0x58: {  	[tilespmem:s25], [sflag:$0x1] =	stream.linear.gather [hbm4b:s13+s3], $0x30, $0x38;
	[tilespmem:$0x19580] =	vst v63  }
0x59: {  	_ =	swait.ge [sflag:s22], $0x30  }
0x5a: {  	[sflag:s22] =	ssyncset.done $0x0  }
.Ltmp2:
0x5b: {  	[sflag:s22] =	ssyncadd.s32 $0xFFFFFFD0;
	(pc) =	sbr.rel @p0 .LBB2_5-.Ltmp2, $4  }
0x5c: {  	[tilespmem:s26], [sflag:$0x1] =	stream.linear.gather [hbm4b:s14+s3], $0x200, $0x38;
	[tilespmem:$0x19580] =	vst v63  }
0x5d: {  	_ =	swait.ge [sflag:s22], $0x200  }
0x5e: {  	s1 =	sadd.s32 $0x0, s20;
	[sflag:s22] =	ssyncset.done $0x0  }
0x5f: {  	s7 =	sadd.s32 $0x4, s1;
	[sflag:s22] =	ssyncadd.s32 $0xFFFFFE00  }
0x60: {  	[tilespmem:s28], [sflag:$0x2] =	stream.linear.gather [hbm4b:s7+s3], $0x20, $0x38;
	[tilespmem:$0x19580] =	vst v63  }
0x61: {  	_ =	swait.ge [sflag:s29], $0x20  }
0x62: {  	s11 =	sadd.s32 $0x0, s19;
	[sflag:s29] =	ssyncset.done $0x0  }
0x63: {  	s8 =	sadd.s32 $0x4, s11;
	[sflag:s29] =	ssyncadd.s32 $0xFFFFFFE0  }
0x64: {  	[tilespmem:s30], [sflag:$0x2] =	stream.linear.gather [hbm4b:s8+s3], $0x20, $0x38;
	[tilespmem:$0x19580] =	vst v63  }
0x65: {  	_ =	swait.ge [sflag:s29], $0x20  }
0x66: {  	s21 =	sadd.s32 $0x0, s18;
	[sflag:s29] =	ssyncset.done $0x0  }
0x67: {  	s9 =	sadd.s32 $0x4, s21;
	[sflag:s29] =	ssyncadd.s32 $0xFFFFFFE0  }
0x68: {  	[tilespmem:s31], [sflag:$0x2] =	stream.linear.gather [hbm4b:s9+s3], $0x30, $0x38;
	[tilespmem:$0x19580] =	vst v63  }
0x69: {  	_ =	swait.ge [sflag:s29], $0x30  }
0x6a: {  	[sflag:s29] =	ssyncset.done $0x0  }
0x6b: {  	s10 =	sadd.s32 $0xFFFFFFC0, s17;
	[sflag:s29] =	ssyncadd.s32 $0xFFFFFFD0  }
0x6c: {  	[tilespmem:s0], [sflag:$0x2] =	stream.linear.gather [hbm4b:s10+s3], $0x200, $0x38;
	[tilespmem:$0x19580] =	vst v63  }
0x6d: {  	_ =	swait.ge [sflag:s29], $0x200  }
0x6e: {  	[sflag:s29] =	ssyncset.done $0x0  }
0x6f: {  	s1 =	sadd.s32 $0x8, s1;
	[sflag:s29] =	ssyncadd.s32 $0xFFFFFE00  }
0x70: {  	[tilespmem:s3], [sflag:$0x2] =	stream.linear.gather [hbm4b:s1+s3], $0x20, $0x38;
	[tilespmem:$0x19580] =	vst v63  }
0x71: {  	_ =	swait.ge [sflag:s29], $0x20  }
0x72: {  	[sflag:s29] =	ssyncset.done $0x0  }
0x73: {  	s11 =	sadd.s32 $0x8, s11;
	[sflag:s29] =	ssyncadd.s32 $0xFFFFFFE0  }
0x74: {  	[tilespmem:s24], [sflag:$0x2] =	stream.linear.gather [hbm4b:s11+s3], $0x20, $0x38;
	[tilespmem:$0x19580] =	vst v63  }
0x75: {  	_ =	swait.ge [sflag:s29], $0x20  }
0x76: {  	[sflag:s29] =	ssyncset.done $0x0  }
0x77: {  	s21 =	sadd.s32 $0x8, s21;
	[sflag:s29] =	ssyncadd.s32 $0xFFFFFFE0  }
0x78: {  	[tilespmem:s25], [sflag:$0x2] =	stream.linear.gather [hbm4b:s21+s3], $0x30, $0x38;
	[tilespmem:$0x19580] =	vst v63  }
0x79: {  	_ =	swait.ge [sflag:s29], $0x30  }
0x7a: {  	[sflag:s29] =	ssyncset.done $0x0  }
0x7b: {  	[sflag:s29] =	ssyncadd.s32 $0xFFFFFFD0  }
0x7c: {  	[tilespmem:s26], [sflag:$0x1] =	stream.linear.gather [hbm4b:s17+s3], $0x200, $0x38;
	[tilespmem:$0x19580] =	vst v63  }
0x7d: {  	s7 =	sadd.s32 $0x80, s17;
	s8 =	simm.s32 $0x10;
	_ =	swait.ge [sflag:s22], $0x200  }
0x7e: {  	s1 =	sadd.s32 $0x8, s20;
	s21 =	simm.s32 $0x8;
	[sflag:s22] =	ssyncset.done $0x0  }
.LBB2_3:
0x7f: {  	s10 =	sadd.s32 $0x4, s1  }
0x80: {  	[sflag:s22] =	ssyncadd.s32 $0xFFFFFE00;
	s11 =	smov.u32 s8;
	s9 =	sadd.s32 $0x8, s8  }
0x81: {  	[tilespmem:s28], [sflag:$0x2] =	stream.linear.gather [hbm4b:s10+s3], $0x20, $0x38;
	[tilespmem:$0x19580] =	vst v63  }
0x82: {  	p1 =	seq.s32 s8, $0x9B8;
	_ =	swait.ge [sflag:s29], $0x20  }
0x83: {  	s8 =	sadd.s32 s21, s19;
	[sflag:s29] =	ssyncset.done $0x0  }
0x84: {  	s10 =	sadd.s32 $0x4, s8;
	[sflag:s29] =	ssyncadd.s32 $0xFFFFFFE0  }
0x85: {  	[tilespmem:s30], [sflag:$0x2] =	stream.linear.gather [hbm4b:s10+s3], $0x20, $0x38;
	[tilespmem:$0x19580] =	vst v63  }
0x86: {  	_ =	swait.ge [sflag:s29], $0x20  }
0x87: {  	s10 =	sadd.s32 s21, s18;
	s21 =	smov.u32 s11;
	[sflag:s29] =	ssyncset.done $0x0  }
0x88: {  	s11 =	sadd.s32 $0x4, s10;
	[sflag:s29] =	ssyncadd.s32 $0xFFFFFFE0  }
0x89: {  	[tilespmem:s31], [sflag:$0x2] =	stream.linear.gather [hbm4b:s11+s3], $0x30, $0x38;
	[tilespmem:$0x19580] =	vst v63  }
0x8a: {  	_ =	swait.ge [sflag:s29], $0x30  }
0x8b: {  	[sflag:s29] =	ssyncset.done $0x0  }
0x8c: {  	s11 =	sadd.s32 $0xFFFFFFC0, s7;
	[sflag:s29] =	ssyncadd.s32 $0xFFFFFFD0  }
0x8d: {  	[tilespmem:s0], [sflag:$0x2] =	stream.linear.gather [hbm4b:s11+s3], $0x200, $0x38;
	[tilespmem:$0x19580] =	vst v63  }
0x8e: {  	_ =	swait.ge [sflag:s29], $0x200  }
0x8f: {  	[sflag:s29] =	ssyncset.done $0x0  }
0x90: {  	s1 =	sadd.s32 $0x8, s1;
	[sflag:s29] =	ssyncadd.s32 $0xFFFFFE00  }
0x91: {  	[tilespmem:s3], [sflag:$0x2] =	stream.linear.gather [hbm4b:s1+s3], $0x20, $0x38;
	[tilespmem:$0x19580] =	vst v63  }
0x92: {  	_ =	swait.ge [sflag:s29], $0x20  }
0x93: {  	[sflag:s29] =	ssyncset.done $0x0  }
0x94: {  	s1 =	sadd.s32 $0x8, s8;
	[sflag:s29] =	ssyncadd.s32 $0xFFFFFFE0  }
0x95: {  	[tilespmem:s24], [sflag:$0x2] =	stream.linear.gather [hbm4b:s1+s3], $0x20, $0x38;
	[tilespmem:$0x19580] =	vst v63  }
0x96: {  	_ =	swait.ge [sflag:s29], $0x20  }
0x97: {  	[sflag:s29] =	ssyncset.done $0x0  }
0x98: {  	s1 =	sadd.s32 $0x8, s10;
	[sflag:s29] =	ssyncadd.s32 $0xFFFFFFE0  }
0x99: {  	[tilespmem:s25], [sflag:$0x2] =	stream.linear.gather [hbm4b:s1+s3], $0x30, $0x38;
	[tilespmem:$0x19580] =	vst v63  }
0x9a: {  	_ =	swait.ge [sflag:s29], $0x30  }
.Ltmp3:
0x9b: {  	[sflag:s29] =	ssyncset.done $0x0;
	(pc) =	sbr.rel @!p1 .LBB2_3-.Ltmp3, $4  }
0x9c: {  	[sflag:s29] =	ssyncadd.s32 $0xFFFFFFD0  }
0x9d: {  	[tilespmem:s26], [sflag:$0x1] =	stream.linear.gather [hbm4b:s7+s3], $0x200, $0x38;
	[tilespmem:$0x19580] =	vst v63  }
0x9e: {  	s8 =	smov.u32 s9;
	_ =	swait.ge [sflag:s22], $0x200  }
0x9f: {  	s1 =	sadd.s32 s21, s20;
	s7 =	sadd.s32 $0x80, s7;
	[sflag:s22] =	ssyncset.done $0x0  }
0xa0: {  	s8 =	sadd.s32 $0x4, s1;
	[sflag:s22] =	ssyncadd.s32 $0xFFFFFE00  }
0xa1: {  	[tilespmem:s28], [sflag:$0x2] =	stream.linear.gather [hbm4b:s8+s3], $0x20, $0x38;
	[tilespmem:$0x19580] =	vst v63  }
0xa2: {  	_ =	swait.ge [sflag:s29], $0x20  }
0xa3: {  	s11 =	sadd.s32 s21, s19;
	[sflag:s29] =	ssyncset.done $0x0  }
0xa4: {  	s9 =	sadd.s32 $0x4, s11;
	[sflag:s29] =	ssyncadd.s32 $0xFFFFFFE0  }
0xa5: {  	[tilespmem:s30], [sflag:$0x2] =	stream.linear.gather [hbm4b:s9+s3], $0x20, $0x38;
	[tilespmem:$0x19580] =	vst v63  }
0xa6: {  	_ =	swait.ge [sflag:s29], $0x20  }
0xa7: {  	s9 =	sadd.s32 s21, s18;
	[sflag:s29] =	ssyncset.done $0x0  }
0xa8: {  	s10 =	sadd.s32 $0x4, s9;
	[sflag:s29] =	ssyncadd.s32 $0xFFFFFFE0  }
0xa9: {  	[tilespmem:s31], [sflag:$0x2] =	stream.linear.gather [hbm4b:s10+s3], $0x30, $0x38;
	[tilespmem:$0x19580] =	vst v63  }
0xaa: {  	_ =	swait.ge [sflag:s29], $0x30  }
0xab: {  	[sflag:s29] =	ssyncset.done $0x0  }
0xac: {  	s21 =	sadd.s32 $0xFFFFFFC0, s7;
	[sflag:s29] =	ssyncadd.s32 $0xFFFFFFD0  }
0xad: {  	[tilespmem:s0], [sflag:$0x2] =	stream.linear.gather [hbm4b:s21+s3], $0x200, $0x38;
	[tilespmem:$0x19580] =	vst v63  }
0xae: {  	_ =	swait.ge [sflag:s29], $0x200  }
0xaf: {  	[sflag:s29] =	ssyncset.done $0x0  }
0xb0: {  	s10 =	sadd.s32 $0x8, s1;
	[sflag:s29] =	ssyncadd.s32 $0xFFFFFE00  }
0xb1: {  	[tilespmem:s3], [sflag:$0x2] =	stream.linear.gather [hbm4b:s10+s3], $0x20, $0x38;
	[tilespmem:$0x19580] =	vst v63  }
0xb2: {  	_ =	swait.ge [sflag:s29], $0x20  }
0xb3: {  	[sflag:s29] =	ssyncset.done $0x0  }
0xb4: {  	s11 =	sadd.s32 $0x8, s11;
	[sflag:s29] =	ssyncadd.s32 $0xFFFFFFE0  }
0xb5: {  	[tilespmem:s24], [sflag:$0x2] =	stream.linear.gather [hbm4b:s11+s3], $0x20, $0x38;
	[tilespmem:$0x19580] =	vst v63  }
0xb6: {  	_ =	swait.ge [sflag:s29], $0x20  }
0xb7: {  	[sflag:s29] =	ssyncset.done $0x0  }
0xb8: {  	s21 =	sadd.s32 $0x8, s9;
	[sflag:s29] =	ssyncadd.s32 $0xFFFFFFE0  }
0xb9: {  	[tilespmem:s25], [sflag:$0x2] =	stream.linear.gather [hbm4b:s21+s3], $0x30, $0x38;
	[tilespmem:$0x19580] =	vst v63  }
0xba: {  	_ =	swait.ge [sflag:s29], $0x30  }
0xbb: {  	[sflag:s29] =	ssyncset.done $0x0  }
0xbc: {  	[sflag:s29] =	ssyncadd.s32 $0xFFFFFFD0  }
0xbd: {  	[tilespmem:s26], [sflag:$0x1] =	stream.linear.gather [hbm4b:s7+s3], $0x200, $0x38;
	[tilespmem:$0x19580] =	vst v63  }
.Ltmp4:
0xbe: {  	_ = 	snop;
	(pc) =	sbr.rel .LBB2_8-.Ltmp4, $4  }
0xbf: {  	_ =	swait.ge [sflag:s22], $0x200  }
0xc0: {  	[sflag:s22] =	ssyncset.done $0x0  }
0xc1: {  	s1 =	rddreg [dreg:$0x5];
	[sflag:s22] =	ssyncadd.s32 $0xFFFFFE00  }
0xc2: {  	s7 =	rddreg [dreg:$0x1]  }
.LBB2_5:
0xc3: {  	[tilespmem:s28], [sflag:$0x2] =	stream.linear.gather [hbm4b:s7+s3], $0x20, $0x38;
	[tilespmem:$0x19580] =	vst v63  }
0xc4: {  	_ =	swait.ge [sflag:s29], $0x20  }
0xc5: {  	s11 =	sadd.s32 $0x0, s19;
	[sflag:s29] =	ssyncset.done $0x0  }
0xc6: {  	s8 =	sadd.s32 $0x4, s11;
	[sflag:s29] =	ssyncadd.s32 $0xFFFFFFE0  }
0xc7: {  	[tilespmem:s30], [sflag:$0x2] =	stream.linear.gather [hbm4b:s8+s3], $0x20, $0x38;
	[tilespmem:$0x19580] =	vst v63  }
0xc8: {  	_ =	swait.ge [sflag:s29], $0x20  }
0xc9: {  	s21 =	sadd.s32 $0x0, s18;
	[sflag:s29] =	ssyncset.done $0x0  }
0xca: {  	s9 =	sadd.s32 $0x4, s21;
	[sflag:s29] =	ssyncadd.s32 $0xFFFFFFE0  }
0xcb: {  	[tilespmem:s31], [sflag:$0x2] =	stream.linear.gather [hbm4b:s9+s3], $0x30, $0x38;
	[tilespmem:$0x19580] =	vst v63  }
0xcc: {  	_ =	swait.ge [sflag:s29], $0x30  }
0xcd: {  	[sflag:s29] =	ssyncset.done $0x0  }
0xce: {  	s10 =	sadd.s32 $0xFFFFFFC0, s17;
	[sflag:s29] =	ssyncadd.s32 $0xFFFFFFD0  }
0xcf: {  	[tilespmem:s0], [sflag:$0x2] =	stream.linear.gather [hbm4b:s10+s3], $0x200, $0x38;
	[tilespmem:$0x19580] =	vst v63  }
0xd0: {  	_ =	swait.ge [sflag:s29], $0x200  }
0xd1: {  	[sflag:s29] =	ssyncset.done $0x0  }
0xd2: {  	s1 =	sadd.s32 $0x8, s1;
	[sflag:s29] =	ssyncadd.s32 $0xFFFFFE00  }
0xd3: {  	[tilespmem:s3], [sflag:$0x2] =	stream.linear.gather [hbm4b:s1+s3], $0x20, $0x38;
	[tilespmem:$0x19580] =	vst v63  }
0xd4: {  	_ =	swait.ge [sflag:s29], $0x20  }
0xd5: {  	[sflag:s29] =	ssyncset.done $0x0  }
0xd6: {  	s11 =	sadd.s32 $0x8, s11;
	[sflag:s29] =	ssyncadd.s32 $0xFFFFFFE0  }
0xd7: {  	[tilespmem:s24], [sflag:$0x2] =	stream.linear.gather [hbm4b:s11+s3], $0x20, $0x38;
	[tilespmem:$0x19580] =	vst v63  }
0xd8: {  	_ =	swait.ge [sflag:s29], $0x20  }
0xd9: {  	[sflag:s29] =	ssyncset.done $0x0  }
0xda: {  	s21 =	sadd.s32 $0x8, s21;
	[sflag:s29] =	ssyncadd.s32 $0xFFFFFFE0  }
0xdb: {  	[tilespmem:s25], [sflag:$0x2] =	stream.linear.gather [hbm4b:s21+s3], $0x30, $0x38;
	[tilespmem:$0x19580] =	vst v63  }
0xdc: {  	_ =	swait.ge [sflag:s29], $0x30  }
0xdd: {  	[sflag:s29] =	ssyncset.done $0x0  }
0xde: {  	[sflag:s29] =	ssyncadd.s32 $0xFFFFFFD0  }
0xdf: {  	[tilespmem:s26], [sflag:$0x1] =	stream.linear.gather [hbm4b:s17+s3], $0x200, $0x38;
	[tilespmem:$0x19580] =	vst v63  }
0xe0: {  	s7 =	sadd.s32 $0x80, s17;
	s9 =	simm.s32 $0x10;
	_ =	swait.ge [sflag:s22], $0x200  }
0xe1: {  	s1 =	sadd.s32 $0x8, s20;
	s21 =	simm.s32 $0x8;
	[sflag:s22] =	ssyncset.done $0x0  }
.LBB2_6:
0xe2: {  	s10 =	sadd.s32 $0x4, s1  }
0xe3: {  	[sflag:s22] =	ssyncadd.s32 $0xFFFFFE00;
	s11 =	smov.u32 s9;
	s8 =	sadd.s32 $0x8, s9  }
0xe4: {  	[tilespmem:s28], [sflag:$0x2] =	stream.linear.gather [hbm4b:s10+s3], $0x20, $0x38;
	[tilespmem:$0x19580] =	vst v63  }
0xe5: {  	p1 =	sne.s32 s9, $0x9B8;
	_ =	swait.ge [sflag:s29], $0x20  }
0xe6: {  	s9 =	sadd.s32 s21, s19;
	[sflag:s29] =	ssyncset.done $0x0  }
0xe7: {  	s10 =	sadd.s32 $0x4, s9;
	[sflag:s29] =	ssyncadd.s32 $0xFFFFFFE0  }
0xe8: {  	[tilespmem:s30], [sflag:$0x2] =	stream.linear.gather [hbm4b:s10+s3], $0x20, $0x38;
	[tilespmem:$0x19580] =	vst v63  }
0xe9: {  	_ =	swait.ge [sflag:s29], $0x20  }
0xea: {  	s10 =	sadd.s32 s21, s18;
	s21 =	smov.u32 s11;
	[sflag:s29] =	ssyncset.done $0x0  }
0xeb: {  	s11 =	sadd.s32 $0x4, s10;
	[sflag:s29] =	ssyncadd.s32 $0xFFFFFFE0  }
0xec: {  	[tilespmem:s31], [sflag:$0x2] =	stream.linear.gather [hbm4b:s11+s3], $0x30, $0x38;
	[tilespmem:$0x19580] =	vst v63  }
0xed: {  	_ =	swait.ge [sflag:s29], $0x30  }
0xee: {  	[sflag:s29] =	ssyncset.done $0x0  }
0xef: {  	s11 =	sadd.s32 $0xFFFFFFC0, s7;
	[sflag:s29] =	ssyncadd.s32 $0xFFFFFFD0  }
0xf0: {  	[tilespmem:s0], [sflag:$0x2] =	stream.linear.gather [hbm4b:s11+s3], $0x200, $0x38;
	[tilespmem:$0x19580] =	vst v63  }
0xf1: {  	_ =	swait.ge [sflag:s29], $0x200  }
0xf2: {  	[sflag:s29] =	ssyncset.done $0x0  }
0xf3: {  	s1 =	sadd.s32 $0x8, s1;
	[sflag:s29] =	ssyncadd.s32 $0xFFFFFE00  }
0xf4: {  	[tilespmem:s3], [sflag:$0x2] =	stream.linear.gather [hbm4b:s1+s3], $0x20, $0x38;
	[tilespmem:$0x19580] =	vst v63  }
0xf5: {  	_ =	swait.ge [sflag:s29], $0x20  }
0xf6: {  	[sflag:s29] =	ssyncset.done $0x0  }
0xf7: {  	s1 =	sadd.s32 $0x8, s9;
	[sflag:s29] =	ssyncadd.s32 $0xFFFFFFE0  }
0xf8: {  	[tilespmem:s24], [sflag:$0x2] =	stream.linear.gather [hbm4b:s1+s3], $0x20, $0x38;
	[tilespmem:$0x19580] =	vst v63  }
0xf9: {  	_ =	swait.ge [sflag:s29], $0x20  }
0xfa: {  	[sflag:s29] =	ssyncset.done $0x0  }
0xfb: {  	s1 =	sadd.s32 $0x8, s10;
	[sflag:s29] =	ssyncadd.s32 $0xFFFFFFE0  }
0xfc: {  	[tilespmem:s25], [sflag:$0x2] =	stream.linear.gather [hbm4b:s1+s3], $0x30, $0x38;
	[tilespmem:$0x19580] =	vst v63  }
0xfd: {  	_ =	swait.ge [sflag:s29], $0x30  }
.Ltmp5:
0xfe: {  	[sflag:s29] =	ssyncset.done $0x0;
	(pc) =	sbr.rel @p1 .LBB2_6-.Ltmp5, $4  }
0xff: {  	[sflag:s29] =	ssyncadd.s32 $0xFFFFFFD0  }
0x100: {  	[tilespmem:s26], [sflag:$0x1] =	stream.linear.gather [hbm4b:s7+s3], $0x200, $0x38;
	[tilespmem:$0x19580] =	vst v63  }
0x101: {  	s9 =	smov.u32 s8;
	_ =	swait.ge [sflag:s22], $0x200  }
0x102: {  	s1 =	sadd.s32 s21, s20;
	s7 =	sadd.s32 $0x80, s7;
	[sflag:s22] =	ssyncset.done $0x0  }
.Ltmp6:
0x103: {  	_ = 	snop;
	(pc) =	sbr.rel .LBB2_7-.Ltmp6, $1  }
0x104: {  	_ =	sdelay $0x3  }
.LBB2_9:
0x105: {  	_ =	sfence.sel $0x180000  }
0x106: {  	[bflag:$0x0] =	sbarrier.arrive $0xFFFF  }
0x107: {  	_ =	strace $0x90000047  }
0x108: {  	s0 =	stileid.u32;
	[bflag:$0x2] =	sbarrier.arrive $0xFFFF  }
0x109: {  	p0 =	sne.s32 s0, $0x0;
	s0 =	rddreg [dreg:$0x3]  }
0x10a: {  	s0 =	sadd.s32 @!p0 $0x100000, s0  }
0x10b: {  	[sflag:s0] =	ssyncadd.tile.s32 @!p0 $0x1;
	_ =	shalt  }
.Lfunc_end2:
_tile_overlayer_lowered:
.L_overlay_start_2:
0x10c: {  	(tag) =	ssettag $0x2  }
0x10d: {  	s0 =	rddreg [dreg:$0x0];
	s2 =	stileid.u32  }
0x10e: {  	s1 =	rddreg [dreg:$0x1];
	p0 =	sne.s32 s2, $0x0  }
0x10f: {  	s3 =	rddreg [dreg:$0x2];
	[bflag:$0x3] =	sbarrier.arrive $0xFFFF;
	s2 =	simm.s32 @!p0 $0x1C01  }
0x110: {  	[timem:s3], [sflag:s2] =	dma.local @!p0 [hbm:s0], s1  }
0x111: {  	s0 =	simm.s32 @!p0 $0x1  }
0x112: {  	_ =	swait.ge @!p0 [sflag:s0], s1  }
0x113: {  	s1 =	ssub.s32 @!p0 $0x0, s1;
	[sflag:s0] =	ssyncset.done @!p0 $0x0  }
0x114: {  	[sflag:s0] =	ssyncadd.s32 @!p0 s1  }
0x115: {  	[bflag:$0x3] =	sbarrier.arrive $0xFFFF  }
0x116: {  	_ =	shalt  }

// kernel: kernel.15.cloned.1.call-start
scs
__scs_entry_jumppad:
0x0: {  	(pc) =	sbr.rel $0x88, $3  }
0x1: {  	(tag) =	ssettag $0x0;
	lr =	simm.s32 $0x1  }
0x2: {  	[smem:$0x3F7D] =	sst lr;
	_ =	strace $0xD0000000  }
0x3: {  	_ = 	snop  }
0x4: {  	_ = 	snop  }
0x5: {  	_ = 	snop  }
0x6: {  	_ = 	snop  }
0x7: {  	_ = 	snop  }
__scs_overlays_trampoline_lowered:
0x8: {  	[smem:$0x3F8C] =	sst s0  }
0x9: {  	[smem:$0x3F8D] =	sst s1  }
0xa: {  	[smem:$0x3F8E] =	sst s2  }
0xb: {  	[smem:$0x3F8F] =	sst s3  }
0xc: {  	[smem:$0x3F90] =	sst s4  }
0xd: {  	[smem:$0x3F91] =	sst s5  }
0xe: {  	[smem:$0x3F92] =	sst s6  }
0xf: {  	[smem:$0x3F93] =	sst s7  }
0x10: {  	[smem:$0x3F94] =	sst s8  }
0x11: {  	[smem:$0x3F95] =	sst s9;
	s0 =	simm.s32 @!p0 $0x0  }
0x12: {  	s1 =	sld [smem:$0x3F7B];
	s0 =	simm.s32 @p0 $0x1  }
0x13: {  	[smem:$0x3F96] =	sst s0;
	s0 =	simm.s32 @!p1 $0x0  }
0x14: {  	s2 =	sld [smem:$0x3F7A];
	s0 =	simm.s32 @p1 $0x1  }
0x15: {  	[smem:$0x3F97] =	sst s0;
	s0 =	simm.s32 @!p2 $0x0  }
0x16: {  	s3 =	sld [smem:$0x3FDB];
	s0 =	simm.s32 @p2 $0x1  }
0x17: {  	s4 =	simm.s32 $0x1BF5;
	[smem:$0x3F99] =	sst s0  }
0x18: {  	s0 =	sld [smem:$0x3F7C];
	_ =	swait.ge [sflag:s4], $0x0  }
0x19: {  	s7 =	sld [smem:$0x3F7D]  }
0x1a: {  	s8 =	sadd.s32 $0xFFFFE003, lr  }
0x1b: {  	s9 =	sadd.s32 $0xFFFFFEF7, lr;
	s5 =	simm.s32 $0xFFFFFFFF;
	p2 =	slt.u32 s8, $0xFFFFF086  }
0x1c: {  	p1 =	slt.u32 s9, $0xF7A;
	s5 =	simm.s32 @!p2 $0x0  }
0x1d: {  	s5 =	simm.s32 @p1 $0x1;
	p0 =	seq.s32 s7, s2  }
0x1e: {  	s7 =	smul.u32 @!p0 $0xF7A, s2;
	p2 =	seq.s32 @!p0 s5, $0x0  }
0x1f: {  	s9 =	smul.u32 $0xF7A, s1;
	s8 =	simm.s32 @!p0 $0x1BF5;
	p2 =	por !p2, p0  }
0x20: {  	[sflag:s8] =	ssyncset.s32 @!p0 $0xFFFFF086;
	s6 =	sadd.s32 @!p0 s3, s7;
	s7 =	simm.s32 @!p0 $0x108  }
0x21: {  	s3 =	sadd.s32 s3, s9;
	s6 =	sadd.s32 @!p0 $0x88, s6;
	s7 =	simm.s32 @p2 $0x1082  }
0x22: {  	[simem:s7], [sflag:s8] =	dma.local @!p0 [hbm:s6], $0xF7A  }
0x23: {  	s9 =	sor.u32 $0xD0000000, s2;
	s6 =	simm.s32 $0x108;
	_ =	swait.ge @!p0 [sflag:s8], $0x0  }
0x24: {  	s3 =	sadd.s32 $0x88, s3;
	s6 =	simm.s32 @!p1 $0x1082;
	[sflag:s4] =	ssyncset.s32 $0xFFFFF086  }
0x25: {  	[simem:s6], [sflag:s4] =	dma.local [hbm:s3], $0xF7A  }
0x26: {  	[smem:$0x3F7D] =	sst s1;
	(tag) =	ssettag s2;
	_ =	strace s9  }
0x27: {  	s1 =	sld [smem:$0x3F8D]  }
0x28: {  	s2 =	sld [smem:$0x3F8E]  }
0x29: {  	s4 =	sld [smem:$0x3F90]  }
0x2a: {  	p0 =	seq.s32 s5, $0x0;
	s5 =	sld [smem:$0x3F91]  }
0x2b: {  	s6 =	sld [smem:$0x3F92]  }
0x2c: {  	s7 =	sld [smem:$0x3F93]  }
0x2d: {  	s3 =	simm.s32 $0x108;
	s8 =	sld [smem:$0x3F94]  }
0x2e: {  	s3 =	simm.s32 @!p0 $0x1082;
	s9 =	sld [smem:$0x3F95]  }
0x2f: {  	lr =	sadd.s32 s0, s3;
	s0 =	sld [smem:$0x3F8C]  }
0x30: {  	s3 =	sld [smem:$0x3F8F]  }
0x31: {  	[smem:$0x3F98] =	sst s10  }
0x32: {  	s10 =	sld [smem:$0x3F96];
	_ =	sdelay $0x3  }
0x33: {  	p0 =	seq.s32 s10, $0x1;
	s10 =	sld [smem:$0x3F98];
	_ =	sdelay $0x3  }
0x34: {  	[smem:$0x3F98] =	sst s10  }
0x35: {  	s10 =	sld [smem:$0x3F97];
	_ =	sdelay $0x3  }
0x36: {  	p1 =	seq.s32 s10, $0x1;
	s10 =	sld [smem:$0x3F98];
	_ =	sdelay $0x3  }
0x37: {  	[smem:$0x3F98] =	sst s10  }
0x38: {  	s10 =	sld [smem:$0x3F99]  }
0x39: {  	_ = 	snop;
	(pc) =	sbr.ind lr, $3  }
0x3a: {  	_ = 	snop  }
0x3b: {  	_ = 	snop  }
0x3c: {  	p2 =	seq.s32 s10, $0x1;
	s10 =	sld [smem:$0x3F98]  }
0x3d: {  	_ =	shalt  }
0x3e: {  	_ =	shalt  }
0x3f: {  	_ =	shalt  }
0x40: {  	_ =	shalt  }
0x41: {  	_ =	shalt  }
0x42: {  	_ =	shalt  }
0x43: {  	_ =	shalt  }
0x44: {  	_ =	shalt  }
0x45: {  	_ =	shalt  }
0x46: {  	_ =	shalt  }
0x47: {  	_ =	shalt  }
0x48: {  	_ =	shalt  }
0x49: {  	_ =	shalt  }
0x4a: {  	_ =	shalt  }
0x4b: {  	_ =	shalt  }
0x4c: {  	_ =	shalt  }
0x4d: {  	_ =	shalt  }
0x4e: {  	_ =	shalt  }
0x4f: {  	_ =	shalt  }
0x50: {  	_ =	shalt  }
0x51: {  	_ =	shalt  }
0x52: {  	_ =	shalt  }
0x53: {  	_ =	shalt  }
0x54: {  	_ =	shalt  }
0x55: {  	_ =	shalt  }
0x56: {  	_ =	shalt  }
0x57: {  	_ =	shalt  }
0x58: {  	_ =	shalt  }
0x59: {  	_ =	shalt  }
0x5a: {  	_ =	shalt  }
0x5b: {  	_ =	shalt  }
0x5c: {  	_ =	shalt  }
0x5d: {  	_ =	shalt  }
0x5e: {  	_ =	shalt  }
0x5f: {  	_ =	shalt  }
0x60: {  	_ =	shalt  }
0x61: {  	_ =	shalt  }
0x62: {  	_ =	shalt  }
0x63: {  	_ =	shalt  }
0x64: {  	_ =	shalt  }
0x65: {  	_ =	shalt  }
0x66: {  	_ =	shalt  }
0x67: {  	_ =	shalt  }
0x68: {  	_ =	shalt  }
0x69: {  	_ =	shalt  }
0x6a: {  	_ =	shalt  }
0x6b: {  	_ =	shalt  }
0x6c: {  	_ =	shalt  }
0x6d: {  	_ =	shalt  }
0x6e: {  	_ =	shalt  }
0x6f: {  	_ =	shalt  }
0x70: {  	_ =	shalt  }
0x71: {  	_ =	shalt  }
0x72: {  	_ =	shalt  }
0x73: {  	_ =	shalt  }
0x74: {  	_ =	shalt  }
0x75: {  	_ =	shalt  }
0x76: {  	_ =	shalt  }
0x77: {  	_ =	shalt  }
0x78: {  	_ =	shalt  }
0x79: {  	_ =	shalt  }
0x7a: {  	_ =	shalt  }
0x7b: {  	_ =	shalt  }
0x7c: {  	_ =	shalt  }
0x7d: {  	_ =	shalt  }
0x7e: {  	_ =	shalt  }
0x7f: {  	_ =	shalt  }
0x80: {  	_ =	shalt  }
0x81: {  	_ =	shalt  }
0x82: {  	_ =	shalt  }
0x83: {  	_ =	shalt  }
0x84: {  	_ =	shalt  }
0x85: {  	_ =	shalt  }
0x86: {  	_ =	shalt  }
0x87: {  	_ =	shalt  }
.Lfunc_end0:
.L_simem_size_0:
called_computation.1_lowered:
.L_overlay_start_0:
0x88: {  	s2 =	sld [smem:$0x3FD9]  }
0x89: {  	s3 =	sld [smem:$0x3FFE];
	_ =	sdelay $0x1  }
0x8a: {  	s1 =	srdreg.scid  }
0x8b: {  	s0 =	sand.u32 $0x1, s1  }
0x8c: {  	s14 =	sshll.u32 s0, $0xA;
	s2 =	sadd.s32 s3, s2  }
0x8d: {  	s2 =	sadd.s32 s2, s14  }
0x8e: {  	[smem:$0x3FA4] =	sst s2  }
0x8f: {  	_ = 	snop  }
0x90: {  	s2 =	sld [smem:$0x3FD0];
	_ =	sdelay $0x2  }
0x91: {  	s15 =	simm.s32 $0xA;
	s4 =	simm.s32 $0x10  }
0x92: {  	[smem:s4], [sflag:s15] =	dma.local [hbm:s2], $0x1  }
0x93: {  	_ =	swait.eq [sflag:s15], $0x1  }
0x94: {  	[sflag:s15] =	ssyncset.done $0x0  }
0x95: {  	[sflag:s15] =	ssyncadd.s32 $0xFFFFFFFF  }
0x96: {  	s16 =	sld [smem:$0x10];
	(tm) =	ssettm $0x1  }
0x97: {  	s17 =	sld [smem:$0x3FFB];
	_ =	sdelay $0x3  }
0x98: {  	_ =	strace s17  }
0x99: {  	s3 =	sld [smem:$0x3FFC];
	_ =	sdelay $0x3  }
0x9a: {  	_ =	strace s3  }
0x9b: {  	s3 =	sld [smem:$0x3FFD];
	_ =	sdelay $0x3  }
0x9c: {  	_ =	strace s3  }
0x9d: {  	_ =	strace $0x8FFFFFFF  }
0x9e: {  	s18 =	sld [smem:$0x3FDB];
	_ =	sdelay $0x1  }
0x9f: {  	s19 =	simm.s32 $_scs_section_size  }
0xa0: {  	s5 =	simm.s32 $_size__tile_overlayer_lowered;
	s6 =	simm.s32 $_tile_overlayer_lowered  }
0xa1: {  	s22 =	simm.s32 $0x1BFF;
	s21 =	sshll.u32 s6, $0x1;
	s3 =	sadd.s32 s19, s18  }
0xa2: {  	s7 =	simm.s32 $0x0;
	s20 =	sshll.u32 s5, $0x1;
	s5 =	sadd.s32 s21, s3  }
0xa3: {  	[timem:s7], [sflag:s22] =	dma.local [hbm:s5], s20  }
0xa4: {  	_ =	swait.ge [sflag:s22], s20  }
0xa5: {  	s4 =	ssub.s32 $0x0, s20;
	[sflag:s22] =	ssyncset.done $0x0  }
0xa6: {  	[sflag:s22] =	ssyncadd.s32 s4;
	_ =	sdelay $0x1  }
0xa7: {  	s23 =	simm.s32 $0x1B8B  }
0xa8: {  	_ =	swait.ge [sflag:s23], $0x1  }
0xa9: {  	[sflag:s23] =	ssyncset.done $0x0  }
0xaa: {  	s25 =	simm.s32 $0x1B8E;
	s24 =	sld [smem:$0x3FFE];
	[sflag:s23] =	ssyncadd.s32 $0xFFFFFFFF  }
0xab: {  	s26 =	simm.s32 $execute0_lowered;
	[smem:$0x3FD2] =	sst s25  }
0xac: {  	s5 =	sshll.u32 s26, $0x1;
	_ =	strace $0x80000049;
	[dreg:$0x1] =	wrdreg $0xFFFFFFFF  }
0xad: {  	s28 =	simm.s32 $_size_execute0_lowered;
	s3 =	sadd.s32 s3, s5;
	[dreg:$0x0] =	wrdreg $0x0  }
0xae: {  	s5 =	sshll.u32 s28, $0x1;
	[dreg:$0x2] =	wrdreg s3  }
0xaf: {  	[dreg:$0x3] =	wrdreg s5  }
0xb0: {  	[dreg:$0x4] =	wrdreg $0xC0  }
0xb1: {  	_ =	task [dreg:s7], $0x5FFFF  }
0xb2: {  	[dreg:$0x1] =	wrdreg $0xFFFFFFFF  }
0xb3: {  	[dreg:$0x0] =	wrdreg $0x60  }
0xb4: {  	[dreg:$0x2] =	wrdreg s24  }
0xb5: {  	[dreg:$0x3] =	wrdreg s16  }
0xb6: {  	[dreg:$0x4] =	wrdreg $0x59800  }
0xb7: {  	[dreg:$0x5] =	wrdreg $0x9  }
0xb8: {  	_ =	task.clear_ibuf [dreg:s7], $0x6FFFF;
	_ =	strace $0x90000049  }
0xb9: {  	s29 =	simm.s32 $0x9;
	_ =	strace $0x8000004B  }
0xba: {  	_ =	swait.ge [sflag:s29], $0x1  }
0xbb: {  	[sflag:s29] =	ssyncadd.s32 $0xFFFFFFFF  }
0xbc: {  	_ =	strace $0x9000004B  }
0xbd: {  	_ =	sfence  }
0xbe: {  	s30 =	sld [smem:$0x0];
	_ =	sdelay $0x2  }
0xbf: {  	s31 =	sshll.u32 s1, $0xD;
	s1 =	sshrl.u32 s1, $0x2  }
0xc0: {  	s3 =	sand.u32 $0x4000, s31;
	s1 =	sadd.s32 s1, s30  }
0xc1: {  	s0 =	sor.u32 s3, s0;
	s1 =	sshll.u32 s1, $0x11  }
0xc2: {  	s0 =	sor.u32 s1, s0  }
0xc3: {  	s0 =	sadd.s32 $0x8F2B, s0  }
0xc4: {  	[sflag:s0] =	ssyncadd.remote.s32 $0x1  }
0xc5: {  	_ =	sfence.sel $0xFFFF  }
0xc6: {  	[dreg:$0x0] =	wrdreg $0xFFFFFFFF;
	(pc) =	sbr.abs _section_cstart, $3  }
0xc7: {  	[dreg:$0x1] =	wrdreg $0xFFFFFFFF  }
0xc8: {  	_ =	task.clear_ibuf [dreg:s7], $0x2FFFF;
	_ =	strace $0x9FFFFFFF  }
0xc9: {  	(tm) =	ssettm $0x7FFFFFFF  }
tec
execute0_lowered:
.L_overlay_start_1:
0x0: {  	(tag) =	ssettag $0x1  }
0x1: {  	s0 =	rddreg [dreg:$0x0]  }
0x2: {  	s1 =	rddreg [dreg:$0x2];
	s3 =	simm.s32 $0x0  }
0x3: {  	s15 =	stileid.u32;
	s2 =	srdreg.scid;
	s28 =	simm.s32 $0x80  }
0x4: {  	s29 =	simm.s32 $0x2;
	s30 =	simm.s32 $0x180;
	s4 =	smul.u32 $0x9C40, s15  }
0x5: {  	s31 =	simm.s32 $0x280;
	[smem:$0x7FF] =	sst s3;
	s11 =	smul.u32 $0x4F000, s15  }
0x6: {  	s2 =	sand.u32 $0x1, s2;
	s5 =	sadd.s32 $0x14000, s0;
	s12 =	smul.u32 $0x4E20, s15  }
0x7: {  	s7 =	sadd.s32 $0xA200, s0;
	s10 =	sadd.s32 $0x19EC00, s0;
	s24 =	smul.u32 $0x2780, s15  }
0x8: {  	s8 =	sadd.s32 $0xBA200, s0;
	s19 =	sadd.s32 $0x18A400, s0;
	s26 =	smul.u32 $0x9C4, s15  }
0x9: {  	s15 =	smul.u32 $0xA00, s15;
	_ =	strace $0x8000004A;
	[dreg:$0x4] =	wrdreg s10  }
0xa: {  	s6 =	smul.u32 $0x50, s2;
	[dreg:$0x5] =	wrdreg s19;
	s20 =	ssub.s32 $0x2, s2  }
0xb: {  	p0 =	sne.s32 s2, $0x0;
	s2 =	simm.s32 $0x0;
	s9 =	sadd.s32 s4, s0  }
0xc: {  	s4 =	sadd.s32 $0x160A00, s0;
	s21 =	sshrl.u32 s20, $0x1;
	s22 =	sshrl.u32 s11, $0x2  }
0xd: {  	s23 =	sshrl.u32 s12, $0x3;
	[dreg:$0x9] =	wrdreg s24;
	s18 =	sadd.s32 s26, s8  }
0xe: {  	s19 =	sadd.s32 s26, s7;
	s24 =	simm.s32 $0x100;
	s6 =	sadd.s32 s6, s0  }
0xf: {  	s0 =	sadd.s32 $0x194400, s0;
	s1 =	sadd.s32 s22, s1;
	s25 =	sadd.s32 s5, s23  }
0x10: {  	s12 =	sadd.s32 s7, s23;
	s13 =	sadd.s32 s8, s23;
	s14 =	sadd.s32 $0x1DE00, s9  }
.Ltmp0:
0x11: {  	s17 =	sadd.s32 $0x1DE80, s9;
	[dreg:$0x6] =	wrdreg s0;
	(pc) =	sbr.rel .LBB2_1-.Ltmp0, $4  }
0x12: {  	s22 =	simm.s32 $0x1;
	s23 =	simm.s32 $0x980;
	[dreg:$0x8] =	wrdreg s1  }
0x13: {  	s0 =	ssub.s32 s20, s21;
	s6 =	sadd.s32 $0x19EA00, s6;
	[dreg:$0xa] =	wrdreg s25  }
0x14: {  	s20 =	sadd.s32 s26, s5;
	s25 =	simm.s32 $0x200;
	s26 =	simm.s32 $0x300  }
0x15: {  	[dreg:$0x7] =	wrdreg s6;
	s16 =	smax.u32 s0, $0x1;
	s0 =	simm.s32 $0x500  }
.LBB2_7:
0x16: {  	s8 =	sadd.s32 $0x4, s1;
	[sflag:s22] =	ssyncadd.s32 $0xFFFFFE00  }
0x17: {  	[tilespmem:s28], [sflag:$0x2] =	stream.linear.gather [hbm4b:s8+s3], $0x20, $0x38;
	[tilespmem:$0x19580] =	vst v63  }
0x18: {  	_ =	swait.ge [sflag:s29], $0x20  }
0x19: {  	s11 =	sadd.s32 s21, s19;
	[sflag:s29] =	ssyncset.done $0x0  }
0x1a: {  	s9 =	sadd.s32 $0x4, s11;
	[sflag:s29] =	ssyncadd.s32 $0xFFFFFFE0  }
0x1b: {  	[tilespmem:s30], [sflag:$0x2] =	stream.linear.gather [hbm4b:s9+s3], $0x20, $0x38;
	[tilespmem:$0x19580] =	vst v63  }
0x1c: {  	_ =	swait.ge [sflag:s29], $0x20  }
0x1d: {  	s9 =	sadd.s32 s21, s18;
	[sflag:s29] =	ssyncset.done $0x0  }
0x1e: {  	s10 =	sadd.s32 $0x4, s9;
	[sflag:s29] =	ssyncadd.s32 $0xFFFFFFE0  }
0x1f: {  	[tilespmem:s31], [sflag:$0x2] =	stream.linear.gather [hbm4b:s10+s3], $0x30, $0x38;
	[tilespmem:$0x19580] =	vst v63  }
0x20: {  	_ =	swait.ge [sflag:s29], $0x30  }
0x21: {  	[sflag:s29] =	ssyncset.done $0x0  }
0x22: {  	s21 =	sadd.s32 $0xFFFFFFC0, s7;
	[sflag:s29] =	ssyncadd.s32 $0xFFFFFFD0  }
0x23: {  	[tilespmem:s0], [sflag:$0x2] =	stream.linear.gather [hbm4b:s21+s3], $0x200, $0x38;
	[tilespmem:$0x19580] =	vst v63  }
0x24: {  	_ =	swait.ge [sflag:s29], $0x200  }
0x25: {  	[sflag:s29] =	ssyncset.done $0x0  }
0x26: {  	s10 =	sadd.s32 $0x8, s1;
	[sflag:s29] =	ssyncadd.s32 $0xFFFFFE00  }
0x27: {  	[tilespmem:s3], [sflag:$0x2] =	stream.linear.gather [hbm4b:s10+s3], $0x20, $0x38;
	[tilespmem:$0x19580] =	vst v63  }
0x28: {  	_ =	swait.ge [sflag:s29], $0x20  }
0x29: {  	[sflag:s29] =	ssyncset.done $0x0  }
0x2a: {  	s11 =	sadd.s32 $0x8, s11;
	[sflag:s29] =	ssyncadd.s32 $0xFFFFFFE0  }
0x2b: {  	[tilespmem:s24], [sflag:$0x2] =	stream.linear.gather [hbm4b:s11+s3], $0x20, $0x38;
	[tilespmem:$0x19580] =	vst v63  }
0x2c: {  	_ =	swait.ge [sflag:s29], $0x20  }
0x2d: {  	[sflag:s29] =	ssyncset.done $0x0  }
0x2e: {  	s21 =	sadd.s32 $0x8, s9;
	[sflag:s29] =	ssyncadd.s32 $0xFFFFFFE0  }
0x2f: {  	[tilespmem:s25], [sflag:$0x2] =	stream.linear.gather [hbm4b:s21+s3], $0x30, $0x38;
	[tilespmem:$0x19580] =	vst v63  }
0x30: {  	_ =	swait.ge [sflag:s29], $0x30  }
0x31: {  	[sflag:s29] =	ssyncset.done $0x0  }
0x32: {  	[sflag:s29] =	ssyncadd.s32 $0xFFFFFFD0  }
0x33: {  	[tilespmem:s26], [sflag:$0x1] =	stream.linear.gather [hbm4b:s7+s3], $0x200, $0x38;
	[tilespmem:$0x19580] =	vst v63  }
0x34: {  	_ =	swait.ge [sflag:s22], $0x200  }
0x35: {  	[sflag:s22] =	ssyncset.done $0x0;
	s7 =	rddreg [dreg:$0x4]  }
0x36: {  	s1 =	rddreg [dreg:$0x6];
	[sflag:s22] =	ssyncadd.s32 $0xFFFFFE00  }
.LBB2_8:
0x37: {  	s8 =	rddreg [dreg:$0x9]  }
0x38: {  	[bflag:$0x0] =	sbarrier.arrive $0xFFFF;
	s7 =	sadd.s32 s7, s8  }
0x39: {  	[hbm:s7], [sflag:s5] =	dma.local [spmem:s6], $0x2780  }
0x3a: {  	s2 =	sadd.s32 $0x1, s2;
	_ =	swait.ge [sflag:s22], $0x2780  }
0x3b: {  	p1 =	sne.s32 s2, s16;
	[sflag:s22] =	ssyncset.done $0x0  }
.Ltmp1:
0x3c: {  	s1 =	sadd.s32 s1, s15;
	[sflag:s22] =	ssyncadd.s32 $0xFFFFD880;
	(pc) =	sbr.rel @!p1 .LBB2_9-.Ltmp1, $4  }
0x3d: {  	[hbm4b:s1+s3] =	stream.linear.scatter [tilespmem:s23], [sflag:$0x1], $0x5000, $0x38;
	[tilespmem:$0x19580] =	vst v63  }
0x3e: {  	_ =	swait.ge [sflag:s22], $0x5000  }
0x3f: {  	[sflag:s22] =	ssyncset.done $0x0  }
0x40: {  	[sflag:s22] =	ssyncadd.s32 $0xFFFFB000  }
.LBB2_1:
0x41: {  	s1 =	rddreg [dreg:$0x7];
	s5 =	simm.s32 $0x700  }
0x42: {  	[tilespmem:s5], [sflag:$0x1] =	stream.linear.gather [hbm4b:s1+s3], $0x280, $0x38;
	[tilespmem:$0x19580] =	vst v63  }
0x43: {  	_ =	swait.ge [sflag:s22], $0x280  }
0x44: {  	[sflag:s22] =	ssyncset.done $0x0  }
0x45: {  	[sflag:s22] =	ssyncadd.s32 $0xFFFFFD80  }
0x46: {  	[tilespmem:s23], [sflag:$0x1] =	stream.linear.gather [hbm4b:s4+s3], $0x5000, $0x38;
	[tilespmem:$0x19580] =	vst v63  }
0x47: {  	s10 =	stileid.u32;
	_ =	swait.ge [sflag:s22], $0x5000  }
0x48: {  	s1 =	sshll.u32 s10, $0x6;
	[sflag:s22] =	ssyncset.done $0x0;
	s11 =	rddreg [dreg:$0x8]  }
0x49: {  	s5 =	sor.u32 $0x1C01, s1;
	[sflag:s22] =	ssyncadd.s32 $0xFFFFB000;
	s6 =	sshrl.u32 s11, $0x3  }
0x4a: {  	[spmem:s6], [sflag:s5] =	dma.local [hbm:s4], $0x2780  }
0x4b: {  	_ =	swait.ge [sflag:s22], $0x2780  }
0x4c: {  	[sflag:s22] =	ssyncset.done $0x0  }
0x4d: {  	[sflag:s22] =	ssyncadd.s32 $0xFFFFD880  }
0x4e: {  	[bflag:$0x0] =	sbarrier.arrive $0xFFFF  }
0x4f: {  	s21 =	rddreg [dreg:$0xa]  }
0x50: {  	[tilespmem:s3], [sflag:$0x1] =	stream.linear.gather [hbm4b:s21+s3], $0x20, $0x38;
	[tilespmem:$0x19580] =	vst v63  }
0x51: {  	_ =	swait.ge [sflag:s22], $0x20  }
0x52: {  	[sflag:s22] =	ssyncset.done $0x0  }
0x53: {  	[sflag:s22] =	ssyncadd.s32 $0xFFFFFFE0  }
0x54: {  	[tilespmem:s24], [sflag:$0x1] =	stream.linear.gather [hbm4b:s12+s3], $0x20, $0x38;
	[tilespmem:$0x19580] =	vst v63  }
0x55: {  	_ =	swait.ge [sflag:s22], $0x20  }
0x56: {  	[sflag:s22] =	ssyncset.done $0x0  }
0x57: {  	[sflag:s22] =	ssyncadd.s32 $0xFFFFFFE0  }
0x58: {  	[tilespmem:s25], [sflag:$0x1] =	stream.linear.gather [hbm4b:s13+s3], $0x30, $0x38;
	[tilespmem:$0x19580] =	vst v63  }
0x59: {  	_ =	swait.ge [sflag:s22], $0x30  }
0x5a: {  	[sflag:s22] =	ssyncset.done $0x0  }
.Ltmp2:
0x5b: {  	[sflag:s22] =	ssyncadd.s32 $0xFFFFFFD0;
	(pc) =	sbr.rel @p0 .LBB2_5-.Ltmp2, $4  }
0x5c: {  	[tilespmem:s26], [sflag:$0x1] =	stream.linear.gather [hbm4b:s14+s3], $0x200, $0x38;
	[tilespmem:$0x19580] =	vst v63  }
0x5d: {  	_ =	swait.ge [sflag:s22], $0x200  }
0x5e: {  	s1 =	sadd.s32 $0x0, s20;
	[sflag:s22] =	ssyncset.done $0x0  }
0x5f: {  	s7 =	sadd.s32 $0x4, s1;
	[sflag:s22] =	ssyncadd.s32 $0xFFFFFE00  }
0x60: {  	[tilespmem:s28], [sflag:$0x2] =	stream.linear.gather [hbm4b:s7+s3], $0x20, $0x38;
	[tilespmem:$0x19580] =	vst v63  }
0x61: {  	_ =	swait.ge [sflag:s29], $0x20  }
0x62: {  	s11 =	sadd.s32 $0x0, s19;
	[sflag:s29] =	ssyncset.done $0x0  }
0x63: {  	s8 =	sadd.s32 $0x4, s11;
	[sflag:s29] =	ssyncadd.s32 $0xFFFFFFE0  }
0x64: {  	[tilespmem:s30], [sflag:$0x2] =	stream.linear.gather [hbm4b:s8+s3], $0x20, $0x38;
	[tilespmem:$0x19580] =	vst v63  }
0x65: {  	_ =	swait.ge [sflag:s29], $0x20  }
0x66: {  	s21 =	sadd.s32 $0x0, s18;
	[sflag:s29] =	ssyncset.done $0x0  }
0x67: {  	s9 =	sadd.s32 $0x4, s21;
	[sflag:s29] =	ssyncadd.s32 $0xFFFFFFE0  }
0x68: {  	[tilespmem:s31], [sflag:$0x2] =	stream.linear.gather [hbm4b:s9+s3], $0x30, $0x38;
	[tilespmem:$0x19580] =	vst v63  }
0x69: {  	_ =	swait.ge [sflag:s29], $0x30  }
0x6a: {  	[sflag:s29] =	ssyncset.done $0x0  }
0x6b: {  	s10 =	sadd.s32 $0xFFFFFFC0, s17;
	[sflag:s29] =	ssyncadd.s32 $0xFFFFFFD0  }
0x6c: {  	[tilespmem:s0], [sflag:$0x2] =	stream.linear.gather [hbm4b:s10+s3], $0x200, $0x38;
	[tilespmem:$0x19580] =	vst v63  }
0x6d: {  	_ =	swait.ge [sflag:s29], $0x200  }
0x6e: {  	[sflag:s29] =	ssyncset.done $0x0  }
0x6f: {  	s1 =	sadd.s32 $0x8, s1;
	[sflag:s29] =	ssyncadd.s32 $0xFFFFFE00  }
0x70: {  	[tilespmem:s3], [sflag:$0x2] =	stream.linear.gather [hbm4b:s1+s3], $0x20, $0x38;
	[tilespmem:$0x19580] =	vst v63  }
0x71: {  	_ =	swait.ge [sflag:s29], $0x20  }
0x72: {  	[sflag:s29] =	ssyncset.done $0x0  }
0x73: {  	s11 =	sadd.s32 $0x8, s11;
	[sflag:s29] =	ssyncadd.s32 $0xFFFFFFE0  }
0x74: {  	[tilespmem:s24], [sflag:$0x2] =	stream.linear.gather [hbm4b:s11+s3], $0x20, $0x38;
	[tilespmem:$0x19580] =	vst v63  }
0x75: {  	_ =	swait.ge [sflag:s29], $0x20  }
0x76: {  	[sflag:s29] =	ssyncset.done $0x0  }
0x77: {  	s21 =	sadd.s32 $0x8, s21;
	[sflag:s29] =	ssyncadd.s32 $0xFFFFFFE0  }
0x78: {  	[tilespmem:s25], [sflag:$0x2] =	stream.linear.gather [hbm4b:s21+s3], $0x30, $0x38;
	[tilespmem:$0x19580] =	vst v63  }
0x79: {  	_ =	swait.ge [sflag:s29], $0x30  }
0x7a: {  	[sflag:s29] =	ssyncset.done $0x0  }
0x7b: {  	[sflag:s29] =	ssyncadd.s32 $0xFFFFFFD0  }
0x7c: {  	[tilespmem:s26], [sflag:$0x1] =	stream.linear.gather [hbm4b:s17+s3], $0x200, $0x38;
	[tilespmem:$0x19580] =	vst v63  }
0x7d: {  	s7 =	sadd.s32 $0x80, s17;
	s8 =	simm.s32 $0x10;
	_ =	swait.ge [sflag:s22], $0x200  }
0x7e: {  	s1 =	sadd.s32 $0x8, s20;
	s21 =	simm.s32 $0x8;
	[sflag:s22] =	ssyncset.done $0x0  }
.LBB2_3:
0x7f: {  	s10 =	sadd.s32 $0x4, s1  }
0x80: {  	[sflag:s22] =	ssyncadd.s32 $0xFFFFFE00;
	s11 =	smov.u32 s8;
	s9 =	sadd.s32 $0x8, s8  }
0x81: {  	[tilespmem:s28], [sflag:$0x2] =	stream.linear.gather [hbm4b:s10+s3], $0x20, $0x38;
	[tilespmem:$0x19580] =	vst v63  }
0x82: {  	p1 =	seq.s32 s8, $0x9B8;
	_ =	swait.ge [sflag:s29], $0x20  }
0x83: {  	s8 =	sadd.s32 s21, s19;
	[sflag:s29] =	ssyncset.done $0x0  }
0x84: {  	s10 =	sadd.s32 $0x4, s8;
	[sflag:s29] =	ssyncadd.s32 $0xFFFFFFE0  }
0x85: {  	[tilespmem:s30], [sflag:$0x2] =	stream.linear.gather [hbm4b:s10+s3], $0x20, $0x38;
	[tilespmem:$0x19580] =	vst v63  }
0x86: {  	_ =	swait.ge [sflag:s29], $0x20  }
0x87: {  	s10 =	sadd.s32 s21, s18;
	s21 =	smov.u32 s11;
	[sflag:s29] =	ssyncset.done $0x0  }
0x88: {  	s11 =	sadd.s32 $0x4, s10;
	[sflag:s29] =	ssyncadd.s32 $0xFFFFFFE0  }
0x89: {  	[tilespmem:s31], [sflag:$0x2] =	stream.linear.gather [hbm4b:s11+s3], $0x30, $0x38;
	[tilespmem:$0x19580] =	vst v63  }
0x8a: {  	_ =	swait.ge [sflag:s29], $0x30  }
0x8b: {  	[sflag:s29] =	ssyncset.done $0x0  }
0x8c: {  	s11 =	sadd.s32 $0xFFFFFFC0, s7;
	[sflag:s29] =	ssyncadd.s32 $0xFFFFFFD0  }
0x8d: {  	[tilespmem:s0], [sflag:$0x2] =	stream.linear.gather [hbm4b:s11+s3], $0x200, $0x38;
	[tilespmem:$0x19580] =	vst v63  }
0x8e: {  	_ =	swait.ge [sflag:s29], $0x200  }
0x8f: {  	[sflag:s29] =	ssyncset.done $0x0  }
0x90: {  	s1 =	sadd.s32 $0x8, s1;
	[sflag:s29] =	ssyncadd.s32 $0xFFFFFE00  }
0x91: {  	[tilespmem:s3], [sflag:$0x2] =	stream.linear.gather [hbm4b:s1+s3], $0x20, $0x38;
	[tilespmem:$0x19580] =	vst v63  }
0x92: {  	_ =	swait.ge [sflag:s29], $0x20  }
0x93: {  	[sflag:s29] =	ssyncset.done $0x0  }
0x94: {  	s1 =	sadd.s32 $0x8, s8;
	[sflag:s29] =	ssyncadd.s32 $0xFFFFFFE0  }
0x95: {  	[tilespmem:s24], [sflag:$0x2] =	stream.linear.gather [hbm4b:s1+s3], $0x20, $0x38;
	[tilespmem:$0x19580] =	vst v63  }
0x96: {  	_ =	swait.ge [sflag:s29], $0x20  }
0x97: {  	[sflag:s29] =	ssyncset.done $0x0  }
0x98: {  	s1 =	sadd.s32 $0x8, s10;
	[sflag:s29] =	ssyncadd.s32 $0xFFFFFFE0  }
0x99: {  	[tilespmem:s25], [sflag:$0x2] =	stream.linear.gather [hbm4b:s1+s3], $0x30, $0x38;
	[tilespmem:$0x19580] =	vst v63  }
0x9a: {  	_ =	swait.ge [sflag:s29], $0x30  }
.Ltmp3:
0x9b: {  	[sflag:s29] =	ssyncset.done $0x0;
	(pc) =	sbr.rel @!p1 .LBB2_3-.Ltmp3, $4  }
0x9c: {  	[sflag:s29] =	ssyncadd.s32 $0xFFFFFFD0  }
0x9d: {  	[tilespmem:s26], [sflag:$0x1] =	stream.linear.gather [hbm4b:s7+s3], $0x200, $0x38;
	[tilespmem:$0x19580] =	vst v63  }
0x9e: {  	s8 =	smov.u32 s9;
	_ =	swait.ge [sflag:s22], $0x200  }
0x9f: {  	s1 =	sadd.s32 s21, s20;
	s7 =	sadd.s32 $0x80, s7;
	[sflag:s22] =	ssyncset.done $0x0  }
0xa0: {  	s8 =	sadd.s32 $0x4, s1;
	[sflag:s22] =	ssyncadd.s32 $0xFFFFFE00  }
0xa1: {  	[tilespmem:s28], [sflag:$0x2] =	stream.linear.gather [hbm4b:s8+s3], $0x20, $0x38;
	[tilespmem:$0x19580] =	vst v63  }
0xa2: {  	_ =	swait.ge [sflag:s29], $0x20  }
0xa3: {  	s11 =	sadd.s32 s21, s19;
	[sflag:s29] =	ssyncset.done $0x0  }
0xa4: {  	s9 =	sadd.s32 $0x4, s11;
	[sflag:s29] =	ssyncadd.s32 $0xFFFFFFE0  }
0xa5: {  	[tilespmem:s30], [sflag:$0x2] =	stream.linear.gather [hbm4b:s9+s3], $0x20, $0x38;
	[tilespmem:$0x19580] =	vst v63  }
0xa6: {  	_ =	swait.ge [sflag:s29], $0x20  }
0xa7: {  	s9 =	sadd.s32 s21, s18;
	[sflag:s29] =	ssyncset.done $0x0  }
0xa8: {  	s10 =	sadd.s32 $0x4, s9;
	[sflag:s29] =	ssyncadd.s32 $0xFFFFFFE0  }
0xa9: {  	[tilespmem:s31], [sflag:$0x2] =	stream.linear.gather [hbm4b:s10+s3], $0x30, $0x38;
	[tilespmem:$0x19580] =	vst v63  }
0xaa: {  	_ =	swait.ge [sflag:s29], $0x30  }
0xab: {  	[sflag:s29] =	ssyncset.done $0x0  }
0xac: {  	s21 =	sadd.s32 $0xFFFFFFC0, s7;
	[sflag:s29] =	ssyncadd.s32 $0xFFFFFFD0  }
0xad: {  	[tilespmem:s0], [sflag:$0x2] =	stream.linear.gather [hbm4b:s21+s3], $0x200, $0x38;
	[tilespmem:$0x19580] =	vst v63  }
0xae: {  	_ =	swait.ge [sflag:s29], $0x200  }
0xaf: {  	[sflag:s29] =	ssyncset.done $0x0  }
0xb0: {  	s10 =	sadd.s32 $0x8, s1;
	[sflag:s29] =	ssyncadd.s32 $0xFFFFFE00  }
0xb1: {  	[tilespmem:s3], [sflag:$0x2] =	stream.linear.gather [hbm4b:s10+s3], $0x20, $0x38;
	[tilespmem:$0x19580] =	vst v63  }
0xb2: {  	_ =	swait.ge [sflag:s29], $0x20  }
0xb3: {  	[sflag:s29] =	ssyncset.done $0x0  }
0xb4: {  	s11 =	sadd.s32 $0x8, s11;
	[sflag:s29] =	ssyncadd.s32 $0xFFFFFFE0  }
0xb5: {  	[tilespmem:s24], [sflag:$0x2] =	stream.linear.gather [hbm4b:s11+s3], $0x20, $0x38;
	[tilespmem:$0x19580] =	vst v63  }
0xb6: {  	_ =	swait.ge [sflag:s29], $0x20  }
0xb7: {  	[sflag:s29] =	ssyncset.done $0x0  }
0xb8: {  	s21 =	sadd.s32 $0x8, s9;
	[sflag:s29] =	ssyncadd.s32 $0xFFFFFFE0  }
0xb9: {  	[tilespmem:s25], [sflag:$0x2] =	stream.linear.gather [hbm4b:s21+s3], $0x30, $0x38;
	[tilespmem:$0x19580] =	vst v63  }
0xba: {  	_ =	swait.ge [sflag:s29], $0x30  }
0xbb: {  	[sflag:s29] =	ssyncset.done $0x0  }
0xbc: {  	[sflag:s29] =	ssyncadd.s32 $0xFFFFFFD0  }
0xbd: {  	[tilespmem:s26], [sflag:$0x1] =	stream.linear.gather [hbm4b:s7+s3], $0x200, $0x38;
	[tilespmem:$0x19580] =	vst v63  }
.Ltmp4:
0xbe: {  	_ = 	snop;
	(pc) =	sbr.rel .LBB2_8-.Ltmp4, $4  }
0xbf: {  	_ =	swait.ge [sflag:s22], $0x200  }
0xc0: {  	[sflag:s22] =	ssyncset.done $0x0  }
0xc1: {  	s1 =	rddreg [dreg:$0x5];
	[sflag:s22] =	ssyncadd.s32 $0xFFFFFE00  }
0xc2: {  	s7 =	rddreg [dreg:$0x1]  }
.LBB2_5:
0xc3: {  	[tilespmem:s28], [sflag:$0x2] =	stream.linear.gather [hbm4b:s7+s3], $0x20, $0x38;
	[tilespmem:$0x19580] =	vst v63  }
0xc4: {  	_ =	swait.ge [sflag:s29], $0x20  }
0xc5: {  	s11 =	sadd.s32 $0x0, s19;
	[sflag:s29] =	ssyncset.done $0x0  }
0xc6: {  	s8 =	sadd.s32 $0x4, s11;
	[sflag:s29] =	ssyncadd.s32 $0xFFFFFFE0  }
0xc7: {  	[tilespmem:s30], [sflag:$0x2] =	stream.linear.gather [hbm4b:s8+s3], $0x20, $0x38;
	[tilespmem:$0x19580] =	vst v63  }
0xc8: {  	_ =	swait.ge [sflag:s29], $0x20  }
0xc9: {  	s21 =	sadd.s32 $0x0, s18;
	[sflag:s29] =	ssyncset.done $0x0  }
0xca: {  	s9 =	sadd.s32 $0x4, s21;
	[sflag:s29] =	ssyncadd.s32 $0xFFFFFFE0  }
0xcb: {  	[tilespmem:s31], [sflag:$0x2] =	stream.linear.gather [hbm4b:s9+s3], $0x30, $0x38;
	[tilespmem:$0x19580] =	vst v63  }
0xcc: {  	_ =	swait.ge [sflag:s29], $0x30  }
0xcd: {  	[sflag:s29] =	ssyncset.done $0x0  }
0xce: {  	s10 =	sadd.s32 $0xFFFFFFC0, s17;
	[sflag:s29] =	ssyncadd.s32 $0xFFFFFFD0  }
0xcf: {  	[tilespmem:s0], [sflag:$0x2] =	stream.linear.gather [hbm4b:s10+s3], $0x200, $0x38;
	[tilespmem:$0x19580] =	vst v63  }
0xd0: {  	_ =	swait.ge [sflag:s29], $0x200  }
0xd1: {  	[sflag:s29] =	ssyncset.done $0x0  }
0xd2: {  	s1 =	sadd.s32 $0x8, s1;
	[sflag:s29] =	ssyncadd.s32 $0xFFFFFE00  }
0xd3: {  	[tilespmem:s3], [sflag:$0x2] =	stream.linear.gather [hbm4b:s1+s3], $0x20, $0x38;
	[tilespmem:$0x19580] =	vst v63  }
0xd4: {  	_ =	swait.ge [sflag:s29], $0x20  }
0xd5: {  	[sflag:s29] =	ssyncset.done $0x0  }
0xd6: {  	s11 =	sadd.s32 $0x8, s11;
	[sflag:s29] =	ssyncadd.s32 $0xFFFFFFE0  }
0xd7: {  	[tilespmem:s24], [sflag:$0x2] =	stream.linear.gather [hbm4b:s11+s3], $0x20, $0x38;
	[tilespmem:$0x19580] =	vst v63  }
0xd8: {  	_ =	swait.ge [sflag:s29], $0x20  }
0xd9: {  	[sflag:s29] =	ssyncset.done $0x0  }
0xda: {  	s21 =	sadd.s32 $0x8, s21;
	[sflag:s29] =	ssyncadd.s32 $0xFFFFFFE0  }
0xdb: {  	[tilespmem:s25], [sflag:$0x2] =	stream.linear.gather [hbm4b:s21+s3], $0x30, $0x38;
	[tilespmem:$0x19580] =	vst v63  }
0xdc: {  	_ =	swait.ge [sflag:s29], $0x30  }
0xdd: {  	[sflag:s29] =	ssyncset.done $0x0  }
0xde: {  	[sflag:s29] =	ssyncadd.s32 $0xFFFFFFD0  }
0xdf: {  	[tilespmem:s26], [sflag:$0x1] =	stream.linear.gather [hbm4b:s17+s3], $0x200, $0x38;
	[tilespmem:$0x19580] =	vst v63  }
0xe0: {  	s7 =	sadd.s32 $0x80, s17;
	s9 =	simm.s32 $0x10;
	_ =	swait.ge [sflag:s22], $0x200  }
0xe1: {  	s1 =	sadd.s32 $0x8, s20;
	s21 =	simm.s32 $0x8;
	[sflag:s22] =	ssyncset.done $0x0  }
.LBB2_6:
0xe2: {  	s10 =	sadd.s32 $0x4, s1  }
0xe3: {  	[sflag:s22] =	ssyncadd.s32 $0xFFFFFE00;
	s11 =	smov.u32 s9;
	s8 =	sadd.s32 $0x8, s9  }
0xe4: {  	[tilespmem:s28], [sflag:$0x2] =	stream.linear.gather [hbm4b:s10+s3], $0x20, $0x38;
	[tilespmem:$0x19580] =	vst v63  }
0xe5: {  	p1 =	sne.s32 s9, $0x9B8;
	_ =	swait.ge [sflag:s29], $0x20  }
0xe6: {  	s9 =	sadd.s32 s21, s19;
	[sflag:s29] =	ssyncset.done $0x0  }
0xe7: {  	s10 =	sadd.s32 $0x4, s9;
	[sflag:s29] =	ssyncadd.s32 $0xFFFFFFE0  }
0xe8: {  	[tilespmem:s30], [sflag:$0x2] =	stream.linear.gather [hbm4b:s10+s3], $0x20, $0x38;
	[tilespmem:$0x19580] =	vst v63  }
0xe9: {  	_ =	swait.ge [sflag:s29], $0x20  }
0xea: {  	s10 =	sadd.s32 s21, s18;
	s21 =	smov.u32 s11;
	[sflag:s29] =	ssyncset.done $0x0  }
0xeb: {  	s11 =	sadd.s32 $0x4, s10;
	[sflag:s29] =	ssyncadd.s32 $0xFFFFFFE0  }
0xec: {  	[tilespmem:s31], [sflag:$0x2] =	stream.linear.gather [hbm4b:s11+s3], $0x30, $0x38;
	[tilespmem:$0x19580] =	vst v63  }
0xed: {  	_ =	swait.ge [sflag:s29], $0x30  }
0xee: {  	[sflag:s29] =	ssyncset.done $0x0  }
0xef: {  	s11 =	sadd.s32 $0xFFFFFFC0, s7;
	[sflag:s29] =	ssyncadd.s32 $0xFFFFFFD0  }
0xf0: {  	[tilespmem:s0], [sflag:$0x2] =	stream.linear.gather [hbm4b:s11+s3], $0x200, $0x38;
	[tilespmem:$0x19580] =	vst v63  }
0xf1: {  	_ =	swait.ge [sflag:s29], $0x200  }
0xf2: {  	[sflag:s29] =	ssyncset.done $0x0  }
0xf3: {  	s1 =	sadd.s32 $0x8, s1;
	[sflag:s29] =	ssyncadd.s32 $0xFFFFFE00  }
0xf4: {  	[tilespmem:s3], [sflag:$0x2] =	stream.linear.gather [hbm4b:s1+s3], $0x20, $0x38;
	[tilespmem:$0x19580] =	vst v63  }
0xf5: {  	_ =	swait.ge [sflag:s29], $0x20  }
0xf6: {  	[sflag:s29] =	ssyncset.done $0x0  }
0xf7: {  	s1 =	sadd.s32 $0x8, s9;
	[sflag:s29] =	ssyncadd.s32 $0xFFFFFFE0  }
0xf8: {  	[tilespmem:s24], [sflag:$0x2] =	stream.linear.gather [hbm4b:s1+s3], $0x20, $0x38;
	[tilespmem:$0x19580] =	vst v63  }
0xf9: {  	_ =	swait.ge [sflag:s29], $0x20  }
0xfa: {  	[sflag:s29] =	ssyncset.done $0x0  }
0xfb: {  	s1 =	sadd.s32 $0x8, s10;
	[sflag:s29] =	ssyncadd.s32 $0xFFFFFFE0  }
0xfc: {  	[tilespmem:s25], [sflag:$0x2] =	stream.linear.gather [hbm4b:s1+s3], $0x30, $0x38;
	[tilespmem:$0x19580] =	vst v63  }
0xfd: {  	_ =	swait.ge [sflag:s29], $0x30  }
.Ltmp5:
0xfe: {  	[sflag:s29] =	ssyncset.done $0x0;
	(pc) =	sbr.rel @p1 .LBB2_6-.Ltmp5, $4  }
0xff: {  	[sflag:s29] =	ssyncadd.s32 $0xFFFFFFD0  }
0x100: {  	[tilespmem:s26], [sflag:$0x1] =	stream.linear.gather [hbm4b:s7+s3], $0x200, $0x38;
	[tilespmem:$0x19580] =	vst v63  }
0x101: {  	s9 =	smov.u32 s8;
	_ =	swait.ge [sflag:s22], $0x200  }
0x102: {  	s1 =	sadd.s32 s21, s20;
	s7 =	sadd.s32 $0x80, s7;
	[sflag:s22] =	ssyncset.done $0x0  }
.Ltmp6:
0x103: {  	_ = 	snop;
	(pc) =	sbr.rel .LBB2_7-.Ltmp6, $1  }
0x104: {  	_ =	sdelay $0x3  }
.LBB2_9:
0x105: {  	_ =	sfence.sel $0x180000  }
0x106: {  	[bflag:$0x0] =	sbarrier.arrive $0xFFFF  }
0x107: {  	_ =	strace $0x9000004A  }
0x108: {  	s0 =	stileid.u32;
	[bflag:$0x2] =	sbarrier.arrive $0xFFFF  }
0x109: {  	p0 =	sne.s32 s0, $0x0;
	s0 =	rddreg [dreg:$0x3]  }
0x10a: {  	s0 =	sadd.s32 @!p0 $0x100000, s0  }
0x10b: {  	[sflag:s0] =	ssyncadd.tile.s32 @!p0 $0x1;
	_ =	shalt  }
.Lfunc_end2:
_tile_overlayer_lowered:
.L_overlay_start_2:
0x10c: {  	(tag) =	ssettag $0x2  }
0x10d: {  	s0 =	rddreg [dreg:$0x0];
	s2 =	stileid.u32  }
0x10e: {  	s1 =	rddreg [dreg:$0x1];
	p0 =	sne.s32 s2, $0x0  }
0x10f: {  	s3 =	rddreg [dreg:$0x2];
	[bflag:$0x3] =	sbarrier.arrive $0xFFFF;
	s2 =	simm.s32 @!p0 $0x1C01  }
0x110: {  	[timem:s3], [sflag:s2] =	dma.local @!p0 [hbm:s0], s1  }
0x111: {  	s0 =	simm.s32 @!p0 $0x1  }
0x112: {  	_ =	swait.ge @!p0 [sflag:s0], s1  }
0x113: {  	s1 =	ssub.s32 @!p0 $0x0, s1;
	[sflag:s0] =	ssyncset.done @!p0 $0x0  }
0x114: {  	[sflag:s0] =	ssyncadd.s32 @!p0 s1  }
0x115: {  	[bflag:$0x3] =	sbarrier.arrive $0xFFFF  }
0x116: {  	_ =	shalt  }

// kernel: kernel.18.cloned.1.call-start
scs
__scs_entry_jumppad:
0x0: {  	(pc) =	sbr.rel $0x88, $3  }
0x1: {  	(tag) =	ssettag $0x0;
	lr =	simm.s32 $0x1  }
0x2: {  	[smem:$0x3F7D] =	sst lr;
	_ =	strace $0xD0000000  }
0x3: {  	_ = 	snop  }
0x4: {  	_ = 	snop  }
0x5: {  	_ = 	snop  }
0x6: {  	_ = 	snop  }
0x7: {  	_ = 	snop  }
__scs_overlays_trampoline_lowered:
0x8: {  	[smem:$0x3F8C] =	sst s0  }
0x9: {  	[smem:$0x3F8D] =	sst s1  }
0xa: {  	[smem:$0x3F8E] =	sst s2  }
0xb: {  	[smem:$0x3F8F] =	sst s3  }
0xc: {  	[smem:$0x3F90] =	sst s4  }
0xd: {  	[smem:$0x3F91] =	sst s5  }
0xe: {  	[smem:$0x3F92] =	sst s6  }
0xf: {  	[smem:$0x3F93] =	sst s7  }
0x10: {  	[smem:$0x3F94] =	sst s8  }
0x11: {  	[smem:$0x3F95] =	sst s9;
	s0 =	simm.s32 @!p0 $0x0  }
0x12: {  	s1 =	sld [smem:$0x3F7B];
	s0 =	simm.s32 @p0 $0x1  }
0x13: {  	[smem:$0x3F96] =	sst s0;
	s0 =	simm.s32 @!p1 $0x0  }
0x14: {  	s2 =	sld [smem:$0x3F7A];
	s0 =	simm.s32 @p1 $0x1  }
0x15: {  	[smem:$0x3F97] =	sst s0;
	s0 =	simm.s32 @!p2 $0x0  }
0x16: {  	s3 =	sld [smem:$0x3FDB];
	s0 =	simm.s32 @p2 $0x1  }
0x17: {  	s4 =	simm.s32 $0x1BF5;
	[smem:$0x3F99] =	sst s0  }
0x18: {  	s0 =	sld [smem:$0x3F7C];
	_ =	swait.ge [sflag:s4], $0x0  }
0x19: {  	s7 =	sld [smem:$0x3F7D]  }
0x1a: {  	s8 =	sadd.s32 $0xFFFFE003, lr  }
0x1b: {  	s9 =	sadd.s32 $0xFFFFFEF7, lr;
	s5 =	simm.s32 $0xFFFFFFFF;
	p2 =	slt.u32 s8, $0xFFFFF086  }
0x1c: {  	p1 =	slt.u32 s9, $0xF7A;
	s5 =	simm.s32 @!p2 $0x0  }
0x1d: {  	s5 =	simm.s32 @p1 $0x1;
	p0 =	seq.s32 s7, s2  }
0x1e: {  	s7 =	smul.u32 @!p0 $0xF7A, s2;
	p2 =	seq.s32 @!p0 s5, $0x0  }
0x1f: {  	s9 =	smul.u32 $0xF7A, s1;
	s8 =	simm.s32 @!p0 $0x1BF5;
	p2 =	por !p2, p0  }
0x20: {  	[sflag:s8] =	ssyncset.s32 @!p0 $0xFFFFF086;
	s6 =	sadd.s32 @!p0 s3, s7;
	s7 =	simm.s32 @!p0 $0x108  }
0x21: {  	s3 =	sadd.s32 s3, s9;
	s6 =	sadd.s32 @!p0 $0x88, s6;
	s7 =	simm.s32 @p2 $0x1082  }
0x22: {  	[simem:s7], [sflag:s8] =	dma.local @!p0 [hbm:s6], $0xF7A  }
0x23: {  	s9 =	sor.u32 $0xD0000000, s2;
	s6 =	simm.s32 $0x108;
	_ =	swait.ge @!p0 [sflag:s8], $0x0  }
0x24: {  	s3 =	sadd.s32 $0x88, s3;
	s6 =	simm.s32 @!p1 $0x1082;
	[sflag:s4] =	ssyncset.s32 $0xFFFFF086  }
0x25: {  	[simem:s6], [sflag:s4] =	dma.local [hbm:s3], $0xF7A  }
0x26: {  	[smem:$0x3F7D] =	sst s1;
	(tag) =	ssettag s2;
	_ =	strace s9  }
0x27: {  	s1 =	sld [smem:$0x3F8D]  }
0x28: {  	s2 =	sld [smem:$0x3F8E]  }
0x29: {  	s4 =	sld [smem:$0x3F90]  }
0x2a: {  	p0 =	seq.s32 s5, $0x0;
	s5 =	sld [smem:$0x3F91]  }
0x2b: {  	s6 =	sld [smem:$0x3F92]  }
0x2c: {  	s7 =	sld [smem:$0x3F93]  }
0x2d: {  	s3 =	simm.s32 $0x108;
	s8 =	sld [smem:$0x3F94]  }
0x2e: {  	s3 =	simm.s32 @!p0 $0x1082;
	s9 =	sld [smem:$0x3F95]  }
0x2f: {  	lr =	sadd.s32 s0, s3;
	s0 =	sld [smem:$0x3F8C]  }
0x30: {  	s3 =	sld [smem:$0x3F8F]  }
0x31: {  	[smem:$0x3F98] =	sst s10  }
0x32: {  	s10 =	sld [smem:$0x3F96];
	_ =	sdelay $0x3  }
0x33: {  	p0 =	seq.s32 s10, $0x1;
	s10 =	sld [smem:$0x3F98];
	_ =	sdelay $0x3  }
0x34: {  	[smem:$0x3F98] =	sst s10  }
0x35: {  	s10 =	sld [smem:$0x3F97];
	_ =	sdelay $0x3  }
0x36: {  	p1 =	seq.s32 s10, $0x1;
	s10 =	sld [smem:$0x3F98];
	_ =	sdelay $0x3  }
0x37: {  	[smem:$0x3F98] =	sst s10  }
0x38: {  	s10 =	sld [smem:$0x3F99]  }
0x39: {  	_ = 	snop;
	(pc) =	sbr.ind lr, $3  }
0x3a: {  	_ = 	snop  }
0x3b: {  	_ = 	snop  }
0x3c: {  	p2 =	seq.s32 s10, $0x1;
	s10 =	sld [smem:$0x3F98]  }
0x3d: {  	_ =	shalt  }
0x3e: {  	_ =	shalt  }
0x3f: {  	_ =	shalt  }
0x40: {  	_ =	shalt  }
0x41: {  	_ =	shalt  }
0x42: {  	_ =	shalt  }
0x43: {  	_ =	shalt  }
0x44: {  	_ =	shalt  }
0x45: {  	_ =	shalt  }
0x46: {  	_ =	shalt  }
0x47: {  	_ =	shalt  }
0x48: {  	_ =	shalt  }
0x49: {  	_ =	shalt  }
0x4a: {  	_ =	shalt  }
0x4b: {  	_ =	shalt  }
0x4c: {  	_ =	shalt  }
0x4d: {  	_ =	shalt  }
0x4e: {  	_ =	shalt  }
0x4f: {  	_ =	shalt  }
0x50: {  	_ =	shalt  }
0x51: {  	_ =	shalt  }
0x52: {  	_ =	shalt  }
0x53: {  	_ =	shalt  }
0x54: {  	_ =	shalt  }
0x55: {  	_ =	shalt  }
0x56: {  	_ =	shalt  }
0x57: {  	_ =	shalt  }
0x58: {  	_ =	shalt  }
0x59: {  	_ =	shalt  }
0x5a: {  	_ =	shalt  }
0x5b: {  	_ =	shalt  }
0x5c: {  	_ =	shalt  }
0x5d: {  	_ =	shalt  }
0x5e: {  	_ =	shalt  }
0x5f: {  	_ =	shalt  }
0x60: {  	_ =	shalt  }
0x61: {  	_ =	shalt  }
0x62: {  	_ =	shalt  }
0x63: {  	_ =	shalt  }
0x64: {  	_ =	shalt  }
0x65: {  	_ =	shalt  }
0x66: {  	_ =	shalt  }
0x67: {  	_ =	shalt  }
0x68: {  	_ =	shalt  }
0x69: {  	_ =	shalt  }
0x6a: {  	_ =	shalt  }
0x6b: {  	_ =	shalt  }
0x6c: {  	_ =	shalt  }
0x6d: {  	_ =	shalt  }
0x6e: {  	_ =	shalt  }
0x6f: {  	_ =	shalt  }
0x70: {  	_ =	shalt  }
0x71: {  	_ =	shalt  }
0x72: {  	_ =	shalt  }
0x73: {  	_ =	shalt  }
0x74: {  	_ =	shalt  }
0x75: {  	_ =	shalt  }
0x76: {  	_ =	shalt  }
0x77: {  	_ =	shalt  }
0x78: {  	_ =	shalt  }
0x79: {  	_ =	shalt  }
0x7a: {  	_ =	shalt  }
0x7b: {  	_ =	shalt  }
0x7c: {  	_ =	shalt  }
0x7d: {  	_ =	shalt  }
0x7e: {  	_ =	shalt  }
0x7f: {  	_ =	shalt  }
0x80: {  	_ =	shalt  }
0x81: {  	_ =	shalt  }
0x82: {  	_ =	shalt  }
0x83: {  	_ =	shalt  }
0x84: {  	_ =	shalt  }
0x85: {  	_ =	shalt  }
0x86: {  	_ =	shalt  }
0x87: {  	_ =	shalt  }
.Lfunc_end0:
.L_simem_size_0:
called_computation.2_lowered:
.L_overlay_start_0:
0x88: {  	s2 =	sld [smem:$0x3FD9]  }
0x89: {  	s3 =	sld [smem:$0x3FFE];
	_ =	sdelay $0x1  }
0x8a: {  	s1 =	srdreg.scid  }
0x8b: {  	s0 =	sand.u32 $0x1, s1  }
0x8c: {  	s14 =	sshll.u32 s0, $0xA;
	s2 =	sadd.s32 s3, s2  }
0x8d: {  	s2 =	sadd.s32 s2, s14  }
0x8e: {  	[smem:$0x3FA4] =	sst s2  }
0x8f: {  	_ = 	snop  }
0x90: {  	s2 =	sld [smem:$0x3FD0];
	_ =	sdelay $0x2  }
0x91: {  	s15 =	simm.s32 $0xA;
	s4 =	simm.s32 $0x10  }
0x92: {  	[smem:s4], [sflag:s15] =	dma.local [hbm:s2], $0x1  }
0x93: {  	_ =	swait.eq [sflag:s15], $0x1  }
0x94: {  	[sflag:s15] =	ssyncset.done $0x0  }
0x95: {  	[sflag:s15] =	ssyncadd.s32 $0xFFFFFFFF  }
0x96: {  	s16 =	sld [smem:$0x10];
	(tm) =	ssettm $0x1  }
0x97: {  	s17 =	sld [smem:$0x3FFB];
	_ =	sdelay $0x3  }
0x98: {  	_ =	strace s17  }
0x99: {  	s3 =	sld [smem:$0x3FFC];
	_ =	sdelay $0x3  }
0x9a: {  	_ =	strace s3  }
0x9b: {  	s3 =	sld [smem:$0x3FFD];
	_ =	sdelay $0x3  }
0x9c: {  	_ =	strace s3  }
0x9d: {  	_ =	strace $0x8FFFFFFF  }
0x9e: {  	s18 =	sld [smem:$0x3FDB];
	_ =	sdelay $0x1  }
0x9f: {  	s19 =	simm.s32 $_scs_section_size  }
0xa0: {  	s5 =	simm.s32 $_size__tile_overlayer_lowered;
	s6 =	simm.s32 $_tile_overlayer_lowered  }
0xa1: {  	s22 =	simm.s32 $0x1BFF;
	s21 =	sshll.u32 s6, $0x1;
	s3 =	sadd.s32 s19, s18  }
0xa2: {  	s7 =	simm.s32 $0x0;
	s20 =	sshll.u32 s5, $0x1;
	s5 =	sadd.s32 s21, s3  }
0xa3: {  	[timem:s7], [sflag:s22] =	dma.local [hbm:s5], s20  }
0xa4: {  	_ =	swait.ge [sflag:s22], s20  }
0xa5: {  	s4 =	ssub.s32 $0x0, s20;
	[sflag:s22] =	ssyncset.done $0x0  }
0xa6: {  	[sflag:s22] =	ssyncadd.s32 s4;
	_ =	sdelay $0x1  }
0xa7: {  	s23 =	simm.s32 $0x1B8B  }
0xa8: {  	_ =	swait.ge [sflag:s23], $0x1  }
0xa9: {  	[sflag:s23] =	ssyncset.done $0x0  }
0xaa: {  	s25 =	simm.s32 $0x1B8E;
	s24 =	sld [smem:$0x3FFE];
	[sflag:s23] =	ssyncadd.s32 $0xFFFFFFFF  }
0xab: {  	s26 =	simm.s32 $execute0_lowered;
	[smem:$0x3FD2] =	sst s25  }
0xac: {  	s5 =	sshll.u32 s26, $0x1;
	_ =	strace $0x8000004C;
	[dreg:$0x1] =	wrdreg $0xFFFFFFFF  }
0xad: {  	s28 =	simm.s32 $_size_execute0_lowered;
	s3 =	sadd.s32 s3, s5;
	[dreg:$0x0] =	wrdreg $0x0  }
0xae: {  	s5 =	sshll.u32 s28, $0x1;
	[dreg:$0x2] =	wrdreg s3  }
0xaf: {  	[dreg:$0x3] =	wrdreg s5  }
0xb0: {  	[dreg:$0x4] =	wrdreg $0xC0  }
0xb1: {  	_ =	task [dreg:s7], $0x5FFFF  }
0xb2: {  	[dreg:$0x1] =	wrdreg $0xFFFFFFFF  }
0xb3: {  	[dreg:$0x0] =	wrdreg $0x60  }
0xb4: {  	[dreg:$0x2] =	wrdreg s24  }
0xb5: {  	[dreg:$0x3] =	wrdreg s16  }
0xb6: {  	[dreg:$0x4] =	wrdreg $0x59800  }
0xb7: {  	[dreg:$0x5] =	wrdreg $0x9  }
0xb8: {  	_ =	task.clear_ibuf [dreg:s7], $0x6FFFF;
	_ =	strace $0x9000004C  }
0xb9: {  	s29 =	simm.s32 $0x9;
	_ =	strace $0x8000004E  }
0xba: {  	_ =	swait.ge [sflag:s29], $0x1  }
0xbb: {  	[sflag:s29] =	ssyncadd.s32 $0xFFFFFFFF  }
0xbc: {  	_ =	strace $0x9000004E  }
0xbd: {  	_ =	sfence  }
0xbe: {  	s30 =	sld [smem:$0x0];
	_ =	sdelay $0x2  }
0xbf: {  	s31 =	sshll.u32 s1, $0xD;
	s1 =	sshrl.u32 s1, $0x2  }
0xc0: {  	s3 =	sand.u32 $0x4000, s31;
	s1 =	sadd.s32 s1, s30  }
0xc1: {  	s0 =	sor.u32 s3, s0;
	s1 =	sshll.u32 s1, $0x11  }
0xc2: {  	s0 =	sor.u32 s1, s0  }
0xc3: {  	s0 =	sadd.s32 $0x8F2B, s0  }
0xc4: {  	[sflag:s0] =	ssyncadd.remote.s32 $0x1  }
0xc5: {  	_ =	sfence.sel $0xFFFF  }
0xc6: {  	[dreg:$0x0] =	wrdreg $0xFFFFFFFF;
	(pc) =	sbr.abs _section_cstart, $3  }
0xc7: {  	[dreg:$0x1] =	wrdreg $0xFFFFFFFF  }
0xc8: {  	_ =	task.clear_ibuf [dreg:s7], $0x2FFFF;
	_ =	strace $0x9FFFFFFF  }
0xc9: {  	(tm) =	ssettm $0x7FFFFFFF  }
tec
execute0_lowered:
.L_overlay_start_1:
0x0: {  	(tag) =	ssettag $0x1  }
0x1: {  	s0 =	rddreg [dreg:$0x0]  }
0x2: {  	s1 =	rddreg [dreg:$0x2];
	s3 =	simm.s32 $0x0  }
0x3: {  	s15 =	stileid.u32;
	s2 =	srdreg.scid;
	s28 =	simm.s32 $0x80  }
0x4: {  	s29 =	simm.s32 $0x2;
	s30 =	simm.s32 $0x180;
	s4 =	smul.u32 $0x9C40, s15  }
0x5: {  	s31 =	simm.s32 $0x280;
	[smem:$0x7FF] =	sst s3;
	s11 =	smul.u32 $0x4F000, s15  }
0x6: {  	s2 =	sand.u32 $0x1, s2;
	s5 =	sadd.s32 $0x14000, s0;
	s12 =	smul.u32 $0x4E20, s15  }
0x7: {  	s7 =	sadd.s32 $0xA200, s0;
	s10 =	sadd.s32 $0x19E600, s0;
	s24 =	smul.u32 $0x2780, s15  }
0x8: {  	s8 =	sadd.s32 $0xBA200, s0;
	s19 =	sadd.s32 $0x18A400, s0;
	s26 =	smul.u32 $0x9C4, s15  }
0x9: {  	s15 =	smul.u32 $0xA00, s15;
	_ =	strace $0x8000004D;
	[dreg:$0x4] =	wrdreg s10  }
0xa: {  	s6 =	smul.u32 $0x50, s2;
	[dreg:$0x5] =	wrdreg s19;
	s20 =	ssub.s32 $0x2, s2  }
0xb: {  	p0 =	sne.s32 s2, $0x0;
	s2 =	simm.s32 $0x0;
	s9 =	sadd.s32 s4, s0  }
0xc: {  	s4 =	sadd.s32 $0x160A00, s0;
	s21 =	sshrl.u32 s20, $0x1;
	s22 =	sshrl.u32 s11, $0x2  }
0xd: {  	s23 =	sshrl.u32 s12, $0x3;
	[dreg:$0x9] =	wrdreg s24;
	s18 =	sadd.s32 s26, s8  }
0xe: {  	s19 =	sadd.s32 s26, s7;
	s24 =	simm.s32 $0x100;
	s6 =	sadd.s32 s6, s0  }
0xf: {  	s0 =	sadd.s32 $0x194400, s0;
	s1 =	sadd.s32 s22, s1;
	s25 =	sadd.s32 s5, s23  }
0x10: {  	s12 =	sadd.s32 s7, s23;
	s13 =	sadd.s32 s8, s23;
	s14 =	sadd.s32 $0x1DE00, s9  }
.Ltmp0:
0x11: {  	s17 =	sadd.s32 $0x1DE80, s9;
	[dreg:$0x6] =	wrdreg s0;
	(pc) =	sbr.rel .LBB2_1-.Ltmp0, $4  }
0x12: {  	s22 =	simm.s32 $0x1;
	s23 =	simm.s32 $0x980;
	[dreg:$0x8] =	wrdreg s1  }
0x13: {  	s0 =	ssub.s32 s20, s21;
	s6 =	sadd.s32 $0x19E400, s6;
	[dreg:$0xa] =	wrdreg s25  }
0x14: {  	s20 =	sadd.s32 s26, s5;
	s25 =	simm.s32 $0x200;
	s26 =	simm.s32 $0x300  }
0x15: {  	[dreg:$0x7] =	wrdreg s6;
	s16 =	smax.u32 s0, $0x1;
	s0 =	simm.s32 $0x500  }
.LBB2_7:
0x16: {  	s8 =	sadd.s32 $0x4, s1;
	[sflag:s22] =	ssyncadd.s32 $0xFFFFFE00  }
0x17: {  	[tilespmem:s28], [sflag:$0x2] =	stream.linear.gather [hbm4b:s8+s3], $0x20, $0x38;
	[tilespmem:$0x19580] =	vst v63  }
0x18: {  	_ =	swait.ge [sflag:s29], $0x20  }
0x19: {  	s11 =	sadd.s32 s21, s19;
	[sflag:s29] =	ssyncset.done $0x0  }
0x1a: {  	s9 =	sadd.s32 $0x4, s11;
	[sflag:s29] =	ssyncadd.s32 $0xFFFFFFE0  }
0x1b: {  	[tilespmem:s30], [sflag:$0x2] =	stream.linear.gather [hbm4b:s9+s3], $0x20, $0x38;
	[tilespmem:$0x19580] =	vst v63  }
0x1c: {  	_ =	swait.ge [sflag:s29], $0x20  }
0x1d: {  	s9 =	sadd.s32 s21, s18;
	[sflag:s29] =	ssyncset.done $0x0  }
0x1e: {  	s10 =	sadd.s32 $0x4, s9;
	[sflag:s29] =	ssyncadd.s32 $0xFFFFFFE0  }
0x1f: {  	[tilespmem:s31], [sflag:$0x2] =	stream.linear.gather [hbm4b:s10+s3], $0x30, $0x38;
	[tilespmem:$0x19580] =	vst v63  }
0x20: {  	_ =	swait.ge [sflag:s29], $0x30  }
0x21: {  	[sflag:s29] =	ssyncset.done $0x0  }
0x22: {  	s21 =	sadd.s32 $0xFFFFFFC0, s7;
	[sflag:s29] =	ssyncadd.s32 $0xFFFFFFD0  }
0x23: {  	[tilespmem:s0], [sflag:$0x2] =	stream.linear.gather [hbm4b:s21+s3], $0x200, $0x38;
	[tilespmem:$0x19580] =	vst v63  }
0x24: {  	_ =	swait.ge [sflag:s29], $0x200  }
0x25: {  	[sflag:s29] =	ssyncset.done $0x0  }
0x26: {  	s10 =	sadd.s32 $0x8, s1;
	[sflag:s29] =	ssyncadd.s32 $0xFFFFFE00  }
0x27: {  	[tilespmem:s3], [sflag:$0x2] =	stream.linear.gather [hbm4b:s10+s3], $0x20, $0x38;
	[tilespmem:$0x19580] =	vst v63  }
0x28: {  	_ =	swait.ge [sflag:s29], $0x20  }
0x29: {  	[sflag:s29] =	ssyncset.done $0x0  }
0x2a: {  	s11 =	sadd.s32 $0x8, s11;
	[sflag:s29] =	ssyncadd.s32 $0xFFFFFFE0  }
0x2b: {  	[tilespmem:s24], [sflag:$0x2] =	stream.linear.gather [hbm4b:s11+s3], $0x20, $0x38;
	[tilespmem:$0x19580] =	vst v63  }
0x2c: {  	_ =	swait.ge [sflag:s29], $0x20  }
0x2d: {  	[sflag:s29] =	ssyncset.done $0x0  }
0x2e: {  	s21 =	sadd.s32 $0x8, s9;
	[sflag:s29] =	ssyncadd.s32 $0xFFFFFFE0  }
0x2f: {  	[tilespmem:s25], [sflag:$0x2] =	stream.linear.gather [hbm4b:s21+s3], $0x30, $0x38;
	[tilespmem:$0x19580] =	vst v63  }
0x30: {  	_ =	swait.ge [sflag:s29], $0x30  }
0x31: {  	[sflag:s29] =	ssyncset.done $0x0  }
0x32: {  	[sflag:s29] =	ssyncadd.s32 $0xFFFFFFD0  }
0x33: {  	[tilespmem:s26], [sflag:$0x1] =	stream.linear.gather [hbm4b:s7+s3], $0x200, $0x38;
	[tilespmem:$0x19580] =	vst v63  }
0x34: {  	_ =	swait.ge [sflag:s22], $0x200  }
0x35: {  	[sflag:s22] =	ssyncset.done $0x0;
	s7 =	rddreg [dreg:$0x4]  }
0x36: {  	s1 =	rddreg [dreg:$0x6];
	[sflag:s22] =	ssyncadd.s32 $0xFFFFFE00  }
.LBB2_8:
0x37: {  	s8 =	rddreg [dreg:$0x9]  }
0x38: {  	[bflag:$0x0] =	sbarrier.arrive $0xFFFF;
	s7 =	sadd.s32 s7, s8  }
0x39: {  	[hbm:s7], [sflag:s5] =	dma.local [spmem:s6], $0x2780  }
0x3a: {  	s2 =	sadd.s32 $0x1, s2;
	_ =	swait.ge [sflag:s22], $0x2780  }
0x3b: {  	p1 =	sne.s32 s2, s16;
	[sflag:s22] =	ssyncset.done $0x0  }
.Ltmp1:
0x3c: {  	s1 =	sadd.s32 s1, s15;
	[sflag:s22] =	ssyncadd.s32 $0xFFFFD880;
	(pc) =	sbr.rel @!p1 .LBB2_9-.Ltmp1, $4  }
0x3d: {  	[hbm4b:s1+s3] =	stream.linear.scatter [tilespmem:s23], [sflag:$0x1], $0x5000, $0x38;
	[tilespmem:$0x19580] =	vst v63  }
0x3e: {  	_ =	swait.ge [sflag:s22], $0x5000  }
0x3f: {  	[sflag:s22] =	ssyncset.done $0x0  }
0x40: {  	[sflag:s22] =	ssyncadd.s32 $0xFFFFB000  }
.LBB2_1:
0x41: {  	s1 =	rddreg [dreg:$0x7];
	s5 =	simm.s32 $0x700  }
0x42: {  	[tilespmem:s5], [sflag:$0x1] =	stream.linear.gather [hbm4b:s1+s3], $0x280, $0x38;
	[tilespmem:$0x19580] =	vst v63  }
0x43: {  	_ =	swait.ge [sflag:s22], $0x280  }
0x44: {  	[sflag:s22] =	ssyncset.done $0x0  }
0x45: {  	[sflag:s22] =	ssyncadd.s32 $0xFFFFFD80  }
0x46: {  	[tilespmem:s23], [sflag:$0x1] =	stream.linear.gather [hbm4b:s4+s3], $0x5000, $0x38;
	[tilespmem:$0x19580] =	vst v63  }
0x47: {  	s10 =	stileid.u32;
	_ =	swait.ge [sflag:s22], $0x5000  }
0x48: {  	s1 =	sshll.u32 s10, $0x6;
	[sflag:s22] =	ssyncset.done $0x0;
	s11 =	rddreg [dreg:$0x8]  }
0x49: {  	s5 =	sor.u32 $0x1C01, s1;
	[sflag:s22] =	ssyncadd.s32 $0xFFFFB000;
	s6 =	sshrl.u32 s11, $0x3  }
0x4a: {  	[spmem:s6], [sflag:s5] =	dma.local [hbm:s4], $0x2780  }
0x4b: {  	_ =	swait.ge [sflag:s22], $0x2780  }
0x4c: {  	[sflag:s22] =	ssyncset.done $0x0  }
0x4d: {  	[sflag:s22] =	ssyncadd.s32 $0xFFFFD880  }
0x4e: {  	[bflag:$0x0] =	sbarrier.arrive $0xFFFF  }
0x4f: {  	s21 =	rddreg [dreg:$0xa]  }
0x50: {  	[tilespmem:s3], [sflag:$0x1] =	stream.linear.gather [hbm4b:s21+s3], $0x20, $0x38;
	[tilespmem:$0x19580] =	vst v63  }
0x51: {  	_ =	swait.ge [sflag:s22], $0x20  }
0x52: {  	[sflag:s22] =	ssyncset.done $0x0  }
0x53: {  	[sflag:s22] =	ssyncadd.s32 $0xFFFFFFE0  }
0x54: {  	[tilespmem:s24], [sflag:$0x1] =	stream.linear.gather [hbm4b:s12+s3], $0x20, $0x38;
	[tilespmem:$0x19580] =	vst v63  }
0x55: {  	_ =	swait.ge [sflag:s22], $0x20  }
0x56: {  	[sflag:s22] =	ssyncset.done $0x0  }
0x57: {  	[sflag:s22] =	ssyncadd.s32 $0xFFFFFFE0  }
0x58: {  	[tilespmem:s25], [sflag:$0x1] =	stream.linear.gather [hbm4b:s13+s3], $0x30, $0x38;
	[tilespmem:$0x19580] =	vst v63  }
0x59: {  	_ =	swait.ge [sflag:s22], $0x30  }
0x5a: {  	[sflag:s22] =	ssyncset.done $0x0  }
.Ltmp2:
0x5b: {  	[sflag:s22] =	ssyncadd.s32 $0xFFFFFFD0;
	(pc) =	sbr.rel @p0 .LBB2_5-.Ltmp2, $4  }
0x5c: {  	[tilespmem:s26], [sflag:$0x1] =	stream.linear.gather [hbm4b:s14+s3], $0x200, $0x38;
	[tilespmem:$0x19580] =	vst v63  }
0x5d: {  	_ =	swait.ge [sflag:s22], $0x200  }
0x5e: {  	s1 =	sadd.s32 $0x0, s20;
	[sflag:s22] =	ssyncset.done $0x0  }
0x5f: {  	s7 =	sadd.s32 $0x4, s1;
	[sflag:s22] =	ssyncadd.s32 $0xFFFFFE00  }
0x60: {  	[tilespmem:s28], [sflag:$0x2] =	stream.linear.gather [hbm4b:s7+s3], $0x20, $0x38;
	[tilespmem:$0x19580] =	vst v63  }
0x61: {  	_ =	swait.ge [sflag:s29], $0x20  }
0x62: {  	s11 =	sadd.s32 $0x0, s19;
	[sflag:s29] =	ssyncset.done $0x0  }
0x63: {  	s8 =	sadd.s32 $0x4, s11;
	[sflag:s29] =	ssyncadd.s32 $0xFFFFFFE0  }
0x64: {  	[tilespmem:s30], [sflag:$0x2] =	stream.linear.gather [hbm4b:s8+s3], $0x20, $0x38;
	[tilespmem:$0x19580] =	vst v63  }
0x65: {  	_ =	swait.ge [sflag:s29], $0x20  }
0x66: {  	s21 =	sadd.s32 $0x0, s18;
	[sflag:s29] =	ssyncset.done $0x0  }
0x67: {  	s9 =	sadd.s32 $0x4, s21;
	[sflag:s29] =	ssyncadd.s32 $0xFFFFFFE0  }
0x68: {  	[tilespmem:s31], [sflag:$0x2] =	stream.linear.gather [hbm4b:s9+s3], $0x30, $0x38;
	[tilespmem:$0x19580] =	vst v63  }
0x69: {  	_ =	swait.ge [sflag:s29], $0x30  }
0x6a: {  	[sflag:s29] =	ssyncset.done $0x0  }
0x6b: {  	s10 =	sadd.s32 $0xFFFFFFC0, s17;
	[sflag:s29] =	ssyncadd.s32 $0xFFFFFFD0  }
0x6c: {  	[tilespmem:s0], [sflag:$0x2] =	stream.linear.gather [hbm4b:s10+s3], $0x200, $0x38;
	[tilespmem:$0x19580] =	vst v63  }
0x6d: {  	_ =	swait.ge [sflag:s29], $0x200  }
0x6e: {  	[sflag:s29] =	ssyncset.done $0x0  }
0x6f: {  	s1 =	sadd.s32 $0x8, s1;
	[sflag:s29] =	ssyncadd.s32 $0xFFFFFE00  }
0x70: {  	[tilespmem:s3], [sflag:$0x2] =	stream.linear.gather [hbm4b:s1+s3], $0x20, $0x38;
	[tilespmem:$0x19580] =	vst v63  }
0x71: {  	_ =	swait.ge [sflag:s29], $0x20  }
0x72: {  	[sflag:s29] =	ssyncset.done $0x0  }
0x73: {  	s11 =	sadd.s32 $0x8, s11;
	[sflag:s29] =	ssyncadd.s32 $0xFFFFFFE0  }
0x74: {  	[tilespmem:s24], [sflag:$0x2] =	stream.linear.gather [hbm4b:s11+s3], $0x20, $0x38;
	[tilespmem:$0x19580] =	vst v63  }
0x75: {  	_ =	swait.ge [sflag:s29], $0x20  }
0x76: {  	[sflag:s29] =	ssyncset.done $0x0  }
0x77: {  	s21 =	sadd.s32 $0x8, s21;
	[sflag:s29] =	ssyncadd.s32 $0xFFFFFFE0  }
0x78: {  	[tilespmem:s25], [sflag:$0x2] =	stream.linear.gather [hbm4b:s21+s3], $0x30, $0x38;
	[tilespmem:$0x19580] =	vst v63  }
0x79: {  	_ =	swait.ge [sflag:s29], $0x30  }
0x7a: {  	[sflag:s29] =	ssyncset.done $0x0  }
0x7b: {  	[sflag:s29] =	ssyncadd.s32 $0xFFFFFFD0  }
0x7c: {  	[tilespmem:s26], [sflag:$0x1] =	stream.linear.gather [hbm4b:s17+s3], $0x200, $0x38;
	[tilespmem:$0x19580] =	vst v63  }
0x7d: {  	s7 =	sadd.s32 $0x80, s17;
	s8 =	simm.s32 $0x10;
	_ =	swait.ge [sflag:s22], $0x200  }
0x7e: {  	s1 =	sadd.s32 $0x8, s20;
	s21 =	simm.s32 $0x8;
	[sflag:s22] =	ssyncset.done $0x0  }
.LBB2_3:
0x7f: {  	s10 =	sadd.s32 $0x4, s1  }
0x80: {  	[sflag:s22] =	ssyncadd.s32 $0xFFFFFE00;
	s11 =	smov.u32 s8;
	s9 =	sadd.s32 $0x8, s8  }
0x81: {  	[tilespmem:s28], [sflag:$0x2] =	stream.linear.gather [hbm4b:s10+s3], $0x20, $0x38;
	[tilespmem:$0x19580] =	vst v63  }
0x82: {  	p1 =	seq.s32 s8, $0x9B8;
	_ =	swait.ge [sflag:s29], $0x20  }
0x83: {  	s8 =	sadd.s32 s21, s19;
	[sflag:s29] =	ssyncset.done $0x0  }
0x84: {  	s10 =	sadd.s32 $0x4, s8;
	[sflag:s29] =	ssyncadd.s32 $0xFFFFFFE0  }
0x85: {  	[tilespmem:s30], [sflag:$0x2] =	stream.linear.gather [hbm4b:s10+s3], $0x20, $0x38;
	[tilespmem:$0x19580] =	vst v63  }
0x86: {  	_ =	swait.ge [sflag:s29], $0x20  }
0x87: {  	s10 =	sadd.s32 s21, s18;
	s21 =	smov.u32 s11;
	[sflag:s29] =	ssyncset.done $0x0  }
0x88: {  	s11 =	sadd.s32 $0x4, s10;
	[sflag:s29] =	ssyncadd.s32 $0xFFFFFFE0  }
0x89: {  	[tilespmem:s31], [sflag:$0x2] =	stream.linear.gather [hbm4b:s11+s3], $0x30, $0x38;
	[tilespmem:$0x19580] =	vst v63  }
0x8a: {  	_ =	swait.ge [sflag:s29], $0x30  }
0x8b: {  	[sflag:s29] =	ssyncset.done $0x0  }
0x8c: {  	s11 =	sadd.s32 $0xFFFFFFC0, s7;
	[sflag:s29] =	ssyncadd.s32 $0xFFFFFFD0  }
0x8d: {  	[tilespmem:s0], [sflag:$0x2] =	stream.linear.gather [hbm4b:s11+s3], $0x200, $0x38;
	[tilespmem:$0x19580] =	vst v63  }
0x8e: {  	_ =	swait.ge [sflag:s29], $0x200  }
0x8f: {  	[sflag:s29] =	ssyncset.done $0x0  }
0x90: {  	s1 =	sadd.s32 $0x8, s1;
	[sflag:s29] =	ssyncadd.s32 $0xFFFFFE00  }
0x91: {  	[tilespmem:s3], [sflag:$0x2] =	stream.linear.gather [hbm4b:s1+s3], $0x20, $0x38;
	[tilespmem:$0x19580] =	vst v63  }
0x92: {  	_ =	swait.ge [sflag:s29], $0x20  }
0x93: {  	[sflag:s29] =	ssyncset.done $0x0  }
0x94: {  	s1 =	sadd.s32 $0x8, s8;
	[sflag:s29] =	ssyncadd.s32 $0xFFFFFFE0  }
0x95: {  	[tilespmem:s24], [sflag:$0x2] =	stream.linear.gather [hbm4b:s1+s3], $0x20, $0x38;
	[tilespmem:$0x19580] =	vst v63  }
0x96: {  	_ =	swait.ge [sflag:s29], $0x20  }
0x97: {  	[sflag:s29] =	ssyncset.done $0x0  }
0x98: {  	s1 =	sadd.s32 $0x8, s10;
	[sflag:s29] =	ssyncadd.s32 $0xFFFFFFE0  }
0x99: {  	[tilespmem:s25], [sflag:$0x2] =	stream.linear.gather [hbm4b:s1+s3], $0x30, $0x38;
	[tilespmem:$0x19580] =	vst v63  }
0x9a: {  	_ =	swait.ge [sflag:s29], $0x30  }
.Ltmp3:
0x9b: {  	[sflag:s29] =	ssyncset.done $0x0;
	(pc) =	sbr.rel @!p1 .LBB2_3-.Ltmp3, $4  }
0x9c: {  	[sflag:s29] =	ssyncadd.s32 $0xFFFFFFD0  }
0x9d: {  	[tilespmem:s26], [sflag:$0x1] =	stream.linear.gather [hbm4b:s7+s3], $0x200, $0x38;
	[tilespmem:$0x19580] =	vst v63  }
0x9e: {  	s8 =	smov.u32 s9;
	_ =	swait.ge [sflag:s22], $0x200  }
0x9f: {  	s1 =	sadd.s32 s21, s20;
	s7 =	sadd.s32 $0x80, s7;
	[sflag:s22] =	ssyncset.done $0x0  }
0xa0: {  	s8 =	sadd.s32 $0x4, s1;
	[sflag:s22] =	ssyncadd.s32 $0xFFFFFE00  }
0xa1: {  	[tilespmem:s28], [sflag:$0x2] =	stream.linear.gather [hbm4b:s8+s3], $0x20, $0x38;
	[tilespmem:$0x19580] =	vst v63  }
0xa2: {  	_ =	swait.ge [sflag:s29], $0x20  }
0xa3: {  	s11 =	sadd.s32 s21, s19;
	[sflag:s29] =	ssyncset.done $0x0  }
0xa4: {  	s9 =	sadd.s32 $0x4, s11;
	[sflag:s29] =	ssyncadd.s32 $0xFFFFFFE0  }
0xa5: {  	[tilespmem:s30], [sflag:$0x2] =	stream.linear.gather [hbm4b:s9+s3], $0x20, $0x38;
	[tilespmem:$0x19580] =	vst v63  }
0xa6: {  	_ =	swait.ge [sflag:s29], $0x20  }
0xa7: {  	s9 =	sadd.s32 s21, s18;
	[sflag:s29] =	ssyncset.done $0x0  }
0xa8: {  	s10 =	sadd.s32 $0x4, s9;
	[sflag:s29] =	ssyncadd.s32 $0xFFFFFFE0  }
0xa9: {  	[tilespmem:s31], [sflag:$0x2] =	stream.linear.gather [hbm4b:s10+s3], $0x30, $0x38;
	[tilespmem:$0x19580] =	vst v63  }
0xaa: {  	_ =	swait.ge [sflag:s29], $0x30  }
0xab: {  	[sflag:s29] =	ssyncset.done $0x0  }
0xac: {  	s21 =	sadd.s32 $0xFFFFFFC0, s7;
	[sflag:s29] =	ssyncadd.s32 $0xFFFFFFD0  }
0xad: {  	[tilespmem:s0], [sflag:$0x2] =	stream.linear.gather [hbm4b:s21+s3], $0x200, $0x38;
	[tilespmem:$0x19580] =	vst v63  }
0xae: {  	_ =	swait.ge [sflag:s29], $0x200  }
0xaf: {  	[sflag:s29] =	ssyncset.done $0x0  }
0xb0: {  	s10 =	sadd.s32 $0x8, s1;
	[sflag:s29] =	ssyncadd.s32 $0xFFFFFE00  }
0xb1: {  	[tilespmem:s3], [sflag:$0x2] =	stream.linear.gather [hbm4b:s10+s3], $0x20, $0x38;
	[tilespmem:$0x19580] =	vst v63  }
0xb2: {  	_ =	swait.ge [sflag:s29], $0x20  }
0xb3: {  	[sflag:s29] =	ssyncset.done $0x0  }
0xb4: {  	s11 =	sadd.s32 $0x8, s11;
	[sflag:s29] =	ssyncadd.s32 $0xFFFFFFE0  }
0xb5: {  	[tilespmem:s24], [sflag:$0x2] =	stream.linear.gather [hbm4b:s11+s3], $0x20, $0x38;
	[tilespmem:$0x19580] =	vst v63  }
0xb6: {  	_ =	swait.ge [sflag:s29], $0x20  }
0xb7: {  	[sflag:s29] =	ssyncset.done $0x0  }
0xb8: {  	s21 =	sadd.s32 $0x8, s9;
	[sflag:s29] =	ssyncadd.s32 $0xFFFFFFE0  }
0xb9: {  	[tilespmem:s25], [sflag:$0x2] =	stream.linear.gather [hbm4b:s21+s3], $0x30, $0x38;
	[tilespmem:$0x19580] =	vst v63  }
0xba: {  	_ =	swait.ge [sflag:s29], $0x30  }
0xbb: {  	[sflag:s29] =	ssyncset.done $0x0  }
0xbc: {  	[sflag:s29] =	ssyncadd.s32 $0xFFFFFFD0  }
0xbd: {  	[tilespmem:s26], [sflag:$0x1] =	stream.linear.gather [hbm4b:s7+s3], $0x200, $0x38;
	[tilespmem:$0x19580] =	vst v63  }
.Ltmp4:
0xbe: {  	_ = 	snop;
	(pc) =	sbr.rel .LBB2_8-.Ltmp4, $4  }
0xbf: {  	_ =	swait.ge [sflag:s22], $0x200  }
0xc0: {  	[sflag:s22] =	ssyncset.done $0x0  }
0xc1: {  	s1 =	rddreg [dreg:$0x5];
	[sflag:s22] =	ssyncadd.s32 $0xFFFFFE00  }
0xc2: {  	s7 =	rddreg [dreg:$0x1]  }
.LBB2_5:
0xc3: {  	[tilespmem:s28], [sflag:$0x2] =	stream.linear.gather [hbm4b:s7+s3], $0x20, $0x38;
	[tilespmem:$0x19580] =	vst v63  }
0xc4: {  	_ =	swait.ge [sflag:s29], $0x20  }
0xc5: {  	s11 =	sadd.s32 $0x0, s19;
	[sflag:s29] =	ssyncset.done $0x0  }
0xc6: {  	s8 =	sadd.s32 $0x4, s11;
	[sflag:s29] =	ssyncadd.s32 $0xFFFFFFE0  }
0xc7: {  	[tilespmem:s30], [sflag:$0x2] =	stream.linear.gather [hbm4b:s8+s3], $0x20, $0x38;
	[tilespmem:$0x19580] =	vst v63  }
0xc8: {  	_ =	swait.ge [sflag:s29], $0x20  }
0xc9: {  	s21 =	sadd.s32 $0x0, s18;
	[sflag:s29] =	ssyncset.done $0x0  }
0xca: {  	s9 =	sadd.s32 $0x4, s21;
	[sflag:s29] =	ssyncadd.s32 $0xFFFFFFE0  }
0xcb: {  	[tilespmem:s31], [sflag:$0x2] =	stream.linear.gather [hbm4b:s9+s3], $0x30, $0x38;
	[tilespmem:$0x19580] =	vst v63  }
0xcc: {  	_ =	swait.ge [sflag:s29], $0x30  }
0xcd: {  	[sflag:s29] =	ssyncset.done $0x0  }
0xce: {  	s10 =	sadd.s32 $0xFFFFFFC0, s17;
	[sflag:s29] =	ssyncadd.s32 $0xFFFFFFD0  }
0xcf: {  	[tilespmem:s0], [sflag:$0x2] =	stream.linear.gather [hbm4b:s10+s3], $0x200, $0x38;
	[tilespmem:$0x19580] =	vst v63  }
0xd0: {  	_ =	swait.ge [sflag:s29], $0x200  }
0xd1: {  	[sflag:s29] =	ssyncset.done $0x0  }
0xd2: {  	s1 =	sadd.s32 $0x8, s1;
	[sflag:s29] =	ssyncadd.s32 $0xFFFFFE00  }
0xd3: {  	[tilespmem:s3], [sflag:$0x2] =	stream.linear.gather [hbm4b:s1+s3], $0x20, $0x38;
	[tilespmem:$0x19580] =	vst v63  }
0xd4: {  	_ =	swait.ge [sflag:s29], $0x20  }
0xd5: {  	[sflag:s29] =	ssyncset.done $0x0  }
0xd6: {  	s11 =	sadd.s32 $0x8, s11;
	[sflag:s29] =	ssyncadd.s32 $0xFFFFFFE0  }
0xd7: {  	[tilespmem:s24], [sflag:$0x2] =	stream.linear.gather [hbm4b:s11+s3], $0x20, $0x38;
	[tilespmem:$0x19580] =	vst v63  }
0xd8: {  	_ =	swait.ge [sflag:s29], $0x20  }
0xd9: {  	[sflag:s29] =	ssyncset.done $0x0  }
0xda: {  	s21 =	sadd.s32 $0x8, s21;
	[sflag:s29] =	ssyncadd.s32 $0xFFFFFFE0  }
0xdb: {  	[tilespmem:s25], [sflag:$0x2] =	stream.linear.gather [hbm4b:s21+s3], $0x30, $0x38;
	[tilespmem:$0x19580] =	vst v63  }
0xdc: {  	_ =	swait.ge [sflag:s29], $0x30  }
0xdd: {  	[sflag:s29] =	ssyncset.done $0x0  }
0xde: {  	[sflag:s29] =	ssyncadd.s32 $0xFFFFFFD0  }
0xdf: {  	[tilespmem:s26], [sflag:$0x1] =	stream.linear.gather [hbm4b:s17+s3], $0x200, $0x38;
	[tilespmem:$0x19580] =	vst v63  }
0xe0: {  	s7 =	sadd.s32 $0x80, s17;
	s9 =	simm.s32 $0x10;
	_ =	swait.ge [sflag:s22], $0x200  }
0xe1: {  	s1 =	sadd.s32 $0x8, s20;
	s21 =	simm.s32 $0x8;
	[sflag:s22] =	ssyncset.done $0x0  }
.LBB2_6:
0xe2: {  	s10 =	sadd.s32 $0x4, s1  }
0xe3: {  	[sflag:s22] =	ssyncadd.s32 $0xFFFFFE00;
	s11 =	smov.u32 s9;
	s8 =	sadd.s32 $0x8, s9  }
0xe4: {  	[tilespmem:s28], [sflag:$0x2] =	stream.linear.gather [hbm4b:s10+s3], $0x20, $0x38;
	[tilespmem:$0x19580] =	vst v63  }
0xe5: {  	p1 =	sne.s32 s9, $0x9B8;
	_ =	swait.ge [sflag:s29], $0x20  }
0xe6: {  	s9 =	sadd.s32 s21, s19;
	[sflag:s29] =	ssyncset.done $0x0  }
0xe7: {  	s10 =	sadd.s32 $0x4, s9;
	[sflag:s29] =	ssyncadd.s32 $0xFFFFFFE0  }
0xe8: {  	[tilespmem:s30], [sflag:$0x2] =	stream.linear.gather [hbm4b:s10+s3], $0x20, $0x38;
	[tilespmem:$0x19580] =	vst v63  }
0xe9: {  	_ =	swait.ge [sflag:s29], $0x20  }
0xea: {  	s10 =	sadd.s32 s21, s18;
	s21 =	smov.u32 s11;
	[sflag:s29] =	ssyncset.done $0x0  }
0xeb: {  	s11 =	sadd.s32 $0x4, s10;
	[sflag:s29] =	ssyncadd.s32 $0xFFFFFFE0  }
0xec: {  	[tilespmem:s31], [sflag:$0x2] =	stream.linear.gather [hbm4b:s11+s3], $0x30, $0x38;
	[tilespmem:$0x19580] =	vst v63  }
0xed: {  	_ =	swait.ge [sflag:s29], $0x30  }
0xee: {  	[sflag:s29] =	ssyncset.done $0x0  }
0xef: {  	s11 =	sadd.s32 $0xFFFFFFC0, s7;
	[sflag:s29] =	ssyncadd.s32 $0xFFFFFFD0  }
0xf0: {  	[tilespmem:s0], [sflag:$0x2] =	stream.linear.gather [hbm4b:s11+s3], $0x200, $0x38;
	[tilespmem:$0x19580] =	vst v63  }
0xf1: {  	_ =	swait.ge [sflag:s29], $0x200  }
0xf2: {  	[sflag:s29] =	ssyncset.done $0x0  }
0xf3: {  	s1 =	sadd.s32 $0x8, s1;
	[sflag:s29] =	ssyncadd.s32 $0xFFFFFE00  }
0xf4: {  	[tilespmem:s3], [sflag:$0x2] =	stream.linear.gather [hbm4b:s1+s3], $0x20, $0x38;
	[tilespmem:$0x19580] =	vst v63  }
0xf5: {  	_ =	swait.ge [sflag:s29], $0x20  }
0xf6: {  	[sflag:s29] =	ssyncset.done $0x0  }
0xf7: {  	s1 =	sadd.s32 $0x8, s9;
	[sflag:s29] =	ssyncadd.s32 $0xFFFFFFE0  }
0xf8: {  	[tilespmem:s24], [sflag:$0x2] =	stream.linear.gather [hbm4b:s1+s3], $0x20, $0x38;
	[tilespmem:$0x19580] =	vst v63  }
0xf9: {  	_ =	swait.ge [sflag:s29], $0x20  }
0xfa: {  	[sflag:s29] =	ssyncset.done $0x0  }
0xfb: {  	s1 =	sadd.s32 $0x8, s10;
	[sflag:s29] =	ssyncadd.s32 $0xFFFFFFE0  }
0xfc: {  	[tilespmem:s25], [sflag:$0x2] =	stream.linear.gather [hbm4b:s1+s3], $0x30, $0x38;
	[tilespmem:$0x19580] =	vst v63  }
0xfd: {  	_ =	swait.ge [sflag:s29], $0x30  }
.Ltmp5:
0xfe: {  	[sflag:s29] =	ssyncset.done $0x0;
	(pc) =	sbr.rel @p1 .LBB2_6-.Ltmp5, $4  }
0xff: {  	[sflag:s29] =	ssyncadd.s32 $0xFFFFFFD0  }
0x100: {  	[tilespmem:s26], [sflag:$0x1] =	stream.linear.gather [hbm4b:s7+s3], $0x200, $0x38;
	[tilespmem:$0x19580] =	vst v63  }
0x101: {  	s9 =	smov.u32 s8;
	_ =	swait.ge [sflag:s22], $0x200  }
0x102: {  	s1 =	sadd.s32 s21, s20;
	s7 =	sadd.s32 $0x80, s7;
	[sflag:s22] =	ssyncset.done $0x0  }
.Ltmp6:
0x103: {  	_ = 	snop;
	(pc) =	sbr.rel .LBB2_7-.Ltmp6, $1  }
0x104: {  	_ =	sdelay $0x3  }
.LBB2_9:
0x105: {  	_ =	sfence.sel $0x180000  }
0x106: {  	[bflag:$0x0] =	sbarrier.arrive $0xFFFF  }
0x107: {  	_ =	strace $0x9000004D  }
0x108: {  	s0 =	stileid.u32;
	[bflag:$0x2] =	sbarrier.arrive $0xFFFF  }
0x109: {  	p0 =	sne.s32 s0, $0x0;
	s0 =	rddreg [dreg:$0x3]  }
0x10a: {  	s0 =	sadd.s32 @!p0 $0x100000, s0  }
0x10b: {  	[sflag:s0] =	ssyncadd.tile.s32 @!p0 $0x1;
	_ =	shalt  }
.Lfunc_end2:
_tile_overlayer_lowered:
.L_overlay_start_2:
0x10c: {  	(tag) =	ssettag $0x2  }
0x10d: {  	s0 =	rddreg [dreg:$0x0];
	s2 =	stileid.u32  }
0x10e: {  	s1 =	rddreg [dreg:$0x1];
	p0 =	sne.s32 s2, $0x0  }
0x10f: {  	s3 =	rddreg [dreg:$0x2];
	[bflag:$0x3] =	sbarrier.arrive $0xFFFF;
	s2 =	simm.s32 @!p0 $0x1C01  }
0x110: {  	[timem:s3], [sflag:s2] =	dma.local @!p0 [hbm:s0], s1  }
0x111: {  	s0 =	simm.s32 @!p0 $0x1  }
0x112: {  	_ =	swait.ge @!p0 [sflag:s0], s1  }
0x113: {  	s1 =	ssub.s32 @!p0 $0x0, s1;
	[sflag:s0] =	ssyncset.done @!p0 $0x0  }
0x114: {  	[sflag:s0] =	ssyncadd.s32 @!p0 s1  }
0x115: {  	[bflag:$0x3] =	sbarrier.arrive $0xFFFF  }
0x116: {  	_ =	shalt  }

</sc_bundles>
